<compile_context>
chip_gen: v7x
topology: tpu7x:2x2x1
jax: 0.10.2.dev20260603
libtpu: 0.0.44.dev20260713+nightly
codegen_flags: <defaults>
</compile_context>

<pallas_src>
import functools

import jax
import jax.numpy as jnp
from jax import lax
from jax.experimental import pallas as pl
from jax.experimental.pallas import tpu as pltpu
from jax.experimental.pallas import tpu_sc as plsc

N_NODES = 10000
N_EDGES = 320000
D_IN = 128
D_HID = 256
D_OUT = 64

NC = 2
NS = 16
NW = NC * NS
EPW = N_EDGES // NW
CHUNK = 100
NCHUNK = EPW // CHUNK
SPANS = (24, 24, 24, 28)
SPAN_MAX = 28
NSLOT = 3
PAD_NODES = 10240
ROWS_PT = PAD_NODES // NS
LAST_X = N_NODES - (NS - 1) * ROWS_PT

_sc_mesh = plsc.VectorSubcoreMesh(
    core_axis_name="c", subcore_axis_name="s", num_cores=NC, num_subcores=NS
)


@functools.partial(
    pl.kernel,
    out_type=jax.ShapeDtypeStruct((NC, PAD_NODES, D_IN), jnp.float32),
    mesh=_sc_mesh,
    scratch_types=[
        pltpu.VMEM((SPAN_MAX, CHUNK), jnp.int32),
        pltpu.VMEM((SPAN_MAX, CHUNK), jnp.int32),
        pltpu.VMEM((NSLOT, CHUNK, D_IN), jnp.float32),
        pltpu.VMEM_SHARED((PAD_NODES, D_IN), jnp.float32),
        pltpu.SemaphoreType.DMA((NSLOT,)),
        pltpu.SemaphoreType.DMA((NSLOT,)),
    ],
)
def _gin_aggregate(x_hbm, edge_hbm, zeros_hbm, out_hbm,
                   sidx, didx, rows, acc, gsem, ssem):
    c = lax.axis_index("c")
    s = lax.axis_index("s")
    wid = s * NC + c

    @pl.when(c == 0)
    def _():
        @pl.when(s < NS - 1)
        def _():
            pltpu.sync_copy(x_hbm.at[pl.ds(s * ROWS_PT, ROWS_PT)],
                            acc.at[pl.ds(s * ROWS_PT, ROWS_PT)])

        @pl.when(s == NS - 1)
        def _():
            pltpu.sync_copy(x_hbm.at[pl.ds((NS - 1) * ROWS_PT, LAST_X)],
                            acc.at[pl.ds((NS - 1) * ROWS_PT, LAST_X)])
            pltpu.sync_copy(zeros_hbm.at[pl.ds(0, PAD_NODES - N_NODES)],
                            acc.at[pl.ds(N_NODES, PAD_NODES - N_NODES)])

    @pl.when(c != 0)
    def _():
        pltpu.sync_copy(zeros_hbm, acc.at[pl.ds(s * ROWS_PT, ROWS_PT)])

    def fire_gather(j, b):
        pltpu.async_copy(x_hbm.at[sidx.at[j]], rows.at[b], gsem.at[b])

    def fire_scatter(j, b):
        pltpu.async_copy(rows.at[b], acc.at[didx.at[j]], ssem.at[b], add=True)

    def wait_g(b):
        pltpu.make_async_copy(rows.at[0], acc.at[didx.at[0]],
                              gsem.at[b]).wait()

    def wait_s(b):
        pltpu.make_async_copy(rows.at[0], acc.at[didx.at[0]],
                              ssem.at[b]).wait()

    def run_span(base, count):
        pltpu.sync_copy(edge_hbm.at[0, wid, pl.ds(base, count)],
                        sidx.at[pl.ds(0, count)])
        pltpu.sync_copy(edge_hbm.at[1, wid, pl.ds(base, count)],
                        didx.at[pl.ds(0, count)])

        def step(j, b):
            wait_s(b)
            fire_gather(j, b)
            wait_g((b - 1) % NSLOT)
            fire_scatter(j - 1, (b - 1) % NSLOT)

        fire_gather(0, 0)
        for b in range(1, NSLOT):
            fire_gather(b, b)
            wait_g(b - 1)
            fire_scatter(b - 1, b - 1)

        nmain = (count - NSLOT) // NSLOT
        ntail = (count - NSLOT) % NSLOT

        def blk(t, carry):
            j0 = NSLOT + t * NSLOT
            for b in range(NSLOT):
                step(j0 + b, b)
            return carry

        lax.fori_loop(0, nmain, blk, 0)

        for i in range(ntail):
            j = NSLOT + nmain * NSLOT + i
            step(j, j % NSLOT)

        wait_g((count - 1) % NSLOT)
        fire_scatter(count - 1, (count - 1) % NSLOT)
        for j in range(count - NSLOT, count):
            wait_s(j % NSLOT)

    plsc.subcore_barrier()
    off = 0
    for n in SPANS:
        run_span(off, n)
        off += n
    plsc.subcore_barrier()

    pltpu.sync_copy(
        acc.at[pl.ds(s * ROWS_PT, ROWS_PT)],
        out_hbm.at[c, pl.ds(s * ROWS_PT, ROWS_PT)],
    )


ROW_BLK = 1000


def _mlp_body(p_ref, w1_ref, b1_ref, w2_ref, b2_ref, o_ref):
    h = p_ref[0] + p_ref[1]
    h1 = jnp.dot(h, w1_ref[...], preferred_element_type=jnp.float32)
    h1 = jnp.maximum(h1 + b1_ref[...], 0.0)
    h2 = jnp.dot(h1, w2_ref[...], preferred_element_type=jnp.float32)
    h2 = jnp.maximum(h2 + b2_ref[...], 0.0)
    m = jnp.max(h2, axis=1, keepdims=True)
    e = h2 - m
    lse = jnp.log(jnp.sum(jnp.exp(e), axis=1, keepdims=True))
    o_ref[...] = e - lse


def kernel(x, edge_index, W1, b1, W2, b2):
    edges = edge_index.astype(jnp.int32).reshape(2, NW, NCHUNK, CHUNK)
    zeros = jnp.zeros((ROWS_PT, D_IN), jnp.float32)

    parts = _gin_aggregate(x, edges, zeros)

    grid = (N_NODES // ROW_BLK,)
    out = pl.pallas_call(
        _mlp_body,
        grid=grid,
        in_specs=[
            pl.BlockSpec((NC, ROW_BLK, D_IN), lambda i: (0, i, 0)),
            pl.BlockSpec((D_IN, D_HID), lambda i: (0, 0)),
            pl.BlockSpec((1, D_HID), lambda i: (0, 0)),
            pl.BlockSpec((D_HID, D_OUT), lambda i: (0, 0)),
            pl.BlockSpec((1, D_OUT), lambda i: (0, 0)),
        ],
        out_specs=pl.BlockSpec((ROW_BLK, D_OUT), lambda i: (i, 0)),
        out_shape=jax.ShapeDtypeStruct((N_NODES, D_OUT), jnp.float32),
    )(parts, W1, b1.reshape(1, D_HID), W2, b2.reshape(1, D_OUT))
    return out

# --- scband reference (transcript-rebuilt; emitter-appended) ---
"""Pipeline reference for scband-gin-classification-net-46394236731690 (READ-ONLY COPY).

The authoritative reference and input builder live on the scoring server;
editing this copy changes nothing except your own understanding.
"""

import jax, jax.numpy as jnp
import numpy as np

N_NODES = 10000
N_EDGES = 320000
D_IN = 128
D_HID = 256
D_OUT = 64

def setup_inputs(seed: int = 0) -> dict:
    key = jax.random.key(seed)
    k1, k2, k3, k4, k5, k6 = jax.random.split(key, 6)
    x = jax.random.normal(k1, (N_NODES, D_IN), dtype=jnp.float32)
    edge_index = jax.random.randint(k2, (2, N_EDGES), 0, N_NODES, dtype=jnp.int64)
    W1 = jax.random.normal(k3, (D_IN, D_HID), dtype=jnp.float32) * (1.0 / np.sqrt(D_IN))
    b1 = jnp.zeros((D_HID,), dtype=jnp.float32)
    W2 = jax.random.normal(k4, (D_HID, D_OUT), dtype=jnp.float32) * (1.0 / np.sqrt(D_HID))
    b2 = jnp.zeros((D_OUT,), dtype=jnp.float32)
    return {"x": x, "edge_index": edge_index, "W1": W1, "b1": b1, "W2": W2, "b2": b2}

def reference(x, edge_index, W1, b1, W2, b2):
    # GINConv: h_i = MLP((1+eps)*x_i + sum_{j in N(i)} x_j), eps=0 by default
    src = edge_index[0]
    dst = edge_index[1]
    msgs = jnp.take(x, src, axis=0)                       # gather: [E, D_IN]
    agg = jnp.zeros_like(x).at[dst].add(msgs)             # scatter-add sum aggregation
    h = x + agg                                           # (1 + eps) * x + agg, eps = 0
    # MLP([D_IN, 256, 64]): Linear -> ReLU -> Linear
    h = jnp.maximum(h @ W1 + b1, 0.0)
    h = h @ W2 + b2
    # outer ReLU from the network
    h = jnp.maximum(h, 0.0)
    # F.log_softmax(x, dim=1)
    return jax.nn.log_softmax(h, axis=1)

if __name__ == "__main__":
    import jax
    _d = setup_inputs()
    print(jax.jit(kernel)(*tuple(_d.values())))

</pallas_src>

<mosaic_0001>
#map = affine_map<(d0, d1) -> (0, 0)>
#map1 = affine_map<(d0, d1) -> (0, 0, 0, 0)>
#map2 = affine_map<(d0, d1) -> (0, 0, 0)>
module attributes {stable_mosaic.version = 14 : i64} {
  func.func @_gin_aggregate(%arg0: i32, %arg1: i32, %arg2: memref<10000x128xf32, #tpu.memory_space<hbm>>, %arg3: memref<2x32x100x100xi32, #tpu.memory_space<hbm>>, %arg4: memref<640x128xf32, #tpu.memory_space<hbm>>, %arg5: memref<2x10240x128xf32, #tpu.memory_space<hbm>>, %arg6: memref<28x100xi32, #tpu.memory_space<vmem>>, %arg7: memref<28x100xi32, #tpu.memory_space<vmem>>, %arg8: memref<3x100x128xf32, #tpu.memory_space<vmem>>, %arg9: memref<10240x128xf32, #tpu.memory_space<vmem_shared>>, %arg10: memref<3x!tpu.dma_semaphore, #tpu.memory_space<semaphore_mem>>, %arg11: memref<3x!tpu.dma_semaphore, #tpu.memory_space<semaphore_mem>>) attributes {dimension_semantics = [#tpu.dimension_semantics<core_parallel>, #tpu.dimension_semantics<subcore_parallel>], iteration_bounds = array<i64: 2, 16>, scalar_prefetch = 0 : i64, scratch_operands = 6 : i64, tpu.core_type = #tpu.core_type<sc_vector_subcore>, window_params = [{transform_indices = #map}, {transform_indices = #map1}, {transform_indices = #map}, {transform_indices = #map2}]} {
    %mul3A = arith.constant 2 : i32
    %mul3A_0 = arith.muli %arg1, %mul3A : i32
    %add3A = arith.addi %mul3A_0, %arg0 : i32
    %eq3A = arith.constant 0 : i32
    %eq3A_1 = arith.cmpi eq, %arg0, %eq3A : i32
    %convert_element_type3A = arith.extui %eq3A_1 : i1 to i32
    %cond3A = arith.constant 0 : i32
    %cond3A_2 = arith.cmpi ne, %convert_element_type3A, %cond3A : i32
    scf.if %cond3A_2 {
      %lt3A = arith.constant 15 : i32
      %lt3A_820 = arith.cmpi slt, %arg1, %lt3A : i32
      %convert_element_type3A_821 = arith.extui %lt3A_820 : i1 to i32
      %cond3A_822 = arith.constant 0 : i32
      %cond3A_823 = arith.cmpi ne, %convert_element_type3A_821, %cond3A_822 : i32
      scf.if %cond3A_823 {
        %mul3A_829 = arith.constant 640 : i32
        %mul3A_830 = arith.muli %arg1, %mul3A_829 : i32
        %mul3A_831 = arith.constant 640 : i32
        %mul3A_832 = arith.muli %arg1, %mul3A_831 : i32
        "tpu.region"() ({
          %run_scoped3A_833 = tpu.sem_alloc : memref<!tpu.dma_semaphore, #tpu.memory_space<semaphore_mem>>
          %dma_start3A_834 = arith.constant 0 : i32
          %dma_start3A_835 = tpu.memref_slice %arg9[%mul3A_832, %dma_start3A_834] : memref<10240x128xf32, #tpu.memory_space<vmem_shared>> -> memref<640x128xf32, #tpu.memory_space<vmem_shared>>
          %dma_start3A_836 = arith.constant 0 : i32
          %dma_start3A_837 = tpu.memref_slice %arg2[%mul3A_830, %dma_start3A_836] : memref<10000x128xf32, #tpu.memory_space<hbm>> -> memref<640x128xf32, #tpu.memory_space<hbm>>
          tpu.enqueue_dma source(%dma_start3A_837 : memref<640x128xf32, #tpu.memory_space<hbm>>) target(%dma_start3A_835 : memref<640x128xf32, #tpu.memory_space<vmem_shared>>) target_semaphore(%run_scoped3A_833 : memref<!tpu.dma_semaphore, #tpu.memory_space<semaphore_mem>>)
          %dma_wait3A_838 = arith.constant 0 : i32
          %dma_wait3A_839 = tpu.memref_slice %arg9[%mul3A_832, %dma_wait3A_838] : memref<10240x128xf32, #tpu.memory_space<vmem_shared>> -> memref<640x128xf32, #tpu.memory_space<vmem_shared>>
          %dma_wait3A_840 = arith.constant 0 : i32
          %dma_wait3A_841 = tpu.memref_slice %arg2[%mul3A_830, %dma_wait3A_840] : memref<10000x128xf32, #tpu.memory_space<hbm>> -> memref<640x128xf32, #tpu.memory_space<hbm>>
          tpu.wait_dma2 semaphore(%run_scoped3A_833 : memref<!tpu.dma_semaphore, #tpu.memory_space<semaphore_mem>>) src(%dma_wait3A_841 : memref<640x128xf32, #tpu.memory_space<hbm>>) dst(%dma_wait3A_839 : memref<640x128xf32, #tpu.memory_space<vmem_shared>>)
          tpu.yield
        }) : () -> ()
      } else {
      }
      %eq3A_824 = arith.constant 15 : i32
      %eq3A_825 = arith.cmpi eq, %arg1, %eq3A_824 : i32
      %convert_element_type3A_826 = arith.extui %eq3A_825 : i1 to i32
      %cond3A_827 = arith.constant 0 : i32
      %cond3A_828 = arith.cmpi ne, %convert_element_type3A_826, %cond3A_827 : i32
      scf.if %cond3A_828 {
        "tpu.region"() ({
          %run_scoped3A_829 = tpu.sem_alloc : memref<!tpu.dma_semaphore, #tpu.memory_space<semaphore_mem>>
          %dma_start3A_830 = arith.constant 9600 : i32
          %dma_start3A_831 = arith.constant 0 : i32
          %dma_start3A_832 = tpu.memref_slice %arg9[%dma_start3A_830, %dma_start3A_831] : memref<10240x128xf32, #tpu.memory_space<vmem_shared>> -> memref<400x128xf32, #tpu.memory_space<vmem_shared>>
          %dma_start3A_833 = arith.constant 9600 : i32
          %dma_start3A_834 = arith.constant 0 : i32
          %dma_start3A_835 = tpu.memref_slice %arg2[%dma_start3A_833, %dma_start3A_834] : memref<10000x128xf32, #tpu.memory_space<hbm>> -> memref<400x128xf32, #tpu.memory_space<hbm>>
          tpu.enqueue_dma source(%dma_start3A_835 : memref<400x128xf32, #tpu.memory_space<hbm>>) target(%dma_start3A_832 : memref<400x128xf32, #tpu.memory_space<vmem_shared>>) target_semaphore(%run_scoped3A_829 : memref<!tpu.dma_semaphore, #tpu.memory_space<semaphore_mem>>)
          %dma_wait3A_836 = arith.constant 9600 : i32
          %dma_wait3A_837 = arith.constant 0 : i32
          %dma_wait3A_838 = tpu.memref_slice %arg9[%dma_wait3A_836, %dma_wait3A_837] : memref<10240x128xf32, #tpu.memory_space<vmem_shared>> -> memref<400x128xf32, #tpu.memory_space<vmem_shared>>
          %dma_wait3A_839 = arith.constant 9600 : i32
          %dma_wait3A_840 = arith.constant 0 : i32
          %dma_wait3A_841 = tpu.memref_slice %arg2[%dma_wait3A_839, %dma_wait3A_840] : memref<10000x128xf32, #tpu.memory_space<hbm>> -> memref<400x128xf32, #tpu.memory_space<hbm>>
          tpu.wait_dma2 semaphore(%run_scoped3A_829 : memref<!tpu.dma_semaphore, #tpu.memory_space<semaphore_mem>>) src(%dma_wait3A_841 : memref<400x128xf32, #tpu.memory_space<hbm>>) dst(%dma_wait3A_838 : memref<400x128xf32, #tpu.memory_space<vmem_shared>>)
          tpu.yield
        }) : () -> ()
        "tpu.region"() ({
          %run_scoped3A_829 = tpu.sem_alloc : memref<!tpu.dma_semaphore, #tpu.memory_space<semaphore_mem>>
          %dma_start3A_830 = arith.constant 10000 : i32
          %dma_start3A_831 = arith.constant 0 : i32
          %dma_start3A_832 = tpu.memref_slice %arg9[%dma_start3A_830, %dma_start3A_831] : memref<10240x128xf32, #tpu.memory_space<vmem_shared>> -> memref<240x128xf32, #tpu.memory_space<vmem_shared>>
          %dma_start3A_833 = arith.constant 0 : i32
          %dma_start3A_834 = arith.constant 0 : i32
          %dma_start3A_835 = tpu.memref_slice %arg4[%dma_start3A_833, %dma_start3A_834] : memref<640x128xf32, #tpu.memory_space<hbm>> -> memref<240x128xf32, #tpu.memory_space<hbm>>
          tpu.enqueue_dma source(%dma_start3A_835 : memref<240x128xf32, #tpu.memory_space<hbm>>) target(%dma_start3A_832 : memref<240x128xf32, #tpu.memory_space<vmem_shared>>) target_semaphore(%run_scoped3A_829 : memref<!tpu.dma_semaphore, #tpu.memory_space<semaphore_mem>>)
          %dma_wait3A_836 = arith.constant 10000 : i32
          %dma_wait3A_837 = arith.constant 0 : i32
          %dma_wait3A_838 = tpu.memref_slice %arg9[%dma_wait3A_836, %dma_wait3A_837] : memref<10240x128xf32, #tpu.memory_space<vmem_shared>> -> memref<240x128xf32, #tpu.memory_space<vmem_shared>>
          %dma_wait3A_839 = arith.constant 0 : i32
          %dma_wait3A_840 = arith.constant 0 : i32
          %dma_wait3A_841 = tpu.memref_slice %arg4[%dma_wait3A_839, %dma_wait3A_840] : memref<640x128xf32, #tpu.memory_space<hbm>> -> memref<240x128xf32, #tpu.memory_space<hbm>>
          tpu.wait_dma2 semaphore(%run_scoped3A_829 : memref<!tpu.dma_semaphore, #tpu.memory_space<semaphore_mem>>) src(%dma_wait3A_841 : memref<240x128xf32, #tpu.memory_space<hbm>>) dst(%dma_wait3A_838 : memref<240x128xf32, #tpu.memory_space<vmem_shared>>)
          tpu.yield
        }) : () -> ()
      } else {
      }
    } else {
    }
    %ne3A = arith.constant 0 : i32
    %ne3A_3 = arith.cmpi ne, %arg0, %ne3A : i32
    %convert_element_type3A_4 = arith.extui %ne3A_3 : i1 to i32
    %cond3A_5 = arith.constant 0 : i32
    %cond3A_6 = arith.cmpi ne, %convert_element_type3A_4, %cond3A_5 : i32
    scf.if %cond3A_6 {
      %mul3A_820 = arith.constant 640 : i32
      %mul3A_821 = arith.muli %arg1, %mul3A_820 : i32
      "tpu.region"() ({
        %run_scoped3A_822 = tpu.sem_alloc : memref<!tpu.dma_semaphore, #tpu.memory_space<semaphore_mem>>
        %dma_start3A_823 = arith.constant 0 : i32
        %dma_start3A_824 = tpu.memref_slice %arg9[%mul3A_821, %dma_start3A_823] : memref<10240x128xf32, #tpu.memory_space<vmem_shared>> -> memref<640x128xf32, #tpu.memory_space<vmem_shared>>
        tpu.enqueue_dma source(%arg4 : memref<640x128xf32, #tpu.memory_space<hbm>>) target(%dma_start3A_824 : memref<640x128xf32, #tpu.memory_space<vmem_shared>>) target_semaphore(%run_scoped3A_822 : memref<!tpu.dma_semaphore, #tpu.memory_space<semaphore_mem>>)
        %dma_wait3A_825 = arith.constant 0 : i32
        %dma_wait3A_826 = tpu.memref_slice %arg9[%mul3A_821, %dma_wait3A_825] : memref<10240x128xf32, #tpu.memory_space<vmem_shared>> -> memref<640x128xf32, #tpu.memory_space<vmem_shared>>
        tpu.wait_dma2 semaphore(%run_scoped3A_822 : memref<!tpu.dma_semaphore, #tpu.memory_space<semaphore_mem>>) src(%arg4 : memref<640x128xf32, #tpu.memory_space<hbm>>) dst(%dma_wait3A_826 : memref<640x128xf32, #tpu.memory_space<vmem_shared>>)
        tpu.yield
      }) : () -> ()
    } else {
    }
    %barrier3A = arith.constant 0 : index
    tpu.barrier barrier_id(%barrier3A)
    %run_scoped3A = arith.constant 0 : i32
    "tpu.region"() ({
      %run_scoped3A_820 = tpu.sem_alloc : memref<!tpu.dma_semaphore, #tpu.memory_space<semaphore_mem>>
      %dma_start3A_821 = arith.constant 0 : i32
      %dma_start3A_822 = arith.constant 0 : i32
      %dma_start3A_823 = tpu.memref_slice %arg6[%dma_start3A_821, %dma_start3A_822] : memref<28x100xi32, #tpu.memory_space<vmem>> -> memref<24x100xi32, #tpu.memory_space<vmem>>
      %dma_start3A_824 = arith.constant 0 : i32
      %dma_start3A_825 = arith.constant 0 : i32
      %dma_start3A_826 = tpu.memref_slice %arg3[%run_scoped3A, %add3A, %dma_start3A_824, %dma_start3A_825] : memref<2x32x100x100xi32, #tpu.memory_space<hbm>> -> memref<1x1x24x100xi32, #tpu.memory_space<hbm>>
      %dma_start3A_827 = tpu.memref_squeeze %dma_start3A_826 : memref<1x1x24x100xi32, #tpu.memory_space<hbm>> -> memref<24x100xi32, #tpu.memory_space<hbm>>
      %dma_start3A_828 = arith.constant 0 : i32
      %dma_start3A_829 = arith.constant 0 : i32
      %dma_start3A_830 = tpu.memref_slice %arg6[%dma_start3A_828, %dma_start3A_829] : memref<28x100xi32, #tpu.memory_space<vmem>> -> memref<24x100xi32, #tpu.memory_space<vmem>>
      %dma_start3A_831 = arith.constant 0 : i32
      %dma_start3A_832 = arith.constant 0 : i32
      %dma_start3A_833 = tpu.memref_slice %arg3[%run_scoped3A, %add3A, %dma_start3A_831, %dma_start3A_832] : memref<2x32x100x100xi32, #tpu.memory_space<hbm>> -> memref<1x1x24x100xi32, #tpu.memory_space<hbm>>
      %dma_start3A_834 = tpu.memref_squeeze %dma_start3A_833 : memref<1x1x24x100xi32, #tpu.memory_space<hbm>> -> memref<24x100xi32, #tpu.memory_space<hbm>>
      tpu.enqueue_dma source(%dma_start3A_834 : memref<24x100xi32, #tpu.memory_space<hbm>>) target(%dma_start3A_830 : memref<24x100xi32, #tpu.memory_space<vmem>>) target_semaphore(%run_scoped3A_820 : memref<!tpu.dma_semaphore, #tpu.memory_space<semaphore_mem>>)
      %dma_wait3A_835 = arith.constant 0 : i32
      %dma_wait3A_836 = arith.constant 0 : i32
      %dma_wait3A_837 = tpu.memref_slice %arg6[%dma_wait3A_835, %dma_wait3A_836] : memref<28x100xi32, #tpu.memory_space<vmem>> -> memref<24x100xi32, #tpu.memory_space<vmem>>
      %dma_wait3A_838 = arith.constant 0 : i32
      %dma_wait3A_839 = arith.constant 0 : i32
      %dma_wait3A_840 = tpu.memref_slice %arg3[%run_scoped3A, %add3A, %dma_wait3A_838, %dma_wait3A_839] : memref<2x32x100x100xi32, #tpu.memory_space<hbm>> -> memref<1x1x24x100xi32, #tpu.memory_space<hbm>>
      %dma_wait3A_841 = tpu.memref_squeeze %dma_wait3A_840 : memref<1x1x24x100xi32, #tpu.memory_space<hbm>> -> memref<24x100xi32, #tpu.memory_space<hbm>>
      %dma_wait3A_842 = arith.constant 0 : i32
      %dma_wait3A_843 = arith.constant 0 : i32
      %dma_wait3A_844 = tpu.memref_slice %arg6[%dma_wait3A_842, %dma_wait3A_843] : memref<28x100xi32, #tpu.memory_space<vmem>> -> memref<24x100xi32, #tpu.memory_space<vmem>>
      %dma_wait3A_845 = arith.constant 0 : i32
      %dma_wait3A_846 = arith.constant 0 : i32
      %dma_wait3A_847 = tpu.memref_slice %arg3[%run_scoped3A, %add3A, %dma_wait3A_845, %dma_wait3A_846] : memref<2x32x100x100xi32, #tpu.memory_space<hbm>> -> memref<1x1x24x100xi32, #tpu.memory_space<hbm>>
      %dma_wait3A_848 = tpu.memref_squeeze %dma_wait3A_847 : memref<1x1x24x100xi32, #tpu.memory_space<hbm>> -> memref<24x100xi32, #tpu.memory_space<hbm>>
      tpu.wait_dma2 semaphore(%run_scoped3A_820 : memref<!tpu.dma_semaphore, #tpu.memory_space<semaphore_mem>>) src(%dma_wait3A_848 : memref<24x100xi32, #tpu.memory_space<hbm>>) dst(%dma_wait3A_844 : memref<24x100xi32, #tpu.memory_space<vmem>>)
      tpu.yield
    }) : () -> ()
    %run_scoped3A_7 = arith.constant 1 : i32
    "tpu.region"() ({
      %run_scoped3A_820 = tpu.sem_alloc : memref<!tpu.dma_semaphore, #tpu.memory_space<semaphore_mem>>
      %dma_start3A_821 = arith.constant 0 : i32
      %dma_start3A_822 = arith.constant 0 : i32
      %dma_start3A_823 = tpu.memref_slice %arg7[%dma_start3A_821, %dma_start3A_822] : memref<28x100xi32, #tpu.memory_space<vmem>> -> memref<24x100xi32, #tpu.memory_space<vmem>>
      %dma_start3A_824 = arith.constant 0 : i32
      %dma_start3A_825 = arith.constant 0 : i32
      %dma_start3A_826 = tpu.memref_slice %arg3[%run_scoped3A_7, %add3A, %dma_start3A_824, %dma_start3A_825] : memref<2x32x100x100xi32, #tpu.memory_space<hbm>> -> memref<1x1x24x100xi32, #tpu.memory_space<hbm>>
      %dma_start3A_827 = tpu.memref_squeeze %dma_start3A_826 : memref<1x1x24x100xi32, #tpu.memory_space<hbm>> -> memref<24x100xi32, #tpu.memory_space<hbm>>
      %dma_start3A_828 = arith.constant 0 : i32
      %dma_start3A_829 = arith.constant 0 : i32
      %dma_start3A_830 = tpu.memref_slice %arg7[%dma_start3A_828, %dma_start3A_829] : memref<28x100xi32, #tpu.memory_space<vmem>> -> memref<24x100xi32, #tpu.memory_space<vmem>>
      %dma_start3A_831 = arith.constant 0 : i32
      %dma_start3A_832 = arith.constant 0 : i32
      %dma_start3A_833 = tpu.memref_slice %arg3[%run_scoped3A_7, %add3A, %dma_start3A_831, %dma_start3A_832] : memref<2x32x100x100xi32, #tpu.memory_space<hbm>> -> memref<1x1x24x100xi32, #tpu.memory_space<hbm>>
      %dma_start3A_834 = tpu.memref_squeeze %dma_start3A_833 : memref<1x1x24x100xi32, #tpu.memory_space<hbm>> -> memref<24x100xi32, #tpu.memory_space<hbm>>
      tpu.enqueue_dma source(%dma_start3A_834 : memref<24x100xi32, #tpu.memory_space<hbm>>) target(%dma_start3A_830 : memref<24x100xi32, #tpu.memory_space<vmem>>) target_semaphore(%run_scoped3A_820 : memref<!tpu.dma_semaphore, #tpu.memory_space<semaphore_mem>>)
      %dma_wait3A_835 = arith.constant 0 : i32
      %dma_wait3A_836 = arith.constant 0 : i32
      %dma_wait3A_837 = tpu.memref_slice %arg7[%dma_wait3A_835, %dma_wait3A_836] : memref<28x100xi32, #tpu.memory_space<vmem>> -> memref<24x100xi32, #tpu.memory_space<vmem>>
      %dma_wait3A_838 = arith.constant 0 : i32
      %dma_wait3A_839 = arith.constant 0 : i32
      %dma_wait3A_840 = tpu.memref_slice %arg3[%run_scoped3A_7, %add3A, %dma_wait3A_838, %dma_wait3A_839] : memref<2x32x100x100xi32, #tpu.memory_space<hbm>> -> memref<1x1x24x100xi32, #tpu.memory_space<hbm>>
      %dma_wait3A_841 = tpu.memref_squeeze %dma_wait3A_840 : memref<1x1x24x100xi32, #tpu.memory_space<hbm>> -> memref<24x100xi32, #tpu.memory_space<hbm>>
      %dma_wait3A_842 = arith.constant 0 : i32
      %dma_wait3A_843 = arith.constant 0 : i32
      %dma_wait3A_844 = tpu.memref_slice %arg7[%dma_wait3A_842, %dma_wait3A_843] : memref<28x100xi32, #tpu.memory_space<vmem>> -> memref<24x100xi32, #tpu.memory_space<vmem>>
      %dma_wait3A_845 = arith.constant 0 : i32
      %dma_wait3A_846 = arith.constant 0 : i32
      %dma_wait3A_847 = tpu.memref_slice %arg3[%run_scoped3A_7, %add3A, %dma_wait3A_845, %dma_wait3A_846] : memref<2x32x100x100xi32, #tpu.memory_space<hbm>> -> memref<1x1x24x100xi32, #tpu.memory_space<hbm>>
      %dma_wait3A_848 = tpu.memref_squeeze %dma_wait3A_847 : memref<1x1x24x100xi32, #tpu.memory_space<hbm>> -> memref<24x100xi32, #tpu.memory_space<hbm>>
      tpu.wait_dma2 semaphore(%run_scoped3A_820 : memref<!tpu.dma_semaphore, #tpu.memory_space<semaphore_mem>>) src(%dma_wait3A_848 : memref<24x100xi32, #tpu.memory_space<hbm>>) dst(%dma_wait3A_844 : memref<24x100xi32, #tpu.memory_space<vmem>>)
      tpu.yield
    }) : () -> ()
    %dma_start3A = arith.constant 0 : i32
    %dma_start3A_8 = arith.constant 0 : i32
    %dma_start3A_9 = arith.constant 0 : i32
    %dma_start3A_10 = arith.constant 0 : i32
    %dma_start3A_11 = arith.constant 0 : i32
    %dma_start3A_12 = tpu.memref_slice %arg8[%dma_start3A_8, %dma_start3A_10, %dma_start3A_11] : memref<3x100x128xf32, #tpu.memory_space<vmem>> -> memref<1x100x128xf32, #tpu.memory_space<vmem>>
    %dma_start3A_13 = tpu.memref_squeeze %dma_start3A_12 : memref<1x100x128xf32, #tpu.memory_space<vmem>> -> memref<100x128xf32, #tpu.memory_space<vmem>>
    %dma_start3A_14 = arith.constant 0 : i32
    %dma_start3A_15 = tpu.memref_slice %arg6[%dma_start3A, %dma_start3A_14] : memref<28x100xi32, #tpu.memory_space<vmem>> -> memref<1x100xi32, #tpu.memory_space<vmem>>
    %dma_start3A_16 = tpu.memref_squeeze %dma_start3A_15 : memref<1x100xi32, #tpu.memory_space<vmem>> -> memref<100xi32, #tpu.memory_space<vmem>>
    %dma_start3A_17 = arith.constant 0 : i32
    %dma_start3A_18 = arith.constant 0 : i32
    %dma_start3A_19 = tpu.memref_slice %arg2[%dma_start3A_17, %dma_start3A_18] : memref<10000x128xf32, #tpu.memory_space<hbm>> -> memref<10000x128xf32, #tpu.memory_space<hbm>>
    %dma_start3A_20 = tpu.memref_slice %arg10[%dma_start3A_9] : memref<3x!tpu.dma_semaphore, #tpu.memory_space<semaphore_mem>> -> memref<1x!tpu.dma_semaphore, #tpu.memory_space<semaphore_mem>>
    %dma_start3A_21 = tpu.memref_squeeze %dma_start3A_20 : memref<1x!tpu.dma_semaphore, #tpu.memory_space<semaphore_mem>> -> memref<!tpu.dma_semaphore, #tpu.memory_space<semaphore_mem>>
    tpu.enqueue_indirect_dma source(%dma_start3A_19 : memref<10000x128xf32, #tpu.memory_space<hbm>>) target(%dma_start3A_13 : memref<100x128xf32, #tpu.memory_space<vmem>>) offsets(%dma_start3A_16 : memref<100xi32, #tpu.memory_space<vmem>>) semaphore(%dma_start3A_21 : memref<!tpu.dma_semaphore, #tpu.memory_space<semaphore_mem>>)
    %dma_start3A_22 = arith.constant 1 : i32
    %dma_start3A_23 = arith.constant 1 : i32
    %dma_start3A_24 = arith.constant 1 : i32
    %dma_start3A_25 = arith.constant 0 : i32
    %dma_start3A_26 = arith.constant 0 : i32
    %dma_start3A_27 = tpu.memref_slice %arg8[%dma_start3A_23, %dma_start3A_25, %dma_start3A_26] : memref<3x100x128xf32, #tpu.memory_space<vmem>> -> memref<1x100x128xf32, #tpu.memory_space<vmem>>
    %dma_start3A_28 = tpu.memref_squeeze %dma_start3A_27 : memref<1x100x128xf32, #tpu.memory_space<vmem>> -> memref<100x128xf32, #tpu.memory_space<vmem>>
    %dma_start3A_29 = arith.constant 0 : i32
    %dma_start3A_30 = tpu.memref_slice %arg6[%dma_start3A_22, %dma_start3A_29] : memref<28x100xi32, #tpu.memory_space<vmem>> -> memref<1x100xi32, #tpu.memory_space<vmem>>
    %dma_start3A_31 = tpu.memref_squeeze %dma_start3A_30 : memref<1x100xi32, #tpu.memory_space<vmem>> -> memref<100xi32, #tpu.memory_space<vmem>>
    %dma_start3A_32 = arith.constant 0 : i32
    %dma_start3A_33 = arith.constant 0 : i32
    %dma_start3A_34 = tpu.memref_slice %arg2[%dma_start3A_32, %dma_start3A_33] : memref<10000x128xf32, #tpu.memory_space<hbm>> -> memref<10000x128xf32, #tpu.memory_space<hbm>>
    %dma_start3A_35 = tpu.memref_slice %arg10[%dma_start3A_24] : memref<3x!tpu.dma_semaphore, #tpu.memory_space<semaphore_mem>> -> memref<1x!tpu.dma_semaphore, #tpu.memory_space<semaphore_mem>>
    %dma_start3A_36 = tpu.memref_squeeze %dma_start3A_35 : memref<1x!tpu.dma_semaphore, #tpu.memory_space<semaphore_mem>> -> memref<!tpu.dma_semaphore, #tpu.memory_space<semaphore_mem>>
    tpu.enqueue_indirect_dma source(%dma_start3A_34 : memref<10000x128xf32, #tpu.memory_space<hbm>>) target(%dma_start3A_28 : memref<100x128xf32, #tpu.memory_space<vmem>>) offsets(%dma_start3A_31 : memref<100xi32, #tpu.memory_space<vmem>>) semaphore(%dma_start3A_36 : memref<!tpu.dma_semaphore, #tpu.memory_space<semaphore_mem>>)
    %dma_wait3A = arith.constant 0 : i32
    %dma_wait3A_37 = arith.constant 0 : i32
    %dma_wait3A_38 = arith.constant 0 : i32
    %dma_wait3A_39 = arith.constant 0 : i32
    %dma_wait3A_40 = arith.constant 0 : i32
    %dma_wait3A_41 = tpu.memref_slice %arg8[%dma_wait3A, %dma_wait3A_39, %dma_wait3A_40] : memref<3x100x128xf32, #tpu.memory_space<vmem>> -> memref<1x100x128xf32, #tpu.memory_space<vmem>>
    %dma_wait3A_42 = tpu.memref_squeeze %dma_wait3A_41 : memref<1x100x128xf32, #tpu.memory_space<vmem>> -> memref<100x128xf32, #tpu.memory_space<vmem>>
    %dma_wait3A_43 = arith.constant 0 : i32
    %dma_wait3A_44 = tpu.memref_slice %arg7[%dma_wait3A_37, %dma_wait3A_43] : memref<28x100xi32, #tpu.memory_space<vmem>> -> memref<1x100xi32, #tpu.memory_space<vmem>>
    %dma_wait3A_45 = tpu.memref_squeeze %dma_wait3A_44 : memref<1x100xi32, #tpu.memory_space<vmem>> -> memref<100xi32, #tpu.memory_space<vmem>>
    %dma_wait3A_46 = arith.constant 0 : i32
    %dma_wait3A_47 = arith.constant 0 : i32
    %dma_wait3A_48 = tpu.memref_slice %arg9[%dma_wait3A_46, %dma_wait3A_47] : memref<10240x128xf32, #tpu.memory_space<vmem_shared>> -> memref<10240x128xf32, #tpu.memory_space<vmem_shared>>
    %dma_wait3A_49 = tpu.memref_slice %arg10[%dma_wait3A_38] : memref<3x!tpu.dma_semaphore, #tpu.memory_space<semaphore_mem>> -> memref<1x!tpu.dma_semaphore, #tpu.memory_space<semaphore_mem>>
    %dma_wait3A_50 = tpu.memref_squeeze %dma_wait3A_49 : memref<1x!tpu.dma_semaphore, #tpu.memory_space<semaphore_mem>> -> memref<!tpu.dma_semaphore, #tpu.memory_space<semaphore_mem>>
    tpu.wait_indirect_dma semaphore(%dma_wait3A_50 : memref<!tpu.dma_semaphore, #tpu.memory_space<semaphore_mem>>) src(%dma_wait3A_42 : memref<100x128xf32, #tpu.memory_space<vmem>>) dst(%dma_wait3A_48 : memref<10240x128xf32, #tpu.memory_space<vmem_shared>>)
    %dma_start3A_51 = arith.constant 0 : i32
    %dma_start3A_52 = arith.constant 0 : i32
    %dma_start3A_53 = arith.constant 0 : i32
    %dma_start3A_54 = arith.constant 0 : i32
    %dma_start3A_55 = arith.constant 0 : i32
    %dma_start3A_56 = tpu.memref_slice %arg8[%dma_start3A_51, %dma_start3A_54, %dma_start3A_55] : memref<3x100x128xf32, #tpu.memory_space<vmem>> -> memref<1x100x128xf32, #tpu.memory_space<vmem>>
    %dma_start3A_57 = tpu.memref_squeeze %dma_start3A_56 : memref<1x100x128xf32, #tpu.memory_space<vmem>> -> memref<100x128xf32, #tpu.memory_space<vmem>>
    %dma_start3A_58 = arith.constant 0 : i32
    %dma_start3A_59 = tpu.memref_slice %arg7[%dma_start3A_52, %dma_start3A_58] : memref<28x100xi32, #tpu.memory_space<vmem>> -> memref<1x100xi32, #tpu.memory_space<vmem>>
    %dma_start3A_60 = tpu.memref_squeeze %dma_start3A_59 : memref<1x100xi32, #tpu.memory_space<vmem>> -> memref<100xi32, #tpu.memory_space<vmem>>
    %dma_start3A_61 = arith.constant 0 : i32
    %dma_start3A_62 = arith.constant 0 : i32
    %dma_start3A_63 = tpu.memref_slice %arg9[%dma_start3A_61, %dma_start3A_62] : memref<10240x128xf32, #tpu.memory_space<vmem_shared>> -> memref<10240x128xf32, #tpu.memory_space<vmem_shared>>
    %dma_start3A_64 = tpu.memref_slice %arg11[%dma_start3A_53] : memref<3x!tpu.dma_semaphore, #tpu.memory_space<semaphore_mem>> -> memref<1x!tpu.dma_semaphore, #tpu.memory_space<semaphore_mem>>
    %dma_start3A_65 = tpu.memref_squeeze %dma_start3A_64 : memref<1x!tpu.dma_semaphore, #tpu.memory_space<semaphore_mem>> -> memref<!tpu.dma_semaphore, #tpu.memory_space<semaphore_mem>>
    tpu.enqueue_indirect_dma source(%dma_start3A_57 : memref<100x128xf32, #tpu.memory_space<vmem>>) target(%dma_start3A_63 : memref<10240x128xf32, #tpu.memory_space<vmem_shared>>) offsets(%dma_start3A_60 : memref<100xi32, #tpu.memory_space<vmem>>) semaphore(%dma_start3A_65 : memref<!tpu.dma_semaphore, #tpu.memory_space<semaphore_mem>>) {add = true}
    %dma_start3A_66 = arith.constant 2 : i32
    %dma_start3A_67 = arith.constant 2 : i32
    %dma_start3A_68 = arith.constant 2 : i32
    %dma_start3A_69 = arith.constant 0 : i32
    %dma_start3A_70 = arith.constant 0 : i32
    %dma_start3A_71 = tpu.memref_slice %arg8[%dma_start3A_67, %dma_start3A_69, %dma_start3A_70] : memref<3x100x128xf32, #tpu.memory_space<vmem>> -> memref<1x100x128xf32, #tpu.memory_space<vmem>>
    %dma_start3A_72 = tpu.memref_squeeze %dma_start3A_71 : memref<1x100x128xf32, #tpu.memory_space<vmem>> -> memref<100x128xf32, #tpu.memory_space<vmem>>
    %dma_start3A_73 = arith.constant 0 : i32
    %dma_start3A_74 = tpu.memref_slice %arg6[%dma_start3A_66, %dma_start3A_73] : memref<28x100xi32, #tpu.memory_space<vmem>> -> memref<1x100xi32, #tpu.memory_space<vmem>>
    %dma_start3A_75 = tpu.memref_squeeze %dma_start3A_74 : memref<1x100xi32, #tpu.memory_space<vmem>> -> memref<100xi32, #tpu.memory_space<vmem>>
    %dma_start3A_76 = arith.constant 0 : i32
    %dma_start3A_77 = arith.constant 0 : i32
    %dma_start3A_78 = tpu.memref_slice %arg2[%dma_start3A_76, %dma_start3A_77] : memref<10000x128xf32, #tpu.memory_space<hbm>> -> memref<10000x128xf32, #tpu.memory_space<hbm>>
    %dma_start3A_79 = tpu.memref_slice %arg10[%dma_start3A_68] : memref<3x!tpu.dma_semaphore, #tpu.memory_space<semaphore_mem>> -> memref<1x!tpu.dma_semaphore, #tpu.memory_space<semaphore_mem>>
    %dma_start3A_80 = tpu.memref_squeeze %dma_start3A_79 : memref<1x!tpu.dma_semaphore, #tpu.memory_space<semaphore_mem>> -> memref<!tpu.dma_semaphore, #tpu.memory_space<semaphore_mem>>
    tpu.enqueue_indirect_dma source(%dma_start3A_78 : memref<10000x128xf32, #tpu.memory_space<hbm>>) target(%dma_start3A_72 : memref<100x128xf32, #tpu.memory_space<vmem>>) offsets(%dma_start3A_75 : memref<100xi32, #tpu.memory_space<vmem>>) semaphore(%dma_start3A_80 : memref<!tpu.dma_semaphore, #tpu.memory_space<semaphore_mem>>)
    %dma_wait3A_81 = arith.constant 0 : i32
    %dma_wait3A_82 = arith.constant 0 : i32
    %dma_wait3A_83 = arith.constant 1 : i32
    %dma_wait3A_84 = arith.constant 0 : i32
    %dma_wait3A_85 = arith.constant 0 : i32
    %dma_wait3A_86 = tpu.memref_slice %arg8[%dma_wait3A_81, %dma_wait3A_84, %dma_wait3A_85] : memref<3x100x128xf32, #tpu.memory_space<vmem>> -> memref<1x100x128xf32, #tpu.memory_space<vmem>>
    %dma_wait3A_87 = tpu.memref_squeeze %dma_wait3A_86 : memref<1x100x128xf32, #tpu.memory_space<vmem>> -> memref<100x128xf32, #tpu.memory_space<vmem>>
    %dma_wait3A_88 = arith.constant 0 : i32
    %dma_wait3A_89 = tpu.memref_slice %arg7[%dma_wait3A_82, %dma_wait3A_88] : memref<28x100xi32, #tpu.memory_space<vmem>> -> memref<1x100xi32, #tpu.memory_space<vmem>>
    %dma_wait3A_90 = tpu.memref_squeeze %dma_wait3A_89 : memref<1x100xi32, #tpu.memory_space<vmem>> -> memref<100xi32, #tpu.memory_space<vmem>>
    %dma_wait3A_91 = arith.constant 0 : i32
    %dma_wait3A_92 = arith.constant 0 : i32
    %dma_wait3A_93 = tpu.memref_slice %arg9[%dma_wait3A_91, %dma_wait3A_92] : memref<10240x128xf32, #tpu.memory_space<vmem_shared>> -> memref<10240x128xf32, #tpu.memory_space<vmem_shared>>
    %dma_wait3A_94 = tpu.memref_slice %arg10[%dma_wait3A_83] : memref<3x!tpu.dma_semaphore, #tpu.memory_space<semaphore_mem>> -> memref<1x!tpu.dma_semaphore, #tpu.memory_space<semaphore_mem>>
    %dma_wait3A_95 = tpu.memref_squeeze %dma_wait3A_94 : memref<1x!tpu.dma_semaphore, #tpu.memory_space<semaphore_mem>> -> memref<!tpu.dma_semaphore, #tpu.memory_space<semaphore_mem>>
    tpu.wait_indirect_dma semaphore(%dma_wait3A_95 : memref<!tpu.dma_semaphore, #tpu.memory_space<semaphore_mem>>) src(%dma_wait3A_87 : memref<100x128xf32, #tpu.memory_space<vmem>>) dst(%dma_wait3A_93 : memref<10240x128xf32, #tpu.memory_space<vmem_shared>>)
    %dma_start3A_96 = arith.constant 1 : i32
    %dma_start3A_97 = arith.constant 1 : i32
    %dma_start3A_98 = arith.constant 1 : i32
    %dma_start3A_99 = arith.constant 0 : i32
    %dma_start3A_100 = arith.constant 0 : i32
    %dma_start3A_101 = tpu.memref_slice %arg8[%dma_start3A_96, %dma_start3A_99, %dma_start3A_100] : memref<3x100x128xf32, #tpu.memory_space<vmem>> -> memref<1x100x128xf32, #tpu.memory_space<vmem>>
    %dma_start3A_102 = tpu.memref_squeeze %dma_start3A_101 : memref<1x100x128xf32, #tpu.memory_space<vmem>> -> memref<100x128xf32, #tpu.memory_space<vmem>>
    %dma_start3A_103 = arith.constant 0 : i32
    %dma_start3A_104 = tpu.memref_slice %arg7[%dma_start3A_97, %dma_start3A_103] : memref<28x100xi32, #tpu.memory_space<vmem>> -> memref<1x100xi32, #tpu.memory_space<vmem>>
    %dma_start3A_105 = tpu.memref_squeeze %dma_start3A_104 : memref<1x100xi32, #tpu.memory_space<vmem>> -> memref<100xi32, #tpu.memory_space<vmem>>
    %dma_start3A_106 = arith.constant 0 : i32
    %dma_start3A_107 = arith.constant 0 : i32
    %dma_start3A_108 = tpu.memref_slice %arg9[%dma_start3A_106, %dma_start3A_107] : memref<10240x128xf32, #tpu.memory_space<vmem_shared>> -> memref<10240x128xf32, #tpu.memory_space<vmem_shared>>
    %dma_start3A_109 = tpu.memref_slice %arg11[%dma_start3A_98] : memref<3x!tpu.dma_semaphore, #tpu.memory_space<semaphore_mem>> -> memref<1x!tpu.dma_semaphore, #tpu.memory_space<semaphore_mem>>
    %dma_start3A_110 = tpu.memref_squeeze %dma_start3A_109 : memref<1x!tpu.dma_semaphore, #tpu.memory_space<semaphore_mem>> -> memref<!tpu.dma_semaphore, #tpu.memory_space<semaphore_mem>>
    tpu.enqueue_indirect_dma source(%dma_start3A_102 : memref<100x128xf32, #tpu.memory_space<vmem>>) target(%dma_start3A_108 : memref<10240x128xf32, #tpu.memory_space<vmem_shared>>) offsets(%dma_start3A_105 : memref<100xi32, #tpu.memory_space<vmem>>) semaphore(%dma_start3A_110 : memref<!tpu.dma_semaphore, #tpu.memory_space<semaphore_mem>>) {add = true}
    %scan3A = arith.constant 0 : i32
    %scan3A_111 = arith.constant 0 : i32
    %scan3A_112 = arith.constant 7 : i32
    %scan3A_113 = arith.addi %scan3A_111, %scan3A_112 : i32
    %scan3A_114 = arith.constant 1 : i32
    scf.for %scan3A_820 = %scan3A_111 to %scan3A_113 step %scan3A_114  : i32 {
      %mul3A_821 = arith.constant 3 : i32
      %mul3A_822 = arith.muli %scan3A_820, %mul3A_821 : i32
      %add3A_823 = arith.constant 3 : i32
      %add3A_824 = arith.addi %add3A_823, %mul3A_822 : i32
      %add3A_825 = arith.constant 0 : i32
      %add3A_826 = arith.addi %add3A_824, %add3A_825 : i32
      %dma_wait3A_827 = arith.constant 0 : i32
      %dma_wait3A_828 = arith.constant 0 : i32
      %dma_wait3A_829 = arith.constant 0 : i32
      %dma_wait3A_830 = arith.constant 0 : i32
      %dma_wait3A_831 = arith.constant 0 : i32
      %dma_wait3A_832 = tpu.memref_slice %arg8[%dma_wait3A_827, %dma_wait3A_830, %dma_wait3A_831] : memref<3x100x128xf32, #tpu.memory_space<vmem>> -> memref<1x100x128xf32, #tpu.memory_space<vmem>>
      %dma_wait3A_833 = tpu.memref_squeeze %dma_wait3A_832 : memref<1x100x128xf32, #tpu.memory_space<vmem>> -> memref<100x128xf32, #tpu.memory_space<vmem>>
      %dma_wait3A_834 = arith.constant 0 : i32
      %dma_wait3A_835 = tpu.memref_slice %arg7[%dma_wait3A_828, %dma_wait3A_834] : memref<28x100xi32, #tpu.memory_space<vmem>> -> memref<1x100xi32, #tpu.memory_space<vmem>>
      %dma_wait3A_836 = tpu.memref_squeeze %dma_wait3A_835 : memref<1x100xi32, #tpu.memory_space<vmem>> -> memref<100xi32, #tpu.memory_space<vmem>>
      %dma_wait3A_837 = arith.constant 0 : i32
      %dma_wait3A_838 = arith.constant 0 : i32
      %dma_wait3A_839 = tpu.memref_slice %arg9[%dma_wait3A_837, %dma_wait3A_838] : memref<10240x128xf32, #tpu.memory_space<vmem_shared>> -> memref<10240x128xf32, #tpu.memory_space<vmem_shared>>
      %dma_wait3A_840 = tpu.memref_slice %arg11[%dma_wait3A_829] : memref<3x!tpu.dma_semaphore, #tpu.memory_space<semaphore_mem>> -> memref<1x!tpu.dma_semaphore, #tpu.memory_space<semaphore_mem>>
      %dma_wait3A_841 = tpu.memref_squeeze %dma_wait3A_840 : memref<1x!tpu.dma_semaphore, #tpu.memory_space<semaphore_mem>> -> memref<!tpu.dma_semaphore, #tpu.memory_space<semaphore_mem>>
      tpu.wait_indirect_dma semaphore(%dma_wait3A_841 : memref<!tpu.dma_semaphore, #tpu.memory_space<semaphore_mem>>) src(%dma_wait3A_833 : memref<100x128xf32, #tpu.memory_space<vmem>>) dst(%dma_wait3A_839 : memref<10240x128xf32, #tpu.memory_space<vmem_shared>>)
      %dma_start3A_842 = arith.constant 0 : i32
      %dma_start3A_843 = arith.constant 0 : i32
      %dma_start3A_844 = arith.constant 0 : i32
      %dma_start3A_845 = arith.constant 0 : i32
      %dma_start3A_846 = tpu.memref_slice %arg8[%dma_start3A_842, %dma_start3A_844, %dma_start3A_845] : memref<3x100x128xf32, #tpu.memory_space<vmem>> -> memref<1x100x128xf32, #tpu.memory_space<vmem>>
      %dma_start3A_847 = tpu.memref_squeeze %dma_start3A_846 : memref<1x100x128xf32, #tpu.memory_space<vmem>> -> memref<100x128xf32, #tpu.memory_space<vmem>>
      %dma_start3A_848 = arith.constant 0 : i32
      %dma_start3A_849 = tpu.memref_slice %arg6[%add3A_826, %dma_start3A_848] : memref<28x100xi32, #tpu.memory_space<vmem>> -> memref<1x100xi32, #tpu.memory_space<vmem>>
      %dma_start3A_850 = tpu.memref_squeeze %dma_start3A_849 : memref<1x100xi32, #tpu.memory_space<vmem>> -> memref<100xi32, #tpu.memory_space<vmem>>
      %dma_start3A_851 = arith.constant 0 : i32
      %dma_start3A_852 = arith.constant 0 : i32
      %dma_start3A_853 = tpu.memref_slice %arg2[%dma_start3A_851, %dma_start3A_852] : memref<10000x128xf32, #tpu.memory_space<hbm>> -> memref<10000x128xf32, #tpu.memory_space<hbm>>
      %dma_start3A_854 = tpu.memref_slice %arg10[%dma_start3A_843] : memref<3x!tpu.dma_semaphore, #tpu.memory_space<semaphore_mem>> -> memref<1x!tpu.dma_semaphore, #tpu.memory_space<semaphore_mem>>
      %dma_start3A_855 = tpu.memref_squeeze %dma_start3A_854 : memref<1x!tpu.dma_semaphore, #tpu.memory_space<semaphore_mem>> -> memref<!tpu.dma_semaphore, #tpu.memory_space<semaphore_mem>>
      tpu.enqueue_indirect_dma source(%dma_start3A_853 : memref<10000x128xf32, #tpu.memory_space<hbm>>) target(%dma_start3A_847 : memref<100x128xf32, #tpu.memory_space<vmem>>) offsets(%dma_start3A_850 : memref<100xi32, #tpu.memory_space<vmem>>) semaphore(%dma_start3A_855 : memref<!tpu.dma_semaphore, #tpu.memory_space<semaphore_mem>>)
      %dma_wait3A_856 = arith.constant 0 : i32
      %dma_wait3A_857 = arith.constant 0 : i32
      %dma_wait3A_858 = arith.constant 2 : i32
      %dma_wait3A_859 = arith.constant 0 : i32
      %dma_wait3A_860 = arith.constant 0 : i32
      %dma_wait3A_861 = tpu.memref_slice %arg8[%dma_wait3A_856, %dma_wait3A_859, %dma_wait3A_860] : memref<3x100x128xf32, #tpu.memory_space<vmem>> -> memref<1x100x128xf32, #tpu.memory_space<vmem>>
      %dma_wait3A_862 = tpu.memref_squeeze %dma_wait3A_861 : memref<1x100x128xf32, #tpu.memory_space<vmem>> -> memref<100x128xf32, #tpu.memory_space<vmem>>
      %dma_wait3A_863 = arith.constant 0 : i32
      %dma_wait3A_864 = tpu.memref_slice %arg7[%dma_wait3A_857, %dma_wait3A_863] : memref<28x100xi32, #tpu.memory_space<vmem>> -> memref<1x100xi32, #tpu.memory_space<vmem>>
      %dma_wait3A_865 = tpu.memref_squeeze %dma_wait3A_864 : memref<1x100xi32, #tpu.memory_space<vmem>> -> memref<100xi32, #tpu.memory_space<vmem>>
      %dma_wait3A_866 = arith.constant 0 : i32
      %dma_wait3A_867 = arith.constant 0 : i32
      %dma_wait3A_868 = tpu.memref_slice %arg9[%dma_wait3A_866, %dma_wait3A_867] : memref<10240x128xf32, #tpu.memory_space<vmem_shared>> -> memref<10240x128xf32, #tpu.memory_space<vmem_shared>>
      %dma_wait3A_869 = tpu.memref_slice %arg10[%dma_wait3A_858] : memref<3x!tpu.dma_semaphore, #tpu.memory_space<semaphore_mem>> -> memref<1x!tpu.dma_semaphore, #tpu.memory_space<semaphore_mem>>
      %dma_wait3A_870 = tpu.memref_squeeze %dma_wait3A_869 : memref<1x!tpu.dma_semaphore, #tpu.memory_space<semaphore_mem>> -> memref<!tpu.dma_semaphore, #tpu.memory_space<semaphore_mem>>
      tpu.wait_indirect_dma semaphore(%dma_wait3A_870 : memref<!tpu.dma_semaphore, #tpu.memory_space<semaphore_mem>>) src(%dma_wait3A_862 : memref<100x128xf32, #tpu.memory_space<vmem>>) dst(%dma_wait3A_868 : memref<10240x128xf32, #tpu.memory_space<vmem_shared>>)
      %sub3A = arith.constant 1 : i32
      %sub3A_871 = arith.subi %add3A_826, %sub3A : i32
      %dma_start3A_872 = arith.constant 2 : i32
      %dma_start3A_873 = arith.constant 2 : i32
      %dma_start3A_874 = arith.constant 0 : i32
      %dma_start3A_875 = arith.constant 0 : i32
      %dma_start3A_876 = tpu.memref_slice %arg8[%dma_start3A_872, %dma_start3A_874, %dma_start3A_875] : memref<3x100x128xf32, #tpu.memory_space<vmem>> -> memref<1x100x128xf32, #tpu.memory_space<vmem>>
      %dma_start3A_877 = tpu.memref_squeeze %dma_start3A_876 : memref<1x100x128xf32, #tpu.memory_space<vmem>> -> memref<100x128xf32, #tpu.memory_space<vmem>>
      %dma_start3A_878 = arith.constant 0 : i32
      %dma_start3A_879 = tpu.memref_slice %arg7[%sub3A_871, %dma_start3A_878] : memref<28x100xi32, #tpu.memory_space<vmem>> -> memref<1x100xi32, #tpu.memory_space<vmem>>
      %dma_start3A_880 = tpu.memref_squeeze %dma_start3A_879 : memref<1x100xi32, #tpu.memory_space<vmem>> -> memref<100xi32, #tpu.memory_space<vmem>>
      %dma_start3A_881 = arith.constant 0 : i32
      %dma_start3A_882 = arith.constant 0 : i32
      %dma_start3A_883 = tpu.memref_slice %arg9[%dma_start3A_881, %dma_start3A_882] : memref<10240x128xf32, #tpu.memory_space<vmem_shared>> -> memref<10240x128xf32, #tpu.memory_space<vmem_shared>>
      %dma_start3A_884 = tpu.memref_slice %arg11[%dma_start3A_873] : memref<3x!tpu.dma_semaphore, #tpu.memory_space<semaphore_mem>> -> memref<1x!tpu.dma_semaphore, #tpu.memory_space<semaphore_mem>>
      %dma_start3A_885 = tpu.memref_squeeze %dma_start3A_884 : memref<1x!tpu.dma_semaphore, #tpu.memory_space<semaphore_mem>> -> memref<!tpu.dma_semaphore, #tpu.memory_space<semaphore_mem>>
      tpu.enqueue_indirect_dma source(%dma_start3A_877 : memref<100x128xf32, #tpu.memory_space<vmem>>) target(%dma_start3A_883 : memref<10240x128xf32, #tpu.memory_space<vmem_shared>>) offsets(%dma_start3A_880 : memref<100xi32, #tpu.memory_space<vmem>>) semaphore(%dma_start3A_885 : memref<!tpu.dma_semaphore, #tpu.memory_space<semaphore_mem>>) {add = true}
      %add3A_886 = arith.constant 1 : i32
      %add3A_887 = arith.addi %add3A_824, %add3A_886 : i32
      %dma_wait3A_888 = arith.constant 0 : i32
      %dma_wait3A_889 = arith.constant 0 : i32
      %dma_wait3A_890 = arith.constant 1 : i32
      %dma_wait3A_891 = arith.constant 0 : i32
      %dma_wait3A_892 = arith.constant 0 : i32
      %dma_wait3A_893 = tpu.memref_slice %arg8[%dma_wait3A_888, %dma_wait3A_891, %dma_wait3A_892] : memref<3x100x128xf32, #tpu.memory_space<vmem>> -> memref<1x100x128xf32, #tpu.memory_space<vmem>>
      %dma_wait3A_894 = tpu.memref_squeeze %dma_wait3A_893 : memref<1x100x128xf32, #tpu.memory_space<vmem>> -> memref<100x128xf32, #tpu.memory_space<vmem>>
      %dma_wait3A_895 = arith.constant 0 : i32
      %dma_wait3A_896 = tpu.memref_slice %arg7[%dma_wait3A_889, %dma_wait3A_895] : memref<28x100xi32, #tpu.memory_space<vmem>> -> memref<1x100xi32, #tpu.memory_space<vmem>>
      %dma_wait3A_897 = tpu.memref_squeeze %dma_wait3A_896 : memref<1x100xi32, #tpu.memory_space<vmem>> -> memref<100xi32, #tpu.memory_space<vmem>>
      %dma_wait3A_898 = arith.constant 0 : i32
      %dma_wait3A_899 = arith.constant 0 : i32
      %dma_wait3A_900 = tpu.memref_slice %arg9[%dma_wait3A_898, %dma_wait3A_899] : memref<10240x128xf32, #tpu.memory_space<vmem_shared>> -> memref<10240x128xf32, #tpu.memory_space<vmem_shared>>
      %dma_wait3A_901 = tpu.memref_slice %arg11[%dma_wait3A_890] : memref<3x!tpu.dma_semaphore, #tpu.memory_space<semaphore_mem>> -> memref<1x!tpu.dma_semaphore, #tpu.memory_space<semaphore_mem>>
      %dma_wait3A_902 = tpu.memref_squeeze %dma_wait3A_901 : memref<1x!tpu.dma_semaphore, #tpu.memory_space<semaphore_mem>> -> memref<!tpu.dma_semaphore, #tpu.memory_space<semaphore_mem>>
      tpu.wait_indirect_dma semaphore(%dma_wait3A_902 : memref<!tpu.dma_semaphore, #tpu.memory_space<semaphore_mem>>) src(%dma_wait3A_894 : memref<100x128xf32, #tpu.memory_space<vmem>>) dst(%dma_wait3A_900 : memref<10240x128xf32, #tpu.memory_space<vmem_shared>>)
      %dma_start3A_903 = arith.constant 1 : i32
      %dma_start3A_904 = arith.constant 1 : i32
      %dma_start3A_905 = arith.constant 0 : i32
      %dma_start3A_906 = arith.constant 0 : i32
      %dma_start3A_907 = tpu.memref_slice %arg8[%dma_start3A_903, %dma_start3A_905, %dma_start3A_906] : memref<3x100x128xf32, #tpu.memory_space<vmem>> -> memref<1x100x128xf32, #tpu.memory_space<vmem>>
      %dma_start3A_908 = tpu.memref_squeeze %dma_start3A_907 : memref<1x100x128xf32, #tpu.memory_space<vmem>> -> memref<100x128xf32, #tpu.memory_space<vmem>>
      %dma_start3A_909 = arith.constant 0 : i32
      %dma_start3A_910 = tpu.memref_slice %arg6[%add3A_887, %dma_start3A_909] : memref<28x100xi32, #tpu.memory_space<vmem>> -> memref<1x100xi32, #tpu.memory_space<vmem>>
      %dma_start3A_911 = tpu.memref_squeeze %dma_start3A_910 : memref<1x100xi32, #tpu.memory_space<vmem>> -> memref<100xi32, #tpu.memory_space<vmem>>
      %dma_start3A_912 = arith.constant 0 : i32
      %dma_start3A_913 = arith.constant 0 : i32
      %dma_start3A_914 = tpu.memref_slice %arg2[%dma_start3A_912, %dma_start3A_913] : memref<10000x128xf32, #tpu.memory_space<hbm>> -> memref<10000x128xf32, #tpu.memory_space<hbm>>
      %dma_start3A_915 = tpu.memref_slice %arg10[%dma_start3A_904] : memref<3x!tpu.dma_semaphore, #tpu.memory_space<semaphore_mem>> -> memref<1x!tpu.dma_semaphore, #tpu.memory_space<semaphore_mem>>
      %dma_start3A_916 = tpu.memref_squeeze %dma_start3A_915 : memref<1x!tpu.dma_semaphore, #tpu.memory_space<semaphore_mem>> -> memref<!tpu.dma_semaphore, #tpu.memory_space<semaphore_mem>>
      tpu.enqueue_indirect_dma source(%dma_start3A_914 : memref<10000x128xf32, #tpu.memory_space<hbm>>) target(%dma_start3A_908 : memref<100x128xf32, #tpu.memory_space<vmem>>) offsets(%dma_start3A_911 : memref<100xi32, #tpu.memory_space<vmem>>) semaphore(%dma_start3A_916 : memref<!tpu.dma_semaphore, #tpu.memory_space<semaphore_mem>>)
      %dma_wait3A_917 = arith.constant 0 : i32
      %dma_wait3A_918 = arith.constant 0 : i32
      %dma_wait3A_919 = arith.constant 0 : i32
      %dma_wait3A_920 = arith.constant 0 : i32
      %dma_wait3A_921 = arith.constant 0 : i32
      %dma_wait3A_922 = tpu.memref_slice %arg8[%dma_wait3A_917, %dma_wait3A_920, %dma_wait3A_921] : memref<3x100x128xf32, #tpu.memory_space<vmem>> -> memref<1x100x128xf32, #tpu.memory_space<vmem>>
      %dma_wait3A_923 = tpu.memref_squeeze %dma_wait3A_922 : memref<1x100x128xf32, #tpu.memory_space<vmem>> -> memref<100x128xf32, #tpu.memory_space<vmem>>
      %dma_wait3A_924 = arith.constant 0 : i32
      %dma_wait3A_925 = tpu.memref_slice %arg7[%dma_wait3A_918, %dma_wait3A_924] : memref<28x100xi32, #tpu.memory_space<vmem>> -> memref<1x100xi32, #tpu.memory_space<vmem>>
      %dma_wait3A_926 = tpu.memref_squeeze %dma_wait3A_925 : memref<1x100xi32, #tpu.memory_space<vmem>> -> memref<100xi32, #tpu.memory_space<vmem>>
      %dma_wait3A_927 = arith.constant 0 : i32
      %dma_wait3A_928 = arith.constant 0 : i32
      %dma_wait3A_929 = tpu.memref_slice %arg9[%dma_wait3A_927, %dma_wait3A_928] : memref<10240x128xf32, #tpu.memory_space<vmem_shared>> -> memref<10240x128xf32, #tpu.memory_space<vmem_shared>>
      %dma_wait3A_930 = tpu.memref_slice %arg10[%dma_wait3A_919] : memref<3x!tpu.dma_semaphore, #tpu.memory_space<semaphore_mem>> -> memref<1x!tpu.dma_semaphore, #tpu.memory_space<semaphore_mem>>
      %dma_wait3A_931 = tpu.memref_squeeze %dma_wait3A_930 : memref<1x!tpu.dma_semaphore, #tpu.memory_space<semaphore_mem>> -> memref<!tpu.dma_semaphore, #tpu.memory_space<semaphore_mem>>
      tpu.wait_indirect_dma semaphore(%dma_wait3A_931 : memref<!tpu.dma_semaphore, #tpu.memory_space<semaphore_mem>>) src(%dma_wait3A_923 : memref<100x128xf32, #tpu.memory_space<vmem>>) dst(%dma_wait3A_929 : memref<10240x128xf32, #tpu.memory_space<vmem_shared>>)
      %sub3A_932 = arith.constant 1 : i32
      %sub3A_933 = arith.subi %add3A_887, %sub3A_932 : i32
      %dma_start3A_934 = arith.constant 0 : i32
      %dma_start3A_935 = arith.constant 0 : i32
      %dma_start3A_936 = arith.constant 0 : i32
      %dma_start3A_937 = arith.constant 0 : i32
      %dma_start3A_938 = tpu.memref_slice %arg8[%dma_start3A_934, %dma_start3A_936, %dma_start3A_937] : memref<3x100x128xf32, #tpu.memory_space<vmem>> -> memref<1x100x128xf32, #tpu.memory_space<vmem>>
      %dma_start3A_939 = tpu.memref_squeeze %dma_start3A_938 : memref<1x100x128xf32, #tpu.memory_space<vmem>> -> memref<100x128xf32, #tpu.memory_space<vmem>>
      %dma_start3A_940 = arith.constant 0 : i32
      %dma_start3A_941 = tpu.memref_slice %arg7[%sub3A_933, %dma_start3A_940] : memref<28x100xi32, #tpu.memory_space<vmem>> -> memref<1x100xi32, #tpu.memory_space<vmem>>
      %dma_start3A_942 = tpu.memref_squeeze %dma_start3A_941 : memref<1x100xi32, #tpu.memory_space<vmem>> -> memref<100xi32, #tpu.memory_space<vmem>>
      %dma_start3A_943 = arith.constant 0 : i32
      %dma_start3A_944 = arith.constant 0 : i32
      %dma_start3A_945 = tpu.memref_slice %arg9[%dma_start3A_943, %dma_start3A_944] : memref<10240x128xf32, #tpu.memory_space<vmem_shared>> -> memref<10240x128xf32, #tpu.memory_space<vmem_shared>>
      %dma_start3A_946 = tpu.memref_slice %arg11[%dma_start3A_935] : memref<3x!tpu.dma_semaphore, #tpu.memory_space<semaphore_mem>> -> memref<1x!tpu.dma_semaphore, #tpu.memory_space<semaphore_mem>>
      %dma_start3A_947 = tpu.memref_squeeze %dma_start3A_946 : memref<1x!tpu.dma_semaphore, #tpu.memory_space<semaphore_mem>> -> memref<!tpu.dma_semaphore, #tpu.memory_space<semaphore_mem>>
      tpu.enqueue_indirect_dma source(%dma_start3A_939 : memref<100x128xf32, #tpu.memory_space<vmem>>) target(%dma_start3A_945 : memref<10240x128xf32, #tpu.memory_space<vmem_shared>>) offsets(%dma_start3A_942 : memref<100xi32, #tpu.memory_space<vmem>>) semaphore(%dma_start3A_947 : memref<!tpu.dma_semaphore, #tpu.memory_space<semaphore_mem>>) {add = true}
      %add3A_948 = arith.constant 2 : i32
      %add3A_949 = arith.addi %add3A_824, %add3A_948 : i32
      %dma_wait3A_950 = arith.constant 0 : i32
      %dma_wait3A_951 = arith.constant 0 : i32
      %dma_wait3A_952 = arith.constant 2 : i32
      %dma_wait3A_953 = arith.constant 0 : i32
      %dma_wait3A_954 = arith.constant 0 : i32
      %dma_wait3A_955 = tpu.memref_slice %arg8[%dma_wait3A_950, %dma_wait3A_953, %dma_wait3A_954] : memref<3x100x128xf32, #tpu.memory_space<vmem>> -> memref<1x100x128xf32, #tpu.memory_space<vmem>>
      %dma_wait3A_956 = tpu.memref_squeeze %dma_wait3A_955 : memref<1x100x128xf32, #tpu.memory_space<vmem>> -> memref<100x128xf32, #tpu.memory_space<vmem>>
      %dma_wait3A_957 = arith.constant 0 : i32
      %dma_wait3A_958 = tpu.memref_slice %arg7[%dma_wait3A_951, %dma_wait3A_957] : memref<28x100xi32, #tpu.memory_space<vmem>> -> memref<1x100xi32, #tpu.memory_space<vmem>>
      %dma_wait3A_959 = tpu.memref_squeeze %dma_wait3A_958 : memref<1x100xi32, #tpu.memory_space<vmem>> -> memref<100xi32, #tpu.memory_space<vmem>>
      %dma_wait3A_960 = arith.constant 0 : i32
      %dma_wait3A_961 = arith.constant 0 : i32
      %dma_wait3A_962 = tpu.memref_slice %arg9[%dma_wait3A_960, %dma_wait3A_961] : memref<10240x128xf32, #tpu.memory_space<vmem_shared>> -> memref<10240x128xf32, #tpu.memory_space<vmem_shared>>
      %dma_wait3A_963 = tpu.memref_slice %arg11[%dma_wait3A_952] : memref<3x!tpu.dma_semaphore, #tpu.memory_space<semaphore_mem>> -> memref<1x!tpu.dma_semaphore, #tpu.memory_space<semaphore_mem>>
      %dma_wait3A_964 = tpu.memref_squeeze %dma_wait3A_963 : memref<1x!tpu.dma_semaphore, #tpu.memory_space<semaphore_mem>> -> memref<!tpu.dma_semaphore, #tpu.memory_space<semaphore_mem>>
      tpu.wait_indirect_dma semaphore(%dma_wait3A_964 : memref<!tpu.dma_semaphore, #tpu.memory_space<semaphore_mem>>) src(%dma_wait3A_956 : memref<100x128xf32, #tpu.memory_space<vmem>>) dst(%dma_wait3A_962 : memref<10240x128xf32, #tpu.memory_space<vmem_shared>>)
      %dma_start3A_965 = arith.constant 2 : i32
      %dma_start3A_966 = arith.constant 2 : i32
      %dma_start3A_967 = arith.constant 0 : i32
      %dma_start3A_968 = arith.constant 0 : i32
      %dma_start3A_969 = tpu.memref_slice %arg8[%dma_start3A_965, %dma_start3A_967, %dma_start3A_968] : memref<3x100x128xf32, #tpu.memory_space<vmem>> -> memref<1x100x128xf32, #tpu.memory_space<vmem>>
      %dma_start3A_970 = tpu.memref_squeeze %dma_start3A_969 : memref<1x100x128xf32, #tpu.memory_space<vmem>> -> memref<100x128xf32, #tpu.memory_space<vmem>>
      %dma_start3A_971 = arith.constant 0 : i32
      %dma_start3A_972 = tpu.memref_slice %arg6[%add3A_949, %dma_start3A_971] : memref<28x100xi32, #tpu.memory_space<vmem>> -> memref<1x100xi32, #tpu.memory_space<vmem>>
      %dma_start3A_973 = tpu.memref_squeeze %dma_start3A_972 : memref<1x100xi32, #tpu.memory_space<vmem>> -> memref<100xi32, #tpu.memory_space<vmem>>
      %dma_start3A_974 = arith.constant 0 : i32
      %dma_start3A_975 = arith.constant 0 : i32
      %dma_start3A_976 = tpu.memref_slice %arg2[%dma_start3A_974, %dma_start3A_975] : memref<10000x128xf32, #tpu.memory_space<hbm>> -> memref<10000x128xf32, #tpu.memory_space<hbm>>
      %dma_start3A_977 = tpu.memref_slice %arg10[%dma_start3A_966] : memref<3x!tpu.dma_semaphore, #tpu.memory_space<semaphore_mem>> -> memref<1x!tpu.dma_semaphore, #tpu.memory_space<semaphore_mem>>
      %dma_start3A_978 = tpu.memref_squeeze %dma_start3A_977 : memref<1x!tpu.dma_semaphore, #tpu.memory_space<semaphore_mem>> -> memref<!tpu.dma_semaphore, #tpu.memory_space<semaphore_mem>>
      tpu.enqueue_indirect_dma source(%dma_start3A_976 : memref<10000x128xf32, #tpu.memory_space<hbm>>) target(%dma_start3A_970 : memref<100x128xf32, #tpu.memory_space<vmem>>) offsets(%dma_start3A_973 : memref<100xi32, #tpu.memory_space<vmem>>) semaphore(%dma_start3A_978 : memref<!tpu.dma_semaphore, #tpu.memory_space<semaphore_mem>>)
      %dma_wait3A_979 = arith.constant 0 : i32
      %dma_wait3A_980 = arith.constant 0 : i32
      %dma_wait3A_981 = arith.constant 1 : i32
      %dma_wait3A_982 = arith.constant 0 : i32
      %dma_wait3A_983 = arith.constant 0 : i32
      %dma_wait3A_984 = tpu.memref_slice %arg8[%dma_wait3A_979, %dma_wait3A_982, %dma_wait3A_983] : memref<3x100x128xf32, #tpu.memory_space<vmem>> -> memref<1x100x128xf32, #tpu.memory_space<vmem>>
      %dma_wait3A_985 = tpu.memref_squeeze %dma_wait3A_984 : memref<1x100x128xf32, #tpu.memory_space<vmem>> -> memref<100x128xf32, #tpu.memory_space<vmem>>
      %dma_wait3A_986 = arith.constant 0 : i32
      %dma_wait3A_987 = tpu.memref_slice %arg7[%dma_wait3A_980, %dma_wait3A_986] : memref<28x100xi32, #tpu.memory_space<vmem>> -> memref<1x100xi32, #tpu.memory_space<vmem>>
      %dma_wait3A_988 = tpu.memref_squeeze %dma_wait3A_987 : memref<1x100xi32, #tpu.memory_space<vmem>> -> memref<100xi32, #tpu.memory_space<vmem>>
      %dma_wait3A_989 = arith.constant 0 : i32
      %dma_wait3A_990 = arith.constant 0 : i32
      %dma_wait3A_991 = tpu.memref_slice %arg9[%dma_wait3A_989, %dma_wait3A_990] : memref<10240x128xf32, #tpu.memory_space<vmem_shared>> -> memref<10240x128xf32, #tpu.memory_space<vmem_shared>>
      %dma_wait3A_992 = tpu.memref_slice %arg10[%dma_wait3A_981] : memref<3x!tpu.dma_semaphore, #tpu.memory_space<semaphore_mem>> -> memref<1x!tpu.dma_semaphore, #tpu.memory_space<semaphore_mem>>
      %dma_wait3A_993 = tpu.memref_squeeze %dma_wait3A_992 : memref<1x!tpu.dma_semaphore, #tpu.memory_space<semaphore_mem>> -> memref<!tpu.dma_semaphore, #tpu.memory_space<semaphore_mem>>
      tpu.wait_indirect_dma semaphore(%dma_wait3A_993 : memref<!tpu.dma_semaphore, #tpu.memory_space<semaphore_mem>>) src(%dma_wait3A_985 : memref<100x128xf32, #tpu.memory_space<vmem>>) dst(%dma_wait3A_991 : memref<10240x128xf32, #tpu.memory_space<vmem_shared>>)
      %sub3A_994 = arith.constant 1 : i32
      %sub3A_995 = arith.subi %add3A_949, %sub3A_994 : i32
      %dma_start3A_996 = arith.constant 1 : i32
      %dma_start3A_997 = arith.constant 1 : i32
      %dma_start3A_998 = arith.constant 0 : i32
      %dma_start3A_999 = arith.constant 0 : i32
      %dma_start3A_1000 = tpu.memref_slice %arg8[%dma_start3A_996, %dma_start3A_998, %dma_start3A_999] : memref<3x100x128xf32, #tpu.memory_space<vmem>> -> memref<1x100x128xf32, #tpu.memory_space<vmem>>
      %dma_start3A_1001 = tpu.memref_squeeze %dma_start3A_1000 : memref<1x100x128xf32, #tpu.memory_space<vmem>> -> memref<100x128xf32, #tpu.memory_space<vmem>>
      %dma_start3A_1002 = arith.constant 0 : i32
      %dma_start3A_1003 = tpu.memref_slice %arg7[%sub3A_995, %dma_start3A_1002] : memref<28x100xi32, #tpu.memory_space<vmem>> -> memref<1x100xi32, #tpu.memory_space<vmem>>
      %dma_start3A_1004 = tpu.memref_squeeze %dma_start3A_1003 : memref<1x100xi32, #tpu.memory_space<vmem>> -> memref<100xi32, #tpu.memory_space<vmem>>
      %dma_start3A_1005 = arith.constant 0 : i32
      %dma_start3A_1006 = arith.constant 0 : i32
      %dma_start3A_1007 = tpu.memref_slice %arg9[%dma_start3A_1005, %dma_start3A_1006] : memref<10240x128xf32, #tpu.memory_space<vmem_shared>> -> memref<10240x128xf32, #tpu.memory_space<vmem_shared>>
      %dma_start3A_1008 = tpu.memref_slice %arg11[%dma_start3A_997] : memref<3x!tpu.dma_semaphore, #tpu.memory_space<semaphore_mem>> -> memref<1x!tpu.dma_semaphore, #tpu.memory_space<semaphore_mem>>
      %dma_start3A_1009 = tpu.memref_squeeze %dma_start3A_1008 : memref<1x!tpu.dma_semaphore, #tpu.memory_space<semaphore_mem>> -> memref<!tpu.dma_semaphore, #tpu.memory_space<semaphore_mem>>
      tpu.enqueue_indirect_dma source(%dma_start3A_1001 : memref<100x128xf32, #tpu.memory_space<vmem>>) target(%dma_start3A_1007 : memref<10240x128xf32, #tpu.memory_space<vmem_shared>>) offsets(%dma_start3A_1004 : memref<100xi32, #tpu.memory_space<vmem>>) semaphore(%dma_start3A_1009 : memref<!tpu.dma_semaphore, #tpu.memory_space<semaphore_mem>>) {add = true}
    }
    %scan3A_115 = arith.constant 7 : i32
    %dma_wait3A_116 = arith.constant 0 : i32
    %dma_wait3A_117 = arith.constant 0 : i32
    %dma_wait3A_118 = arith.constant 2 : i32
    %dma_wait3A_119 = arith.constant 0 : i32
    %dma_wait3A_120 = arith.constant 0 : i32
    %dma_wait3A_121 = tpu.memref_slice %arg8[%dma_wait3A_116, %dma_wait3A_119, %dma_wait3A_120] : memref<3x100x128xf32, #tpu.memory_space<vmem>> -> memref<1x100x128xf32, #tpu.memory_space<vmem>>
    %dma_wait3A_122 = tpu.memref_squeeze %dma_wait3A_121 : memref<1x100x128xf32, #tpu.memory_space<vmem>> -> memref<100x128xf32, #tpu.memory_space<vmem>>
    %dma_wait3A_123 = arith.constant 0 : i32
    %dma_wait3A_124 = tpu.memref_slice %arg7[%dma_wait3A_117, %dma_wait3A_123] : memref<28x100xi32, #tpu.memory_space<vmem>> -> memref<1x100xi32, #tpu.memory_space<vmem>>
    %dma_wait3A_125 = tpu.memref_squeeze %dma_wait3A_124 : memref<1x100xi32, #tpu.memory_space<vmem>> -> memref<100xi32, #tpu.memory_space<vmem>>
    %dma_wait3A_126 = arith.constant 0 : i32
    %dma_wait3A_127 = arith.constant 0 : i32
    %dma_wait3A_128 = tpu.memref_slice %arg9[%dma_wait3A_126, %dma_wait3A_127] : memref<10240x128xf32, #tpu.memory_space<vmem_shared>> -> memref<10240x128xf32, #tpu.memory_space<vmem_shared>>
    %dma_wait3A_129 = tpu.memref_slice %arg10[%dma_wait3A_118] : memref<3x!tpu.dma_semaphore, #tpu.memory_space<semaphore_mem>> -> memref<1x!tpu.dma_semaphore, #tpu.memory_space<semaphore_mem>>
    %dma_wait3A_130 = tpu.memref_squeeze %dma_wait3A_129 : memref<1x!tpu.dma_semaphore, #tpu.memory_space<semaphore_mem>> -> memref<!tpu.dma_semaphore, #tpu.memory_space<semaphore_mem>>
    tpu.wait_indirect_dma semaphore(%dma_wait3A_130 : memref<!tpu.dma_semaphore, #tpu.memory_space<semaphore_mem>>) src(%dma_wait3A_122 : memref<100x128xf32, #tpu.memory_space<vmem>>) dst(%dma_wait3A_128 : memref<10240x128xf32, #tpu.memory_space<vmem_shared>>)
    %dma_start3A_131 = arith.constant 2 : i32
    %dma_start3A_132 = arith.constant 23 : i32
    %dma_start3A_133 = arith.constant 2 : i32
    %dma_start3A_134 = arith.constant 0 : i32
    %dma_start3A_135 = arith.constant 0 : i32
    %dma_start3A_136 = tpu.memref_slice %arg8[%dma_start3A_131, %dma_start3A_134, %dma_start3A_135] : memref<3x100x128xf32, #tpu.memory_space<vmem>> -> memref<1x100x128xf32, #tpu.memory_space<vmem>>
    %dma_start3A_137 = tpu.memref_squeeze %dma_start3A_136 : memref<1x100x128xf32, #tpu.memory_space<vmem>> -> memref<100x128xf32, #tpu.memory_space<vmem>>
    %dma_start3A_138 = arith.constant 0 : i32
    %dma_start3A_139 = tpu.memref_slice %arg7[%dma_start3A_132, %dma_start3A_138] : memref<28x100xi32, #tpu.memory_space<vmem>> -> memref<1x100xi32, #tpu.memory_space<vmem>>
    %dma_start3A_140 = tpu.memref_squeeze %dma_start3A_139 : memref<1x100xi32, #tpu.memory_space<vmem>> -> memref<100xi32, #tpu.memory_space<vmem>>
    %dma_start3A_141 = arith.constant 0 : i32
    %dma_start3A_142 = arith.constant 0 : i32
    %dma_start3A_143 = tpu.memref_slice %arg9[%dma_start3A_141, %dma_start3A_142] : memref<10240x128xf32, #tpu.memory_space<vmem_shared>> -> memref<10240x128xf32, #tpu.memory_space<vmem_shared>>
    %dma_start3A_144 = tpu.memref_slice %arg11[%dma_start3A_133] : memref<3x!tpu.dma_semaphore, #tpu.memory_space<semaphore_mem>> -> memref<1x!tpu.dma_semaphore, #tpu.memory_space<semaphore_mem>>
    %dma_start3A_145 = tpu.memref_squeeze %dma_start3A_144 : memref<1x!tpu.dma_semaphore, #tpu.memory_space<semaphore_mem>> -> memref<!tpu.dma_semaphore, #tpu.memory_space<semaphore_mem>>
    tpu.enqueue_indirect_dma source(%dma_start3A_137 : memref<100x128xf32, #tpu.memory_space<vmem>>) target(%dma_start3A_143 : memref<10240x128xf32, #tpu.memory_space<vmem_shared>>) offsets(%dma_start3A_140 : memref<100xi32, #tpu.memory_space<vmem>>) semaphore(%dma_start3A_145 : memref<!tpu.dma_semaphore, #tpu.memory_space<semaphore_mem>>) {add = true}
    %dma_wait3A_146 = arith.constant 0 : i32
    %dma_wait3A_147 = arith.constant 0 : i32
    %dma_wait3A_148 = arith.constant 0 : i32
    %dma_wait3A_149 = arith.constant 0 : i32
    %dma_wait3A_150 = arith.constant 0 : i32
    %dma_wait3A_151 = tpu.memref_slice %arg8[%dma_wait3A_146, %dma_wait3A_149, %dma_wait3A_150] : memref<3x100x128xf32, #tpu.memory_space<vmem>> -> memref<1x100x128xf32, #tpu.memory_space<vmem>>
    %dma_wait3A_152 = tpu.memref_squeeze %dma_wait3A_151 : memref<1x100x128xf32, #tpu.memory_space<vmem>> -> memref<100x128xf32, #tpu.memory_space<vmem>>
    %dma_wait3A_153 = arith.constant 0 : i32
    %dma_wait3A_154 = tpu.memref_slice %arg7[%dma_wait3A_147, %dma_wait3A_153] : memref<28x100xi32, #tpu.memory_space<vmem>> -> memref<1x100xi32, #tpu.memory_space<vmem>>
    %dma_wait3A_155 = tpu.memref_squeeze %dma_wait3A_154 : memref<1x100xi32, #tpu.memory_space<vmem>> -> memref<100xi32, #tpu.memory_space<vmem>>
    %dma_wait3A_156 = arith.constant 0 : i32
    %dma_wait3A_157 = arith.constant 0 : i32
    %dma_wait3A_158 = tpu.memref_slice %arg9[%dma_wait3A_156, %dma_wait3A_157] : memref<10240x128xf32, #tpu.memory_space<vmem_shared>> -> memref<10240x128xf32, #tpu.memory_space<vmem_shared>>
    %dma_wait3A_159 = tpu.memref_slice %arg11[%dma_wait3A_148] : memref<3x!tpu.dma_semaphore, #tpu.memory_space<semaphore_mem>> -> memref<1x!tpu.dma_semaphore, #tpu.memory_space<semaphore_mem>>
    %dma_wait3A_160 = tpu.memref_squeeze %dma_wait3A_159 : memref<1x!tpu.dma_semaphore, #tpu.memory_space<semaphore_mem>> -> memref<!tpu.dma_semaphore, #tpu.memory_space<semaphore_mem>>
    tpu.wait_indirect_dma semaphore(%dma_wait3A_160 : memref<!tpu.dma_semaphore, #tpu.memory_space<semaphore_mem>>) src(%dma_wait3A_152 : memref<100x128xf32, #tpu.memory_space<vmem>>) dst(%dma_wait3A_158 : memref<10240x128xf32, #tpu.memory_space<vmem_shared>>)
    %dma_wait3A_161 = arith.constant 0 : i32
    %dma_wait3A_162 = arith.constant 0 : i32
    %dma_wait3A_163 = arith.constant 1 : i32
    %dma_wait3A_164 = arith.constant 0 : i32
    %dma_wait3A_165 = arith.constant 0 : i32
    %dma_wait3A_166 = tpu.memref_slice %arg8[%dma_wait3A_161, %dma_wait3A_164, %dma_wait3A_165] : memref<3x100x128xf32, #tpu.memory_space<vmem>> -> memref<1x100x128xf32, #tpu.memory_space<vmem>>
    %dma_wait3A_167 = tpu.memref_squeeze %dma_wait3A_166 : memref<1x100x128xf32, #tpu.memory_space<vmem>> -> memref<100x128xf32, #tpu.memory_space<vmem>>
    %dma_wait3A_168 = arith.constant 0 : i32
    %dma_wait3A_169 = tpu.memref_slice %arg7[%dma_wait3A_162, %dma_wait3A_168] : memref<28x100xi32, #tpu.memory_space<vmem>> -> memref<1x100xi32, #tpu.memory_space<vmem>>
    %dma_wait3A_170 = tpu.memref_squeeze %dma_wait3A_169 : memref<1x100xi32, #tpu.memory_space<vmem>> -> memref<100xi32, #tpu.memory_space<vmem>>
    %dma_wait3A_171 = arith.constant 0 : i32
    %dma_wait3A_172 = arith.constant 0 : i32
    %dma_wait3A_173 = tpu.memref_slice %arg9[%dma_wait3A_171, %dma_wait3A_172] : memref<10240x128xf32, #tpu.memory_space<vmem_shared>> -> memref<10240x128xf32, #tpu.memory_space<vmem_shared>>
    %dma_wait3A_174 = tpu.memref_slice %arg11[%dma_wait3A_163] : memref<3x!tpu.dma_semaphore, #tpu.memory_space<semaphore_mem>> -> memref<1x!tpu.dma_semaphore, #tpu.memory_space<semaphore_mem>>
    %dma_wait3A_175 = tpu.memref_squeeze %dma_wait3A_174 : memref<1x!tpu.dma_semaphore, #tpu.memory_space<semaphore_mem>> -> memref<!tpu.dma_semaphore, #tpu.memory_space<semaphore_mem>>
    tpu.wait_indirect_dma semaphore(%dma_wait3A_175 : memref<!tpu.dma_semaphore, #tpu.memory_space<semaphore_mem>>) src(%dma_wait3A_167 : memref<100x128xf32, #tpu.memory_space<vmem>>) dst(%dma_wait3A_173 : memref<10240x128xf32, #tpu.memory_space<vmem_shared>>)
    %dma_wait3A_176 = arith.constant 0 : i32
    %dma_wait3A_177 = arith.constant 0 : i32
    %dma_wait3A_178 = arith.constant 2 : i32
    %dma_wait3A_179 = arith.constant 0 : i32
    %dma_wait3A_180 = arith.constant 0 : i32
    %dma_wait3A_181 = tpu.memref_slice %arg8[%dma_wait3A_176, %dma_wait3A_179, %dma_wait3A_180] : memref<3x100x128xf32, #tpu.memory_space<vmem>> -> memref<1x100x128xf32, #tpu.memory_space<vmem>>
    %dma_wait3A_182 = tpu.memref_squeeze %dma_wait3A_181 : memref<1x100x128xf32, #tpu.memory_space<vmem>> -> memref<100x128xf32, #tpu.memory_space<vmem>>
    %dma_wait3A_183 = arith.constant 0 : i32
    %dma_wait3A_184 = tpu.memref_slice %arg7[%dma_wait3A_177, %dma_wait3A_183] : memref<28x100xi32, #tpu.memory_space<vmem>> -> memref<1x100xi32, #tpu.memory_space<vmem>>
    %dma_wait3A_185 = tpu.memref_squeeze %dma_wait3A_184 : memref<1x100xi32, #tpu.memory_space<vmem>> -> memref<100xi32, #tpu.memory_space<vmem>>
    %dma_wait3A_186 = arith.constant 0 : i32
    %dma_wait3A_187 = arith.constant 0 : i32
    %dma_wait3A_188 = tpu.memref_slice %arg9[%dma_wait3A_186, %dma_wait3A_187] : memref<10240x128xf32, #tpu.memory_space<vmem_shared>> -> memref<10240x128xf32, #tpu.memory_space<vmem_shared>>
    %dma_wait3A_189 = tpu.memref_slice %arg11[%dma_wait3A_178] : memref<3x!tpu.dma_semaphore, #tpu.memory_space<semaphore_mem>> -> memref<1x!tpu.dma_semaphore, #tpu.memory_space<semaphore_mem>>
    %dma_wait3A_190 = tpu.memref_squeeze %dma_wait3A_189 : memref<1x!tpu.dma_semaphore, #tpu.memory_space<semaphore_mem>> -> memref<!tpu.dma_semaphore, #tpu.memory_space<semaphore_mem>>
    tpu.wait_indirect_dma semaphore(%dma_wait3A_190 : memref<!tpu.dma_semaphore, #tpu.memory_space<semaphore_mem>>) src(%dma_wait3A_182 : memref<100x128xf32, #tpu.memory_space<vmem>>) dst(%dma_wait3A_188 : memref<10240x128xf32, #tpu.memory_space<vmem_shared>>)
    %run_scoped3A_191 = arith.constant 0 : i32
    "tpu.region"() ({
      %run_scoped3A_820 = tpu.sem_alloc : memref<!tpu.dma_semaphore, #tpu.memory_space<semaphore_mem>>
      %dma_start3A_821 = arith.constant 0 : i32
      %dma_start3A_822 = arith.constant 0 : i32
      %dma_start3A_823 = tpu.memref_slice %arg6[%dma_start3A_821, %dma_start3A_822] : memref<28x100xi32, #tpu.memory_space<vmem>> -> memref<24x100xi32, #tpu.memory_space<vmem>>
      %dma_start3A_824 = arith.constant 24 : i32
      %dma_start3A_825 = arith.constant 0 : i32
      %dma_start3A_826 = tpu.memref_slice %arg3[%run_scoped3A_191, %add3A, %dma_start3A_824, %dma_start3A_825] : memref<2x32x100x100xi32, #tpu.memory_space<hbm>> -> memref<1x1x24x100xi32, #tpu.memory_space<hbm>>
      %dma_start3A_827 = tpu.memref_squeeze %dma_start3A_826 : memref<1x1x24x100xi32, #tpu.memory_space<hbm>> -> memref<24x100xi32, #tpu.memory_space<hbm>>
      %dma_start3A_828 = arith.constant 0 : i32
      %dma_start3A_829 = arith.constant 0 : i32
      %dma_start3A_830 = tpu.memref_slice %arg6[%dma_start3A_828, %dma_start3A_829] : memref<28x100xi32, #tpu.memory_space<vmem>> -> memref<24x100xi32, #tpu.memory_space<vmem>>
      %dma_start3A_831 = arith.constant 24 : i32
      %dma_start3A_832 = arith.constant 0 : i32
      %dma_start3A_833 = tpu.memref_slice %arg3[%run_scoped3A_191, %add3A, %dma_start3A_831, %dma_start3A_832] : memref<2x32x100x100xi32, #tpu.memory_space<hbm>> -> memref<1x1x24x100xi32, #tpu.memory_space<hbm>>
      %dma_start3A_834 = tpu.memref_squeeze %dma_start3A_833 : memref<1x1x24x100xi32, #tpu.memory_space<hbm>> -> memref<24x100xi32, #tpu.memory_space<hbm>>
      tpu.enqueue_dma source(%dma_start3A_834 : memref<24x100xi32, #tpu.memory_space<hbm>>) target(%dma_start3A_830 : memref<24x100xi32, #tpu.memory_space<vmem>>) target_semaphore(%run_scoped3A_820 : memref<!tpu.dma_semaphore, #tpu.memory_space<semaphore_mem>>)
      %dma_wait3A_835 = arith.constant 0 : i32
      %dma_wait3A_836 = arith.constant 0 : i32
      %dma_wait3A_837 = tpu.memref_slice %arg6[%dma_wait3A_835, %dma_wait3A_836] : memref<28x100xi32, #tpu.memory_space<vmem>> -> memref<24x100xi32, #tpu.memory_space<vmem>>
      %dma_wait3A_838 = arith.constant 24 : i32
      %dma_wait3A_839 = arith.constant 0 : i32
      %dma_wait3A_840 = tpu.memref_slice %arg3[%run_scoped3A_191, %add3A, %dma_wait3A_838, %dma_wait3A_839] : memref<2x32x100x100xi32, #tpu.memory_space<hbm>> -> memref<1x1x24x100xi32, #tpu.memory_space<hbm>>
      %dma_wait3A_841 = tpu.memref_squeeze %dma_wait3A_840 : memref<1x1x24x100xi32, #tpu.memory_space<hbm>> -> memref<24x100xi32, #tpu.memory_space<hbm>>
      %dma_wait3A_842 = arith.constant 0 : i32
      %dma_wait3A_843 = arith.constant 0 : i32
      %dma_wait3A_844 = tpu.memref_slice %arg6[%dma_wait3A_842, %dma_wait3A_843] : memref<28x100xi32, #tpu.memory_space<vmem>> -> memref<24x100xi32, #tpu.memory_space<vmem>>
      %dma_wait3A_845 = arith.constant 24 : i32
      %dma_wait3A_846 = arith.constant 0 : i32
      %dma_wait3A_847 = tpu.memref_slice %arg3[%run_scoped3A_191, %add3A, %dma_wait3A_845, %dma_wait3A_846] : memref<2x32x100x100xi32, #tpu.memory_space<hbm>> -> memref<1x1x24x100xi32, #tpu.memory_space<hbm>>
      %dma_wait3A_848 = tpu.memref_squeeze %dma_wait3A_847 : memref<1x1x24x100xi32, #tpu.memory_space<hbm>> -> memref<24x100xi32, #tpu.memory_space<hbm>>
      tpu.wait_dma2 semaphore(%run_scoped3A_820 : memref<!tpu.dma_semaphore, #tpu.memory_space<semaphore_mem>>) src(%dma_wait3A_848 : memref<24x100xi32, #tpu.memory_space<hbm>>) dst(%dma_wait3A_844 : memref<24x100xi32, #tpu.memory_space<vmem>>)
      tpu.yield
    }) : () -> ()
    %run_scoped3A_192 = arith.constant 1 : i32
    "tpu.region"() ({
      %run_scoped3A_820 = tpu.sem_alloc : memref<!tpu.dma_semaphore, #tpu.memory_space<semaphore_mem>>
      %dma_start3A_821 = arith.constant 0 : i32
      %dma_start3A_822 = arith.constant 0 : i32
      %dma_start3A_823 = tpu.memref_slice %arg7[%dma_start3A_821, %dma_start3A_822] : memref<28x100xi32, #tpu.memory_space<vmem>> -> memref<24x100xi32, #tpu.memory_space<vmem>>
      %dma_start3A_824 = arith.constant 24 : i32
      %dma_start3A_825 = arith.constant 0 : i32
      %dma_start3A_826 = tpu.memref_slice %arg3[%run_scoped3A_192, %add3A, %dma_start3A_824, %dma_start3A_825] : memref<2x32x100x100xi32, #tpu.memory_space<hbm>> -> memref<1x1x24x100xi32, #tpu.memory_space<hbm>>
      %dma_start3A_827 = tpu.memref_squeeze %dma_start3A_826 : memref<1x1x24x100xi32, #tpu.memory_space<hbm>> -> memref<24x100xi32, #tpu.memory_space<hbm>>
      %dma_start3A_828 = arith.constant 0 : i32
      %dma_start3A_829 = arith.constant 0 : i32
      %dma_start3A_830 = tpu.memref_slice %arg7[%dma_start3A_828, %dma_start3A_829] : memref<28x100xi32, #tpu.memory_space<vmem>> -> memref<24x100xi32, #tpu.memory_space<vmem>>
      %dma_start3A_831 = arith.constant 24 : i32
      %dma_start3A_832 = arith.constant 0 : i32
      %dma_start3A_833 = tpu.memref_slice %arg3[%run_scoped3A_192, %add3A, %dma_start3A_831, %dma_start3A_832] : memref<2x32x100x100xi32, #tpu.memory_space<hbm>> -> memref<1x1x24x100xi32, #tpu.memory_space<hbm>>
      %dma_start3A_834 = tpu.memref_squeeze %dma_start3A_833 : memref<1x1x24x100xi32, #tpu.memory_space<hbm>> -> memref<24x100xi32, #tpu.memory_space<hbm>>
      tpu.enqueue_dma source(%dma_start3A_834 : memref<24x100xi32, #tpu.memory_space<hbm>>) target(%dma_start3A_830 : memref<24x100xi32, #tpu.memory_space<vmem>>) target_semaphore(%run_scoped3A_820 : memref<!tpu.dma_semaphore, #tpu.memory_space<semaphore_mem>>)
      %dma_wait3A_835 = arith.constant 0 : i32
      %dma_wait3A_836 = arith.constant 0 : i32
      %dma_wait3A_837 = tpu.memref_slice %arg7[%dma_wait3A_835, %dma_wait3A_836] : memref<28x100xi32, #tpu.memory_space<vmem>> -> memref<24x100xi32, #tpu.memory_space<vmem>>
      %dma_wait3A_838 = arith.constant 24 : i32
      %dma_wait3A_839 = arith.constant 0 : i32
      %dma_wait3A_840 = tpu.memref_slice %arg3[%run_scoped3A_192, %add3A, %dma_wait3A_838, %dma_wait3A_839] : memref<2x32x100x100xi32, #tpu.memory_space<hbm>> -> memref<1x1x24x100xi32, #tpu.memory_space<hbm>>
      %dma_wait3A_841 = tpu.memref_squeeze %dma_wait3A_840 : memref<1x1x24x100xi32, #tpu.memory_space<hbm>> -> memref<24x100xi32, #tpu.memory_space<hbm>>
      %dma_wait3A_842 = arith.constant 0 : i32
      %dma_wait3A_843 = arith.constant 0 : i32
      %dma_wait3A_844 = tpu.memref_slice %arg7[%dma_wait3A_842, %dma_wait3A_843] : memref<28x100xi32, #tpu.memory_space<vmem>> -> memref<24x100xi32, #tpu.memory_space<vmem>>
      %dma_wait3A_845 = arith.constant 24 : i32
      %dma_wait3A_846 = arith.constant 0 : i32
      %dma_wait3A_847 = tpu.memref_slice %arg3[%run_scoped3A_192, %add3A, %dma_wait3A_845, %dma_wait3A_846] : memref<2x32x100x100xi32, #tpu.memory_space<hbm>> -> memref<1x1x24x100xi32, #tpu.memory_space<hbm>>
      %dma_wait3A_848 = tpu.memref_squeeze %dma_wait3A_847 : memref<1x1x24x100xi32, #tpu.memory_space<hbm>> -> memref<24x100xi32, #tpu.memory_space<hbm>>
      tpu.wait_dma2 semaphore(%run_scoped3A_820 : memref<!tpu.dma_semaphore, #tpu.memory_space<semaphore_mem>>) src(%dma_wait3A_848 : memref<24x100xi32, #tpu.memory_space<hbm>>) dst(%dma_wait3A_844 : memref<24x100xi32, #tpu.memory_space<vmem>>)
      tpu.yield
    }) : () -> ()
    %dma_start3A_193 = arith.constant 0 : i32
    %dma_start3A_194 = arith.constant 0 : i32
    %dma_start3A_195 = arith.constant 0 : i32
    %dma_start3A_196 = arith.constant 0 : i32
    %dma_start3A_197 = arith.constant 0 : i32
    %dma_start3A_198 = tpu.memref_slice %arg8[%dma_start3A_194, %dma_start3A_196, %dma_start3A_197] : memref<3x100x128xf32, #tpu.memory_space<vmem>> -> memref<1x100x128xf32, #tpu.memory_space<vmem>>
    %dma_start3A_199 = tpu.memref_squeeze %dma_start3A_198 : memref<1x100x128xf32, #tpu.memory_space<vmem>> -> memref<100x128xf32, #tpu.memory_space<vmem>>
    %dma_start3A_200 = arith.constant 0 : i32
    %dma_start3A_201 = tpu.memref_slice %arg6[%dma_start3A_193, %dma_start3A_200] : memref<28x100xi32, #tpu.memory_space<vmem>> -> memref<1x100xi32, #tpu.memory_space<vmem>>
    %dma_start3A_202 = tpu.memref_squeeze %dma_start3A_201 : memref<1x100xi32, #tpu.memory_space<vmem>> -> memref<100xi32, #tpu.memory_space<vmem>>
    %dma_start3A_203 = arith.constant 0 : i32
    %dma_start3A_204 = arith.constant 0 : i32
    %dma_start3A_205 = tpu.memref_slice %arg2[%dma_start3A_203, %dma_start3A_204] : memref<10000x128xf32, #tpu.memory_space<hbm>> -> memref<10000x128xf32, #tpu.memory_space<hbm>>
    %dma_start3A_206 = tpu.memref_slice %arg10[%dma_start3A_195] : memref<3x!tpu.dma_semaphore, #tpu.memory_space<semaphore_mem>> -> memref<1x!tpu.dma_semaphore, #tpu.memory_space<semaphore_mem>>
    %dma_start3A_207 = tpu.memref_squeeze %dma_start3A_206 : memref<1x!tpu.dma_semaphore, #tpu.memory_space<semaphore_mem>> -> memref<!tpu.dma_semaphore, #tpu.memory_space<semaphore_mem>>
    tpu.enqueue_indirect_dma source(%dma_start3A_205 : memref<10000x128xf32, #tpu.memory_space<hbm>>) target(%dma_start3A_199 : memref<100x128xf32, #tpu.memory_space<vmem>>) offsets(%dma_start3A_202 : memref<100xi32, #tpu.memory_space<vmem>>) semaphore(%dma_start3A_207 : memref<!tpu.dma_semaphore, #tpu.memory_space<semaphore_mem>>)
    %dma_start3A_208 = arith.constant 1 : i32
    %dma_start3A_209 = arith.constant 1 : i32
    %dma_start3A_210 = arith.constant 1 : i32
    %dma_start3A_211 = arith.constant 0 : i32
    %dma_start3A_212 = arith.constant 0 : i32
    %dma_start3A_213 = tpu.memref_slice %arg8[%dma_start3A_209, %dma_start3A_211, %dma_start3A_212] : memref<3x100x128xf32, #tpu.memory_space<vmem>> -> memref<1x100x128xf32, #tpu.memory_space<vmem>>
    %dma_start3A_214 = tpu.memref_squeeze %dma_start3A_213 : memref<1x100x128xf32, #tpu.memory_space<vmem>> -> memref<100x128xf32, #tpu.memory_space<vmem>>
    %dma_start3A_215 = arith.constant 0 : i32
    %dma_start3A_216 = tpu.memref_slice %arg6[%dma_start3A_208, %dma_start3A_215] : memref<28x100xi32, #tpu.memory_space<vmem>> -> memref<1x100xi32, #tpu.memory_space<vmem>>
    %dma_start3A_217 = tpu.memref_squeeze %dma_start3A_216 : memref<1x100xi32, #tpu.memory_space<vmem>> -> memref<100xi32, #tpu.memory_space<vmem>>
    %dma_start3A_218 = arith.constant 0 : i32
    %dma_start3A_219 = arith.constant 0 : i32
    %dma_start3A_220 = tpu.memref_slice %arg2[%dma_start3A_218, %dma_start3A_219] : memref<10000x128xf32, #tpu.memory_space<hbm>> -> memref<10000x128xf32, #tpu.memory_space<hbm>>
    %dma_start3A_221 = tpu.memref_slice %arg10[%dma_start3A_210] : memref<3x!tpu.dma_semaphore, #tpu.memory_space<semaphore_mem>> -> memref<1x!tpu.dma_semaphore, #tpu.memory_space<semaphore_mem>>
    %dma_start3A_222 = tpu.memref_squeeze %dma_start3A_221 : memref<1x!tpu.dma_semaphore, #tpu.memory_space<semaphore_mem>> -> memref<!tpu.dma_semaphore, #tpu.memory_space<semaphore_mem>>
    tpu.enqueue_indirect_dma source(%dma_start3A_220 : memref<10000x128xf32, #tpu.memory_space<hbm>>) target(%dma_start3A_214 : memref<100x128xf32, #tpu.memory_space<vmem>>) offsets(%dma_start3A_217 : memref<100xi32, #tpu.memory_space<vmem>>) semaphore(%dma_start3A_222 : memref<!tpu.dma_semaphore, #tpu.memory_space<semaphore_mem>>)
    %dma_wait3A_223 = arith.constant 0 : i32
    %dma_wait3A_224 = arith.constant 0 : i32
    %dma_wait3A_225 = arith.constant 0 : i32
    %dma_wait3A_226 = arith.constant 0 : i32
    %dma_wait3A_227 = arith.constant 0 : i32
    %dma_wait3A_228 = tpu.memref_slice %arg8[%dma_wait3A_223, %dma_wait3A_226, %dma_wait3A_227] : memref<3x100x128xf32, #tpu.memory_space<vmem>> -> memref<1x100x128xf32, #tpu.memory_space<vmem>>
    %dma_wait3A_229 = tpu.memref_squeeze %dma_wait3A_228 : memref<1x100x128xf32, #tpu.memory_space<vmem>> -> memref<100x128xf32, #tpu.memory_space<vmem>>
    %dma_wait3A_230 = arith.constant 0 : i32
    %dma_wait3A_231 = tpu.memref_slice %arg7[%dma_wait3A_224, %dma_wait3A_230] : memref<28x100xi32, #tpu.memory_space<vmem>> -> memref<1x100xi32, #tpu.memory_space<vmem>>
    %dma_wait3A_232 = tpu.memref_squeeze %dma_wait3A_231 : memref<1x100xi32, #tpu.memory_space<vmem>> -> memref<100xi32, #tpu.memory_space<vmem>>
    %dma_wait3A_233 = arith.constant 0 : i32
    %dma_wait3A_234 = arith.constant 0 : i32
    %dma_wait3A_235 = tpu.memref_slice %arg9[%dma_wait3A_233, %dma_wait3A_234] : memref<10240x128xf32, #tpu.memory_space<vmem_shared>> -> memref<10240x128xf32, #tpu.memory_space<vmem_shared>>
    %dma_wait3A_236 = tpu.memref_slice %arg10[%dma_wait3A_225] : memref<3x!tpu.dma_semaphore, #tpu.memory_space<semaphore_mem>> -> memref<1x!tpu.dma_semaphore, #tpu.memory_space<semaphore_mem>>
    %dma_wait3A_237 = tpu.memref_squeeze %dma_wait3A_236 : memref<1x!tpu.dma_semaphore, #tpu.memory_space<semaphore_mem>> -> memref<!tpu.dma_semaphore, #tpu.memory_space<semaphore_mem>>
    tpu.wait_indirect_dma semaphore(%dma_wait3A_237 : memref<!tpu.dma_semaphore, #tpu.memory_space<semaphore_mem>>) src(%dma_wait3A_229 : memref<100x128xf32, #tpu.memory_space<vmem>>) dst(%dma_wait3A_235 : memref<10240x128xf32, #tpu.memory_space<vmem_shared>>)
    %dma_start3A_238 = arith.constant 0 : i32
    %dma_start3A_239 = arith.constant 0 : i32
    %dma_start3A_240 = arith.constant 0 : i32
    %dma_start3A_241 = arith.constant 0 : i32
    %dma_start3A_242 = arith.constant 0 : i32
    %dma_start3A_243 = tpu.memref_slice %arg8[%dma_start3A_238, %dma_start3A_241, %dma_start3A_242] : memref<3x100x128xf32, #tpu.memory_space<vmem>> -> memref<1x100x128xf32, #tpu.memory_space<vmem>>
    %dma_start3A_244 = tpu.memref_squeeze %dma_start3A_243 : memref<1x100x128xf32, #tpu.memory_space<vmem>> -> memref<100x128xf32, #tpu.memory_space<vmem>>
    %dma_start3A_245 = arith.constant 0 : i32
    %dma_start3A_246 = tpu.memref_slice %arg7[%dma_start3A_239, %dma_start3A_245] : memref<28x100xi32, #tpu.memory_space<vmem>> -> memref<1x100xi32, #tpu.memory_space<vmem>>
    %dma_start3A_247 = tpu.memref_squeeze %dma_start3A_246 : memref<1x100xi32, #tpu.memory_space<vmem>> -> memref<100xi32, #tpu.memory_space<vmem>>
    %dma_start3A_248 = arith.constant 0 : i32
    %dma_start3A_249 = arith.constant 0 : i32
    %dma_start3A_250 = tpu.memref_slice %arg9[%dma_start3A_248, %dma_start3A_249] : memref<10240x128xf32, #tpu.memory_space<vmem_shared>> -> memref<10240x128xf32, #tpu.memory_space<vmem_shared>>
    %dma_start3A_251 = tpu.memref_slice %arg11[%dma_start3A_240] : memref<3x!tpu.dma_semaphore, #tpu.memory_space<semaphore_mem>> -> memref<1x!tpu.dma_semaphore, #tpu.memory_space<semaphore_mem>>
    %dma_start3A_252 = tpu.memref_squeeze %dma_start3A_251 : memref<1x!tpu.dma_semaphore, #tpu.memory_space<semaphore_mem>> -> memref<!tpu.dma_semaphore, #tpu.memory_space<semaphore_mem>>
    tpu.enqueue_indirect_dma source(%dma_start3A_244 : memref<100x128xf32, #tpu.memory_space<vmem>>) target(%dma_start3A_250 : memref<10240x128xf32, #tpu.memory_space<vmem_shared>>) offsets(%dma_start3A_247 : memref<100xi32, #tpu.memory_space<vmem>>) semaphore(%dma_start3A_252 : memref<!tpu.dma_semaphore, #tpu.memory_space<semaphore_mem>>) {add = true}
    %dma_start3A_253 = arith.constant 2 : i32
    %dma_start3A_254 = arith.constant 2 : i32
    %dma_start3A_255 = arith.constant 2 : i32
    %dma_start3A_256 = arith.constant 0 : i32
    %dma_start3A_257 = arith.constant 0 : i32
    %dma_start3A_258 = tpu.memref_slice %arg8[%dma_start3A_254, %dma_start3A_256, %dma_start3A_257] : memref<3x100x128xf32, #tpu.memory_space<vmem>> -> memref<1x100x128xf32, #tpu.memory_space<vmem>>
    %dma_start3A_259 = tpu.memref_squeeze %dma_start3A_258 : memref<1x100x128xf32, #tpu.memory_space<vmem>> -> memref<100x128xf32, #tpu.memory_space<vmem>>
    %dma_start3A_260 = arith.constant 0 : i32
    %dma_start3A_261 = tpu.memref_slice %arg6[%dma_start3A_253, %dma_start3A_260] : memref<28x100xi32, #tpu.memory_space<vmem>> -> memref<1x100xi32, #tpu.memory_space<vmem>>
    %dma_start3A_262 = tpu.memref_squeeze %dma_start3A_261 : memref<1x100xi32, #tpu.memory_space<vmem>> -> memref<100xi32, #tpu.memory_space<vmem>>
    %dma_start3A_263 = arith.constant 0 : i32
    %dma_start3A_264 = arith.constant 0 : i32
    %dma_start3A_265 = tpu.memref_slice %arg2[%dma_start3A_263, %dma_start3A_264] : memref<10000x128xf32, #tpu.memory_space<hbm>> -> memref<10000x128xf32, #tpu.memory_space<hbm>>
    %dma_start3A_266 = tpu.memref_slice %arg10[%dma_start3A_255] : memref<3x!tpu.dma_semaphore, #tpu.memory_space<semaphore_mem>> -> memref<1x!tpu.dma_semaphore, #tpu.memory_space<semaphore_mem>>
    %dma_start3A_267 = tpu.memref_squeeze %dma_start3A_266 : memref<1x!tpu.dma_semaphore, #tpu.memory_space<semaphore_mem>> -> memref<!tpu.dma_semaphore, #tpu.memory_space<semaphore_mem>>
    tpu.enqueue_indirect_dma source(%dma_start3A_265 : memref<10000x128xf32, #tpu.memory_space<hbm>>) target(%dma_start3A_259 : memref<100x128xf32, #tpu.memory_space<vmem>>) offsets(%dma_start3A_262 : memref<100xi32, #tpu.memory_space<vmem>>) semaphore(%dma_start3A_267 : memref<!tpu.dma_semaphore, #tpu.memory_space<semaphore_mem>>)
    %dma_wait3A_268 = arith.constant 0 : i32
    %dma_wait3A_269 = arith.constant 0 : i32
    %dma_wait3A_270 = arith.constant 1 : i32
    %dma_wait3A_271 = arith.constant 0 : i32
    %dma_wait3A_272 = arith.constant 0 : i32
    %dma_wait3A_273 = tpu.memref_slice %arg8[%dma_wait3A_268, %dma_wait3A_271, %dma_wait3A_272] : memref<3x100x128xf32, #tpu.memory_space<vmem>> -> memref<1x100x128xf32, #tpu.memory_space<vmem>>
    %dma_wait3A_274 = tpu.memref_squeeze %dma_wait3A_273 : memref<1x100x128xf32, #tpu.memory_space<vmem>> -> memref<100x128xf32, #tpu.memory_space<vmem>>
    %dma_wait3A_275 = arith.constant 0 : i32
    %dma_wait3A_276 = tpu.memref_slice %arg7[%dma_wait3A_269, %dma_wait3A_275] : memref<28x100xi32, #tpu.memory_space<vmem>> -> memref<1x100xi32, #tpu.memory_space<vmem>>
    %dma_wait3A_277 = tpu.memref_squeeze %dma_wait3A_276 : memref<1x100xi32, #tpu.memory_space<vmem>> -> memref<100xi32, #tpu.memory_space<vmem>>
    %dma_wait3A_278 = arith.constant 0 : i32
    %dma_wait3A_279 = arith.constant 0 : i32
    %dma_wait3A_280 = tpu.memref_slice %arg9[%dma_wait3A_278, %dma_wait3A_279] : memref<10240x128xf32, #tpu.memory_space<vmem_shared>> -> memref<10240x128xf32, #tpu.memory_space<vmem_shared>>
    %dma_wait3A_281 = tpu.memref_slice %arg10[%dma_wait3A_270] : memref<3x!tpu.dma_semaphore, #tpu.memory_space<semaphore_mem>> -> memref<1x!tpu.dma_semaphore, #tpu.memory_space<semaphore_mem>>
    %dma_wait3A_282 = tpu.memref_squeeze %dma_wait3A_281 : memref<1x!tpu.dma_semaphore, #tpu.memory_space<semaphore_mem>> -> memref<!tpu.dma_semaphore, #tpu.memory_space<semaphore_mem>>
    tpu.wait_indirect_dma semaphore(%dma_wait3A_282 : memref<!tpu.dma_semaphore, #tpu.memory_space<semaphore_mem>>) src(%dma_wait3A_274 : memref<100x128xf32, #tpu.memory_space<vmem>>) dst(%dma_wait3A_280 : memref<10240x128xf32, #tpu.memory_space<vmem_shared>>)
    %dma_start3A_283 = arith.constant 1 : i32
    %dma_start3A_284 = arith.constant 1 : i32
    %dma_start3A_285 = arith.constant 1 : i32
    %dma_start3A_286 = arith.constant 0 : i32
    %dma_start3A_287 = arith.constant 0 : i32
    %dma_start3A_288 = tpu.memref_slice %arg8[%dma_start3A_283, %dma_start3A_286, %dma_start3A_287] : memref<3x100x128xf32, #tpu.memory_space<vmem>> -> memref<1x100x128xf32, #tpu.memory_space<vmem>>
    %dma_start3A_289 = tpu.memref_squeeze %dma_start3A_288 : memref<1x100x128xf32, #tpu.memory_space<vmem>> -> memref<100x128xf32, #tpu.memory_space<vmem>>
    %dma_start3A_290 = arith.constant 0 : i32
    %dma_start3A_291 = tpu.memref_slice %arg7[%dma_start3A_284, %dma_start3A_290] : memref<28x100xi32, #tpu.memory_space<vmem>> -> memref<1x100xi32, #tpu.memory_space<vmem>>
    %dma_start3A_292 = tpu.memref_squeeze %dma_start3A_291 : memref<1x100xi32, #tpu.memory_space<vmem>> -> memref<100xi32, #tpu.memory_space<vmem>>
    %dma_start3A_293 = arith.constant 0 : i32
    %dma_start3A_294 = arith.constant 0 : i32
    %dma_start3A_295 = tpu.memref_slice %arg9[%dma_start3A_293, %dma_start3A_294] : memref<10240x128xf32, #tpu.memory_space<vmem_shared>> -> memref<10240x128xf32, #tpu.memory_space<vmem_shared>>
    %dma_start3A_296 = tpu.memref_slice %arg11[%dma_start3A_285] : memref<3x!tpu.dma_semaphore, #tpu.memory_space<semaphore_mem>> -> memref<1x!tpu.dma_semaphore, #tpu.memory_space<semaphore_mem>>
    %dma_start3A_297 = tpu.memref_squeeze %dma_start3A_296 : memref<1x!tpu.dma_semaphore, #tpu.memory_space<semaphore_mem>> -> memref<!tpu.dma_semaphore, #tpu.memory_space<semaphore_mem>>
    tpu.enqueue_indirect_dma source(%dma_start3A_289 : memref<100x128xf32, #tpu.memory_space<vmem>>) target(%dma_start3A_295 : memref<10240x128xf32, #tpu.memory_space<vmem_shared>>) offsets(%dma_start3A_292 : memref<100xi32, #tpu.memory_space<vmem>>) semaphore(%dma_start3A_297 : memref<!tpu.dma_semaphore, #tpu.memory_space<semaphore_mem>>) {add = true}
    %scan3A_298 = arith.constant 0 : i32
    %scan3A_299 = arith.constant 0 : i32
    %scan3A_300 = arith.constant 7 : i32
    %scan3A_301 = arith.addi %scan3A_299, %scan3A_300 : i32
    %scan3A_302 = arith.constant 1 : i32
    scf.for %scan3A_820 = %scan3A_299 to %scan3A_301 step %scan3A_302  : i32 {
      %mul3A_821 = arith.constant 3 : i32
      %mul3A_822 = arith.muli %scan3A_820, %mul3A_821 : i32
      %add3A_823 = arith.constant 3 : i32
      %add3A_824 = arith.addi %add3A_823, %mul3A_822 : i32
      %add3A_825 = arith.constant 0 : i32
      %add3A_826 = arith.addi %add3A_824, %add3A_825 : i32
      %dma_wait3A_827 = arith.constant 0 : i32
      %dma_wait3A_828 = arith.constant 0 : i32
      %dma_wait3A_829 = arith.constant 0 : i32
      %dma_wait3A_830 = arith.constant 0 : i32
      %dma_wait3A_831 = arith.constant 0 : i32
      %dma_wait3A_832 = tpu.memref_slice %arg8[%dma_wait3A_827, %dma_wait3A_830, %dma_wait3A_831] : memref<3x100x128xf32, #tpu.memory_space<vmem>> -> memref<1x100x128xf32, #tpu.memory_space<vmem>>
      %dma_wait3A_833 = tpu.memref_squeeze %dma_wait3A_832 : memref<1x100x128xf32, #tpu.memory_space<vmem>> -> memref<100x128xf32, #tpu.memory_space<vmem>>
      %dma_wait3A_834 = arith.constant 0 : i32
      %dma_wait3A_835 = tpu.memref_slice %arg7[%dma_wait3A_828, %dma_wait3A_834] : memref<28x100xi32, #tpu.memory_space<vmem>> -> memref<1x100xi32, #tpu.memory_space<vmem>>
      %dma_wait3A_836 = tpu.memref_squeeze %dma_wait3A_835 : memref<1x100xi32, #tpu.memory_space<vmem>> -> memref<100xi32, #tpu.memory_space<vmem>>
      %dma_wait3A_837 = arith.constant 0 : i32
      %dma_wait3A_838 = arith.constant 0 : i32
      %dma_wait3A_839 = tpu.memref_slice %arg9[%dma_wait3A_837, %dma_wait3A_838] : memref<10240x128xf32, #tpu.memory_space<vmem_shared>> -> memref<10240x128xf32, #tpu.memory_space<vmem_shared>>
      %dma_wait3A_840 = tpu.memref_slice %arg11[%dma_wait3A_829] : memref<3x!tpu.dma_semaphore, #tpu.memory_space<semaphore_mem>> -> memref<1x!tpu.dma_semaphore, #tpu.memory_space<semaphore_mem>>
      %dma_wait3A_841 = tpu.memref_squeeze %dma_wait3A_840 : memref<1x!tpu.dma_semaphore, #tpu.memory_space<semaphore_mem>> -> memref<!tpu.dma_semaphore, #tpu.memory_space<semaphore_mem>>
      tpu.wait_indirect_dma semaphore(%dma_wait3A_841 : memref<!tpu.dma_semaphore, #tpu.memory_space<semaphore_mem>>) src(%dma_wait3A_833 : memref<100x128xf32, #tpu.memory_space<vmem>>) dst(%dma_wait3A_839 : memref<10240x128xf32, #tpu.memory_space<vmem_shared>>)
      %dma_start3A_842 = arith.constant 0 : i32
      %dma_start3A_843 = arith.constant 0 : i32
      %dma_start3A_844 = arith.constant 0 : i32
      %dma_start3A_845 = arith.constant 0 : i32
      %dma_start3A_846 = tpu.memref_slice %arg8[%dma_start3A_842, %dma_start3A_844, %dma_start3A_845] : memref<3x100x128xf32, #tpu.memory_space<vmem>> -> memref<1x100x128xf32, #tpu.memory_space<vmem>>
      %dma_start3A_847 = tpu.memref_squeeze %dma_start3A_846 : memref<1x100x128xf32, #tpu.memory_space<vmem>> -> memref<100x128xf32, #tpu.memory_space<vmem>>
      %dma_start3A_848 = arith.constant 0 : i32
      %dma_start3A_849 = tpu.memref_slice %arg6[%add3A_826, %dma_start3A_848] : memref<28x100xi32, #tpu.memory_space<vmem>> -> memref<1x100xi32, #tpu.memory_space<vmem>>
      %dma_start3A_850 = tpu.memref_squeeze %dma_start3A_849 : memref<1x100xi32, #tpu.memory_space<vmem>> -> memref<100xi32, #tpu.memory_space<vmem>>
      %dma_start3A_851 = arith.constant 0 : i32
      %dma_start3A_852 = arith.constant 0 : i32
      %dma_start3A_853 = tpu.memref_slice %arg2[%dma_start3A_851, %dma_start3A_852] : memref<10000x128xf32, #tpu.memory_space<hbm>> -> memref<10000x128xf32, #tpu.memory_space<hbm>>
      %dma_start3A_854 = tpu.memref_slice %arg10[%dma_start3A_843] : memref<3x!tpu.dma_semaphore, #tpu.memory_space<semaphore_mem>> -> memref<1x!tpu.dma_semaphore, #tpu.memory_space<semaphore_mem>>
      %dma_start3A_855 = tpu.memref_squeeze %dma_start3A_854 : memref<1x!tpu.dma_semaphore, #tpu.memory_space<semaphore_mem>> -> memref<!tpu.dma_semaphore, #tpu.memory_space<semaphore_mem>>
      tpu.enqueue_indirect_dma source(%dma_start3A_853 : memref<10000x128xf32, #tpu.memory_space<hbm>>) target(%dma_start3A_847 : memref<100x128xf32, #tpu.memory_space<vmem>>) offsets(%dma_start3A_850 : memref<100xi32, #tpu.memory_space<vmem>>) semaphore(%dma_start3A_855 : memref<!tpu.dma_semaphore, #tpu.memory_space<semaphore_mem>>)
      %dma_wait3A_856 = arith.constant 0 : i32
      %dma_wait3A_857 = arith.constant 0 : i32
      %dma_wait3A_858 = arith.constant 2 : i32
      %dma_wait3A_859 = arith.constant 0 : i32
      %dma_wait3A_860 = arith.constant 0 : i32
      %dma_wait3A_861 = tpu.memref_slice %arg8[%dma_wait3A_856, %dma_wait3A_859, %dma_wait3A_860] : memref<3x100x128xf32, #tpu.memory_space<vmem>> -> memref<1x100x128xf32, #tpu.memory_space<vmem>>
      %dma_wait3A_862 = tpu.memref_squeeze %dma_wait3A_861 : memref<1x100x128xf32, #tpu.memory_space<vmem>> -> memref<100x128xf32, #tpu.memory_space<vmem>>
      %dma_wait3A_863 = arith.constant 0 : i32
      %dma_wait3A_864 = tpu.memref_slice %arg7[%dma_wait3A_857, %dma_wait3A_863] : memref<28x100xi32, #tpu.memory_space<vmem>> -> memref<1x100xi32, #tpu.memory_space<vmem>>
      %dma_wait3A_865 = tpu.memref_squeeze %dma_wait3A_864 : memref<1x100xi32, #tpu.memory_space<vmem>> -> memref<100xi32, #tpu.memory_space<vmem>>
      %dma_wait3A_866 = arith.constant 0 : i32
      %dma_wait3A_867 = arith.constant 0 : i32
      %dma_wait3A_868 = tpu.memref_slice %arg9[%dma_wait3A_866, %dma_wait3A_867] : memref<10240x128xf32, #tpu.memory_space<vmem_shared>> -> memref<10240x128xf32, #tpu.memory_space<vmem_shared>>
      %dma_wait3A_869 = tpu.memref_slice %arg10[%dma_wait3A_858] : memref<3x!tpu.dma_semaphore, #tpu.memory_space<semaphore_mem>> -> memref<1x!tpu.dma_semaphore, #tpu.memory_space<semaphore_mem>>
      %dma_wait3A_870 = tpu.memref_squeeze %dma_wait3A_869 : memref<1x!tpu.dma_semaphore, #tpu.memory_space<semaphore_mem>> -> memref<!tpu.dma_semaphore, #tpu.memory_space<semaphore_mem>>
      tpu.wait_indirect_dma semaphore(%dma_wait3A_870 : memref<!tpu.dma_semaphore, #tpu.memory_space<semaphore_mem>>) src(%dma_wait3A_862 : memref<100x128xf32, #tpu.memory_space<vmem>>) dst(%dma_wait3A_868 : memref<10240x128xf32, #tpu.memory_space<vmem_shared>>)
      %sub3A = arith.constant 1 : i32
      %sub3A_871 = arith.subi %add3A_826, %sub3A : i32
      %dma_start3A_872 = arith.constant 2 : i32
      %dma_start3A_873 = arith.constant 2 : i32
      %dma_start3A_874 = arith.constant 0 : i32
      %dma_start3A_875 = arith.constant 0 : i32
      %dma_start3A_876 = tpu.memref_slice %arg8[%dma_start3A_872, %dma_start3A_874, %dma_start3A_875] : memref<3x100x128xf32, #tpu.memory_space<vmem>> -> memref<1x100x128xf32, #tpu.memory_space<vmem>>
      %dma_start3A_877 = tpu.memref_squeeze %dma_start3A_876 : memref<1x100x128xf32, #tpu.memory_space<vmem>> -> memref<100x128xf32, #tpu.memory_space<vmem>>
      %dma_start3A_878 = arith.constant 0 : i32
      %dma_start3A_879 = tpu.memref_slice %arg7[%sub3A_871, %dma_start3A_878] : memref<28x100xi32, #tpu.memory_space<vmem>> -> memref<1x100xi32, #tpu.memory_space<vmem>>
      %dma_start3A_880 = tpu.memref_squeeze %dma_start3A_879 : memref<1x100xi32, #tpu.memory_space<vmem>> -> memref<100xi32, #tpu.memory_space<vmem>>
      %dma_start3A_881 = arith.constant 0 : i32
      %dma_start3A_882 = arith.constant 0 : i32
      %dma_start3A_883 = tpu.memref_slice %arg9[%dma_start3A_881, %dma_start3A_882] : memref<10240x128xf32, #tpu.memory_space<vmem_shared>> -> memref<10240x128xf32, #tpu.memory_space<vmem_shared>>
      %dma_start3A_884 = tpu.memref_slice %arg11[%dma_start3A_873] : memref<3x!tpu.dma_semaphore, #tpu.memory_space<semaphore_mem>> -> memref<1x!tpu.dma_semaphore, #tpu.memory_space<semaphore_mem>>
      %dma_start3A_885 = tpu.memref_squeeze %dma_start3A_884 : memref<1x!tpu.dma_semaphore, #tpu.memory_space<semaphore_mem>> -> memref<!tpu.dma_semaphore, #tpu.memory_space<semaphore_mem>>
      tpu.enqueue_indirect_dma source(%dma_start3A_877 : memref<100x128xf32, #tpu.memory_space<vmem>>) target(%dma_start3A_883 : memref<10240x128xf32, #tpu.memory_space<vmem_shared>>) offsets(%dma_start3A_880 : memref<100xi32, #tpu.memory_space<vmem>>) semaphore(%dma_start3A_885 : memref<!tpu.dma_semaphore, #tpu.memory_space<semaphore_mem>>) {add = true}
      %add3A_886 = arith.constant 1 : i32
      %add3A_887 = arith.addi %add3A_824, %add3A_886 : i32
      %dma_wait3A_888 = arith.constant 0 : i32
      %dma_wait3A_889 = arith.constant 0 : i32
      %dma_wait3A_890 = arith.constant 1 : i32
      %dma_wait3A_891 = arith.constant 0 : i32
      %dma_wait3A_892 = arith.constant 0 : i32
      %dma_wait3A_893 = tpu.memref_slice %arg8[%dma_wait3A_888, %dma_wait3A_891, %dma_wait3A_892] : memref<3x100x128xf32, #tpu.memory_space<vmem>> -> memref<1x100x128xf32, #tpu.memory_space<vmem>>
      %dma_wait3A_894 = tpu.memref_squeeze %dma_wait3A_893 : memref<1x100x128xf32, #tpu.memory_space<vmem>> -> memref<100x128xf32, #tpu.memory_space<vmem>>
      %dma_wait3A_895 = arith.constant 0 : i32
      %dma_wait3A_896 = tpu.memref_slice %arg7[%dma_wait3A_889, %dma_wait3A_895] : memref<28x100xi32, #tpu.memory_space<vmem>> -> memref<1x100xi32, #tpu.memory_space<vmem>>
      %dma_wait3A_897 = tpu.memref_squeeze %dma_wait3A_896 : memref<1x100xi32, #tpu.memory_space<vmem>> -> memref<100xi32, #tpu.memory_space<vmem>>
      %dma_wait3A_898 = arith.constant 0 : i32
      %dma_wait3A_899 = arith.constant 0 : i32
      %dma_wait3A_900 = tpu.memref_slice %arg9[%dma_wait3A_898, %dma_wait3A_899] : memref<10240x128xf32, #tpu.memory_space<vmem_shared>> -> memref<10240x128xf32, #tpu.memory_space<vmem_shared>>
      %dma_wait3A_901 = tpu.memref_slice %arg11[%dma_wait3A_890] : memref<3x!tpu.dma_semaphore, #tpu.memory_space<semaphore_mem>> -> memref<1x!tpu.dma_semaphore, #tpu.memory_space<semaphore_mem>>
      %dma_wait3A_902 = tpu.memref_squeeze %dma_wait3A_901 : memref<1x!tpu.dma_semaphore, #tpu.memory_space<semaphore_mem>> -> memref<!tpu.dma_semaphore, #tpu.memory_space<semaphore_mem>>
      tpu.wait_indirect_dma semaphore(%dma_wait3A_902 : memref<!tpu.dma_semaphore, #tpu.memory_space<semaphore_mem>>) src(%dma_wait3A_894 : memref<100x128xf32, #tpu.memory_space<vmem>>) dst(%dma_wait3A_900 : memref<10240x128xf32, #tpu.memory_space<vmem_shared>>)
      %dma_start3A_903 = arith.constant 1 : i32
      %dma_start3A_904 = arith.constant 1 : i32
      %dma_start3A_905 = arith.constant 0 : i32
      %dma_start3A_906 = arith.constant 0 : i32
      %dma_start3A_907 = tpu.memref_slice %arg8[%dma_start3A_903, %dma_start3A_905, %dma_start3A_906] : memref<3x100x128xf32, #tpu.memory_space<vmem>> -> memref<1x100x128xf32, #tpu.memory_space<vmem>>
      %dma_start3A_908 = tpu.memref_squeeze %dma_start3A_907 : memref<1x100x128xf32, #tpu.memory_space<vmem>> -> memref<100x128xf32, #tpu.memory_space<vmem>>
      %dma_start3A_909 = arith.constant 0 : i32
      %dma_start3A_910 = tpu.memref_slice %arg6[%add3A_887, %dma_start3A_909] : memref<28x100xi32, #tpu.memory_space<vmem>> -> memref<1x100xi32, #tpu.memory_space<vmem>>
      %dma_start3A_911 = tpu.memref_squeeze %dma_start3A_910 : memref<1x100xi32, #tpu.memory_space<vmem>> -> memref<100xi32, #tpu.memory_space<vmem>>
      %dma_start3A_912 = arith.constant 0 : i32
      %dma_start3A_913 = arith.constant 0 : i32
      %dma_start3A_914 = tpu.memref_slice %arg2[%dma_start3A_912, %dma_start3A_913] : memref<10000x128xf32, #tpu.memory_space<hbm>> -> memref<10000x128xf32, #tpu.memory_space<hbm>>
      %dma_start3A_915 = tpu.memref_slice %arg10[%dma_start3A_904] : memref<3x!tpu.dma_semaphore, #tpu.memory_space<semaphore_mem>> -> memref<1x!tpu.dma_semaphore, #tpu.memory_space<semaphore_mem>>
      %dma_start3A_916 = tpu.memref_squeeze %dma_start3A_915 : memref<1x!tpu.dma_semaphore, #tpu.memory_space<semaphore_mem>> -> memref<!tpu.dma_semaphore, #tpu.memory_space<semaphore_mem>>
      tpu.enqueue_indirect_dma source(%dma_start3A_914 : memref<10000x128xf32, #tpu.memory_space<hbm>>) target(%dma_start3A_908 : memref<100x128xf32, #tpu.memory_space<vmem>>) offsets(%dma_start3A_911 : memref<100xi32, #tpu.memory_space<vmem>>) semaphore(%dma_start3A_916 : memref<!tpu.dma_semaphore, #tpu.memory_space<semaphore_mem>>)
      %dma_wait3A_917 = arith.constant 0 : i32
      %dma_wait3A_918 = arith.constant 0 : i32
      %dma_wait3A_919 = arith.constant 0 : i32
      %dma_wait3A_920 = arith.constant 0 : i32
      %dma_wait3A_921 = arith.constant 0 : i32
      %dma_wait3A_922 = tpu.memref_slice %arg8[%dma_wait3A_917, %dma_wait3A_920, %dma_wait3A_921] : memref<3x100x128xf32, #tpu.memory_space<vmem>> -> memref<1x100x128xf32, #tpu.memory_space<vmem>>
      %dma_wait3A_923 = tpu.memref_squeeze %dma_wait3A_922 : memref<1x100x128xf32, #tpu.memory_space<vmem>> -> memref<100x128xf32, #tpu.memory_space<vmem>>
      %dma_wait3A_924 = arith.constant 0 : i32
      %dma_wait3A_925 = tpu.memref_slice %arg7[%dma_wait3A_918, %dma_wait3A_924] : memref<28x100xi32, #tpu.memory_space<vmem>> -> memref<1x100xi32, #tpu.memory_space<vmem>>
      %dma_wait3A_926 = tpu.memref_squeeze %dma_wait3A_925 : memref<1x100xi32, #tpu.memory_space<vmem>> -> memref<100xi32, #tpu.memory_space<vmem>>
      %dma_wait3A_927 = arith.constant 0 : i32
      %dma_wait3A_928 = arith.constant 0 : i32
      %dma_wait3A_929 = tpu.memref_slice %arg9[%dma_wait3A_927, %dma_wait3A_928] : memref<10240x128xf32, #tpu.memory_space<vmem_shared>> -> memref<10240x128xf32, #tpu.memory_space<vmem_shared>>
      %dma_wait3A_930 = tpu.memref_slice %arg10[%dma_wait3A_919] : memref<3x!tpu.dma_semaphore, #tpu.memory_space<semaphore_mem>> -> memref<1x!tpu.dma_semaphore, #tpu.memory_space<semaphore_mem>>
      %dma_wait3A_931 = tpu.memref_squeeze %dma_wait3A_930 : memref<1x!tpu.dma_semaphore, #tpu.memory_space<semaphore_mem>> -> memref<!tpu.dma_semaphore, #tpu.memory_space<semaphore_mem>>
      tpu.wait_indirect_dma semaphore(%dma_wait3A_931 : memref<!tpu.dma_semaphore, #tpu.memory_space<semaphore_mem>>) src(%dma_wait3A_923 : memref<100x128xf32, #tpu.memory_space<vmem>>) dst(%dma_wait3A_929 : memref<10240x128xf32, #tpu.memory_space<vmem_shared>>)
      %sub3A_932 = arith.constant 1 : i32
      %sub3A_933 = arith.subi %add3A_887, %sub3A_932 : i32
      %dma_start3A_934 = arith.constant 0 : i32
      %dma_start3A_935 = arith.constant 0 : i32
      %dma_start3A_936 = arith.constant 0 : i32
      %dma_start3A_937 = arith.constant 0 : i32
      %dma_start3A_938 = tpu.memref_slice %arg8[%dma_start3A_934, %dma_start3A_936, %dma_start3A_937] : memref<3x100x128xf32, #tpu.memory_space<vmem>> -> memref<1x100x128xf32, #tpu.memory_space<vmem>>
      %dma_start3A_939 = tpu.memref_squeeze %dma_start3A_938 : memref<1x100x128xf32, #tpu.memory_space<vmem>> -> memref<100x128xf32, #tpu.memory_space<vmem>>
      %dma_start3A_940 = arith.constant 0 : i32
      %dma_start3A_941 = tpu.memref_slice %arg7[%sub3A_933, %dma_start3A_940] : memref<28x100xi32, #tpu.memory_space<vmem>> -> memref<1x100xi32, #tpu.memory_space<vmem>>
      %dma_start3A_942 = tpu.memref_squeeze %dma_start3A_941 : memref<1x100xi32, #tpu.memory_space<vmem>> -> memref<100xi32, #tpu.memory_space<vmem>>
      %dma_start3A_943 = arith.constant 0 : i32
      %dma_start3A_944 = arith.constant 0 : i32
      %dma_start3A_945 = tpu.memref_slice %arg9[%dma_start3A_943, %dma_start3A_944] : memref<10240x128xf32, #tpu.memory_space<vmem_shared>> -> memref<10240x128xf32, #tpu.memory_space<vmem_shared>>
      %dma_start3A_946 = tpu.memref_slice %arg11[%dma_start3A_935] : memref<3x!tpu.dma_semaphore, #tpu.memory_space<semaphore_mem>> -> memref<1x!tpu.dma_semaphore, #tpu.memory_space<semaphore_mem>>
      %dma_start3A_947 = tpu.memref_squeeze %dma_start3A_946 : memref<1x!tpu.dma_semaphore, #tpu.memory_space<semaphore_mem>> -> memref<!tpu.dma_semaphore, #tpu.memory_space<semaphore_mem>>
      tpu.enqueue_indirect_dma source(%dma_start3A_939 : memref<100x128xf32, #tpu.memory_space<vmem>>) target(%dma_start3A_945 : memref<10240x128xf32, #tpu.memory_space<vmem_shared>>) offsets(%dma_start3A_942 : memref<100xi32, #tpu.memory_space<vmem>>) semaphore(%dma_start3A_947 : memref<!tpu.dma_semaphore, #tpu.memory_space<semaphore_mem>>) {add = true}
      %add3A_948 = arith.constant 2 : i32
      %add3A_949 = arith.addi %add3A_824, %add3A_948 : i32
      %dma_wait3A_950 = arith.constant 0 : i32
      %dma_wait3A_951 = arith.constant 0 : i32
      %dma_wait3A_952 = arith.constant 2 : i32
      %dma_wait3A_953 = arith.constant 0 : i32
      %dma_wait3A_954 = arith.constant 0 : i32
      %dma_wait3A_955 = tpu.memref_slice %arg8[%dma_wait3A_950, %dma_wait3A_953, %dma_wait3A_954] : memref<3x100x128xf32, #tpu.memory_space<vmem>> -> memref<1x100x128xf32, #tpu.memory_space<vmem>>
      %dma_wait3A_956 = tpu.memref_squeeze %dma_wait3A_955 : memref<1x100x128xf32, #tpu.memory_space<vmem>> -> memref<100x128xf32, #tpu.memory_space<vmem>>
      %dma_wait3A_957 = arith.constant 0 : i32
      %dma_wait3A_958 = tpu.memref_slice %arg7[%dma_wait3A_951, %dma_wait3A_957] : memref<28x100xi32, #tpu.memory_space<vmem>> -> memref<1x100xi32, #tpu.memory_space<vmem>>
      %dma_wait3A_959 = tpu.memref_squeeze %dma_wait3A_958 : memref<1x100xi32, #tpu.memory_space<vmem>> -> memref<100xi32, #tpu.memory_space<vmem>>
      %dma_wait3A_960 = arith.constant 0 : i32
      %dma_wait3A_961 = arith.constant 0 : i32
      %dma_wait3A_962 = tpu.memref_slice %arg9[%dma_wait3A_960, %dma_wait3A_961] : memref<10240x128xf32, #tpu.memory_space<vmem_shared>> -> memref<10240x128xf32, #tpu.memory_space<vmem_shared>>
      %dma_wait3A_963 = tpu.memref_slice %arg11[%dma_wait3A_952] : memref<3x!tpu.dma_semaphore, #tpu.memory_space<semaphore_mem>> -> memref<1x!tpu.dma_semaphore, #tpu.memory_space<semaphore_mem>>
      %dma_wait3A_964 = tpu.memref_squeeze %dma_wait3A_963 : memref<1x!tpu.dma_semaphore, #tpu.memory_space<semaphore_mem>> -> memref<!tpu.dma_semaphore, #tpu.memory_space<semaphore_mem>>
      tpu.wait_indirect_dma semaphore(%dma_wait3A_964 : memref<!tpu.dma_semaphore, #tpu.memory_space<semaphore_mem>>) src(%dma_wait3A_956 : memref<100x128xf32, #tpu.memory_space<vmem>>) dst(%dma_wait3A_962 : memref<10240x128xf32, #tpu.memory_space<vmem_shared>>)
      %dma_start3A_965 = arith.constant 2 : i32
      %dma_start3A_966 = arith.constant 2 : i32
      %dma_start3A_967 = arith.constant 0 : i32
      %dma_start3A_968 = arith.constant 0 : i32
      %dma_start3A_969 = tpu.memref_slice %arg8[%dma_start3A_965, %dma_start3A_967, %dma_start3A_968] : memref<3x100x128xf32, #tpu.memory_space<vmem>> -> memref<1x100x128xf32, #tpu.memory_space<vmem>>
      %dma_start3A_970 = tpu.memref_squeeze %dma_start3A_969 : memref<1x100x128xf32, #tpu.memory_space<vmem>> -> memref<100x128xf32, #tpu.memory_space<vmem>>
      %dma_start3A_971 = arith.constant 0 : i32
      %dma_start3A_972 = tpu.memref_slice %arg6[%add3A_949, %dma_start3A_971] : memref<28x100xi32, #tpu.memory_space<vmem>> -> memref<1x100xi32, #tpu.memory_space<vmem>>
      %dma_start3A_973 = tpu.memref_squeeze %dma_start3A_972 : memref<1x100xi32, #tpu.memory_space<vmem>> -> memref<100xi32, #tpu.memory_space<vmem>>
      %dma_start3A_974 = arith.constant 0 : i32
      %dma_start3A_975 = arith.constant 0 : i32
      %dma_start3A_976 = tpu.memref_slice %arg2[%dma_start3A_974, %dma_start3A_975] : memref<10000x128xf32, #tpu.memory_space<hbm>> -> memref<10000x128xf32, #tpu.memory_space<hbm>>
      %dma_start3A_977 = tpu.memref_slice %arg10[%dma_start3A_966] : memref<3x!tpu.dma_semaphore, #tpu.memory_space<semaphore_mem>> -> memref<1x!tpu.dma_semaphore, #tpu.memory_space<semaphore_mem>>
      %dma_start3A_978 = tpu.memref_squeeze %dma_start3A_977 : memref<1x!tpu.dma_semaphore, #tpu.memory_space<semaphore_mem>> -> memref<!tpu.dma_semaphore, #tpu.memory_space<semaphore_mem>>
      tpu.enqueue_indirect_dma source(%dma_start3A_976 : memref<10000x128xf32, #tpu.memory_space<hbm>>) target(%dma_start3A_970 : memref<100x128xf32, #tpu.memory_space<vmem>>) offsets(%dma_start3A_973 : memref<100xi32, #tpu.memory_space<vmem>>) semaphore(%dma_start3A_978 : memref<!tpu.dma_semaphore, #tpu.memory_space<semaphore_mem>>)
      %dma_wait3A_979 = arith.constant 0 : i32
      %dma_wait3A_980 = arith.constant 0 : i32
      %dma_wait3A_981 = arith.constant 1 : i32
      %dma_wait3A_982 = arith.constant 0 : i32
      %dma_wait3A_983 = arith.constant 0 : i32
      %dma_wait3A_984 = tpu.memref_slice %arg8[%dma_wait3A_979, %dma_wait3A_982, %dma_wait3A_983] : memref<3x100x128xf32, #tpu.memory_space<vmem>> -> memref<1x100x128xf32, #tpu.memory_space<vmem>>
      %dma_wait3A_985 = tpu.memref_squeeze %dma_wait3A_984 : memref<1x100x128xf32, #tpu.memory_space<vmem>> -> memref<100x128xf32, #tpu.memory_space<vmem>>
      %dma_wait3A_986 = arith.constant 0 : i32
      %dma_wait3A_987 = tpu.memref_slice %arg7[%dma_wait3A_980, %dma_wait3A_986] : memref<28x100xi32, #tpu.memory_space<vmem>> -> memref<1x100xi32, #tpu.memory_space<vmem>>
      %dma_wait3A_988 = tpu.memref_squeeze %dma_wait3A_987 : memref<1x100xi32, #tpu.memory_space<vmem>> -> memref<100xi32, #tpu.memory_space<vmem>>
      %dma_wait3A_989 = arith.constant 0 : i32
      %dma_wait3A_990 = arith.constant 0 : i32
      %dma_wait3A_991 = tpu.memref_slice %arg9[%dma_wait3A_989, %dma_wait3A_990] : memref<10240x128xf32, #tpu.memory_space<vmem_shared>> -> memref<10240x128xf32, #tpu.memory_space<vmem_shared>>
      %dma_wait3A_992 = tpu.memref_slice %arg10[%dma_wait3A_981] : memref<3x!tpu.dma_semaphore, #tpu.memory_space<semaphore_mem>> -> memref<1x!tpu.dma_semaphore, #tpu.memory_space<semaphore_mem>>
      %dma_wait3A_993 = tpu.memref_squeeze %dma_wait3A_992 : memref<1x!tpu.dma_semaphore, #tpu.memory_space<semaphore_mem>> -> memref<!tpu.dma_semaphore, #tpu.memory_space<semaphore_mem>>
      tpu.wait_indirect_dma semaphore(%dma_wait3A_993 : memref<!tpu.dma_semaphore, #tpu.memory_space<semaphore_mem>>) src(%dma_wait3A_985 : memref<100x128xf32, #tpu.memory_space<vmem>>) dst(%dma_wait3A_991 : memref<10240x128xf32, #tpu.memory_space<vmem_shared>>)
      %sub3A_994 = arith.constant 1 : i32
      %sub3A_995 = arith.subi %add3A_949, %sub3A_994 : i32
      %dma_start3A_996 = arith.constant 1 : i32
      %dma_start3A_997 = arith.constant 1 : i32
      %dma_start3A_998 = arith.constant 0 : i32
      %dma_start3A_999 = arith.constant 0 : i32
      %dma_start3A_1000 = tpu.memref_slice %arg8[%dma_start3A_996, %dma_start3A_998, %dma_start3A_999] : memref<3x100x128xf32, #tpu.memory_space<vmem>> -> memref<1x100x128xf32, #tpu.memory_space<vmem>>
      %dma_start3A_1001 = tpu.memref_squeeze %dma_start3A_1000 : memref<1x100x128xf32, #tpu.memory_space<vmem>> -> memref<100x128xf32, #tpu.memory_space<vmem>>
      %dma_start3A_1002 = arith.constant 0 : i32
      %dma_start3A_1003 = tpu.memref_slice %arg7[%sub3A_995, %dma_start3A_1002] : memref<28x100xi32, #tpu.memory_space<vmem>> -> memref<1x100xi32, #tpu.memory_space<vmem>>
      %dma_start3A_1004 = tpu.memref_squeeze %dma_start3A_1003 : memref<1x100xi32, #tpu.memory_space<vmem>> -> memref<100xi32, #tpu.memory_space<vmem>>
      %dma_start3A_1005 = arith.constant 0 : i32
      %dma_start3A_1006 = arith.constant 0 : i32
      %dma_start3A_1007 = tpu.memref_slice %arg9[%dma_start3A_1005, %dma_start3A_1006] : memref<10240x128xf32, #tpu.memory_space<vmem_shared>> -> memref<10240x128xf32, #tpu.memory_space<vmem_shared>>
      %dma_start3A_1008 = tpu.memref_slice %arg11[%dma_start3A_997] : memref<3x!tpu.dma_semaphore, #tpu.memory_space<semaphore_mem>> -> memref<1x!tpu.dma_semaphore, #tpu.memory_space<semaphore_mem>>
      %dma_start3A_1009 = tpu.memref_squeeze %dma_start3A_1008 : memref<1x!tpu.dma_semaphore, #tpu.memory_space<semaphore_mem>> -> memref<!tpu.dma_semaphore, #tpu.memory_space<semaphore_mem>>
      tpu.enqueue_indirect_dma source(%dma_start3A_1001 : memref<100x128xf32, #tpu.memory_space<vmem>>) target(%dma_start3A_1007 : memref<10240x128xf32, #tpu.memory_space<vmem_shared>>) offsets(%dma_start3A_1004 : memref<100xi32, #tpu.memory_space<vmem>>) semaphore(%dma_start3A_1009 : memref<!tpu.dma_semaphore, #tpu.memory_space<semaphore_mem>>) {add = true}
    }
    %scan3A_303 = arith.constant 7 : i32
    %dma_wait3A_304 = arith.constant 0 : i32
    %dma_wait3A_305 = arith.constant 0 : i32
    %dma_wait3A_306 = arith.constant 2 : i32
    %dma_wait3A_307 = arith.constant 0 : i32
    %dma_wait3A_308 = arith.constant 0 : i32
    %dma_wait3A_309 = tpu.memref_slice %arg8[%dma_wait3A_304, %dma_wait3A_307, %dma_wait3A_308] : memref<3x100x128xf32, #tpu.memory_space<vmem>> -> memref<1x100x128xf32, #tpu.memory_space<vmem>>
    %dma_wait3A_310 = tpu.memref_squeeze %dma_wait3A_309 : memref<1x100x128xf32, #tpu.memory_space<vmem>> -> memref<100x128xf32, #tpu.memory_space<vmem>>
    %dma_wait3A_311 = arith.constant 0 : i32
    %dma_wait3A_312 = tpu.memref_slice %arg7[%dma_wait3A_305, %dma_wait3A_311] : memref<28x100xi32, #tpu.memory_space<vmem>> -> memref<1x100xi32, #tpu.memory_space<vmem>>
    %dma_wait3A_313 = tpu.memref_squeeze %dma_wait3A_312 : memref<1x100xi32, #tpu.memory_space<vmem>> -> memref<100xi32, #tpu.memory_space<vmem>>
    %dma_wait3A_314 = arith.constant 0 : i32
    %dma_wait3A_315 = arith.constant 0 : i32
    %dma_wait3A_316 = tpu.memref_slice %arg9[%dma_wait3A_314, %dma_wait3A_315] : memref<10240x128xf32, #tpu.memory_space<vmem_shared>> -> memref<10240x128xf32, #tpu.memory_space<vmem_shared>>
    %dma_wait3A_317 = tpu.memref_slice %arg10[%dma_wait3A_306] : memref<3x!tpu.dma_semaphore, #tpu.memory_space<semaphore_mem>> -> memref<1x!tpu.dma_semaphore, #tpu.memory_space<semaphore_mem>>
    %dma_wait3A_318 = tpu.memref_squeeze %dma_wait3A_317 : memref<1x!tpu.dma_semaphore, #tpu.memory_space<semaphore_mem>> -> memref<!tpu.dma_semaphore, #tpu.memory_space<semaphore_mem>>
    tpu.wait_indirect_dma semaphore(%dma_wait3A_318 : memref<!tpu.dma_semaphore, #tpu.memory_space<semaphore_mem>>) src(%dma_wait3A_310 : memref<100x128xf32, #tpu.memory_space<vmem>>) dst(%dma_wait3A_316 : memref<10240x128xf32, #tpu.memory_space<vmem_shared>>)
    %dma_start3A_319 = arith.constant 2 : i32
    %dma_start3A_320 = arith.constant 23 : i32
    %dma_start3A_321 = arith.constant 2 : i32
    %dma_start3A_322 = arith.constant 0 : i32
    %dma_start3A_323 = arith.constant 0 : i32
    %dma_start3A_324 = tpu.memref_slice %arg8[%dma_start3A_319, %dma_start3A_322, %dma_start3A_323] : memref<3x100x128xf32, #tpu.memory_space<vmem>> -> memref<1x100x128xf32, #tpu.memory_space<vmem>>
    %dma_start3A_325 = tpu.memref_squeeze %dma_start3A_324 : memref<1x100x128xf32, #tpu.memory_space<vmem>> -> memref<100x128xf32, #tpu.memory_space<vmem>>
    %dma_start3A_326 = arith.constant 0 : i32
    %dma_start3A_327 = tpu.memref_slice %arg7[%dma_start3A_320, %dma_start3A_326] : memref<28x100xi32, #tpu.memory_space<vmem>> -> memref<1x100xi32, #tpu.memory_space<vmem>>
    %dma_start3A_328 = tpu.memref_squeeze %dma_start3A_327 : memref<1x100xi32, #tpu.memory_space<vmem>> -> memref<100xi32, #tpu.memory_space<vmem>>
    %dma_start3A_329 = arith.constant 0 : i32
    %dma_start3A_330 = arith.constant 0 : i32
    %dma_start3A_331 = tpu.memref_slice %arg9[%dma_start3A_329, %dma_start3A_330] : memref<10240x128xf32, #tpu.memory_space<vmem_shared>> -> memref<10240x128xf32, #tpu.memory_space<vmem_shared>>
    %dma_start3A_332 = tpu.memref_slice %arg11[%dma_start3A_321] : memref<3x!tpu.dma_semaphore, #tpu.memory_space<semaphore_mem>> -> memref<1x!tpu.dma_semaphore, #tpu.memory_space<semaphore_mem>>
    %dma_start3A_333 = tpu.memref_squeeze %dma_start3A_332 : memref<1x!tpu.dma_semaphore, #tpu.memory_space<semaphore_mem>> -> memref<!tpu.dma_semaphore, #tpu.memory_space<semaphore_mem>>
    tpu.enqueue_indirect_dma source(%dma_start3A_325 : memref<100x128xf32, #tpu.memory_space<vmem>>) target(%dma_start3A_331 : memref<10240x128xf32, #tpu.memory_space<vmem_shared>>) offsets(%dma_start3A_328 : memref<100xi32, #tpu.memory_space<vmem>>) semaphore(%dma_start3A_333 : memref<!tpu.dma_semaphore, #tpu.memory_space<semaphore_mem>>) {add = true}
    %dma_wait3A_334 = arith.constant 0 : i32
    %dma_wait3A_335 = arith.constant 0 : i32
    %dma_wait3A_336 = arith.constant 0 : i32
    %dma_wait3A_337 = arith.constant 0 : i32
    %dma_wait3A_338 = arith.constant 0 : i32
    %dma_wait3A_339 = tpu.memref_slice %arg8[%dma_wait3A_334, %dma_wait3A_337, %dma_wait3A_338] : memref<3x100x128xf32, #tpu.memory_space<vmem>> -> memref<1x100x128xf32, #tpu.memory_space<vmem>>
    %dma_wait3A_340 = tpu.memref_squeeze %dma_wait3A_339 : memref<1x100x128xf32, #tpu.memory_space<vmem>> -> memref<100x128xf32, #tpu.memory_space<vmem>>
    %dma_wait3A_341 = arith.constant 0 : i32
    %dma_wait3A_342 = tpu.memref_slice %arg7[%dma_wait3A_335, %dma_wait3A_341] : memref<28x100xi32, #tpu.memory_space<vmem>> -> memref<1x100xi32, #tpu.memory_space<vmem>>
    %dma_wait3A_343 = tpu.memref_squeeze %dma_wait3A_342 : memref<1x100xi32, #tpu.memory_space<vmem>> -> memref<100xi32, #tpu.memory_space<vmem>>
    %dma_wait3A_344 = arith.constant 0 : i32
    %dma_wait3A_345 = arith.constant 0 : i32
    %dma_wait3A_346 = tpu.memref_slice %arg9[%dma_wait3A_344, %dma_wait3A_345] : memref<10240x128xf32, #tpu.memory_space<vmem_shared>> -> memref<10240x128xf32, #tpu.memory_space<vmem_shared>>
    %dma_wait3A_347 = tpu.memref_slice %arg11[%dma_wait3A_336] : memref<3x!tpu.dma_semaphore, #tpu.memory_space<semaphore_mem>> -> memref<1x!tpu.dma_semaphore, #tpu.memory_space<semaphore_mem>>
    %dma_wait3A_348 = tpu.memref_squeeze %dma_wait3A_347 : memref<1x!tpu.dma_semaphore, #tpu.memory_space<semaphore_mem>> -> memref<!tpu.dma_semaphore, #tpu.memory_space<semaphore_mem>>
    tpu.wait_indirect_dma semaphore(%dma_wait3A_348 : memref<!tpu.dma_semaphore, #tpu.memory_space<semaphore_mem>>) src(%dma_wait3A_340 : memref<100x128xf32, #tpu.memory_space<vmem>>) dst(%dma_wait3A_346 : memref<10240x128xf32, #tpu.memory_space<vmem_shared>>)
    %dma_wait3A_349 = arith.constant 0 : i32
    %dma_wait3A_350 = arith.constant 0 : i32
    %dma_wait3A_351 = arith.constant 1 : i32
    %dma_wait3A_352 = arith.constant 0 : i32
    %dma_wait3A_353 = arith.constant 0 : i32
    %dma_wait3A_354 = tpu.memref_slice %arg8[%dma_wait3A_349, %dma_wait3A_352, %dma_wait3A_353] : memref<3x100x128xf32, #tpu.memory_space<vmem>> -> memref<1x100x128xf32, #tpu.memory_space<vmem>>
    %dma_wait3A_355 = tpu.memref_squeeze %dma_wait3A_354 : memref<1x100x128xf32, #tpu.memory_space<vmem>> -> memref<100x128xf32, #tpu.memory_space<vmem>>
    %dma_wait3A_356 = arith.constant 0 : i32
    %dma_wait3A_357 = tpu.memref_slice %arg7[%dma_wait3A_350, %dma_wait3A_356] : memref<28x100xi32, #tpu.memory_space<vmem>> -> memref<1x100xi32, #tpu.memory_space<vmem>>
    %dma_wait3A_358 = tpu.memref_squeeze %dma_wait3A_357 : memref<1x100xi32, #tpu.memory_space<vmem>> -> memref<100xi32, #tpu.memory_space<vmem>>
    %dma_wait3A_359 = arith.constant 0 : i32
    %dma_wait3A_360 = arith.constant 0 : i32
    %dma_wait3A_361 = tpu.memref_slice %arg9[%dma_wait3A_359, %dma_wait3A_360] : memref<10240x128xf32, #tpu.memory_space<vmem_shared>> -> memref<10240x128xf32, #tpu.memory_space<vmem_shared>>
    %dma_wait3A_362 = tpu.memref_slice %arg11[%dma_wait3A_351] : memref<3x!tpu.dma_semaphore, #tpu.memory_space<semaphore_mem>> -> memref<1x!tpu.dma_semaphore, #tpu.memory_space<semaphore_mem>>
    %dma_wait3A_363 = tpu.memref_squeeze %dma_wait3A_362 : memref<1x!tpu.dma_semaphore, #tpu.memory_space<semaphore_mem>> -> memref<!tpu.dma_semaphore, #tpu.memory_space<semaphore_mem>>
    tpu.wait_indirect_dma semaphore(%dma_wait3A_363 : memref<!tpu.dma_semaphore, #tpu.memory_space<semaphore_mem>>) src(%dma_wait3A_355 : memref<100x128xf32, #tpu.memory_space<vmem>>) dst(%dma_wait3A_361 : memref<10240x128xf32, #tpu.memory_space<vmem_shared>>)
    %dma_wait3A_364 = arith.constant 0 : i32
    %dma_wait3A_365 = arith.constant 0 : i32
    %dma_wait3A_366 = arith.constant 2 : i32
    %dma_wait3A_367 = arith.constant 0 : i32
    %dma_wait3A_368 = arith.constant 0 : i32
    %dma_wait3A_369 = tpu.memref_slice %arg8[%dma_wait3A_364, %dma_wait3A_367, %dma_wait3A_368] : memref<3x100x128xf32, #tpu.memory_space<vmem>> -> memref<1x100x128xf32, #tpu.memory_space<vmem>>
    %dma_wait3A_370 = tpu.memref_squeeze %dma_wait3A_369 : memref<1x100x128xf32, #tpu.memory_space<vmem>> -> memref<100x128xf32, #tpu.memory_space<vmem>>
    %dma_wait3A_371 = arith.constant 0 : i32
    %dma_wait3A_372 = tpu.memref_slice %arg7[%dma_wait3A_365, %dma_wait3A_371] : memref<28x100xi32, #tpu.memory_space<vmem>> -> memref<1x100xi32, #tpu.memory_space<vmem>>
    %dma_wait3A_373 = tpu.memref_squeeze %dma_wait3A_372 : memref<1x100xi32, #tpu.memory_space<vmem>> -> memref<100xi32, #tpu.memory_space<vmem>>
    %dma_wait3A_374 = arith.constant 0 : i32
    %dma_wait3A_375 = arith.constant 0 : i32
    %dma_wait3A_376 = tpu.memref_slice %arg9[%dma_wait3A_374, %dma_wait3A_375] : memref<10240x128xf32, #tpu.memory_space<vmem_shared>> -> memref<10240x128xf32, #tpu.memory_space<vmem_shared>>
    %dma_wait3A_377 = tpu.memref_slice %arg11[%dma_wait3A_366] : memref<3x!tpu.dma_semaphore, #tpu.memory_space<semaphore_mem>> -> memref<1x!tpu.dma_semaphore, #tpu.memory_space<semaphore_mem>>
    %dma_wait3A_378 = tpu.memref_squeeze %dma_wait3A_377 : memref<1x!tpu.dma_semaphore, #tpu.memory_space<semaphore_mem>> -> memref<!tpu.dma_semaphore, #tpu.memory_space<semaphore_mem>>
    tpu.wait_indirect_dma semaphore(%dma_wait3A_378 : memref<!tpu.dma_semaphore, #tpu.memory_space<semaphore_mem>>) src(%dma_wait3A_370 : memref<100x128xf32, #tpu.memory_space<vmem>>) dst(%dma_wait3A_376 : memref<10240x128xf32, #tpu.memory_space<vmem_shared>>)
    %run_scoped3A_379 = arith.constant 0 : i32
    "tpu.region"() ({
      %run_scoped3A_820 = tpu.sem_alloc : memref<!tpu.dma_semaphore, #tpu.memory_space<semaphore_mem>>
      %dma_start3A_821 = arith.constant 0 : i32
      %dma_start3A_822 = arith.constant 0 : i32
      %dma_start3A_823 = tpu.memref_slice %arg6[%dma_start3A_821, %dma_start3A_822] : memref<28x100xi32, #tpu.memory_space<vmem>> -> memref<24x100xi32, #tpu.memory_space<vmem>>
      %dma_start3A_824 = arith.constant 48 : i32
      %dma_start3A_825 = arith.constant 0 : i32
      %dma_start3A_826 = tpu.memref_slice %arg3[%run_scoped3A_379, %add3A, %dma_start3A_824, %dma_start3A_825] : memref<2x32x100x100xi32, #tpu.memory_space<hbm>> -> memref<1x1x24x100xi32, #tpu.memory_space<hbm>>
      %dma_start3A_827 = tpu.memref_squeeze %dma_start3A_826 : memref<1x1x24x100xi32, #tpu.memory_space<hbm>> -> memref<24x100xi32, #tpu.memory_space<hbm>>
      %dma_start3A_828 = arith.constant 0 : i32
      %dma_start3A_829 = arith.constant 0 : i32
      %dma_start3A_830 = tpu.memref_slice %arg6[%dma_start3A_828, %dma_start3A_829] : memref<28x100xi32, #tpu.memory_space<vmem>> -> memref<24x100xi32, #tpu.memory_space<vmem>>
      %dma_start3A_831 = arith.constant 48 : i32
      %dma_start3A_832 = arith.constant 0 : i32
      %dma_start3A_833 = tpu.memref_slice %arg3[%run_scoped3A_379, %add3A, %dma_start3A_831, %dma_start3A_832] : memref<2x32x100x100xi32, #tpu.memory_space<hbm>> -> memref<1x1x24x100xi32, #tpu.memory_space<hbm>>
      %dma_start3A_834 = tpu.memref_squeeze %dma_start3A_833 : memref<1x1x24x100xi32, #tpu.memory_space<hbm>> -> memref<24x100xi32, #tpu.memory_space<hbm>>
      tpu.enqueue_dma source(%dma_start3A_834 : memref<24x100xi32, #tpu.memory_space<hbm>>) target(%dma_start3A_830 : memref<24x100xi32, #tpu.memory_space<vmem>>) target_semaphore(%run_scoped3A_820 : memref<!tpu.dma_semaphore, #tpu.memory_space<semaphore_mem>>)
      %dma_wait3A_835 = arith.constant 0 : i32
      %dma_wait3A_836 = arith.constant 0 : i32
      %dma_wait3A_837 = tpu.memref_slice %arg6[%dma_wait3A_835, %dma_wait3A_836] : memref<28x100xi32, #tpu.memory_space<vmem>> -> memref<24x100xi32, #tpu.memory_space<vmem>>
      %dma_wait3A_838 = arith.constant 48 : i32
      %dma_wait3A_839 = arith.constant 0 : i32
      %dma_wait3A_840 = tpu.memref_slice %arg3[%run_scoped3A_379, %add3A, %dma_wait3A_838, %dma_wait3A_839] : memref<2x32x100x100xi32, #tpu.memory_space<hbm>> -> memref<1x1x24x100xi32, #tpu.memory_space<hbm>>
      %dma_wait3A_841 = tpu.memref_squeeze %dma_wait3A_840 : memref<1x1x24x100xi32, #tpu.memory_space<hbm>> -> memref<24x100xi32, #tpu.memory_space<hbm>>
      %dma_wait3A_842 = arith.constant 0 : i32
      %dma_wait3A_843 = arith.constant 0 : i32
      %dma_wait3A_844 = tpu.memref_slice %arg6[%dma_wait3A_842, %dma_wait3A_843] : memref<28x100xi32, #tpu.memory_space<vmem>> -> memref<24x100xi32, #tpu.memory_space<vmem>>
      %dma_wait3A_845 = arith.constant 48 : i32
      %dma_wait3A_846 = arith.constant 0 : i32
      %dma_wait3A_847 = tpu.memref_slice %arg3[%run_scoped3A_379, %add3A, %dma_wait3A_845, %dma_wait3A_846] : memref<2x32x100x100xi32, #tpu.memory_space<hbm>> -> memref<1x1x24x100xi32, #tpu.memory_space<hbm>>
      %dma_wait3A_848 = tpu.memref_squeeze %dma_wait3A_847 : memref<1x1x24x100xi32, #tpu.memory_space<hbm>> -> memref<24x100xi32, #tpu.memory_space<hbm>>
      tpu.wait_dma2 semaphore(%run_scoped3A_820 : memref<!tpu.dma_semaphore, #tpu.memory_space<semaphore_mem>>) src(%dma_wait3A_848 : memref<24x100xi32, #tpu.memory_space<hbm>>) dst(%dma_wait3A_844 : memref<24x100xi32, #tpu.memory_space<vmem>>)
      tpu.yield
    }) : () -> ()
    %run_scoped3A_380 = arith.constant 1 : i32
    "tpu.region"() ({
      %run_scoped3A_820 = tpu.sem_alloc : memref<!tpu.dma_semaphore, #tpu.memory_space<semaphore_mem>>
      %dma_start3A_821 = arith.constant 0 : i32
      %dma_start3A_822 = arith.constant 0 : i32
      %dma_start3A_823 = tpu.memref_slice %arg7[%dma_start3A_821, %dma_start3A_822] : memref<28x100xi32, #tpu.memory_space<vmem>> -> memref<24x100xi32, #tpu.memory_space<vmem>>
      %dma_start3A_824 = arith.constant 48 : i32
      %dma_start3A_825 = arith.constant 0 : i32
      %dma_start3A_826 = tpu.memref_slice %arg3[%run_scoped3A_380, %add3A, %dma_start3A_824, %dma_start3A_825] : memref<2x32x100x100xi32, #tpu.memory_space<hbm>> -> memref<1x1x24x100xi32, #tpu.memory_space<hbm>>
      %dma_start3A_827 = tpu.memref_squeeze %dma_start3A_826 : memref<1x1x24x100xi32, #tpu.memory_space<hbm>> -> memref<24x100xi32, #tpu.memory_space<hbm>>
      %dma_start3A_828 = arith.constant 0 : i32
      %dma_start3A_829 = arith.constant 0 : i32
      %dma_start3A_830 = tpu.memref_slice %arg7[%dma_start3A_828, %dma_start3A_829] : memref<28x100xi32, #tpu.memory_space<vmem>> -> memref<24x100xi32, #tpu.memory_space<vmem>>
      %dma_start3A_831 = arith.constant 48 : i32
      %dma_start3A_832 = arith.constant 0 : i32
      %dma_start3A_833 = tpu.memref_slice %arg3[%run_scoped3A_380, %add3A, %dma_start3A_831, %dma_start3A_832] : memref<2x32x100x100xi32, #tpu.memory_space<hbm>> -> memref<1x1x24x100xi32, #tpu.memory_space<hbm>>
      %dma_start3A_834 = tpu.memref_squeeze %dma_start3A_833 : memref<1x1x24x100xi32, #tpu.memory_space<hbm>> -> memref<24x100xi32, #tpu.memory_space<hbm>>
      tpu.enqueue_dma source(%dma_start3A_834 : memref<24x100xi32, #tpu.memory_space<hbm>>) target(%dma_start3A_830 : memref<24x100xi32, #tpu.memory_space<vmem>>) target_semaphore(%run_scoped3A_820 : memref<!tpu.dma_semaphore, #tpu.memory_space<semaphore_mem>>)
      %dma_wait3A_835 = arith.constant 0 : i32
      %dma_wait3A_836 = arith.constant 0 : i32
      %dma_wait3A_837 = tpu.memref_slice %arg7[%dma_wait3A_835, %dma_wait3A_836] : memref<28x100xi32, #tpu.memory_space<vmem>> -> memref<24x100xi32, #tpu.memory_space<vmem>>
      %dma_wait3A_838 = arith.constant 48 : i32
      %dma_wait3A_839 = arith.constant 0 : i32
      %dma_wait3A_840 = tpu.memref_slice %arg3[%run_scoped3A_380, %add3A, %dma_wait3A_838, %dma_wait3A_839] : memref<2x32x100x100xi32, #tpu.memory_space<hbm>> -> memref<1x1x24x100xi32, #tpu.memory_space<hbm>>
      %dma_wait3A_841 = tpu.memref_squeeze %dma_wait3A_840 : memref<1x1x24x100xi32, #tpu.memory_space<hbm>> -> memref<24x100xi32, #tpu.memory_space<hbm>>
      %dma_wait3A_842 = arith.constant 0 : i32
      %dma_wait3A_843 = arith.constant 0 : i32
      %dma_wait3A_844 = tpu.memref_slice %arg7[%dma_wait3A_842, %dma_wait3A_843] : memref<28x100xi32, #tpu.memory_space<vmem>> -> memref<24x100xi32, #tpu.memory_space<vmem>>
      %dma_wait3A_845 = arith.constant 48 : i32
      %dma_wait3A_846 = arith.constant 0 : i32
      %dma_wait3A_847 = tpu.memref_slice %arg3[%run_scoped3A_380, %add3A, %dma_wait3A_845, %dma_wait3A_846] : memref<2x32x100x100xi32, #tpu.memory_space<hbm>> -> memref<1x1x24x100xi32, #tpu.memory_space<hbm>>
      %dma_wait3A_848 = tpu.memref_squeeze %dma_wait3A_847 : memref<1x1x24x100xi32, #tpu.memory_space<hbm>> -> memref<24x100xi32, #tpu.memory_space<hbm>>
      tpu.wait_dma2 semaphore(%run_scoped3A_820 : memref<!tpu.dma_semaphore, #tpu.memory_space<semaphore_mem>>) src(%dma_wait3A_848 : memref<24x100xi32, #tpu.memory_space<hbm>>) dst(%dma_wait3A_844 : memref<24x100xi32, #tpu.memory_space<vmem>>)
      tpu.yield
    }) : () -> ()
    %dma_start3A_381 = arith.constant 0 : i32
    %dma_start3A_382 = arith.constant 0 : i32
    %dma_start3A_383 = arith.constant 0 : i32
    %dma_start3A_384 = arith.constant 0 : i32
    %dma_start3A_385 = arith.constant 0 : i32
    %dma_start3A_386 = tpu.memref_slice %arg8[%dma_start3A_382, %dma_start3A_384, %dma_start3A_385] : memref<3x100x128xf32, #tpu.memory_space<vmem>> -> memref<1x100x128xf32, #tpu.memory_space<vmem>>
    %dma_start3A_387 = tpu.memref_squeeze %dma_start3A_386 : memref<1x100x128xf32, #tpu.memory_space<vmem>> -> memref<100x128xf32, #tpu.memory_space<vmem>>
    %dma_start3A_388 = arith.constant 0 : i32
    %dma_start3A_389 = tpu.memref_slice %arg6[%dma_start3A_381, %dma_start3A_388] : memref<28x100xi32, #tpu.memory_space<vmem>> -> memref<1x100xi32, #tpu.memory_space<vmem>>
    %dma_start3A_390 = tpu.memref_squeeze %dma_start3A_389 : memref<1x100xi32, #tpu.memory_space<vmem>> -> memref<100xi32, #tpu.memory_space<vmem>>
    %dma_start3A_391 = arith.constant 0 : i32
    %dma_start3A_392 = arith.constant 0 : i32
    %dma_start3A_393 = tpu.memref_slice %arg2[%dma_start3A_391, %dma_start3A_392] : memref<10000x128xf32, #tpu.memory_space<hbm>> -> memref<10000x128xf32, #tpu.memory_space<hbm>>
    %dma_start3A_394 = tpu.memref_slice %arg10[%dma_start3A_383] : memref<3x!tpu.dma_semaphore, #tpu.memory_space<semaphore_mem>> -> memref<1x!tpu.dma_semaphore, #tpu.memory_space<semaphore_mem>>
    %dma_start3A_395 = tpu.memref_squeeze %dma_start3A_394 : memref<1x!tpu.dma_semaphore, #tpu.memory_space<semaphore_mem>> -> memref<!tpu.dma_semaphore, #tpu.memory_space<semaphore_mem>>
    tpu.enqueue_indirect_dma source(%dma_start3A_393 : memref<10000x128xf32, #tpu.memory_space<hbm>>) target(%dma_start3A_387 : memref<100x128xf32, #tpu.memory_space<vmem>>) offsets(%dma_start3A_390 : memref<100xi32, #tpu.memory_space<vmem>>) semaphore(%dma_start3A_395 : memref<!tpu.dma_semaphore, #tpu.memory_space<semaphore_mem>>)
    %dma_start3A_396 = arith.constant 1 : i32
    %dma_start3A_397 = arith.constant 1 : i32
    %dma_start3A_398 = arith.constant 1 : i32
    %dma_start3A_399 = arith.constant 0 : i32
    %dma_start3A_400 = arith.constant 0 : i32
    %dma_start3A_401 = tpu.memref_slice %arg8[%dma_start3A_397, %dma_start3A_399, %dma_start3A_400] : memref<3x100x128xf32, #tpu.memory_space<vmem>> -> memref<1x100x128xf32, #tpu.memory_space<vmem>>
    %dma_start3A_402 = tpu.memref_squeeze %dma_start3A_401 : memref<1x100x128xf32, #tpu.memory_space<vmem>> -> memref<100x128xf32, #tpu.memory_space<vmem>>
    %dma_start3A_403 = arith.constant 0 : i32
    %dma_start3A_404 = tpu.memref_slice %arg6[%dma_start3A_396, %dma_start3A_403] : memref<28x100xi32, #tpu.memory_space<vmem>> -> memref<1x100xi32, #tpu.memory_space<vmem>>
    %dma_start3A_405 = tpu.memref_squeeze %dma_start3A_404 : memref<1x100xi32, #tpu.memory_space<vmem>> -> memref<100xi32, #tpu.memory_space<vmem>>
    %dma_start3A_406 = arith.constant 0 : i32
    %dma_start3A_407 = arith.constant 0 : i32
    %dma_start3A_408 = tpu.memref_slice %arg2[%dma_start3A_406, %dma_start3A_407] : memref<10000x128xf32, #tpu.memory_space<hbm>> -> memref<10000x128xf32, #tpu.memory_space<hbm>>
    %dma_start3A_409 = tpu.memref_slice %arg10[%dma_start3A_398] : memref<3x!tpu.dma_semaphore, #tpu.memory_space<semaphore_mem>> -> memref<1x!tpu.dma_semaphore, #tpu.memory_space<semaphore_mem>>
    %dma_start3A_410 = tpu.memref_squeeze %dma_start3A_409 : memref<1x!tpu.dma_semaphore, #tpu.memory_space<semaphore_mem>> -> memref<!tpu.dma_semaphore, #tpu.memory_space<semaphore_mem>>
    tpu.enqueue_indirect_dma source(%dma_start3A_408 : memref<10000x128xf32, #tpu.memory_space<hbm>>) target(%dma_start3A_402 : memref<100x128xf32, #tpu.memory_space<vmem>>) offsets(%dma_start3A_405 : memref<100xi32, #tpu.memory_space<vmem>>) semaphore(%dma_start3A_410 : memref<!tpu.dma_semaphore, #tpu.memory_space<semaphore_mem>>)
    %dma_wait3A_411 = arith.constant 0 : i32
    %dma_wait3A_412 = arith.constant 0 : i32
    %dma_wait3A_413 = arith.constant 0 : i32
    %dma_wait3A_414 = arith.constant 0 : i32
    %dma_wait3A_415 = arith.constant 0 : i32
    %dma_wait3A_416 = tpu.memref_slice %arg8[%dma_wait3A_411, %dma_wait3A_414, %dma_wait3A_415] : memref<3x100x128xf32, #tpu.memory_space<vmem>> -> memref<1x100x128xf32, #tpu.memory_space<vmem>>
    %dma_wait3A_417 = tpu.memref_squeeze %dma_wait3A_416 : memref<1x100x128xf32, #tpu.memory_space<vmem>> -> memref<100x128xf32, #tpu.memory_space<vmem>>
    %dma_wait3A_418 = arith.constant 0 : i32
    %dma_wait3A_419 = tpu.memref_slice %arg7[%dma_wait3A_412, %dma_wait3A_418] : memref<28x100xi32, #tpu.memory_space<vmem>> -> memref<1x100xi32, #tpu.memory_space<vmem>>
    %dma_wait3A_420 = tpu.memref_squeeze %dma_wait3A_419 : memref<1x100xi32, #tpu.memory_space<vmem>> -> memref<100xi32, #tpu.memory_space<vmem>>
    %dma_wait3A_421 = arith.constant 0 : i32
    %dma_wait3A_422 = arith.constant 0 : i32
    %dma_wait3A_423 = tpu.memref_slice %arg9[%dma_wait3A_421, %dma_wait3A_422] : memref<10240x128xf32, #tpu.memory_space<vmem_shared>> -> memref<10240x128xf32, #tpu.memory_space<vmem_shared>>
    %dma_wait3A_424 = tpu.memref_slice %arg10[%dma_wait3A_413] : memref<3x!tpu.dma_semaphore, #tpu.memory_space<semaphore_mem>> -> memref<1x!tpu.dma_semaphore, #tpu.memory_space<semaphore_mem>>
    %dma_wait3A_425 = tpu.memref_squeeze %dma_wait3A_424 : memref<1x!tpu.dma_semaphore, #tpu.memory_space<semaphore_mem>> -> memref<!tpu.dma_semaphore, #tpu.memory_space<semaphore_mem>>
    tpu.wait_indirect_dma semaphore(%dma_wait3A_425 : memref<!tpu.dma_semaphore, #tpu.memory_space<semaphore_mem>>) src(%dma_wait3A_417 : memref<100x128xf32, #tpu.memory_space<vmem>>) dst(%dma_wait3A_423 : memref<10240x128xf32, #tpu.memory_space<vmem_shared>>)
    %dma_start3A_426 = arith.constant 0 : i32
    %dma_start3A_427 = arith.constant 0 : i32
    %dma_start3A_428 = arith.constant 0 : i32
    %dma_start3A_429 = arith.constant 0 : i32
    %dma_start3A_430 = arith.constant 0 : i32
    %dma_start3A_431 = tpu.memref_slice %arg8[%dma_start3A_426, %dma_start3A_429, %dma_start3A_430] : memref<3x100x128xf32, #tpu.memory_space<vmem>> -> memref<1x100x128xf32, #tpu.memory_space<vmem>>
    %dma_start3A_432 = tpu.memref_squeeze %dma_start3A_431 : memref<1x100x128xf32, #tpu.memory_space<vmem>> -> memref<100x128xf32, #tpu.memory_space<vmem>>
    %dma_start3A_433 = arith.constant 0 : i32
    %dma_start3A_434 = tpu.memref_slice %arg7[%dma_start3A_427, %dma_start3A_433] : memref<28x100xi32, #tpu.memory_space<vmem>> -> memref<1x100xi32, #tpu.memory_space<vmem>>
    %dma_start3A_435 = tpu.memref_squeeze %dma_start3A_434 : memref<1x100xi32, #tpu.memory_space<vmem>> -> memref<100xi32, #tpu.memory_space<vmem>>
    %dma_start3A_436 = arith.constant 0 : i32
    %dma_start3A_437 = arith.constant 0 : i32
    %dma_start3A_438 = tpu.memref_slice %arg9[%dma_start3A_436, %dma_start3A_437] : memref<10240x128xf32, #tpu.memory_space<vmem_shared>> -> memref<10240x128xf32, #tpu.memory_space<vmem_shared>>
    %dma_start3A_439 = tpu.memref_slice %arg11[%dma_start3A_428] : memref<3x!tpu.dma_semaphore, #tpu.memory_space<semaphore_mem>> -> memref<1x!tpu.dma_semaphore, #tpu.memory_space<semaphore_mem>>
    %dma_start3A_440 = tpu.memref_squeeze %dma_start3A_439 : memref<1x!tpu.dma_semaphore, #tpu.memory_space<semaphore_mem>> -> memref<!tpu.dma_semaphore, #tpu.memory_space<semaphore_mem>>
    tpu.enqueue_indirect_dma source(%dma_start3A_432 : memref<100x128xf32, #tpu.memory_space<vmem>>) target(%dma_start3A_438 : memref<10240x128xf32, #tpu.memory_space<vmem_shared>>) offsets(%dma_start3A_435 : memref<100xi32, #tpu.memory_space<vmem>>) semaphore(%dma_start3A_440 : memref<!tpu.dma_semaphore, #tpu.memory_space<semaphore_mem>>) {add = true}
    %dma_start3A_441 = arith.constant 2 : i32
    %dma_start3A_442 = arith.constant 2 : i32
    %dma_start3A_443 = arith.constant 2 : i32
    %dma_start3A_444 = arith.constant 0 : i32
    %dma_start3A_445 = arith.constant 0 : i32
    %dma_start3A_446 = tpu.memref_slice %arg8[%dma_start3A_442, %dma_start3A_444, %dma_start3A_445] : memref<3x100x128xf32, #tpu.memory_space<vmem>> -> memref<1x100x128xf32, #tpu.memory_space<vmem>>
    %dma_start3A_447 = tpu.memref_squeeze %dma_start3A_446 : memref<1x100x128xf32, #tpu.memory_space<vmem>> -> memref<100x128xf32, #tpu.memory_space<vmem>>
    %dma_start3A_448 = arith.constant 0 : i32
    %dma_start3A_449 = tpu.memref_slice %arg6[%dma_start3A_441, %dma_start3A_448] : memref<28x100xi32, #tpu.memory_space<vmem>> -> memref<1x100xi32, #tpu.memory_space<vmem>>
    %dma_start3A_450 = tpu.memref_squeeze %dma_start3A_449 : memref<1x100xi32, #tpu.memory_space<vmem>> -> memref<100xi32, #tpu.memory_space<vmem>>
    %dma_start3A_451 = arith.constant 0 : i32
    %dma_start3A_452 = arith.constant 0 : i32
    %dma_start3A_453 = tpu.memref_slice %arg2[%dma_start3A_451, %dma_start3A_452] : memref<10000x128xf32, #tpu.memory_space<hbm>> -> memref<10000x128xf32, #tpu.memory_space<hbm>>
    %dma_start3A_454 = tpu.memref_slice %arg10[%dma_start3A_443] : memref<3x!tpu.dma_semaphore, #tpu.memory_space<semaphore_mem>> -> memref<1x!tpu.dma_semaphore, #tpu.memory_space<semaphore_mem>>
    %dma_start3A_455 = tpu.memref_squeeze %dma_start3A_454 : memref<1x!tpu.dma_semaphore, #tpu.memory_space<semaphore_mem>> -> memref<!tpu.dma_semaphore, #tpu.memory_space<semaphore_mem>>
    tpu.enqueue_indirect_dma source(%dma_start3A_453 : memref<10000x128xf32, #tpu.memory_space<hbm>>) target(%dma_start3A_447 : memref<100x128xf32, #tpu.memory_space<vmem>>) offsets(%dma_start3A_450 : memref<100xi32, #tpu.memory_space<vmem>>) semaphore(%dma_start3A_455 : memref<!tpu.dma_semaphore, #tpu.memory_space<semaphore_mem>>)
    %dma_wait3A_456 = arith.constant 0 : i32
    %dma_wait3A_457 = arith.constant 0 : i32
    %dma_wait3A_458 = arith.constant 1 : i32
    %dma_wait3A_459 = arith.constant 0 : i32
    %dma_wait3A_460 = arith.constant 0 : i32
    %dma_wait3A_461 = tpu.memref_slice %arg8[%dma_wait3A_456, %dma_wait3A_459, %dma_wait3A_460] : memref<3x100x128xf32, #tpu.memory_space<vmem>> -> memref<1x100x128xf32, #tpu.memory_space<vmem>>
    %dma_wait3A_462 = tpu.memref_squeeze %dma_wait3A_461 : memref<1x100x128xf32, #tpu.memory_space<vmem>> -> memref<100x128xf32, #tpu.memory_space<vmem>>
    %dma_wait3A_463 = arith.constant 0 : i32
    %dma_wait3A_464 = tpu.memref_slice %arg7[%dma_wait3A_457, %dma_wait3A_463] : memref<28x100xi32, #tpu.memory_space<vmem>> -> memref<1x100xi32, #tpu.memory_space<vmem>>
    %dma_wait3A_465 = tpu.memref_squeeze %dma_wait3A_464 : memref<1x100xi32, #tpu.memory_space<vmem>> -> memref<100xi32, #tpu.memory_space<vmem>>
    %dma_wait3A_466 = arith.constant 0 : i32
    %dma_wait3A_467 = arith.constant 0 : i32
    %dma_wait3A_468 = tpu.memref_slice %arg9[%dma_wait3A_466, %dma_wait3A_467] : memref<10240x128xf32, #tpu.memory_space<vmem_shared>> -> memref<10240x128xf32, #tpu.memory_space<vmem_shared>>
    %dma_wait3A_469 = tpu.memref_slice %arg10[%dma_wait3A_458] : memref<3x!tpu.dma_semaphore, #tpu.memory_space<semaphore_mem>> -> memref<1x!tpu.dma_semaphore, #tpu.memory_space<semaphore_mem>>
    %dma_wait3A_470 = tpu.memref_squeeze %dma_wait3A_469 : memref<1x!tpu.dma_semaphore, #tpu.memory_space<semaphore_mem>> -> memref<!tpu.dma_semaphore, #tpu.memory_space<semaphore_mem>>
    tpu.wait_indirect_dma semaphore(%dma_wait3A_470 : memref<!tpu.dma_semaphore, #tpu.memory_space<semaphore_mem>>) src(%dma_wait3A_462 : memref<100x128xf32, #tpu.memory_space<vmem>>) dst(%dma_wait3A_468 : memref<10240x128xf32, #tpu.memory_space<vmem_shared>>)
    %dma_start3A_471 = arith.constant 1 : i32
    %dma_start3A_472 = arith.constant 1 : i32
    %dma_start3A_473 = arith.constant 1 : i32
    %dma_start3A_474 = arith.constant 0 : i32
    %dma_start3A_475 = arith.constant 0 : i32
    %dma_start3A_476 = tpu.memref_slice %arg8[%dma_start3A_471, %dma_start3A_474, %dma_start3A_475] : memref<3x100x128xf32, #tpu.memory_space<vmem>> -> memref<1x100x128xf32, #tpu.memory_space<vmem>>
    %dma_start3A_477 = tpu.memref_squeeze %dma_start3A_476 : memref<1x100x128xf32, #tpu.memory_space<vmem>> -> memref<100x128xf32, #tpu.memory_space<vmem>>
    %dma_start3A_478 = arith.constant 0 : i32
    %dma_start3A_479 = tpu.memref_slice %arg7[%dma_start3A_472, %dma_start3A_478] : memref<28x100xi32, #tpu.memory_space<vmem>> -> memref<1x100xi32, #tpu.memory_space<vmem>>
    %dma_start3A_480 = tpu.memref_squeeze %dma_start3A_479 : memref<1x100xi32, #tpu.memory_space<vmem>> -> memref<100xi32, #tpu.memory_space<vmem>>
    %dma_start3A_481 = arith.constant 0 : i32
    %dma_start3A_482 = arith.constant 0 : i32
    %dma_start3A_483 = tpu.memref_slice %arg9[%dma_start3A_481, %dma_start3A_482] : memref<10240x128xf32, #tpu.memory_space<vmem_shared>> -> memref<10240x128xf32, #tpu.memory_space<vmem_shared>>
    %dma_start3A_484 = tpu.memref_slice %arg11[%dma_start3A_473] : memref<3x!tpu.dma_semaphore, #tpu.memory_space<semaphore_mem>> -> memref<1x!tpu.dma_semaphore, #tpu.memory_space<semaphore_mem>>
    %dma_start3A_485 = tpu.memref_squeeze %dma_start3A_484 : memref<1x!tpu.dma_semaphore, #tpu.memory_space<semaphore_mem>> -> memref<!tpu.dma_semaphore, #tpu.memory_space<semaphore_mem>>
    tpu.enqueue_indirect_dma source(%dma_start3A_477 : memref<100x128xf32, #tpu.memory_space<vmem>>) target(%dma_start3A_483 : memref<10240x128xf32, #tpu.memory_space<vmem_shared>>) offsets(%dma_start3A_480 : memref<100xi32, #tpu.memory_space<vmem>>) semaphore(%dma_start3A_485 : memref<!tpu.dma_semaphore, #tpu.memory_space<semaphore_mem>>) {add = true}
    %scan3A_486 = arith.constant 0 : i32
    %scan3A_487 = arith.constant 0 : i32
    %scan3A_488 = arith.constant 7 : i32
    %scan3A_489 = arith.addi %scan3A_487, %scan3A_488 : i32
    %scan3A_490 = arith.constant 1 : i32
    scf.for %scan3A_820 = %scan3A_487 to %scan3A_489 step %scan3A_490  : i32 {
      %mul3A_821 = arith.constant 3 : i32
      %mul3A_822 = arith.muli %scan3A_820, %mul3A_821 : i32
      %add3A_823 = arith.constant 3 : i32
      %add3A_824 = arith.addi %add3A_823, %mul3A_822 : i32
      %add3A_825 = arith.constant 0 : i32
      %add3A_826 = arith.addi %add3A_824, %add3A_825 : i32
      %dma_wait3A_827 = arith.constant 0 : i32
      %dma_wait3A_828 = arith.constant 0 : i32
      %dma_wait3A_829 = arith.constant 0 : i32
      %dma_wait3A_830 = arith.constant 0 : i32
      %dma_wait3A_831 = arith.constant 0 : i32
      %dma_wait3A_832 = tpu.memref_slice %arg8[%dma_wait3A_827, %dma_wait3A_830, %dma_wait3A_831] : memref<3x100x128xf32, #tpu.memory_space<vmem>> -> memref<1x100x128xf32, #tpu.memory_space<vmem>>
      %dma_wait3A_833 = tpu.memref_squeeze %dma_wait3A_832 : memref<1x100x128xf32, #tpu.memory_space<vmem>> -> memref<100x128xf32, #tpu.memory_space<vmem>>
      %dma_wait3A_834 = arith.constant 0 : i32
      %dma_wait3A_835 = tpu.memref_slice %arg7[%dma_wait3A_828, %dma_wait3A_834] : memref<28x100xi32, #tpu.memory_space<vmem>> -> memref<1x100xi32, #tpu.memory_space<vmem>>
      %dma_wait3A_836 = tpu.memref_squeeze %dma_wait3A_835 : memref<1x100xi32, #tpu.memory_space<vmem>> -> memref<100xi32, #tpu.memory_space<vmem>>
      %dma_wait3A_837 = arith.constant 0 : i32
      %dma_wait3A_838 = arith.constant 0 : i32
      %dma_wait3A_839 = tpu.memref_slice %arg9[%dma_wait3A_837, %dma_wait3A_838] : memref<10240x128xf32, #tpu.memory_space<vmem_shared>> -> memref<10240x128xf32, #tpu.memory_space<vmem_shared>>
      %dma_wait3A_840 = tpu.memref_slice %arg11[%dma_wait3A_829] : memref<3x!tpu.dma_semaphore, #tpu.memory_space<semaphore_mem>> -> memref<1x!tpu.dma_semaphore, #tpu.memory_space<semaphore_mem>>
      %dma_wait3A_841 = tpu.memref_squeeze %dma_wait3A_840 : memref<1x!tpu.dma_semaphore, #tpu.memory_space<semaphore_mem>> -> memref<!tpu.dma_semaphore, #tpu.memory_space<semaphore_mem>>
      tpu.wait_indirect_dma semaphore(%dma_wait3A_841 : memref<!tpu.dma_semaphore, #tpu.memory_space<semaphore_mem>>) src(%dma_wait3A_833 : memref<100x128xf32, #tpu.memory_space<vmem>>) dst(%dma_wait3A_839 : memref<10240x128xf32, #tpu.memory_space<vmem_shared>>)
      %dma_start3A_842 = arith.constant 0 : i32
      %dma_start3A_843 = arith.constant 0 : i32
      %dma_start3A_844 = arith.constant 0 : i32
      %dma_start3A_845 = arith.constant 0 : i32
      %dma_start3A_846 = tpu.memref_slice %arg8[%dma_start3A_842, %dma_start3A_844, %dma_start3A_845] : memref<3x100x128xf32, #tpu.memory_space<vmem>> -> memref<1x100x128xf32, #tpu.memory_space<vmem>>
      %dma_start3A_847 = tpu.memref_squeeze %dma_start3A_846 : memref<1x100x128xf32, #tpu.memory_space<vmem>> -> memref<100x128xf32, #tpu.memory_space<vmem>>
      %dma_start3A_848 = arith.constant 0 : i32
      %dma_start3A_849 = tpu.memref_slice %arg6[%add3A_826, %dma_start3A_848] : memref<28x100xi32, #tpu.memory_space<vmem>> -> memref<1x100xi32, #tpu.memory_space<vmem>>
      %dma_start3A_850 = tpu.memref_squeeze %dma_start3A_849 : memref<1x100xi32, #tpu.memory_space<vmem>> -> memref<100xi32, #tpu.memory_space<vmem>>
      %dma_start3A_851 = arith.constant 0 : i32
      %dma_start3A_852 = arith.constant 0 : i32
      %dma_start3A_853 = tpu.memref_slice %arg2[%dma_start3A_851, %dma_start3A_852] : memref<10000x128xf32, #tpu.memory_space<hbm>> -> memref<10000x128xf32, #tpu.memory_space<hbm>>
      %dma_start3A_854 = tpu.memref_slice %arg10[%dma_start3A_843] : memref<3x!tpu.dma_semaphore, #tpu.memory_space<semaphore_mem>> -> memref<1x!tpu.dma_semaphore, #tpu.memory_space<semaphore_mem>>
      %dma_start3A_855 = tpu.memref_squeeze %dma_start3A_854 : memref<1x!tpu.dma_semaphore, #tpu.memory_space<semaphore_mem>> -> memref<!tpu.dma_semaphore, #tpu.memory_space<semaphore_mem>>
      tpu.enqueue_indirect_dma source(%dma_start3A_853 : memref<10000x128xf32, #tpu.memory_space<hbm>>) target(%dma_start3A_847 : memref<100x128xf32, #tpu.memory_space<vmem>>) offsets(%dma_start3A_850 : memref<100xi32, #tpu.memory_space<vmem>>) semaphore(%dma_start3A_855 : memref<!tpu.dma_semaphore, #tpu.memory_space<semaphore_mem>>)
      %dma_wait3A_856 = arith.constant 0 : i32
      %dma_wait3A_857 = arith.constant 0 : i32
      %dma_wait3A_858 = arith.constant 2 : i32
      %dma_wait3A_859 = arith.constant 0 : i32
      %dma_wait3A_860 = arith.constant 0 : i32
      %dma_wait3A_861 = tpu.memref_slice %arg8[%dma_wait3A_856, %dma_wait3A_859, %dma_wait3A_860] : memref<3x100x128xf32, #tpu.memory_space<vmem>> -> memref<1x100x128xf32, #tpu.memory_space<vmem>>
      %dma_wait3A_862 = tpu.memref_squeeze %dma_wait3A_861 : memref<1x100x128xf32, #tpu.memory_space<vmem>> -> memref<100x128xf32, #tpu.memory_space<vmem>>
      %dma_wait3A_863 = arith.constant 0 : i32
      %dma_wait3A_864 = tpu.memref_slice %arg7[%dma_wait3A_857, %dma_wait3A_863] : memref<28x100xi32, #tpu.memory_space<vmem>> -> memref<1x100xi32, #tpu.memory_space<vmem>>
      %dma_wait3A_865 = tpu.memref_squeeze %dma_wait3A_864 : memref<1x100xi32, #tpu.memory_space<vmem>> -> memref<100xi32, #tpu.memory_space<vmem>>
      %dma_wait3A_866 = arith.constant 0 : i32
      %dma_wait3A_867 = arith.constant 0 : i32
      %dma_wait3A_868 = tpu.memref_slice %arg9[%dma_wait3A_866, %dma_wait3A_867] : memref<10240x128xf32, #tpu.memory_space<vmem_shared>> -> memref<10240x128xf32, #tpu.memory_space<vmem_shared>>
      %dma_wait3A_869 = tpu.memref_slice %arg10[%dma_wait3A_858] : memref<3x!tpu.dma_semaphore, #tpu.memory_space<semaphore_mem>> -> memref<1x!tpu.dma_semaphore, #tpu.memory_space<semaphore_mem>>
      %dma_wait3A_870 = tpu.memref_squeeze %dma_wait3A_869 : memref<1x!tpu.dma_semaphore, #tpu.memory_space<semaphore_mem>> -> memref<!tpu.dma_semaphore, #tpu.memory_space<semaphore_mem>>
      tpu.wait_indirect_dma semaphore(%dma_wait3A_870 : memref<!tpu.dma_semaphore, #tpu.memory_space<semaphore_mem>>) src(%dma_wait3A_862 : memref<100x128xf32, #tpu.memory_space<vmem>>) dst(%dma_wait3A_868 : memref<10240x128xf32, #tpu.memory_space<vmem_shared>>)
      %sub3A = arith.constant 1 : i32
      %sub3A_871 = arith.subi %add3A_826, %sub3A : i32
      %dma_start3A_872 = arith.constant 2 : i32
      %dma_start3A_873 = arith.constant 2 : i32
      %dma_start3A_874 = arith.constant 0 : i32
      %dma_start3A_875 = arith.constant 0 : i32
      %dma_start3A_876 = tpu.memref_slice %arg8[%dma_start3A_872, %dma_start3A_874, %dma_start3A_875] : memref<3x100x128xf32, #tpu.memory_space<vmem>> -> memref<1x100x128xf32, #tpu.memory_space<vmem>>
      %dma_start3A_877 = tpu.memref_squeeze %dma_start3A_876 : memref<1x100x128xf32, #tpu.memory_space<vmem>> -> memref<100x128xf32, #tpu.memory_space<vmem>>
      %dma_start3A_878 = arith.constant 0 : i32
      %dma_start3A_879 = tpu.memref_slice %arg7[%sub3A_871, %dma_start3A_878] : memref<28x100xi32, #tpu.memory_space<vmem>> -> memref<1x100xi32, #tpu.memory_space<vmem>>
      %dma_start3A_880 = tpu.memref_squeeze %dma_start3A_879 : memref<1x100xi32, #tpu.memory_space<vmem>> -> memref<100xi32, #tpu.memory_space<vmem>>
      %dma_start3A_881 = arith.constant 0 : i32
      %dma_start3A_882 = arith.constant 0 : i32
      %dma_start3A_883 = tpu.memref_slice %arg9[%dma_start3A_881, %dma_start3A_882] : memref<10240x128xf32, #tpu.memory_space<vmem_shared>> -> memref<10240x128xf32, #tpu.memory_space<vmem_shared>>
      %dma_start3A_884 = tpu.memref_slice %arg11[%dma_start3A_873] : memref<3x!tpu.dma_semaphore, #tpu.memory_space<semaphore_mem>> -> memref<1x!tpu.dma_semaphore, #tpu.memory_space<semaphore_mem>>
      %dma_start3A_885 = tpu.memref_squeeze %dma_start3A_884 : memref<1x!tpu.dma_semaphore, #tpu.memory_space<semaphore_mem>> -> memref<!tpu.dma_semaphore, #tpu.memory_space<semaphore_mem>>
      tpu.enqueue_indirect_dma source(%dma_start3A_877 : memref<100x128xf32, #tpu.memory_space<vmem>>) target(%dma_start3A_883 : memref<10240x128xf32, #tpu.memory_space<vmem_shared>>) offsets(%dma_start3A_880 : memref<100xi32, #tpu.memory_space<vmem>>) semaphore(%dma_start3A_885 : memref<!tpu.dma_semaphore, #tpu.memory_space<semaphore_mem>>) {add = true}
      %add3A_886 = arith.constant 1 : i32
      %add3A_887 = arith.addi %add3A_824, %add3A_886 : i32
      %dma_wait3A_888 = arith.constant 0 : i32
      %dma_wait3A_889 = arith.constant 0 : i32
      %dma_wait3A_890 = arith.constant 1 : i32
      %dma_wait3A_891 = arith.constant 0 : i32
      %dma_wait3A_892 = arith.constant 0 : i32
      %dma_wait3A_893 = tpu.memref_slice %arg8[%dma_wait3A_888, %dma_wait3A_891, %dma_wait3A_892] : memref<3x100x128xf32, #tpu.memory_space<vmem>> -> memref<1x100x128xf32, #tpu.memory_space<vmem>>
      %dma_wait3A_894 = tpu.memref_squeeze %dma_wait3A_893 : memref<1x100x128xf32, #tpu.memory_space<vmem>> -> memref<100x128xf32, #tpu.memory_space<vmem>>
      %dma_wait3A_895 = arith.constant 0 : i32
      %dma_wait3A_896 = tpu.memref_slice %arg7[%dma_wait3A_889, %dma_wait3A_895] : memref<28x100xi32, #tpu.memory_space<vmem>> -> memref<1x100xi32, #tpu.memory_space<vmem>>
      %dma_wait3A_897 = tpu.memref_squeeze %dma_wait3A_896 : memref<1x100xi32, #tpu.memory_space<vmem>> -> memref<100xi32, #tpu.memory_space<vmem>>
      %dma_wait3A_898 = arith.constant 0 : i32
      %dma_wait3A_899 = arith.constant 0 : i32
      %dma_wait3A_900 = tpu.memref_slice %arg9[%dma_wait3A_898, %dma_wait3A_899] : memref<10240x128xf32, #tpu.memory_space<vmem_shared>> -> memref<10240x128xf32, #tpu.memory_space<vmem_shared>>
      %dma_wait3A_901 = tpu.memref_slice %arg11[%dma_wait3A_890] : memref<3x!tpu.dma_semaphore, #tpu.memory_space<semaphore_mem>> -> memref<1x!tpu.dma_semaphore, #tpu.memory_space<semaphore_mem>>
      %dma_wait3A_902 = tpu.memref_squeeze %dma_wait3A_901 : memref<1x!tpu.dma_semaphore, #tpu.memory_space<semaphore_mem>> -> memref<!tpu.dma_semaphore, #tpu.memory_space<semaphore_mem>>
      tpu.wait_indirect_dma semaphore(%dma_wait3A_902 : memref<!tpu.dma_semaphore, #tpu.memory_space<semaphore_mem>>) src(%dma_wait3A_894 : memref<100x128xf32, #tpu.memory_space<vmem>>) dst(%dma_wait3A_900 : memref<10240x128xf32, #tpu.memory_space<vmem_shared>>)
      %dma_start3A_903 = arith.constant 1 : i32
      %dma_start3A_904 = arith.constant 1 : i32
      %dma_start3A_905 = arith.constant 0 : i32
      %dma_start3A_906 = arith.constant 0 : i32
      %dma_start3A_907 = tpu.memref_slice %arg8[%dma_start3A_903, %dma_start3A_905, %dma_start3A_906] : memref<3x100x128xf32, #tpu.memory_space<vmem>> -> memref<1x100x128xf32, #tpu.memory_space<vmem>>
      %dma_start3A_908 = tpu.memref_squeeze %dma_start3A_907 : memref<1x100x128xf32, #tpu.memory_space<vmem>> -> memref<100x128xf32, #tpu.memory_space<vmem>>
      %dma_start3A_909 = arith.constant 0 : i32
      %dma_start3A_910 = tpu.memref_slice %arg6[%add3A_887, %dma_start3A_909] : memref<28x100xi32, #tpu.memory_space<vmem>> -> memref<1x100xi32, #tpu.memory_space<vmem>>
      %dma_start3A_911 = tpu.memref_squeeze %dma_start3A_910 : memref<1x100xi32, #tpu.memory_space<vmem>> -> memref<100xi32, #tpu.memory_space<vmem>>
      %dma_start3A_912 = arith.constant 0 : i32
      %dma_start3A_913 = arith.constant 0 : i32
      %dma_start3A_914 = tpu.memref_slice %arg2[%dma_start3A_912, %dma_start3A_913] : memref<10000x128xf32, #tpu.memory_space<hbm>> -> memref<10000x128xf32, #tpu.memory_space<hbm>>
      %dma_start3A_915 = tpu.memref_slice %arg10[%dma_start3A_904] : memref<3x!tpu.dma_semaphore, #tpu.memory_space<semaphore_mem>> -> memref<1x!tpu.dma_semaphore, #tpu.memory_space<semaphore_mem>>
      %dma_start3A_916 = tpu.memref_squeeze %dma_start3A_915 : memref<1x!tpu.dma_semaphore, #tpu.memory_space<semaphore_mem>> -> memref<!tpu.dma_semaphore, #tpu.memory_space<semaphore_mem>>
      tpu.enqueue_indirect_dma source(%dma_start3A_914 : memref<10000x128xf32, #tpu.memory_space<hbm>>) target(%dma_start3A_908 : memref<100x128xf32, #tpu.memory_space<vmem>>) offsets(%dma_start3A_911 : memref<100xi32, #tpu.memory_space<vmem>>) semaphore(%dma_start3A_916 : memref<!tpu.dma_semaphore, #tpu.memory_space<semaphore_mem>>)
      %dma_wait3A_917 = arith.constant 0 : i32
      %dma_wait3A_918 = arith.constant 0 : i32
      %dma_wait3A_919 = arith.constant 0 : i32
      %dma_wait3A_920 = arith.constant 0 : i32
      %dma_wait3A_921 = arith.constant 0 : i32
      %dma_wait3A_922 = tpu.memref_slice %arg8[%dma_wait3A_917, %dma_wait3A_920, %dma_wait3A_921] : memref<3x100x128xf32, #tpu.memory_space<vmem>> -> memref<1x100x128xf32, #tpu.memory_space<vmem>>
      %dma_wait3A_923 = tpu.memref_squeeze %dma_wait3A_922 : memref<1x100x128xf32, #tpu.memory_space<vmem>> -> memref<100x128xf32, #tpu.memory_space<vmem>>
      %dma_wait3A_924 = arith.constant 0 : i32
      %dma_wait3A_925 = tpu.memref_slice %arg7[%dma_wait3A_918, %dma_wait3A_924] : memref<28x100xi32, #tpu.memory_space<vmem>> -> memref<1x100xi32, #tpu.memory_space<vmem>>
      %dma_wait3A_926 = tpu.memref_squeeze %dma_wait3A_925 : memref<1x100xi32, #tpu.memory_space<vmem>> -> memref<100xi32, #tpu.memory_space<vmem>>
      %dma_wait3A_927 = arith.constant 0 : i32
      %dma_wait3A_928 = arith.constant 0 : i32
      %dma_wait3A_929 = tpu.memref_slice %arg9[%dma_wait3A_927, %dma_wait3A_928] : memref<10240x128xf32, #tpu.memory_space<vmem_shared>> -> memref<10240x128xf32, #tpu.memory_space<vmem_shared>>
      %dma_wait3A_930 = tpu.memref_slice %arg10[%dma_wait3A_919] : memref<3x!tpu.dma_semaphore, #tpu.memory_space<semaphore_mem>> -> memref<1x!tpu.dma_semaphore, #tpu.memory_space<semaphore_mem>>
      %dma_wait3A_931 = tpu.memref_squeeze %dma_wait3A_930 : memref<1x!tpu.dma_semaphore, #tpu.memory_space<semaphore_mem>> -> memref<!tpu.dma_semaphore, #tpu.memory_space<semaphore_mem>>
      tpu.wait_indirect_dma semaphore(%dma_wait3A_931 : memref<!tpu.dma_semaphore, #tpu.memory_space<semaphore_mem>>) src(%dma_wait3A_923 : memref<100x128xf32, #tpu.memory_space<vmem>>) dst(%dma_wait3A_929 : memref<10240x128xf32, #tpu.memory_space<vmem_shared>>)
      %sub3A_932 = arith.constant 1 : i32
      %sub3A_933 = arith.subi %add3A_887, %sub3A_932 : i32
      %dma_start3A_934 = arith.constant 0 : i32
      %dma_start3A_935 = arith.constant 0 : i32
      %dma_start3A_936 = arith.constant 0 : i32
      %dma_start3A_937 = arith.constant 0 : i32
      %dma_start3A_938 = tpu.memref_slice %arg8[%dma_start3A_934, %dma_start3A_936, %dma_start3A_937] : memref<3x100x128xf32, #tpu.memory_space<vmem>> -> memref<1x100x128xf32, #tpu.memory_space<vmem>>
      %dma_start3A_939 = tpu.memref_squeeze %dma_start3A_938 : memref<1x100x128xf32, #tpu.memory_space<vmem>> -> memref<100x128xf32, #tpu.memory_space<vmem>>
      %dma_start3A_940 = arith.constant 0 : i32
      %dma_start3A_941 = tpu.memref_slice %arg7[%sub3A_933, %dma_start3A_940] : memref<28x100xi32, #tpu.memory_space<vmem>> -> memref<1x100xi32, #tpu.memory_space<vmem>>
      %dma_start3A_942 = tpu.memref_squeeze %dma_start3A_941 : memref<1x100xi32, #tpu.memory_space<vmem>> -> memref<100xi32, #tpu.memory_space<vmem>>
      %dma_start3A_943 = arith.constant 0 : i32
      %dma_start3A_944 = arith.constant 0 : i32
      %dma_start3A_945 = tpu.memref_slice %arg9[%dma_start3A_943, %dma_start3A_944] : memref<10240x128xf32, #tpu.memory_space<vmem_shared>> -> memref<10240x128xf32, #tpu.memory_space<vmem_shared>>
      %dma_start3A_946 = tpu.memref_slice %arg11[%dma_start3A_935] : memref<3x!tpu.dma_semaphore, #tpu.memory_space<semaphore_mem>> -> memref<1x!tpu.dma_semaphore, #tpu.memory_space<semaphore_mem>>
      %dma_start3A_947 = tpu.memref_squeeze %dma_start3A_946 : memref<1x!tpu.dma_semaphore, #tpu.memory_space<semaphore_mem>> -> memref<!tpu.dma_semaphore, #tpu.memory_space<semaphore_mem>>
      tpu.enqueue_indirect_dma source(%dma_start3A_939 : memref<100x128xf32, #tpu.memory_space<vmem>>) target(%dma_start3A_945 : memref<10240x128xf32, #tpu.memory_space<vmem_shared>>) offsets(%dma_start3A_942 : memref<100xi32, #tpu.memory_space<vmem>>) semaphore(%dma_start3A_947 : memref<!tpu.dma_semaphore, #tpu.memory_space<semaphore_mem>>) {add = true}
      %add3A_948 = arith.constant 2 : i32
      %add3A_949 = arith.addi %add3A_824, %add3A_948 : i32
      %dma_wait3A_950 = arith.constant 0 : i32
      %dma_wait3A_951 = arith.constant 0 : i32
      %dma_wait3A_952 = arith.constant 2 : i32
      %dma_wait3A_953 = arith.constant 0 : i32
      %dma_wait3A_954 = arith.constant 0 : i32
      %dma_wait3A_955 = tpu.memref_slice %arg8[%dma_wait3A_950, %dma_wait3A_953, %dma_wait3A_954] : memref<3x100x128xf32, #tpu.memory_space<vmem>> -> memref<1x100x128xf32, #tpu.memory_space<vmem>>
      %dma_wait3A_956 = tpu.memref_squeeze %dma_wait3A_955 : memref<1x100x128xf32, #tpu.memory_space<vmem>> -> memref<100x128xf32, #tpu.memory_space<vmem>>
      %dma_wait3A_957 = arith.constant 0 : i32
      %dma_wait3A_958 = tpu.memref_slice %arg7[%dma_wait3A_951, %dma_wait3A_957] : memref<28x100xi32, #tpu.memory_space<vmem>> -> memref<1x100xi32, #tpu.memory_space<vmem>>
      %dma_wait3A_959 = tpu.memref_squeeze %dma_wait3A_958 : memref<1x100xi32, #tpu.memory_space<vmem>> -> memref<100xi32, #tpu.memory_space<vmem>>
      %dma_wait3A_960 = arith.constant 0 : i32
      %dma_wait3A_961 = arith.constant 0 : i32
      %dma_wait3A_962 = tpu.memref_slice %arg9[%dma_wait3A_960, %dma_wait3A_961] : memref<10240x128xf32, #tpu.memory_space<vmem_shared>> -> memref<10240x128xf32, #tpu.memory_space<vmem_shared>>
      %dma_wait3A_963 = tpu.memref_slice %arg11[%dma_wait3A_952] : memref<3x!tpu.dma_semaphore, #tpu.memory_space<semaphore_mem>> -> memref<1x!tpu.dma_semaphore, #tpu.memory_space<semaphore_mem>>
      %dma_wait3A_964 = tpu.memref_squeeze %dma_wait3A_963 : memref<1x!tpu.dma_semaphore, #tpu.memory_space<semaphore_mem>> -> memref<!tpu.dma_semaphore, #tpu.memory_space<semaphore_mem>>
      tpu.wait_indirect_dma semaphore(%dma_wait3A_964 : memref<!tpu.dma_semaphore, #tpu.memory_space<semaphore_mem>>) src(%dma_wait3A_956 : memref<100x128xf32, #tpu.memory_space<vmem>>) dst(%dma_wait3A_962 : memref<10240x128xf32, #tpu.memory_space<vmem_shared>>)
      %dma_start3A_965 = arith.constant 2 : i32
      %dma_start3A_966 = arith.constant 2 : i32
      %dma_start3A_967 = arith.constant 0 : i32
      %dma_start3A_968 = arith.constant 0 : i32
      %dma_start3A_969 = tpu.memref_slice %arg8[%dma_start3A_965, %dma_start3A_967, %dma_start3A_968] : memref<3x100x128xf32, #tpu.memory_space<vmem>> -> memref<1x100x128xf32, #tpu.memory_space<vmem>>
      %dma_start3A_970 = tpu.memref_squeeze %dma_start3A_969 : memref<1x100x128xf32, #tpu.memory_space<vmem>> -> memref<100x128xf32, #tpu.memory_space<vmem>>
      %dma_start3A_971 = arith.constant 0 : i32
      %dma_start3A_972 = tpu.memref_slice %arg6[%add3A_949, %dma_start3A_971] : memref<28x100xi32, #tpu.memory_space<vmem>> -> memref<1x100xi32, #tpu.memory_space<vmem>>
      %dma_start3A_973 = tpu.memref_squeeze %dma_start3A_972 : memref<1x100xi32, #tpu.memory_space<vmem>> -> memref<100xi32, #tpu.memory_space<vmem>>
      %dma_start3A_974 = arith.constant 0 : i32
      %dma_start3A_975 = arith.constant 0 : i32
      %dma_start3A_976 = tpu.memref_slice %arg2[%dma_start3A_974, %dma_start3A_975] : memref<10000x128xf32, #tpu.memory_space<hbm>> -> memref<10000x128xf32, #tpu.memory_space<hbm>>
      %dma_start3A_977 = tpu.memref_slice %arg10[%dma_start3A_966] : memref<3x!tpu.dma_semaphore, #tpu.memory_space<semaphore_mem>> -> memref<1x!tpu.dma_semaphore, #tpu.memory_space<semaphore_mem>>
      %dma_start3A_978 = tpu.memref_squeeze %dma_start3A_977 : memref<1x!tpu.dma_semaphore, #tpu.memory_space<semaphore_mem>> -> memref<!tpu.dma_semaphore, #tpu.memory_space<semaphore_mem>>
      tpu.enqueue_indirect_dma source(%dma_start3A_976 : memref<10000x128xf32, #tpu.memory_space<hbm>>) target(%dma_start3A_970 : memref<100x128xf32, #tpu.memory_space<vmem>>) offsets(%dma_start3A_973 : memref<100xi32, #tpu.memory_space<vmem>>) semaphore(%dma_start3A_978 : memref<!tpu.dma_semaphore, #tpu.memory_space<semaphore_mem>>)
      %dma_wait3A_979 = arith.constant 0 : i32
      %dma_wait3A_980 = arith.constant 0 : i32
      %dma_wait3A_981 = arith.constant 1 : i32
      %dma_wait3A_982 = arith.constant 0 : i32
      %dma_wait3A_983 = arith.constant 0 : i32
      %dma_wait3A_984 = tpu.memref_slice %arg8[%dma_wait3A_979, %dma_wait3A_982, %dma_wait3A_983] : memref<3x100x128xf32, #tpu.memory_space<vmem>> -> memref<1x100x128xf32, #tpu.memory_space<vmem>>
      %dma_wait3A_985 = tpu.memref_squeeze %dma_wait3A_984 : memref<1x100x128xf32, #tpu.memory_space<vmem>> -> memref<100x128xf32, #tpu.memory_space<vmem>>
      %dma_wait3A_986 = arith.constant 0 : i32
      %dma_wait3A_987 = tpu.memref_slice %arg7[%dma_wait3A_980, %dma_wait3A_986] : memref<28x100xi32, #tpu.memory_space<vmem>> -> memref<1x100xi32, #tpu.memory_space<vmem>>
      %dma_wait3A_988 = tpu.memref_squeeze %dma_wait3A_987 : memref<1x100xi32, #tpu.memory_space<vmem>> -> memref<100xi32, #tpu.memory_space<vmem>>
      %dma_wait3A_989 = arith.constant 0 : i32
      %dma_wait3A_990 = arith.constant 0 : i32
      %dma_wait3A_991 = tpu.memref_slice %arg9[%dma_wait3A_989, %dma_wait3A_990] : memref<10240x128xf32, #tpu.memory_space<vmem_shared>> -> memref<10240x128xf32, #tpu.memory_space<vmem_shared>>
      %dma_wait3A_992 = tpu.memref_slice %arg10[%dma_wait3A_981] : memref<3x!tpu.dma_semaphore, #tpu.memory_space<semaphore_mem>> -> memref<1x!tpu.dma_semaphore, #tpu.memory_space<semaphore_mem>>
      %dma_wait3A_993 = tpu.memref_squeeze %dma_wait3A_992 : memref<1x!tpu.dma_semaphore, #tpu.memory_space<semaphore_mem>> -> memref<!tpu.dma_semaphore, #tpu.memory_space<semaphore_mem>>
      tpu.wait_indirect_dma semaphore(%dma_wait3A_993 : memref<!tpu.dma_semaphore, #tpu.memory_space<semaphore_mem>>) src(%dma_wait3A_985 : memref<100x128xf32, #tpu.memory_space<vmem>>) dst(%dma_wait3A_991 : memref<10240x128xf32, #tpu.memory_space<vmem_shared>>)
      %sub3A_994 = arith.constant 1 : i32
      %sub3A_995 = arith.subi %add3A_949, %sub3A_994 : i32
      %dma_start3A_996 = arith.constant 1 : i32
      %dma_start3A_997 = arith.constant 1 : i32
      %dma_start3A_998 = arith.constant 0 : i32
      %dma_start3A_999 = arith.constant 0 : i32
      %dma_start3A_1000 = tpu.memref_slice %arg8[%dma_start3A_996, %dma_start3A_998, %dma_start3A_999] : memref<3x100x128xf32, #tpu.memory_space<vmem>> -> memref<1x100x128xf32, #tpu.memory_space<vmem>>
      %dma_start3A_1001 = tpu.memref_squeeze %dma_start3A_1000 : memref<1x100x128xf32, #tpu.memory_space<vmem>> -> memref<100x128xf32, #tpu.memory_space<vmem>>
      %dma_start3A_1002 = arith.constant 0 : i32
      %dma_start3A_1003 = tpu.memref_slice %arg7[%sub3A_995, %dma_start3A_1002] : memref<28x100xi32, #tpu.memory_space<vmem>> -> memref<1x100xi32, #tpu.memory_space<vmem>>
      %dma_start3A_1004 = tpu.memref_squeeze %dma_start3A_1003 : memref<1x100xi32, #tpu.memory_space<vmem>> -> memref<100xi32, #tpu.memory_space<vmem>>
      %dma_start3A_1005 = arith.constant 0 : i32
      %dma_start3A_1006 = arith.constant 0 : i32
      %dma_start3A_1007 = tpu.memref_slice %arg9[%dma_start3A_1005, %dma_start3A_1006] : memref<10240x128xf32, #tpu.memory_space<vmem_shared>> -> memref<10240x128xf32, #tpu.memory_space<vmem_shared>>
      %dma_start3A_1008 = tpu.memref_slice %arg11[%dma_start3A_997] : memref<3x!tpu.dma_semaphore, #tpu.memory_space<semaphore_mem>> -> memref<1x!tpu.dma_semaphore, #tpu.memory_space<semaphore_mem>>
      %dma_start3A_1009 = tpu.memref_squeeze %dma_start3A_1008 : memref<1x!tpu.dma_semaphore, #tpu.memory_space<semaphore_mem>> -> memref<!tpu.dma_semaphore, #tpu.memory_space<semaphore_mem>>
      tpu.enqueue_indirect_dma source(%dma_start3A_1001 : memref<100x128xf32, #tpu.memory_space<vmem>>) target(%dma_start3A_1007 : memref<10240x128xf32, #tpu.memory_space<vmem_shared>>) offsets(%dma_start3A_1004 : memref<100xi32, #tpu.memory_space<vmem>>) semaphore(%dma_start3A_1009 : memref<!tpu.dma_semaphore, #tpu.memory_space<semaphore_mem>>) {add = true}
    }
    %scan3A_491 = arith.constant 7 : i32
    %dma_wait3A_492 = arith.constant 0 : i32
    %dma_wait3A_493 = arith.constant 0 : i32
    %dma_wait3A_494 = arith.constant 2 : i32
    %dma_wait3A_495 = arith.constant 0 : i32
    %dma_wait3A_496 = arith.constant 0 : i32
    %dma_wait3A_497 = tpu.memref_slice %arg8[%dma_wait3A_492, %dma_wait3A_495, %dma_wait3A_496] : memref<3x100x128xf32, #tpu.memory_space<vmem>> -> memref<1x100x128xf32, #tpu.memory_space<vmem>>
    %dma_wait3A_498 = tpu.memref_squeeze %dma_wait3A_497 : memref<1x100x128xf32, #tpu.memory_space<vmem>> -> memref<100x128xf32, #tpu.memory_space<vmem>>
    %dma_wait3A_499 = arith.constant 0 : i32
    %dma_wait3A_500 = tpu.memref_slice %arg7[%dma_wait3A_493, %dma_wait3A_499] : memref<28x100xi32, #tpu.memory_space<vmem>> -> memref<1x100xi32, #tpu.memory_space<vmem>>
    %dma_wait3A_501 = tpu.memref_squeeze %dma_wait3A_500 : memref<1x100xi32, #tpu.memory_space<vmem>> -> memref<100xi32, #tpu.memory_space<vmem>>
    %dma_wait3A_502 = arith.constant 0 : i32
    %dma_wait3A_503 = arith.constant 0 : i32
    %dma_wait3A_504 = tpu.memref_slice %arg9[%dma_wait3A_502, %dma_wait3A_503] : memref<10240x128xf32, #tpu.memory_space<vmem_shared>> -> memref<10240x128xf32, #tpu.memory_space<vmem_shared>>
    %dma_wait3A_505 = tpu.memref_slice %arg10[%dma_wait3A_494] : memref<3x!tpu.dma_semaphore, #tpu.memory_space<semaphore_mem>> -> memref<1x!tpu.dma_semaphore, #tpu.memory_space<semaphore_mem>>
    %dma_wait3A_506 = tpu.memref_squeeze %dma_wait3A_505 : memref<1x!tpu.dma_semaphore, #tpu.memory_space<semaphore_mem>> -> memref<!tpu.dma_semaphore, #tpu.memory_space<semaphore_mem>>
    tpu.wait_indirect_dma semaphore(%dma_wait3A_506 : memref<!tpu.dma_semaphore, #tpu.memory_space<semaphore_mem>>) src(%dma_wait3A_498 : memref<100x128xf32, #tpu.memory_space<vmem>>) dst(%dma_wait3A_504 : memref<10240x128xf32, #tpu.memory_space<vmem_shared>>)
    %dma_start3A_507 = arith.constant 2 : i32
    %dma_start3A_508 = arith.constant 23 : i32
    %dma_start3A_509 = arith.constant 2 : i32
    %dma_start3A_510 = arith.constant 0 : i32
    %dma_start3A_511 = arith.constant 0 : i32
    %dma_start3A_512 = tpu.memref_slice %arg8[%dma_start3A_507, %dma_start3A_510, %dma_start3A_511] : memref<3x100x128xf32, #tpu.memory_space<vmem>> -> memref<1x100x128xf32, #tpu.memory_space<vmem>>
    %dma_start3A_513 = tpu.memref_squeeze %dma_start3A_512 : memref<1x100x128xf32, #tpu.memory_space<vmem>> -> memref<100x128xf32, #tpu.memory_space<vmem>>
    %dma_start3A_514 = arith.constant 0 : i32
    %dma_start3A_515 = tpu.memref_slice %arg7[%dma_start3A_508, %dma_start3A_514] : memref<28x100xi32, #tpu.memory_space<vmem>> -> memref<1x100xi32, #tpu.memory_space<vmem>>
    %dma_start3A_516 = tpu.memref_squeeze %dma_start3A_515 : memref<1x100xi32, #tpu.memory_space<vmem>> -> memref<100xi32, #tpu.memory_space<vmem>>
    %dma_start3A_517 = arith.constant 0 : i32
    %dma_start3A_518 = arith.constant 0 : i32
    %dma_start3A_519 = tpu.memref_slice %arg9[%dma_start3A_517, %dma_start3A_518] : memref<10240x128xf32, #tpu.memory_space<vmem_shared>> -> memref<10240x128xf32, #tpu.memory_space<vmem_shared>>
    %dma_start3A_520 = tpu.memref_slice %arg11[%dma_start3A_509] : memref<3x!tpu.dma_semaphore, #tpu.memory_space<semaphore_mem>> -> memref<1x!tpu.dma_semaphore, #tpu.memory_space<semaphore_mem>>
    %dma_start3A_521 = tpu.memref_squeeze %dma_start3A_520 : memref<1x!tpu.dma_semaphore, #tpu.memory_space<semaphore_mem>> -> memref<!tpu.dma_semaphore, #tpu.memory_space<semaphore_mem>>
    tpu.enqueue_indirect_dma source(%dma_start3A_513 : memref<100x128xf32, #tpu.memory_space<vmem>>) target(%dma_start3A_519 : memref<10240x128xf32, #tpu.memory_space<vmem_shared>>) offsets(%dma_start3A_516 : memref<100xi32, #tpu.memory_space<vmem>>) semaphore(%dma_start3A_521 : memref<!tpu.dma_semaphore, #tpu.memory_space<semaphore_mem>>) {add = true}
    %dma_wait3A_522 = arith.constant 0 : i32
    %dma_wait3A_523 = arith.constant 0 : i32
    %dma_wait3A_524 = arith.constant 0 : i32
    %dma_wait3A_525 = arith.constant 0 : i32
    %dma_wait3A_526 = arith.constant 0 : i32
    %dma_wait3A_527 = tpu.memref_slice %arg8[%dma_wait3A_522, %dma_wait3A_525, %dma_wait3A_526] : memref<3x100x128xf32, #tpu.memory_space<vmem>> -> memref<1x100x128xf32, #tpu.memory_space<vmem>>
    %dma_wait3A_528 = tpu.memref_squeeze %dma_wait3A_527 : memref<1x100x128xf32, #tpu.memory_space<vmem>> -> memref<100x128xf32, #tpu.memory_space<vmem>>
    %dma_wait3A_529 = arith.constant 0 : i32
    %dma_wait3A_530 = tpu.memref_slice %arg7[%dma_wait3A_523, %dma_wait3A_529] : memref<28x100xi32, #tpu.memory_space<vmem>> -> memref<1x100xi32, #tpu.memory_space<vmem>>
    %dma_wait3A_531 = tpu.memref_squeeze %dma_wait3A_530 : memref<1x100xi32, #tpu.memory_space<vmem>> -> memref<100xi32, #tpu.memory_space<vmem>>
    %dma_wait3A_532 = arith.constant 0 : i32
    %dma_wait3A_533 = arith.constant 0 : i32
    %dma_wait3A_534 = tpu.memref_slice %arg9[%dma_wait3A_532, %dma_wait3A_533] : memref<10240x128xf32, #tpu.memory_space<vmem_shared>> -> memref<10240x128xf32, #tpu.memory_space<vmem_shared>>
    %dma_wait3A_535 = tpu.memref_slice %arg11[%dma_wait3A_524] : memref<3x!tpu.dma_semaphore, #tpu.memory_space<semaphore_mem>> -> memref<1x!tpu.dma_semaphore, #tpu.memory_space<semaphore_mem>>
    %dma_wait3A_536 = tpu.memref_squeeze %dma_wait3A_535 : memref<1x!tpu.dma_semaphore, #tpu.memory_space<semaphore_mem>> -> memref<!tpu.dma_semaphore, #tpu.memory_space<semaphore_mem>>
    tpu.wait_indirect_dma semaphore(%dma_wait3A_536 : memref<!tpu.dma_semaphore, #tpu.memory_space<semaphore_mem>>) src(%dma_wait3A_528 : memref<100x128xf32, #tpu.memory_space<vmem>>) dst(%dma_wait3A_534 : memref<10240x128xf32, #tpu.memory_space<vmem_shared>>)
    %dma_wait3A_537 = arith.constant 0 : i32
    %dma_wait3A_538 = arith.constant 0 : i32
    %dma_wait3A_539 = arith.constant 1 : i32
    %dma_wait3A_540 = arith.constant 0 : i32
    %dma_wait3A_541 = arith.constant 0 : i32
    %dma_wait3A_542 = tpu.memref_slice %arg8[%dma_wait3A_537, %dma_wait3A_540, %dma_wait3A_541] : memref<3x100x128xf32, #tpu.memory_space<vmem>> -> memref<1x100x128xf32, #tpu.memory_space<vmem>>
    %dma_wait3A_543 = tpu.memref_squeeze %dma_wait3A_542 : memref<1x100x128xf32, #tpu.memory_space<vmem>> -> memref<100x128xf32, #tpu.memory_space<vmem>>
    %dma_wait3A_544 = arith.constant 0 : i32
    %dma_wait3A_545 = tpu.memref_slice %arg7[%dma_wait3A_538, %dma_wait3A_544] : memref<28x100xi32, #tpu.memory_space<vmem>> -> memref<1x100xi32, #tpu.memory_space<vmem>>
    %dma_wait3A_546 = tpu.memref_squeeze %dma_wait3A_545 : memref<1x100xi32, #tpu.memory_space<vmem>> -> memref<100xi32, #tpu.memory_space<vmem>>
    %dma_wait3A_547 = arith.constant 0 : i32
    %dma_wait3A_548 = arith.constant 0 : i32
    %dma_wait3A_549 = tpu.memref_slice %arg9[%dma_wait3A_547, %dma_wait3A_548] : memref<10240x128xf32, #tpu.memory_space<vmem_shared>> -> memref<10240x128xf32, #tpu.memory_space<vmem_shared>>
    %dma_wait3A_550 = tpu.memref_slice %arg11[%dma_wait3A_539] : memref<3x!tpu.dma_semaphore, #tpu.memory_space<semaphore_mem>> -> memref<1x!tpu.dma_semaphore, #tpu.memory_space<semaphore_mem>>
    %dma_wait3A_551 = tpu.memref_squeeze %dma_wait3A_550 : memref<1x!tpu.dma_semaphore, #tpu.memory_space<semaphore_mem>> -> memref<!tpu.dma_semaphore, #tpu.memory_space<semaphore_mem>>
    tpu.wait_indirect_dma semaphore(%dma_wait3A_551 : memref<!tpu.dma_semaphore, #tpu.memory_space<semaphore_mem>>) src(%dma_wait3A_543 : memref<100x128xf32, #tpu.memory_space<vmem>>) dst(%dma_wait3A_549 : memref<10240x128xf32, #tpu.memory_space<vmem_shared>>)
    %dma_wait3A_552 = arith.constant 0 : i32
    %dma_wait3A_553 = arith.constant 0 : i32
    %dma_wait3A_554 = arith.constant 2 : i32
    %dma_wait3A_555 = arith.constant 0 : i32
    %dma_wait3A_556 = arith.constant 0 : i32
    %dma_wait3A_557 = tpu.memref_slice %arg8[%dma_wait3A_552, %dma_wait3A_555, %dma_wait3A_556] : memref<3x100x128xf32, #tpu.memory_space<vmem>> -> memref<1x100x128xf32, #tpu.memory_space<vmem>>
    %dma_wait3A_558 = tpu.memref_squeeze %dma_wait3A_557 : memref<1x100x128xf32, #tpu.memory_space<vmem>> -> memref<100x128xf32, #tpu.memory_space<vmem>>
    %dma_wait3A_559 = arith.constant 0 : i32
    %dma_wait3A_560 = tpu.memref_slice %arg7[%dma_wait3A_553, %dma_wait3A_559] : memref<28x100xi32, #tpu.memory_space<vmem>> -> memref<1x100xi32, #tpu.memory_space<vmem>>
    %dma_wait3A_561 = tpu.memref_squeeze %dma_wait3A_560 : memref<1x100xi32, #tpu.memory_space<vmem>> -> memref<100xi32, #tpu.memory_space<vmem>>
    %dma_wait3A_562 = arith.constant 0 : i32
    %dma_wait3A_563 = arith.constant 0 : i32
    %dma_wait3A_564 = tpu.memref_slice %arg9[%dma_wait3A_562, %dma_wait3A_563] : memref<10240x128xf32, #tpu.memory_space<vmem_shared>> -> memref<10240x128xf32, #tpu.memory_space<vmem_shared>>
    %dma_wait3A_565 = tpu.memref_slice %arg11[%dma_wait3A_554] : memref<3x!tpu.dma_semaphore, #tpu.memory_space<semaphore_mem>> -> memref<1x!tpu.dma_semaphore, #tpu.memory_space<semaphore_mem>>
    %dma_wait3A_566 = tpu.memref_squeeze %dma_wait3A_565 : memref<1x!tpu.dma_semaphore, #tpu.memory_space<semaphore_mem>> -> memref<!tpu.dma_semaphore, #tpu.memory_space<semaphore_mem>>
    tpu.wait_indirect_dma semaphore(%dma_wait3A_566 : memref<!tpu.dma_semaphore, #tpu.memory_space<semaphore_mem>>) src(%dma_wait3A_558 : memref<100x128xf32, #tpu.memory_space<vmem>>) dst(%dma_wait3A_564 : memref<10240x128xf32, #tpu.memory_space<vmem_shared>>)
    %run_scoped3A_567 = arith.constant 0 : i32
    "tpu.region"() ({
      %run_scoped3A_820 = tpu.sem_alloc : memref<!tpu.dma_semaphore, #tpu.memory_space<semaphore_mem>>
      %dma_start3A_821 = arith.constant 0 : i32
      %dma_start3A_822 = arith.constant 0 : i32
      %dma_start3A_823 = tpu.memref_slice %arg6[%dma_start3A_821, %dma_start3A_822] : memref<28x100xi32, #tpu.memory_space<vmem>> -> memref<28x100xi32, #tpu.memory_space<vmem>>
      %dma_start3A_824 = arith.constant 72 : i32
      %dma_start3A_825 = arith.constant 0 : i32
      %dma_start3A_826 = tpu.memref_slice %arg3[%run_scoped3A_567, %add3A, %dma_start3A_824, %dma_start3A_825] : memref<2x32x100x100xi32, #tpu.memory_space<hbm>> -> memref<1x1x28x100xi32, #tpu.memory_space<hbm>>
      %dma_start3A_827 = tpu.memref_squeeze %dma_start3A_826 : memref<1x1x28x100xi32, #tpu.memory_space<hbm>> -> memref<28x100xi32, #tpu.memory_space<hbm>>
      %dma_start3A_828 = arith.constant 0 : i32
      %dma_start3A_829 = arith.constant 0 : i32
      %dma_start3A_830 = tpu.memref_slice %arg6[%dma_start3A_828, %dma_start3A_829] : memref<28x100xi32, #tpu.memory_space<vmem>> -> memref<28x100xi32, #tpu.memory_space<vmem>>
      %dma_start3A_831 = arith.constant 72 : i32
      %dma_start3A_832 = arith.constant 0 : i32
      %dma_start3A_833 = tpu.memref_slice %arg3[%run_scoped3A_567, %add3A, %dma_start3A_831, %dma_start3A_832] : memref<2x32x100x100xi32, #tpu.memory_space<hbm>> -> memref<1x1x28x100xi32, #tpu.memory_space<hbm>>
      %dma_start3A_834 = tpu.memref_squeeze %dma_start3A_833 : memref<1x1x28x100xi32, #tpu.memory_space<hbm>> -> memref<28x100xi32, #tpu.memory_space<hbm>>
      tpu.enqueue_dma source(%dma_start3A_834 : memref<28x100xi32, #tpu.memory_space<hbm>>) target(%dma_start3A_830 : memref<28x100xi32, #tpu.memory_space<vmem>>) target_semaphore(%run_scoped3A_820 : memref<!tpu.dma_semaphore, #tpu.memory_space<semaphore_mem>>)
      %dma_wait3A_835 = arith.constant 0 : i32
      %dma_wait3A_836 = arith.constant 0 : i32
      %dma_wait3A_837 = tpu.memref_slice %arg6[%dma_wait3A_835, %dma_wait3A_836] : memref<28x100xi32, #tpu.memory_space<vmem>> -> memref<28x100xi32, #tpu.memory_space<vmem>>
      %dma_wait3A_838 = arith.constant 72 : i32
      %dma_wait3A_839 = arith.constant 0 : i32
      %dma_wait3A_840 = tpu.memref_slice %arg3[%run_scoped3A_567, %add3A, %dma_wait3A_838, %dma_wait3A_839] : memref<2x32x100x100xi32, #tpu.memory_space<hbm>> -> memref<1x1x28x100xi32, #tpu.memory_space<hbm>>
      %dma_wait3A_841 = tpu.memref_squeeze %dma_wait3A_840 : memref<1x1x28x100xi32, #tpu.memory_space<hbm>> -> memref<28x100xi32, #tpu.memory_space<hbm>>
      %dma_wait3A_842 = arith.constant 0 : i32
      %dma_wait3A_843 = arith.constant 0 : i32
      %dma_wait3A_844 = tpu.memref_slice %arg6[%dma_wait3A_842, %dma_wait3A_843] : memref<28x100xi32, #tpu.memory_space<vmem>> -> memref<28x100xi32, #tpu.memory_space<vmem>>
      %dma_wait3A_845 = arith.constant 72 : i32
      %dma_wait3A_846 = arith.constant 0 : i32
      %dma_wait3A_847 = tpu.memref_slice %arg3[%run_scoped3A_567, %add3A, %dma_wait3A_845, %dma_wait3A_846] : memref<2x32x100x100xi32, #tpu.memory_space<hbm>> -> memref<1x1x28x100xi32, #tpu.memory_space<hbm>>
      %dma_wait3A_848 = tpu.memref_squeeze %dma_wait3A_847 : memref<1x1x28x100xi32, #tpu.memory_space<hbm>> -> memref<28x100xi32, #tpu.memory_space<hbm>>
      tpu.wait_dma2 semaphore(%run_scoped3A_820 : memref<!tpu.dma_semaphore, #tpu.memory_space<semaphore_mem>>) src(%dma_wait3A_848 : memref<28x100xi32, #tpu.memory_space<hbm>>) dst(%dma_wait3A_844 : memref<28x100xi32, #tpu.memory_space<vmem>>)
      tpu.yield
    }) : () -> ()
    %run_scoped3A_568 = arith.constant 1 : i32
    "tpu.region"() ({
      %run_scoped3A_820 = tpu.sem_alloc : memref<!tpu.dma_semaphore, #tpu.memory_space<semaphore_mem>>
      %dma_start3A_821 = arith.constant 0 : i32
      %dma_start3A_822 = arith.constant 0 : i32
      %dma_start3A_823 = tpu.memref_slice %arg7[%dma_start3A_821, %dma_start3A_822] : memref<28x100xi32, #tpu.memory_space<vmem>> -> memref<28x100xi32, #tpu.memory_space<vmem>>
      %dma_start3A_824 = arith.constant 72 : i32
      %dma_start3A_825 = arith.constant 0 : i32
      %dma_start3A_826 = tpu.memref_slice %arg3[%run_scoped3A_568, %add3A, %dma_start3A_824, %dma_start3A_825] : memref<2x32x100x100xi32, #tpu.memory_space<hbm>> -> memref<1x1x28x100xi32, #tpu.memory_space<hbm>>
      %dma_start3A_827 = tpu.memref_squeeze %dma_start3A_826 : memref<1x1x28x100xi32, #tpu.memory_space<hbm>> -> memref<28x100xi32, #tpu.memory_space<hbm>>
      %dma_start3A_828 = arith.constant 0 : i32
      %dma_start3A_829 = arith.constant 0 : i32
      %dma_start3A_830 = tpu.memref_slice %arg7[%dma_start3A_828, %dma_start3A_829] : memref<28x100xi32, #tpu.memory_space<vmem>> -> memref<28x100xi32, #tpu.memory_space<vmem>>
      %dma_start3A_831 = arith.constant 72 : i32
      %dma_start3A_832 = arith.constant 0 : i32
      %dma_start3A_833 = tpu.memref_slice %arg3[%run_scoped3A_568, %add3A, %dma_start3A_831, %dma_start3A_832] : memref<2x32x100x100xi32, #tpu.memory_space<hbm>> -> memref<1x1x28x100xi32, #tpu.memory_space<hbm>>
      %dma_start3A_834 = tpu.memref_squeeze %dma_start3A_833 : memref<1x1x28x100xi32, #tpu.memory_space<hbm>> -> memref<28x100xi32, #tpu.memory_space<hbm>>
      tpu.enqueue_dma source(%dma_start3A_834 : memref<28x100xi32, #tpu.memory_space<hbm>>) target(%dma_start3A_830 : memref<28x100xi32, #tpu.memory_space<vmem>>) target_semaphore(%run_scoped3A_820 : memref<!tpu.dma_semaphore, #tpu.memory_space<semaphore_mem>>)
      %dma_wait3A_835 = arith.constant 0 : i32
      %dma_wait3A_836 = arith.constant 0 : i32
      %dma_wait3A_837 = tpu.memref_slice %arg7[%dma_wait3A_835, %dma_wait3A_836] : memref<28x100xi32, #tpu.memory_space<vmem>> -> memref<28x100xi32, #tpu.memory_space<vmem>>
      %dma_wait3A_838 = arith.constant 72 : i32
      %dma_wait3A_839 = arith.constant 0 : i32
      %dma_wait3A_840 = tpu.memref_slice %arg3[%run_scoped3A_568, %add3A, %dma_wait3A_838, %dma_wait3A_839] : memref<2x32x100x100xi32, #tpu.memory_space<hbm>> -> memref<1x1x28x100xi32, #tpu.memory_space<hbm>>
      %dma_wait3A_841 = tpu.memref_squeeze %dma_wait3A_840 : memref<1x1x28x100xi32, #tpu.memory_space<hbm>> -> memref<28x100xi32, #tpu.memory_space<hbm>>
      %dma_wait3A_842 = arith.constant 0 : i32
      %dma_wait3A_843 = arith.constant 0 : i32
      %dma_wait3A_844 = tpu.memref_slice %arg7[%dma_wait3A_842, %dma_wait3A_843] : memref<28x100xi32, #tpu.memory_space<vmem>> -> memref<28x100xi32, #tpu.memory_space<vmem>>
      %dma_wait3A_845 = arith.constant 72 : i32
      %dma_wait3A_846 = arith.constant 0 : i32
      %dma_wait3A_847 = tpu.memref_slice %arg3[%run_scoped3A_568, %add3A, %dma_wait3A_845, %dma_wait3A_846] : memref<2x32x100x100xi32, #tpu.memory_space<hbm>> -> memref<1x1x28x100xi32, #tpu.memory_space<hbm>>
      %dma_wait3A_848 = tpu.memref_squeeze %dma_wait3A_847 : memref<1x1x28x100xi32, #tpu.memory_space<hbm>> -> memref<28x100xi32, #tpu.memory_space<hbm>>
      tpu.wait_dma2 semaphore(%run_scoped3A_820 : memref<!tpu.dma_semaphore, #tpu.memory_space<semaphore_mem>>) src(%dma_wait3A_848 : memref<28x100xi32, #tpu.memory_space<hbm>>) dst(%dma_wait3A_844 : memref<28x100xi32, #tpu.memory_space<vmem>>)
      tpu.yield
    }) : () -> ()
    %dma_start3A_569 = arith.constant 0 : i32
    %dma_start3A_570 = arith.constant 0 : i32
    %dma_start3A_571 = arith.constant 0 : i32
    %dma_start3A_572 = arith.constant 0 : i32
    %dma_start3A_573 = arith.constant 0 : i32
    %dma_start3A_574 = tpu.memref_slice %arg8[%dma_start3A_570, %dma_start3A_572, %dma_start3A_573] : memref<3x100x128xf32, #tpu.memory_space<vmem>> -> memref<1x100x128xf32, #tpu.memory_space<vmem>>
    %dma_start3A_575 = tpu.memref_squeeze %dma_start3A_574 : memref<1x100x128xf32, #tpu.memory_space<vmem>> -> memref<100x128xf32, #tpu.memory_space<vmem>>
    %dma_start3A_576 = arith.constant 0 : i32
    %dma_start3A_577 = tpu.memref_slice %arg6[%dma_start3A_569, %dma_start3A_576] : memref<28x100xi32, #tpu.memory_space<vmem>> -> memref<1x100xi32, #tpu.memory_space<vmem>>
    %dma_start3A_578 = tpu.memref_squeeze %dma_start3A_577 : memref<1x100xi32, #tpu.memory_space<vmem>> -> memref<100xi32, #tpu.memory_space<vmem>>
    %dma_start3A_579 = arith.constant 0 : i32
    %dma_start3A_580 = arith.constant 0 : i32
    %dma_start3A_581 = tpu.memref_slice %arg2[%dma_start3A_579, %dma_start3A_580] : memref<10000x128xf32, #tpu.memory_space<hbm>> -> memref<10000x128xf32, #tpu.memory_space<hbm>>
    %dma_start3A_582 = tpu.memref_slice %arg10[%dma_start3A_571] : memref<3x!tpu.dma_semaphore, #tpu.memory_space<semaphore_mem>> -> memref<1x!tpu.dma_semaphore, #tpu.memory_space<semaphore_mem>>
    %dma_start3A_583 = tpu.memref_squeeze %dma_start3A_582 : memref<1x!tpu.dma_semaphore, #tpu.memory_space<semaphore_mem>> -> memref<!tpu.dma_semaphore, #tpu.memory_space<semaphore_mem>>
    tpu.enqueue_indirect_dma source(%dma_start3A_581 : memref<10000x128xf32, #tpu.memory_space<hbm>>) target(%dma_start3A_575 : memref<100x128xf32, #tpu.memory_space<vmem>>) offsets(%dma_start3A_578 : memref<100xi32, #tpu.memory_space<vmem>>) semaphore(%dma_start3A_583 : memref<!tpu.dma_semaphore, #tpu.memory_space<semaphore_mem>>)
    %dma_start3A_584 = arith.constant 1 : i32
    %dma_start3A_585 = arith.constant 1 : i32
    %dma_start3A_586 = arith.constant 1 : i32
    %dma_start3A_587 = arith.constant 0 : i32
    %dma_start3A_588 = arith.constant 0 : i32
    %dma_start3A_589 = tpu.memref_slice %arg8[%dma_start3A_585, %dma_start3A_587, %dma_start3A_588] : memref<3x100x128xf32, #tpu.memory_space<vmem>> -> memref<1x100x128xf32, #tpu.memory_space<vmem>>
    %dma_start3A_590 = tpu.memref_squeeze %dma_start3A_589 : memref<1x100x128xf32, #tpu.memory_space<vmem>> -> memref<100x128xf32, #tpu.memory_space<vmem>>
    %dma_start3A_591 = arith.constant 0 : i32
    %dma_start3A_592 = tpu.memref_slice %arg6[%dma_start3A_584, %dma_start3A_591] : memref<28x100xi32, #tpu.memory_space<vmem>> -> memref<1x100xi32, #tpu.memory_space<vmem>>
    %dma_start3A_593 = tpu.memref_squeeze %dma_start3A_592 : memref<1x100xi32, #tpu.memory_space<vmem>> -> memref<100xi32, #tpu.memory_space<vmem>>
    %dma_start3A_594 = arith.constant 0 : i32
    %dma_start3A_595 = arith.constant 0 : i32
    %dma_start3A_596 = tpu.memref_slice %arg2[%dma_start3A_594, %dma_start3A_595] : memref<10000x128xf32, #tpu.memory_space<hbm>> -> memref<10000x128xf32, #tpu.memory_space<hbm>>
    %dma_start3A_597 = tpu.memref_slice %arg10[%dma_start3A_586] : memref<3x!tpu.dma_semaphore, #tpu.memory_space<semaphore_mem>> -> memref<1x!tpu.dma_semaphore, #tpu.memory_space<semaphore_mem>>
    %dma_start3A_598 = tpu.memref_squeeze %dma_start3A_597 : memref<1x!tpu.dma_semaphore, #tpu.memory_space<semaphore_mem>> -> memref<!tpu.dma_semaphore, #tpu.memory_space<semaphore_mem>>
    tpu.enqueue_indirect_dma source(%dma_start3A_596 : memref<10000x128xf32, #tpu.memory_space<hbm>>) target(%dma_start3A_590 : memref<100x128xf32, #tpu.memory_space<vmem>>) offsets(%dma_start3A_593 : memref<100xi32, #tpu.memory_space<vmem>>) semaphore(%dma_start3A_598 : memref<!tpu.dma_semaphore, #tpu.memory_space<semaphore_mem>>)
    %dma_wait3A_599 = arith.constant 0 : i32
    %dma_wait3A_600 = arith.constant 0 : i32
    %dma_wait3A_601 = arith.constant 0 : i32
    %dma_wait3A_602 = arith.constant 0 : i32
    %dma_wait3A_603 = arith.constant 0 : i32
    %dma_wait3A_604 = tpu.memref_slice %arg8[%dma_wait3A_599, %dma_wait3A_602, %dma_wait3A_603] : memref<3x100x128xf32, #tpu.memory_space<vmem>> -> memref<1x100x128xf32, #tpu.memory_space<vmem>>
    %dma_wait3A_605 = tpu.memref_squeeze %dma_wait3A_604 : memref<1x100x128xf32, #tpu.memory_space<vmem>> -> memref<100x128xf32, #tpu.memory_space<vmem>>
    %dma_wait3A_606 = arith.constant 0 : i32
    %dma_wait3A_607 = tpu.memref_slice %arg7[%dma_wait3A_600, %dma_wait3A_606] : memref<28x100xi32, #tpu.memory_space<vmem>> -> memref<1x100xi32, #tpu.memory_space<vmem>>
    %dma_wait3A_608 = tpu.memref_squeeze %dma_wait3A_607 : memref<1x100xi32, #tpu.memory_space<vmem>> -> memref<100xi32, #tpu.memory_space<vmem>>
    %dma_wait3A_609 = arith.constant 0 : i32
    %dma_wait3A_610 = arith.constant 0 : i32
    %dma_wait3A_611 = tpu.memref_slice %arg9[%dma_wait3A_609, %dma_wait3A_610] : memref<10240x128xf32, #tpu.memory_space<vmem_shared>> -> memref<10240x128xf32, #tpu.memory_space<vmem_shared>>
    %dma_wait3A_612 = tpu.memref_slice %arg10[%dma_wait3A_601] : memref<3x!tpu.dma_semaphore, #tpu.memory_space<semaphore_mem>> -> memref<1x!tpu.dma_semaphore, #tpu.memory_space<semaphore_mem>>
    %dma_wait3A_613 = tpu.memref_squeeze %dma_wait3A_612 : memref<1x!tpu.dma_semaphore, #tpu.memory_space<semaphore_mem>> -> memref<!tpu.dma_semaphore, #tpu.memory_space<semaphore_mem>>
    tpu.wait_indirect_dma semaphore(%dma_wait3A_613 : memref<!tpu.dma_semaphore, #tpu.memory_space<semaphore_mem>>) src(%dma_wait3A_605 : memref<100x128xf32, #tpu.memory_space<vmem>>) dst(%dma_wait3A_611 : memref<10240x128xf32, #tpu.memory_space<vmem_shared>>)
    %dma_start3A_614 = arith.constant 0 : i32
    %dma_start3A_615 = arith.constant 0 : i32
    %dma_start3A_616 = arith.constant 0 : i32
    %dma_start3A_617 = arith.constant 0 : i32
    %dma_start3A_618 = arith.constant 0 : i32
    %dma_start3A_619 = tpu.memref_slice %arg8[%dma_start3A_614, %dma_start3A_617, %dma_start3A_618] : memref<3x100x128xf32, #tpu.memory_space<vmem>> -> memref<1x100x128xf32, #tpu.memory_space<vmem>>
    %dma_start3A_620 = tpu.memref_squeeze %dma_start3A_619 : memref<1x100x128xf32, #tpu.memory_space<vmem>> -> memref<100x128xf32, #tpu.memory_space<vmem>>
    %dma_start3A_621 = arith.constant 0 : i32
    %dma_start3A_622 = tpu.memref_slice %arg7[%dma_start3A_615, %dma_start3A_621] : memref<28x100xi32, #tpu.memory_space<vmem>> -> memref<1x100xi32, #tpu.memory_space<vmem>>
    %dma_start3A_623 = tpu.memref_squeeze %dma_start3A_622 : memref<1x100xi32, #tpu.memory_space<vmem>> -> memref<100xi32, #tpu.memory_space<vmem>>
    %dma_start3A_624 = arith.constant 0 : i32
    %dma_start3A_625 = arith.constant 0 : i32
    %dma_start3A_626 = tpu.memref_slice %arg9[%dma_start3A_624, %dma_start3A_625] : memref<10240x128xf32, #tpu.memory_space<vmem_shared>> -> memref<10240x128xf32, #tpu.memory_space<vmem_shared>>
    %dma_start3A_627 = tpu.memref_slice %arg11[%dma_start3A_616] : memref<3x!tpu.dma_semaphore, #tpu.memory_space<semaphore_mem>> -> memref<1x!tpu.dma_semaphore, #tpu.memory_space<semaphore_mem>>
    %dma_start3A_628 = tpu.memref_squeeze %dma_start3A_627 : memref<1x!tpu.dma_semaphore, #tpu.memory_space<semaphore_mem>> -> memref<!tpu.dma_semaphore, #tpu.memory_space<semaphore_mem>>
    tpu.enqueue_indirect_dma source(%dma_start3A_620 : memref<100x128xf32, #tpu.memory_space<vmem>>) target(%dma_start3A_626 : memref<10240x128xf32, #tpu.memory_space<vmem_shared>>) offsets(%dma_start3A_623 : memref<100xi32, #tpu.memory_space<vmem>>) semaphore(%dma_start3A_628 : memref<!tpu.dma_semaphore, #tpu.memory_space<semaphore_mem>>) {add = true}
    %dma_start3A_629 = arith.constant 2 : i32
    %dma_start3A_630 = arith.constant 2 : i32
    %dma_start3A_631 = arith.constant 2 : i32
    %dma_start3A_632 = arith.constant 0 : i32
    %dma_start3A_633 = arith.constant 0 : i32
    %dma_start3A_634 = tpu.memref_slice %arg8[%dma_start3A_630, %dma_start3A_632, %dma_start3A_633] : memref<3x100x128xf32, #tpu.memory_space<vmem>> -> memref<1x100x128xf32, #tpu.memory_space<vmem>>
    %dma_start3A_635 = tpu.memref_squeeze %dma_start3A_634 : memref<1x100x128xf32, #tpu.memory_space<vmem>> -> memref<100x128xf32, #tpu.memory_space<vmem>>
    %dma_start3A_636 = arith.constant 0 : i32
    %dma_start3A_637 = tpu.memref_slice %arg6[%dma_start3A_629, %dma_start3A_636] : memref<28x100xi32, #tpu.memory_space<vmem>> -> memref<1x100xi32, #tpu.memory_space<vmem>>
    %dma_start3A_638 = tpu.memref_squeeze %dma_start3A_637 : memref<1x100xi32, #tpu.memory_space<vmem>> -> memref<100xi32, #tpu.memory_space<vmem>>
    %dma_start3A_639 = arith.constant 0 : i32
    %dma_start3A_640 = arith.constant 0 : i32
    %dma_start3A_641 = tpu.memref_slice %arg2[%dma_start3A_639, %dma_start3A_640] : memref<10000x128xf32, #tpu.memory_space<hbm>> -> memref<10000x128xf32, #tpu.memory_space<hbm>>
    %dma_start3A_642 = tpu.memref_slice %arg10[%dma_start3A_631] : memref<3x!tpu.dma_semaphore, #tpu.memory_space<semaphore_mem>> -> memref<1x!tpu.dma_semaphore, #tpu.memory_space<semaphore_mem>>
    %dma_start3A_643 = tpu.memref_squeeze %dma_start3A_642 : memref<1x!tpu.dma_semaphore, #tpu.memory_space<semaphore_mem>> -> memref<!tpu.dma_semaphore, #tpu.memory_space<semaphore_mem>>
    tpu.enqueue_indirect_dma source(%dma_start3A_641 : memref<10000x128xf32, #tpu.memory_space<hbm>>) target(%dma_start3A_635 : memref<100x128xf32, #tpu.memory_space<vmem>>) offsets(%dma_start3A_638 : memref<100xi32, #tpu.memory_space<vmem>>) semaphore(%dma_start3A_643 : memref<!tpu.dma_semaphore, #tpu.memory_space<semaphore_mem>>)
    %dma_wait3A_644 = arith.constant 0 : i32
    %dma_wait3A_645 = arith.constant 0 : i32
    %dma_wait3A_646 = arith.constant 1 : i32
    %dma_wait3A_647 = arith.constant 0 : i32
    %dma_wait3A_648 = arith.constant 0 : i32
    %dma_wait3A_649 = tpu.memref_slice %arg8[%dma_wait3A_644, %dma_wait3A_647, %dma_wait3A_648] : memref<3x100x128xf32, #tpu.memory_space<vmem>> -> memref<1x100x128xf32, #tpu.memory_space<vmem>>
    %dma_wait3A_650 = tpu.memref_squeeze %dma_wait3A_649 : memref<1x100x128xf32, #tpu.memory_space<vmem>> -> memref<100x128xf32, #tpu.memory_space<vmem>>
    %dma_wait3A_651 = arith.constant 0 : i32
    %dma_wait3A_652 = tpu.memref_slice %arg7[%dma_wait3A_645, %dma_wait3A_651] : memref<28x100xi32, #tpu.memory_space<vmem>> -> memref<1x100xi32, #tpu.memory_space<vmem>>
    %dma_wait3A_653 = tpu.memref_squeeze %dma_wait3A_652 : memref<1x100xi32, #tpu.memory_space<vmem>> -> memref<100xi32, #tpu.memory_space<vmem>>
    %dma_wait3A_654 = arith.constant 0 : i32
    %dma_wait3A_655 = arith.constant 0 : i32
    %dma_wait3A_656 = tpu.memref_slice %arg9[%dma_wait3A_654, %dma_wait3A_655] : memref<10240x128xf32, #tpu.memory_space<vmem_shared>> -> memref<10240x128xf32, #tpu.memory_space<vmem_shared>>
    %dma_wait3A_657 = tpu.memref_slice %arg10[%dma_wait3A_646] : memref<3x!tpu.dma_semaphore, #tpu.memory_space<semaphore_mem>> -> memref<1x!tpu.dma_semaphore, #tpu.memory_space<semaphore_mem>>
    %dma_wait3A_658 = tpu.memref_squeeze %dma_wait3A_657 : memref<1x!tpu.dma_semaphore, #tpu.memory_space<semaphore_mem>> -> memref<!tpu.dma_semaphore, #tpu.memory_space<semaphore_mem>>
    tpu.wait_indirect_dma semaphore(%dma_wait3A_658 : memref<!tpu.dma_semaphore, #tpu.memory_space<semaphore_mem>>) src(%dma_wait3A_650 : memref<100x128xf32, #tpu.memory_space<vmem>>) dst(%dma_wait3A_656 : memref<10240x128xf32, #tpu.memory_space<vmem_shared>>)
    %dma_start3A_659 = arith.constant 1 : i32
    %dma_start3A_660 = arith.constant 1 : i32
    %dma_start3A_661 = arith.constant 1 : i32
    %dma_start3A_662 = arith.constant 0 : i32
    %dma_start3A_663 = arith.constant 0 : i32
    %dma_start3A_664 = tpu.memref_slice %arg8[%dma_start3A_659, %dma_start3A_662, %dma_start3A_663] : memref<3x100x128xf32, #tpu.memory_space<vmem>> -> memref<1x100x128xf32, #tpu.memory_space<vmem>>
    %dma_start3A_665 = tpu.memref_squeeze %dma_start3A_664 : memref<1x100x128xf32, #tpu.memory_space<vmem>> -> memref<100x128xf32, #tpu.memory_space<vmem>>
    %dma_start3A_666 = arith.constant 0 : i32
    %dma_start3A_667 = tpu.memref_slice %arg7[%dma_start3A_660, %dma_start3A_666] : memref<28x100xi32, #tpu.memory_space<vmem>> -> memref<1x100xi32, #tpu.memory_space<vmem>>
    %dma_start3A_668 = tpu.memref_squeeze %dma_start3A_667 : memref<1x100xi32, #tpu.memory_space<vmem>> -> memref<100xi32, #tpu.memory_space<vmem>>
    %dma_start3A_669 = arith.constant 0 : i32
    %dma_start3A_670 = arith.constant 0 : i32
    %dma_start3A_671 = tpu.memref_slice %arg9[%dma_start3A_669, %dma_start3A_670] : memref<10240x128xf32, #tpu.memory_space<vmem_shared>> -> memref<10240x128xf32, #tpu.memory_space<vmem_shared>>
    %dma_start3A_672 = tpu.memref_slice %arg11[%dma_start3A_661] : memref<3x!tpu.dma_semaphore, #tpu.memory_space<semaphore_mem>> -> memref<1x!tpu.dma_semaphore, #tpu.memory_space<semaphore_mem>>
    %dma_start3A_673 = tpu.memref_squeeze %dma_start3A_672 : memref<1x!tpu.dma_semaphore, #tpu.memory_space<semaphore_mem>> -> memref<!tpu.dma_semaphore, #tpu.memory_space<semaphore_mem>>
    tpu.enqueue_indirect_dma source(%dma_start3A_665 : memref<100x128xf32, #tpu.memory_space<vmem>>) target(%dma_start3A_671 : memref<10240x128xf32, #tpu.memory_space<vmem_shared>>) offsets(%dma_start3A_668 : memref<100xi32, #tpu.memory_space<vmem>>) semaphore(%dma_start3A_673 : memref<!tpu.dma_semaphore, #tpu.memory_space<semaphore_mem>>) {add = true}
    %scan3A_674 = arith.constant 0 : i32
    %scan3A_675 = arith.constant 0 : i32
    %scan3A_676 = arith.constant 8 : i32
    %scan3A_677 = arith.addi %scan3A_675, %scan3A_676 : i32
    %scan3A_678 = arith.constant 1 : i32
    scf.for %scan3A_820 = %scan3A_675 to %scan3A_677 step %scan3A_678  : i32 {
      %mul3A_821 = arith.constant 3 : i32
      %mul3A_822 = arith.muli %scan3A_820, %mul3A_821 : i32
      %add3A_823 = arith.constant 3 : i32
      %add3A_824 = arith.addi %add3A_823, %mul3A_822 : i32
      %add3A_825 = arith.constant 0 : i32
      %add3A_826 = arith.addi %add3A_824, %add3A_825 : i32
      %dma_wait3A_827 = arith.constant 0 : i32
      %dma_wait3A_828 = arith.constant 0 : i32
      %dma_wait3A_829 = arith.constant 0 : i32
      %dma_wait3A_830 = arith.constant 0 : i32
      %dma_wait3A_831 = arith.constant 0 : i32
      %dma_wait3A_832 = tpu.memref_slice %arg8[%dma_wait3A_827, %dma_wait3A_830, %dma_wait3A_831] : memref<3x100x128xf32, #tpu.memory_space<vmem>> -> memref<1x100x128xf32, #tpu.memory_space<vmem>>
      %dma_wait3A_833 = tpu.memref_squeeze %dma_wait3A_832 : memref<1x100x128xf32, #tpu.memory_space<vmem>> -> memref<100x128xf32, #tpu.memory_space<vmem>>
      %dma_wait3A_834 = arith.constant 0 : i32
      %dma_wait3A_835 = tpu.memref_slice %arg7[%dma_wait3A_828, %dma_wait3A_834] : memref<28x100xi32, #tpu.memory_space<vmem>> -> memref<1x100xi32, #tpu.memory_space<vmem>>
      %dma_wait3A_836 = tpu.memref_squeeze %dma_wait3A_835 : memref<1x100xi32, #tpu.memory_space<vmem>> -> memref<100xi32, #tpu.memory_space<vmem>>
      %dma_wait3A_837 = arith.constant 0 : i32
      %dma_wait3A_838 = arith.constant 0 : i32
      %dma_wait3A_839 = tpu.memref_slice %arg9[%dma_wait3A_837, %dma_wait3A_838] : memref<10240x128xf32, #tpu.memory_space<vmem_shared>> -> memref<10240x128xf32, #tpu.memory_space<vmem_shared>>
      %dma_wait3A_840 = tpu.memref_slice %arg11[%dma_wait3A_829] : memref<3x!tpu.dma_semaphore, #tpu.memory_space<semaphore_mem>> -> memref<1x!tpu.dma_semaphore, #tpu.memory_space<semaphore_mem>>
      %dma_wait3A_841 = tpu.memref_squeeze %dma_wait3A_840 : memref<1x!tpu.dma_semaphore, #tpu.memory_space<semaphore_mem>> -> memref<!tpu.dma_semaphore, #tpu.memory_space<semaphore_mem>>
      tpu.wait_indirect_dma semaphore(%dma_wait3A_841 : memref<!tpu.dma_semaphore, #tpu.memory_space<semaphore_mem>>) src(%dma_wait3A_833 : memref<100x128xf32, #tpu.memory_space<vmem>>) dst(%dma_wait3A_839 : memref<10240x128xf32, #tpu.memory_space<vmem_shared>>)
      %dma_start3A_842 = arith.constant 0 : i32
      %dma_start3A_843 = arith.constant 0 : i32
      %dma_start3A_844 = arith.constant 0 : i32
      %dma_start3A_845 = arith.constant 0 : i32
      %dma_start3A_846 = tpu.memref_slice %arg8[%dma_start3A_842, %dma_start3A_844, %dma_start3A_845] : memref<3x100x128xf32, #tpu.memory_space<vmem>> -> memref<1x100x128xf32, #tpu.memory_space<vmem>>
      %dma_start3A_847 = tpu.memref_squeeze %dma_start3A_846 : memref<1x100x128xf32, #tpu.memory_space<vmem>> -> memref<100x128xf32, #tpu.memory_space<vmem>>
      %dma_start3A_848 = arith.constant 0 : i32
      %dma_start3A_849 = tpu.memref_slice %arg6[%add3A_826, %dma_start3A_848] : memref<28x100xi32, #tpu.memory_space<vmem>> -> memref<1x100xi32, #tpu.memory_space<vmem>>
      %dma_start3A_850 = tpu.memref_squeeze %dma_start3A_849 : memref<1x100xi32, #tpu.memory_space<vmem>> -> memref<100xi32, #tpu.memory_space<vmem>>
      %dma_start3A_851 = arith.constant 0 : i32
      %dma_start3A_852 = arith.constant 0 : i32
      %dma_start3A_853 = tpu.memref_slice %arg2[%dma_start3A_851, %dma_start3A_852] : memref<10000x128xf32, #tpu.memory_space<hbm>> -> memref<10000x128xf32, #tpu.memory_space<hbm>>
      %dma_start3A_854 = tpu.memref_slice %arg10[%dma_start3A_843] : memref<3x!tpu.dma_semaphore, #tpu.memory_space<semaphore_mem>> -> memref<1x!tpu.dma_semaphore, #tpu.memory_space<semaphore_mem>>
      %dma_start3A_855 = tpu.memref_squeeze %dma_start3A_854 : memref<1x!tpu.dma_semaphore, #tpu.memory_space<semaphore_mem>> -> memref<!tpu.dma_semaphore, #tpu.memory_space<semaphore_mem>>
      tpu.enqueue_indirect_dma source(%dma_start3A_853 : memref<10000x128xf32, #tpu.memory_space<hbm>>) target(%dma_start3A_847 : memref<100x128xf32, #tpu.memory_space<vmem>>) offsets(%dma_start3A_850 : memref<100xi32, #tpu.memory_space<vmem>>) semaphore(%dma_start3A_855 : memref<!tpu.dma_semaphore, #tpu.memory_space<semaphore_mem>>)
      %dma_wait3A_856 = arith.constant 0 : i32
      %dma_wait3A_857 = arith.constant 0 : i32
      %dma_wait3A_858 = arith.constant 2 : i32
      %dma_wait3A_859 = arith.constant 0 : i32
      %dma_wait3A_860 = arith.constant 0 : i32
      %dma_wait3A_861 = tpu.memref_slice %arg8[%dma_wait3A_856, %dma_wait3A_859, %dma_wait3A_860] : memref<3x100x128xf32, #tpu.memory_space<vmem>> -> memref<1x100x128xf32, #tpu.memory_space<vmem>>
      %dma_wait3A_862 = tpu.memref_squeeze %dma_wait3A_861 : memref<1x100x128xf32, #tpu.memory_space<vmem>> -> memref<100x128xf32, #tpu.memory_space<vmem>>
      %dma_wait3A_863 = arith.constant 0 : i32
      %dma_wait3A_864 = tpu.memref_slice %arg7[%dma_wait3A_857, %dma_wait3A_863] : memref<28x100xi32, #tpu.memory_space<vmem>> -> memref<1x100xi32, #tpu.memory_space<vmem>>
      %dma_wait3A_865 = tpu.memref_squeeze %dma_wait3A_864 : memref<1x100xi32, #tpu.memory_space<vmem>> -> memref<100xi32, #tpu.memory_space<vmem>>
      %dma_wait3A_866 = arith.constant 0 : i32
      %dma_wait3A_867 = arith.constant 0 : i32
      %dma_wait3A_868 = tpu.memref_slice %arg9[%dma_wait3A_866, %dma_wait3A_867] : memref<10240x128xf32, #tpu.memory_space<vmem_shared>> -> memref<10240x128xf32, #tpu.memory_space<vmem_shared>>
      %dma_wait3A_869 = tpu.memref_slice %arg10[%dma_wait3A_858] : memref<3x!tpu.dma_semaphore, #tpu.memory_space<semaphore_mem>> -> memref<1x!tpu.dma_semaphore, #tpu.memory_space<semaphore_mem>>
      %dma_wait3A_870 = tpu.memref_squeeze %dma_wait3A_869 : memref<1x!tpu.dma_semaphore, #tpu.memory_space<semaphore_mem>> -> memref<!tpu.dma_semaphore, #tpu.memory_space<semaphore_mem>>
      tpu.wait_indirect_dma semaphore(%dma_wait3A_870 : memref<!tpu.dma_semaphore, #tpu.memory_space<semaphore_mem>>) src(%dma_wait3A_862 : memref<100x128xf32, #tpu.memory_space<vmem>>) dst(%dma_wait3A_868 : memref<10240x128xf32, #tpu.memory_space<vmem_shared>>)
      %sub3A = arith.constant 1 : i32
      %sub3A_871 = arith.subi %add3A_826, %sub3A : i32
      %dma_start3A_872 = arith.constant 2 : i32
      %dma_start3A_873 = arith.constant 2 : i32
      %dma_start3A_874 = arith.constant 0 : i32
      %dma_start3A_875 = arith.constant 0 : i32
      %dma_start3A_876 = tpu.memref_slice %arg8[%dma_start3A_872, %dma_start3A_874, %dma_start3A_875] : memref<3x100x128xf32, #tpu.memory_space<vmem>> -> memref<1x100x128xf32, #tpu.memory_space<vmem>>
      %dma_start3A_877 = tpu.memref_squeeze %dma_start3A_876 : memref<1x100x128xf32, #tpu.memory_space<vmem>> -> memref<100x128xf32, #tpu.memory_space<vmem>>
      %dma_start3A_878 = arith.constant 0 : i32
      %dma_start3A_879 = tpu.memref_slice %arg7[%sub3A_871, %dma_start3A_878] : memref<28x100xi32, #tpu.memory_space<vmem>> -> memref<1x100xi32, #tpu.memory_space<vmem>>
      %dma_start3A_880 = tpu.memref_squeeze %dma_start3A_879 : memref<1x100xi32, #tpu.memory_space<vmem>> -> memref<100xi32, #tpu.memory_space<vmem>>
      %dma_start3A_881 = arith.constant 0 : i32
      %dma_start3A_882 = arith.constant 0 : i32
      %dma_start3A_883 = tpu.memref_slice %arg9[%dma_start3A_881, %dma_start3A_882] : memref<10240x128xf32, #tpu.memory_space<vmem_shared>> -> memref<10240x128xf32, #tpu.memory_space<vmem_shared>>
      %dma_start3A_884 = tpu.memref_slice %arg11[%dma_start3A_873] : memref<3x!tpu.dma_semaphore, #tpu.memory_space<semaphore_mem>> -> memref<1x!tpu.dma_semaphore, #tpu.memory_space<semaphore_mem>>
      %dma_start3A_885 = tpu.memref_squeeze %dma_start3A_884 : memref<1x!tpu.dma_semaphore, #tpu.memory_space<semaphore_mem>> -> memref<!tpu.dma_semaphore, #tpu.memory_space<semaphore_mem>>
      tpu.enqueue_indirect_dma source(%dma_start3A_877 : memref<100x128xf32, #tpu.memory_space<vmem>>) target(%dma_start3A_883 : memref<10240x128xf32, #tpu.memory_space<vmem_shared>>) offsets(%dma_start3A_880 : memref<100xi32, #tpu.memory_space<vmem>>) semaphore(%dma_start3A_885 : memref<!tpu.dma_semaphore, #tpu.memory_space<semaphore_mem>>) {add = true}
      %add3A_886 = arith.constant 1 : i32
      %add3A_887 = arith.addi %add3A_824, %add3A_886 : i32
      %dma_wait3A_888 = arith.constant 0 : i32
      %dma_wait3A_889 = arith.constant 0 : i32
      %dma_wait3A_890 = arith.constant 1 : i32
      %dma_wait3A_891 = arith.constant 0 : i32
      %dma_wait3A_892 = arith.constant 0 : i32
      %dma_wait3A_893 = tpu.memref_slice %arg8[%dma_wait3A_888, %dma_wait3A_891, %dma_wait3A_892] : memref<3x100x128xf32, #tpu.memory_space<vmem>> -> memref<1x100x128xf32, #tpu.memory_space<vmem>>
      %dma_wait3A_894 = tpu.memref_squeeze %dma_wait3A_893 : memref<1x100x128xf32, #tpu.memory_space<vmem>> -> memref<100x128xf32, #tpu.memory_space<vmem>>
      %dma_wait3A_895 = arith.constant 0 : i32
      %dma_wait3A_896 = tpu.memref_slice %arg7[%dma_wait3A_889, %dma_wait3A_895] : memref<28x100xi32, #tpu.memory_space<vmem>> -> memref<1x100xi32, #tpu.memory_space<vmem>>
      %dma_wait3A_897 = tpu.memref_squeeze %dma_wait3A_896 : memref<1x100xi32, #tpu.memory_space<vmem>> -> memref<100xi32, #tpu.memory_space<vmem>>
      %dma_wait3A_898 = arith.constant 0 : i32
      %dma_wait3A_899 = arith.constant 0 : i32
      %dma_wait3A_900 = tpu.memref_slice %arg9[%dma_wait3A_898, %dma_wait3A_899] : memref<10240x128xf32, #tpu.memory_space<vmem_shared>> -> memref<10240x128xf32, #tpu.memory_space<vmem_shared>>
      %dma_wait3A_901 = tpu.memref_slice %arg11[%dma_wait3A_890] : memref<3x!tpu.dma_semaphore, #tpu.memory_space<semaphore_mem>> -> memref<1x!tpu.dma_semaphore, #tpu.memory_space<semaphore_mem>>
      %dma_wait3A_902 = tpu.memref_squeeze %dma_wait3A_901 : memref<1x!tpu.dma_semaphore, #tpu.memory_space<semaphore_mem>> -> memref<!tpu.dma_semaphore, #tpu.memory_space<semaphore_mem>>
      tpu.wait_indirect_dma semaphore(%dma_wait3A_902 : memref<!tpu.dma_semaphore, #tpu.memory_space<semaphore_mem>>) src(%dma_wait3A_894 : memref<100x128xf32, #tpu.memory_space<vmem>>) dst(%dma_wait3A_900 : memref<10240x128xf32, #tpu.memory_space<vmem_shared>>)
      %dma_start3A_903 = arith.constant 1 : i32
      %dma_start3A_904 = arith.constant 1 : i32
      %dma_start3A_905 = arith.constant 0 : i32
      %dma_start3A_906 = arith.constant 0 : i32
      %dma_start3A_907 = tpu.memref_slice %arg8[%dma_start3A_903, %dma_start3A_905, %dma_start3A_906] : memref<3x100x128xf32, #tpu.memory_space<vmem>> -> memref<1x100x128xf32, #tpu.memory_space<vmem>>
      %dma_start3A_908 = tpu.memref_squeeze %dma_start3A_907 : memref<1x100x128xf32, #tpu.memory_space<vmem>> -> memref<100x128xf32, #tpu.memory_space<vmem>>
      %dma_start3A_909 = arith.constant 0 : i32
      %dma_start3A_910 = tpu.memref_slice %arg6[%add3A_887, %dma_start3A_909] : memref<28x100xi32, #tpu.memory_space<vmem>> -> memref<1x100xi32, #tpu.memory_space<vmem>>
      %dma_start3A_911 = tpu.memref_squeeze %dma_start3A_910 : memref<1x100xi32, #tpu.memory_space<vmem>> -> memref<100xi32, #tpu.memory_space<vmem>>
      %dma_start3A_912 = arith.constant 0 : i32
      %dma_start3A_913 = arith.constant 0 : i32
      %dma_start3A_914 = tpu.memref_slice %arg2[%dma_start3A_912, %dma_start3A_913] : memref<10000x128xf32, #tpu.memory_space<hbm>> -> memref<10000x128xf32, #tpu.memory_space<hbm>>
      %dma_start3A_915 = tpu.memref_slice %arg10[%dma_start3A_904] : memref<3x!tpu.dma_semaphore, #tpu.memory_space<semaphore_mem>> -> memref<1x!tpu.dma_semaphore, #tpu.memory_space<semaphore_mem>>
      %dma_start3A_916 = tpu.memref_squeeze %dma_start3A_915 : memref<1x!tpu.dma_semaphore, #tpu.memory_space<semaphore_mem>> -> memref<!tpu.dma_semaphore, #tpu.memory_space<semaphore_mem>>
      tpu.enqueue_indirect_dma source(%dma_start3A_914 : memref<10000x128xf32, #tpu.memory_space<hbm>>) target(%dma_start3A_908 : memref<100x128xf32, #tpu.memory_space<vmem>>) offsets(%dma_start3A_911 : memref<100xi32, #tpu.memory_space<vmem>>) semaphore(%dma_start3A_916 : memref<!tpu.dma_semaphore, #tpu.memory_space<semaphore_mem>>)
      %dma_wait3A_917 = arith.constant 0 : i32
      %dma_wait3A_918 = arith.constant 0 : i32
      %dma_wait3A_919 = arith.constant 0 : i32
      %dma_wait3A_920 = arith.constant 0 : i32
      %dma_wait3A_921 = arith.constant 0 : i32
      %dma_wait3A_922 = tpu.memref_slice %arg8[%dma_wait3A_917, %dma_wait3A_920, %dma_wait3A_921] : memref<3x100x128xf32, #tpu.memory_space<vmem>> -> memref<1x100x128xf32, #tpu.memory_space<vmem>>
      %dma_wait3A_923 = tpu.memref_squeeze %dma_wait3A_922 : memref<1x100x128xf32, #tpu.memory_space<vmem>> -> memref<100x128xf32, #tpu.memory_space<vmem>>
      %dma_wait3A_924 = arith.constant 0 : i32
      %dma_wait3A_925 = tpu.memref_slice %arg7[%dma_wait3A_918, %dma_wait3A_924] : memref<28x100xi32, #tpu.memory_space<vmem>> -> memref<1x100xi32, #tpu.memory_space<vmem>>
      %dma_wait3A_926 = tpu.memref_squeeze %dma_wait3A_925 : memref<1x100xi32, #tpu.memory_space<vmem>> -> memref<100xi32, #tpu.memory_space<vmem>>
      %dma_wait3A_927 = arith.constant 0 : i32
      %dma_wait3A_928 = arith.constant 0 : i32
      %dma_wait3A_929 = tpu.memref_slice %arg9[%dma_wait3A_927, %dma_wait3A_928] : memref<10240x128xf32, #tpu.memory_space<vmem_shared>> -> memref<10240x128xf32, #tpu.memory_space<vmem_shared>>
      %dma_wait3A_930 = tpu.memref_slice %arg10[%dma_wait3A_919] : memref<3x!tpu.dma_semaphore, #tpu.memory_space<semaphore_mem>> -> memref<1x!tpu.dma_semaphore, #tpu.memory_space<semaphore_mem>>
      %dma_wait3A_931 = tpu.memref_squeeze %dma_wait3A_930 : memref<1x!tpu.dma_semaphore, #tpu.memory_space<semaphore_mem>> -> memref<!tpu.dma_semaphore, #tpu.memory_space<semaphore_mem>>
      tpu.wait_indirect_dma semaphore(%dma_wait3A_931 : memref<!tpu.dma_semaphore, #tpu.memory_space<semaphore_mem>>) src(%dma_wait3A_923 : memref<100x128xf32, #tpu.memory_space<vmem>>) dst(%dma_wait3A_929 : memref<10240x128xf32, #tpu.memory_space<vmem_shared>>)
      %sub3A_932 = arith.constant 1 : i32
      %sub3A_933 = arith.subi %add3A_887, %sub3A_932 : i32
      %dma_start3A_934 = arith.constant 0 : i32
      %dma_start3A_935 = arith.constant 0 : i32
      %dma_start3A_936 = arith.constant 0 : i32
      %dma_start3A_937 = arith.constant 0 : i32
      %dma_start3A_938 = tpu.memref_slice %arg8[%dma_start3A_934, %dma_start3A_936, %dma_start3A_937] : memref<3x100x128xf32, #tpu.memory_space<vmem>> -> memref<1x100x128xf32, #tpu.memory_space<vmem>>
      %dma_start3A_939 = tpu.memref_squeeze %dma_start3A_938 : memref<1x100x128xf32, #tpu.memory_space<vmem>> -> memref<100x128xf32, #tpu.memory_space<vmem>>
      %dma_start3A_940 = arith.constant 0 : i32
      %dma_start3A_941 = tpu.memref_slice %arg7[%sub3A_933, %dma_start3A_940] : memref<28x100xi32, #tpu.memory_space<vmem>> -> memref<1x100xi32, #tpu.memory_space<vmem>>
      %dma_start3A_942 = tpu.memref_squeeze %dma_start3A_941 : memref<1x100xi32, #tpu.memory_space<vmem>> -> memref<100xi32, #tpu.memory_space<vmem>>
      %dma_start3A_943 = arith.constant 0 : i32
      %dma_start3A_944 = arith.constant 0 : i32
      %dma_start3A_945 = tpu.memref_slice %arg9[%dma_start3A_943, %dma_start3A_944] : memref<10240x128xf32, #tpu.memory_space<vmem_shared>> -> memref<10240x128xf32, #tpu.memory_space<vmem_shared>>
      %dma_start3A_946 = tpu.memref_slice %arg11[%dma_start3A_935] : memref<3x!tpu.dma_semaphore, #tpu.memory_space<semaphore_mem>> -> memref<1x!tpu.dma_semaphore, #tpu.memory_space<semaphore_mem>>
      %dma_start3A_947 = tpu.memref_squeeze %dma_start3A_946 : memref<1x!tpu.dma_semaphore, #tpu.memory_space<semaphore_mem>> -> memref<!tpu.dma_semaphore, #tpu.memory_space<semaphore_mem>>
      tpu.enqueue_indirect_dma source(%dma_start3A_939 : memref<100x128xf32, #tpu.memory_space<vmem>>) target(%dma_start3A_945 : memref<10240x128xf32, #tpu.memory_space<vmem_shared>>) offsets(%dma_start3A_942 : memref<100xi32, #tpu.memory_space<vmem>>) semaphore(%dma_start3A_947 : memref<!tpu.dma_semaphore, #tpu.memory_space<semaphore_mem>>) {add = true}
      %add3A_948 = arith.constant 2 : i32
      %add3A_949 = arith.addi %add3A_824, %add3A_948 : i32
      %dma_wait3A_950 = arith.constant 0 : i32
      %dma_wait3A_951 = arith.constant 0 : i32
      %dma_wait3A_952 = arith.constant 2 : i32
      %dma_wait3A_953 = arith.constant 0 : i32
      %dma_wait3A_954 = arith.constant 0 : i32
      %dma_wait3A_955 = tpu.memref_slice %arg8[%dma_wait3A_950, %dma_wait3A_953, %dma_wait3A_954] : memref<3x100x128xf32, #tpu.memory_space<vmem>> -> memref<1x100x128xf32, #tpu.memory_space<vmem>>
      %dma_wait3A_956 = tpu.memref_squeeze %dma_wait3A_955 : memref<1x100x128xf32, #tpu.memory_space<vmem>> -> memref<100x128xf32, #tpu.memory_space<vmem>>
      %dma_wait3A_957 = arith.constant 0 : i32
      %dma_wait3A_958 = tpu.memref_slice %arg7[%dma_wait3A_951, %dma_wait3A_957] : memref<28x100xi32, #tpu.memory_space<vmem>> -> memref<1x100xi32, #tpu.memory_space<vmem>>
      %dma_wait3A_959 = tpu.memref_squeeze %dma_wait3A_958 : memref<1x100xi32, #tpu.memory_space<vmem>> -> memref<100xi32, #tpu.memory_space<vmem>>
      %dma_wait3A_960 = arith.constant 0 : i32
      %dma_wait3A_961 = arith.constant 0 : i32
      %dma_wait3A_962 = tpu.memref_slice %arg9[%dma_wait3A_960, %dma_wait3A_961] : memref<10240x128xf32, #tpu.memory_space<vmem_shared>> -> memref<10240x128xf32, #tpu.memory_space<vmem_shared>>
      %dma_wait3A_963 = tpu.memref_slice %arg11[%dma_wait3A_952] : memref<3x!tpu.dma_semaphore, #tpu.memory_space<semaphore_mem>> -> memref<1x!tpu.dma_semaphore, #tpu.memory_space<semaphore_mem>>
      %dma_wait3A_964 = tpu.memref_squeeze %dma_wait3A_963 : memref<1x!tpu.dma_semaphore, #tpu.memory_space<semaphore_mem>> -> memref<!tpu.dma_semaphore, #tpu.memory_space<semaphore_mem>>
      tpu.wait_indirect_dma semaphore(%dma_wait3A_964 : memref<!tpu.dma_semaphore, #tpu.memory_space<semaphore_mem>>) src(%dma_wait3A_956 : memref<100x128xf32, #tpu.memory_space<vmem>>) dst(%dma_wait3A_962 : memref<10240x128xf32, #tpu.memory_space<vmem_shared>>)
      %dma_start3A_965 = arith.constant 2 : i32
      %dma_start3A_966 = arith.constant 2 : i32
      %dma_start3A_967 = arith.constant 0 : i32
      %dma_start3A_968 = arith.constant 0 : i32
      %dma_start3A_969 = tpu.memref_slice %arg8[%dma_start3A_965, %dma_start3A_967, %dma_start3A_968] : memref<3x100x128xf32, #tpu.memory_space<vmem>> -> memref<1x100x128xf32, #tpu.memory_space<vmem>>
      %dma_start3A_970 = tpu.memref_squeeze %dma_start3A_969 : memref<1x100x128xf32, #tpu.memory_space<vmem>> -> memref<100x128xf32, #tpu.memory_space<vmem>>
      %dma_start3A_971 = arith.constant 0 : i32
      %dma_start3A_972 = tpu.memref_slice %arg6[%add3A_949, %dma_start3A_971] : memref<28x100xi32, #tpu.memory_space<vmem>> -> memref<1x100xi32, #tpu.memory_space<vmem>>
      %dma_start3A_973 = tpu.memref_squeeze %dma_start3A_972 : memref<1x100xi32, #tpu.memory_space<vmem>> -> memref<100xi32, #tpu.memory_space<vmem>>
      %dma_start3A_974 = arith.constant 0 : i32
      %dma_start3A_975 = arith.constant 0 : i32
      %dma_start3A_976 = tpu.memref_slice %arg2[%dma_start3A_974, %dma_start3A_975] : memref<10000x128xf32, #tpu.memory_space<hbm>> -> memref<10000x128xf32, #tpu.memory_space<hbm>>
      %dma_start3A_977 = tpu.memref_slice %arg10[%dma_start3A_966] : memref<3x!tpu.dma_semaphore, #tpu.memory_space<semaphore_mem>> -> memref<1x!tpu.dma_semaphore, #tpu.memory_space<semaphore_mem>>
      %dma_start3A_978 = tpu.memref_squeeze %dma_start3A_977 : memref<1x!tpu.dma_semaphore, #tpu.memory_space<semaphore_mem>> -> memref<!tpu.dma_semaphore, #tpu.memory_space<semaphore_mem>>
      tpu.enqueue_indirect_dma source(%dma_start3A_976 : memref<10000x128xf32, #tpu.memory_space<hbm>>) target(%dma_start3A_970 : memref<100x128xf32, #tpu.memory_space<vmem>>) offsets(%dma_start3A_973 : memref<100xi32, #tpu.memory_space<vmem>>) semaphore(%dma_start3A_978 : memref<!tpu.dma_semaphore, #tpu.memory_space<semaphore_mem>>)
      %dma_wait3A_979 = arith.constant 0 : i32
      %dma_wait3A_980 = arith.constant 0 : i32
      %dma_wait3A_981 = arith.constant 1 : i32
      %dma_wait3A_982 = arith.constant 0 : i32
      %dma_wait3A_983 = arith.constant 0 : i32
      %dma_wait3A_984 = tpu.memref_slice %arg8[%dma_wait3A_979, %dma_wait3A_982, %dma_wait3A_983] : memref<3x100x128xf32, #tpu.memory_space<vmem>> -> memref<1x100x128xf32, #tpu.memory_space<vmem>>
      %dma_wait3A_985 = tpu.memref_squeeze %dma_wait3A_984 : memref<1x100x128xf32, #tpu.memory_space<vmem>> -> memref<100x128xf32, #tpu.memory_space<vmem>>
      %dma_wait3A_986 = arith.constant 0 : i32
      %dma_wait3A_987 = tpu.memref_slice %arg7[%dma_wait3A_980, %dma_wait3A_986] : memref<28x100xi32, #tpu.memory_space<vmem>> -> memref<1x100xi32, #tpu.memory_space<vmem>>
      %dma_wait3A_988 = tpu.memref_squeeze %dma_wait3A_987 : memref<1x100xi32, #tpu.memory_space<vmem>> -> memref<100xi32, #tpu.memory_space<vmem>>
      %dma_wait3A_989 = arith.constant 0 : i32
      %dma_wait3A_990 = arith.constant 0 : i32
      %dma_wait3A_991 = tpu.memref_slice %arg9[%dma_wait3A_989, %dma_wait3A_990] : memref<10240x128xf32, #tpu.memory_space<vmem_shared>> -> memref<10240x128xf32, #tpu.memory_space<vmem_shared>>
      %dma_wait3A_992 = tpu.memref_slice %arg10[%dma_wait3A_981] : memref<3x!tpu.dma_semaphore, #tpu.memory_space<semaphore_mem>> -> memref<1x!tpu.dma_semaphore, #tpu.memory_space<semaphore_mem>>
      %dma_wait3A_993 = tpu.memref_squeeze %dma_wait3A_992 : memref<1x!tpu.dma_semaphore, #tpu.memory_space<semaphore_mem>> -> memref<!tpu.dma_semaphore, #tpu.memory_space<semaphore_mem>>
      tpu.wait_indirect_dma semaphore(%dma_wait3A_993 : memref<!tpu.dma_semaphore, #tpu.memory_space<semaphore_mem>>) src(%dma_wait3A_985 : memref<100x128xf32, #tpu.memory_space<vmem>>) dst(%dma_wait3A_991 : memref<10240x128xf32, #tpu.memory_space<vmem_shared>>)
      %sub3A_994 = arith.constant 1 : i32
      %sub3A_995 = arith.subi %add3A_949, %sub3A_994 : i32
      %dma_start3A_996 = arith.constant 1 : i32
      %dma_start3A_997 = arith.constant 1 : i32
      %dma_start3A_998 = arith.constant 0 : i32
      %dma_start3A_999 = arith.constant 0 : i32
      %dma_start3A_1000 = tpu.memref_slice %arg8[%dma_start3A_996, %dma_start3A_998, %dma_start3A_999] : memref<3x100x128xf32, #tpu.memory_space<vmem>> -> memref<1x100x128xf32, #tpu.memory_space<vmem>>
      %dma_start3A_1001 = tpu.memref_squeeze %dma_start3A_1000 : memref<1x100x128xf32, #tpu.memory_space<vmem>> -> memref<100x128xf32, #tpu.memory_space<vmem>>
      %dma_start3A_1002 = arith.constant 0 : i32
      %dma_start3A_1003 = tpu.memref_slice %arg7[%sub3A_995, %dma_start3A_1002] : memref<28x100xi32, #tpu.memory_space<vmem>> -> memref<1x100xi32, #tpu.memory_space<vmem>>
      %dma_start3A_1004 = tpu.memref_squeeze %dma_start3A_1003 : memref<1x100xi32, #tpu.memory_space<vmem>> -> memref<100xi32, #tpu.memory_space<vmem>>
      %dma_start3A_1005 = arith.constant 0 : i32
      %dma_start3A_1006 = arith.constant 0 : i32
      %dma_start3A_1007 = tpu.memref_slice %arg9[%dma_start3A_1005, %dma_start3A_1006] : memref<10240x128xf32, #tpu.memory_space<vmem_shared>> -> memref<10240x128xf32, #tpu.memory_space<vmem_shared>>
      %dma_start3A_1008 = tpu.memref_slice %arg11[%dma_start3A_997] : memref<3x!tpu.dma_semaphore, #tpu.memory_space<semaphore_mem>> -> memref<1x!tpu.dma_semaphore, #tpu.memory_space<semaphore_mem>>
      %dma_start3A_1009 = tpu.memref_squeeze %dma_start3A_1008 : memref<1x!tpu.dma_semaphore, #tpu.memory_space<semaphore_mem>> -> memref<!tpu.dma_semaphore, #tpu.memory_space<semaphore_mem>>
      tpu.enqueue_indirect_dma source(%dma_start3A_1001 : memref<100x128xf32, #tpu.memory_space<vmem>>) target(%dma_start3A_1007 : memref<10240x128xf32, #tpu.memory_space<vmem_shared>>) offsets(%dma_start3A_1004 : memref<100xi32, #tpu.memory_space<vmem>>) semaphore(%dma_start3A_1009 : memref<!tpu.dma_semaphore, #tpu.memory_space<semaphore_mem>>) {add = true}
    }
    %scan3A_679 = arith.constant 8 : i32
    %dma_wait3A_680 = arith.constant 0 : i32
    %dma_wait3A_681 = arith.constant 0 : i32
    %dma_wait3A_682 = arith.constant 0 : i32
    %dma_wait3A_683 = arith.constant 0 : i32
    %dma_wait3A_684 = arith.constant 0 : i32
    %dma_wait3A_685 = tpu.memref_slice %arg8[%dma_wait3A_680, %dma_wait3A_683, %dma_wait3A_684] : memref<3x100x128xf32, #tpu.memory_space<vmem>> -> memref<1x100x128xf32, #tpu.memory_space<vmem>>
    %dma_wait3A_686 = tpu.memref_squeeze %dma_wait3A_685 : memref<1x100x128xf32, #tpu.memory_space<vmem>> -> memref<100x128xf32, #tpu.memory_space<vmem>>
    %dma_wait3A_687 = arith.constant 0 : i32
    %dma_wait3A_688 = tpu.memref_slice %arg7[%dma_wait3A_681, %dma_wait3A_687] : memref<28x100xi32, #tpu.memory_space<vmem>> -> memref<1x100xi32, #tpu.memory_space<vmem>>
    %dma_wait3A_689 = tpu.memref_squeeze %dma_wait3A_688 : memref<1x100xi32, #tpu.memory_space<vmem>> -> memref<100xi32, #tpu.memory_space<vmem>>
    %dma_wait3A_690 = arith.constant 0 : i32
    %dma_wait3A_691 = arith.constant 0 : i32
    %dma_wait3A_692 = tpu.memref_slice %arg9[%dma_wait3A_690, %dma_wait3A_691] : memref<10240x128xf32, #tpu.memory_space<vmem_shared>> -> memref<10240x128xf32, #tpu.memory_space<vmem_shared>>
    %dma_wait3A_693 = tpu.memref_slice %arg11[%dma_wait3A_682] : memref<3x!tpu.dma_semaphore, #tpu.memory_space<semaphore_mem>> -> memref<1x!tpu.dma_semaphore, #tpu.memory_space<semaphore_mem>>
    %dma_wait3A_694 = tpu.memref_squeeze %dma_wait3A_693 : memref<1x!tpu.dma_semaphore, #tpu.memory_space<semaphore_mem>> -> memref<!tpu.dma_semaphore, #tpu.memory_space<semaphore_mem>>
    tpu.wait_indirect_dma semaphore(%dma_wait3A_694 : memref<!tpu.dma_semaphore, #tpu.memory_space<semaphore_mem>>) src(%dma_wait3A_686 : memref<100x128xf32, #tpu.memory_space<vmem>>) dst(%dma_wait3A_692 : memref<10240x128xf32, #tpu.memory_space<vmem_shared>>)
    %dma_start3A_695 = arith.constant 27 : i32
    %dma_start3A_696 = arith.constant 0 : i32
    %dma_start3A_697 = arith.constant 0 : i32
    %dma_start3A_698 = arith.constant 0 : i32
    %dma_start3A_699 = arith.constant 0 : i32
    %dma_start3A_700 = tpu.memref_slice %arg8[%dma_start3A_696, %dma_start3A_698, %dma_start3A_699] : memref<3x100x128xf32, #tpu.memory_space<vmem>> -> memref<1x100x128xf32, #tpu.memory_space<vmem>>
    %dma_start3A_701 = tpu.memref_squeeze %dma_start3A_700 : memref<1x100x128xf32, #tpu.memory_space<vmem>> -> memref<100x128xf32, #tpu.memory_space<vmem>>
    %dma_start3A_702 = arith.constant 0 : i32
    %dma_start3A_703 = tpu.memref_slice %arg6[%dma_start3A_695, %dma_start3A_702] : memref<28x100xi32, #tpu.memory_space<vmem>> -> memref<1x100xi32, #tpu.memory_space<vmem>>
    %dma_start3A_704 = tpu.memref_squeeze %dma_start3A_703 : memref<1x100xi32, #tpu.memory_space<vmem>> -> memref<100xi32, #tpu.memory_space<vmem>>
    %dma_start3A_705 = arith.constant 0 : i32
    %dma_start3A_706 = arith.constant 0 : i32
    %dma_start3A_707 = tpu.memref_slice %arg2[%dma_start3A_705, %dma_start3A_706] : memref<10000x128xf32, #tpu.memory_space<hbm>> -> memref<10000x128xf32, #tpu.memory_space<hbm>>
    %dma_start3A_708 = tpu.memref_slice %arg10[%dma_start3A_697] : memref<3x!tpu.dma_semaphore, #tpu.memory_space<semaphore_mem>> -> memref<1x!tpu.dma_semaphore, #tpu.memory_space<semaphore_mem>>
    %dma_start3A_709 = tpu.memref_squeeze %dma_start3A_708 : memref<1x!tpu.dma_semaphore, #tpu.memory_space<semaphore_mem>> -> memref<!tpu.dma_semaphore, #tpu.memory_space<semaphore_mem>>
    tpu.enqueue_indirect_dma source(%dma_start3A_707 : memref<10000x128xf32, #tpu.memory_space<hbm>>) target(%dma_start3A_701 : memref<100x128xf32, #tpu.memory_space<vmem>>) offsets(%dma_start3A_704 : memref<100xi32, #tpu.memory_space<vmem>>) semaphore(%dma_start3A_709 : memref<!tpu.dma_semaphore, #tpu.memory_space<semaphore_mem>>)
    %dma_wait3A_710 = arith.constant 0 : i32
    %dma_wait3A_711 = arith.constant 0 : i32
    %dma_wait3A_712 = arith.constant 2 : i32
    %dma_wait3A_713 = arith.constant 0 : i32
    %dma_wait3A_714 = arith.constant 0 : i32
    %dma_wait3A_715 = tpu.memref_slice %arg8[%dma_wait3A_710, %dma_wait3A_713, %dma_wait3A_714] : memref<3x100x128xf32, #tpu.memory_space<vmem>> -> memref<1x100x128xf32, #tpu.memory_space<vmem>>
    %dma_wait3A_716 = tpu.memref_squeeze %dma_wait3A_715 : memref<1x100x128xf32, #tpu.memory_space<vmem>> -> memref<100x128xf32, #tpu.memory_space<vmem>>
    %dma_wait3A_717 = arith.constant 0 : i32
    %dma_wait3A_718 = tpu.memref_slice %arg7[%dma_wait3A_711, %dma_wait3A_717] : memref<28x100xi32, #tpu.memory_space<vmem>> -> memref<1x100xi32, #tpu.memory_space<vmem>>
    %dma_wait3A_719 = tpu.memref_squeeze %dma_wait3A_718 : memref<1x100xi32, #tpu.memory_space<vmem>> -> memref<100xi32, #tpu.memory_space<vmem>>
    %dma_wait3A_720 = arith.constant 0 : i32
    %dma_wait3A_721 = arith.constant 0 : i32
    %dma_wait3A_722 = tpu.memref_slice %arg9[%dma_wait3A_720, %dma_wait3A_721] : memref<10240x128xf32, #tpu.memory_space<vmem_shared>> -> memref<10240x128xf32, #tpu.memory_space<vmem_shared>>
    %dma_wait3A_723 = tpu.memref_slice %arg10[%dma_wait3A_712] : memref<3x!tpu.dma_semaphore, #tpu.memory_space<semaphore_mem>> -> memref<1x!tpu.dma_semaphore, #tpu.memory_space<semaphore_mem>>
    %dma_wait3A_724 = tpu.memref_squeeze %dma_wait3A_723 : memref<1x!tpu.dma_semaphore, #tpu.memory_space<semaphore_mem>> -> memref<!tpu.dma_semaphore, #tpu.memory_space<semaphore_mem>>
    tpu.wait_indirect_dma semaphore(%dma_wait3A_724 : memref<!tpu.dma_semaphore, #tpu.memory_space<semaphore_mem>>) src(%dma_wait3A_716 : memref<100x128xf32, #tpu.memory_space<vmem>>) dst(%dma_wait3A_722 : memref<10240x128xf32, #tpu.memory_space<vmem_shared>>)
    %dma_start3A_725 = arith.constant 2 : i32
    %dma_start3A_726 = arith.constant 26 : i32
    %dma_start3A_727 = arith.constant 2 : i32
    %dma_start3A_728 = arith.constant 0 : i32
    %dma_start3A_729 = arith.constant 0 : i32
    %dma_start3A_730 = tpu.memref_slice %arg8[%dma_start3A_725, %dma_start3A_728, %dma_start3A_729] : memref<3x100x128xf32, #tpu.memory_space<vmem>> -> memref<1x100x128xf32, #tpu.memory_space<vmem>>
    %dma_start3A_731 = tpu.memref_squeeze %dma_start3A_730 : memref<1x100x128xf32, #tpu.memory_space<vmem>> -> memref<100x128xf32, #tpu.memory_space<vmem>>
    %dma_start3A_732 = arith.constant 0 : i32
    %dma_start3A_733 = tpu.memref_slice %arg7[%dma_start3A_726, %dma_start3A_732] : memref<28x100xi32, #tpu.memory_space<vmem>> -> memref<1x100xi32, #tpu.memory_space<vmem>>
    %dma_start3A_734 = tpu.memref_squeeze %dma_start3A_733 : memref<1x100xi32, #tpu.memory_space<vmem>> -> memref<100xi32, #tpu.memory_space<vmem>>
    %dma_start3A_735 = arith.constant 0 : i32
    %dma_start3A_736 = arith.constant 0 : i32
    %dma_start3A_737 = tpu.memref_slice %arg9[%dma_start3A_735, %dma_start3A_736] : memref<10240x128xf32, #tpu.memory_space<vmem_shared>> -> memref<10240x128xf32, #tpu.memory_space<vmem_shared>>
    %dma_start3A_738 = tpu.memref_slice %arg11[%dma_start3A_727] : memref<3x!tpu.dma_semaphore, #tpu.memory_space<semaphore_mem>> -> memref<1x!tpu.dma_semaphore, #tpu.memory_space<semaphore_mem>>
    %dma_start3A_739 = tpu.memref_squeeze %dma_start3A_738 : memref<1x!tpu.dma_semaphore, #tpu.memory_space<semaphore_mem>> -> memref<!tpu.dma_semaphore, #tpu.memory_space<semaphore_mem>>
    tpu.enqueue_indirect_dma source(%dma_start3A_731 : memref<100x128xf32, #tpu.memory_space<vmem>>) target(%dma_start3A_737 : memref<10240x128xf32, #tpu.memory_space<vmem_shared>>) offsets(%dma_start3A_734 : memref<100xi32, #tpu.memory_space<vmem>>) semaphore(%dma_start3A_739 : memref<!tpu.dma_semaphore, #tpu.memory_space<semaphore_mem>>) {add = true}
    %dma_wait3A_740 = arith.constant 0 : i32
    %dma_wait3A_741 = arith.constant 0 : i32
    %dma_wait3A_742 = arith.constant 0 : i32
    %dma_wait3A_743 = arith.constant 0 : i32
    %dma_wait3A_744 = arith.constant 0 : i32
    %dma_wait3A_745 = tpu.memref_slice %arg8[%dma_wait3A_740, %dma_wait3A_743, %dma_wait3A_744] : memref<3x100x128xf32, #tpu.memory_space<vmem>> -> memref<1x100x128xf32, #tpu.memory_space<vmem>>
    %dma_wait3A_746 = tpu.memref_squeeze %dma_wait3A_745 : memref<1x100x128xf32, #tpu.memory_space<vmem>> -> memref<100x128xf32, #tpu.memory_space<vmem>>
    %dma_wait3A_747 = arith.constant 0 : i32
    %dma_wait3A_748 = tpu.memref_slice %arg7[%dma_wait3A_741, %dma_wait3A_747] : memref<28x100xi32, #tpu.memory_space<vmem>> -> memref<1x100xi32, #tpu.memory_space<vmem>>
    %dma_wait3A_749 = tpu.memref_squeeze %dma_wait3A_748 : memref<1x100xi32, #tpu.memory_space<vmem>> -> memref<100xi32, #tpu.memory_space<vmem>>
    %dma_wait3A_750 = arith.constant 0 : i32
    %dma_wait3A_751 = arith.constant 0 : i32
    %dma_wait3A_752 = tpu.memref_slice %arg9[%dma_wait3A_750, %dma_wait3A_751] : memref<10240x128xf32, #tpu.memory_space<vmem_shared>> -> memref<10240x128xf32, #tpu.memory_space<vmem_shared>>
    %dma_wait3A_753 = tpu.memref_slice %arg10[%dma_wait3A_742] : memref<3x!tpu.dma_semaphore, #tpu.memory_space<semaphore_mem>> -> memref<1x!tpu.dma_semaphore, #tpu.memory_space<semaphore_mem>>
    %dma_wait3A_754 = tpu.memref_squeeze %dma_wait3A_753 : memref<1x!tpu.dma_semaphore, #tpu.memory_space<semaphore_mem>> -> memref<!tpu.dma_semaphore, #tpu.memory_space<semaphore_mem>>
    tpu.wait_indirect_dma semaphore(%dma_wait3A_754 : memref<!tpu.dma_semaphore, #tpu.memory_space<semaphore_mem>>) src(%dma_wait3A_746 : memref<100x128xf32, #tpu.memory_space<vmem>>) dst(%dma_wait3A_752 : memref<10240x128xf32, #tpu.memory_space<vmem_shared>>)
    %dma_start3A_755 = arith.constant 0 : i32
    %dma_start3A_756 = arith.constant 27 : i32
    %dma_start3A_757 = arith.constant 0 : i32
    %dma_start3A_758 = arith.constant 0 : i32
    %dma_start3A_759 = arith.constant 0 : i32
    %dma_start3A_760 = tpu.memref_slice %arg8[%dma_start3A_755, %dma_start3A_758, %dma_start3A_759] : memref<3x100x128xf32, #tpu.memory_space<vmem>> -> memref<1x100x128xf32, #tpu.memory_space<vmem>>
    %dma_start3A_761 = tpu.memref_squeeze %dma_start3A_760 : memref<1x100x128xf32, #tpu.memory_space<vmem>> -> memref<100x128xf32, #tpu.memory_space<vmem>>
    %dma_start3A_762 = arith.constant 0 : i32
    %dma_start3A_763 = tpu.memref_slice %arg7[%dma_start3A_756, %dma_start3A_762] : memref<28x100xi32, #tpu.memory_space<vmem>> -> memref<1x100xi32, #tpu.memory_space<vmem>>
    %dma_start3A_764 = tpu.memref_squeeze %dma_start3A_763 : memref<1x100xi32, #tpu.memory_space<vmem>> -> memref<100xi32, #tpu.memory_space<vmem>>
    %dma_start3A_765 = arith.constant 0 : i32
    %dma_start3A_766 = arith.constant 0 : i32
    %dma_start3A_767 = tpu.memref_slice %arg9[%dma_start3A_765, %dma_start3A_766] : memref<10240x128xf32, #tpu.memory_space<vmem_shared>> -> memref<10240x128xf32, #tpu.memory_space<vmem_shared>>
    %dma_start3A_768 = tpu.memref_slice %arg11[%dma_start3A_757] : memref<3x!tpu.dma_semaphore, #tpu.memory_space<semaphore_mem>> -> memref<1x!tpu.dma_semaphore, #tpu.memory_space<semaphore_mem>>
    %dma_start3A_769 = tpu.memref_squeeze %dma_start3A_768 : memref<1x!tpu.dma_semaphore, #tpu.memory_space<semaphore_mem>> -> memref<!tpu.dma_semaphore, #tpu.memory_space<semaphore_mem>>
    tpu.enqueue_indirect_dma source(%dma_start3A_761 : memref<100x128xf32, #tpu.memory_space<vmem>>) target(%dma_start3A_767 : memref<10240x128xf32, #tpu.memory_space<vmem_shared>>) offsets(%dma_start3A_764 : memref<100xi32, #tpu.memory_space<vmem>>) semaphore(%dma_start3A_769 : memref<!tpu.dma_semaphore, #tpu.memory_space<semaphore_mem>>) {add = true}
    %dma_wait3A_770 = arith.constant 0 : i32
    %dma_wait3A_771 = arith.constant 0 : i32
    %dma_wait3A_772 = arith.constant 1 : i32
    %dma_wait3A_773 = arith.constant 0 : i32
    %dma_wait3A_774 = arith.constant 0 : i32
    %dma_wait3A_775 = tpu.memref_slice %arg8[%dma_wait3A_770, %dma_wait3A_773, %dma_wait3A_774] : memref<3x100x128xf32, #tpu.memory_space<vmem>> -> memref<1x100x128xf32, #tpu.memory_space<vmem>>
    %dma_wait3A_776 = tpu.memref_squeeze %dma_wait3A_775 : memref<1x100x128xf32, #tpu.memory_space<vmem>> -> memref<100x128xf32, #tpu.memory_space<vmem>>
    %dma_wait3A_777 = arith.constant 0 : i32
    %dma_wait3A_778 = tpu.memref_slice %arg7[%dma_wait3A_771, %dma_wait3A_777] : memref<28x100xi32, #tpu.memory_space<vmem>> -> memref<1x100xi32, #tpu.memory_space<vmem>>
    %dma_wait3A_779 = tpu.memref_squeeze %dma_wait3A_778 : memref<1x100xi32, #tpu.memory_space<vmem>> -> memref<100xi32, #tpu.memory_space<vmem>>
    %dma_wait3A_780 = arith.constant 0 : i32
    %dma_wait3A_781 = arith.constant 0 : i32
    %dma_wait3A_782 = tpu.memref_slice %arg9[%dma_wait3A_780, %dma_wait3A_781] : memref<10240x128xf32, #tpu.memory_space<vmem_shared>> -> memref<10240x128xf32, #tpu.memory_space<vmem_shared>>
    %dma_wait3A_783 = tpu.memref_slice %arg11[%dma_wait3A_772] : memref<3x!tpu.dma_semaphore, #tpu.memory_space<semaphore_mem>> -> memref<1x!tpu.dma_semaphore, #tpu.memory_space<semaphore_mem>>
    %dma_wait3A_784 = tpu.memref_squeeze %dma_wait3A_783 : memref<1x!tpu.dma_semaphore, #tpu.memory_space<semaphore_mem>> -> memref<!tpu.dma_semaphore, #tpu.memory_space<semaphore_mem>>
    tpu.wait_indirect_dma semaphore(%dma_wait3A_784 : memref<!tpu.dma_semaphore, #tpu.memory_space<semaphore_mem>>) src(%dma_wait3A_776 : memref<100x128xf32, #tpu.memory_space<vmem>>) dst(%dma_wait3A_782 : memref<10240x128xf32, #tpu.memory_space<vmem_shared>>)
    %dma_wait3A_785 = arith.constant 0 : i32
    %dma_wait3A_786 = arith.constant 0 : i32
    %dma_wait3A_787 = arith.constant 2 : i32
    %dma_wait3A_788 = arith.constant 0 : i32
    %dma_wait3A_789 = arith.constant 0 : i32
    %dma_wait3A_790 = tpu.memref_slice %arg8[%dma_wait3A_785, %dma_wait3A_788, %dma_wait3A_789] : memref<3x100x128xf32, #tpu.memory_space<vmem>> -> memref<1x100x128xf32, #tpu.memory_space<vmem>>
    %dma_wait3A_791 = tpu.memref_squeeze %dma_wait3A_790 : memref<1x100x128xf32, #tpu.memory_space<vmem>> -> memref<100x128xf32, #tpu.memory_space<vmem>>
    %dma_wait3A_792 = arith.constant 0 : i32
    %dma_wait3A_793 = tpu.memref_slice %arg7[%dma_wait3A_786, %dma_wait3A_792] : memref<28x100xi32, #tpu.memory_space<vmem>> -> memref<1x100xi32, #tpu.memory_space<vmem>>
    %dma_wait3A_794 = tpu.memref_squeeze %dma_wait3A_793 : memref<1x100xi32, #tpu.memory_space<vmem>> -> memref<100xi32, #tpu.memory_space<vmem>>
    %dma_wait3A_795 = arith.constant 0 : i32
    %dma_wait3A_796 = arith.constant 0 : i32
    %dma_wait3A_797 = tpu.memref_slice %arg9[%dma_wait3A_795, %dma_wait3A_796] : memref<10240x128xf32, #tpu.memory_space<vmem_shared>> -> memref<10240x128xf32, #tpu.memory_space<vmem_shared>>
    %dma_wait3A_798 = tpu.memref_slice %arg11[%dma_wait3A_787] : memref<3x!tpu.dma_semaphore, #tpu.memory_space<semaphore_mem>> -> memref<1x!tpu.dma_semaphore, #tpu.memory_space<semaphore_mem>>
    %dma_wait3A_799 = tpu.memref_squeeze %dma_wait3A_798 : memref<1x!tpu.dma_semaphore, #tpu.memory_space<semaphore_mem>> -> memref<!tpu.dma_semaphore, #tpu.memory_space<semaphore_mem>>
    tpu.wait_indirect_dma semaphore(%dma_wait3A_799 : memref<!tpu.dma_semaphore, #tpu.memory_space<semaphore_mem>>) src(%dma_wait3A_791 : memref<100x128xf32, #tpu.memory_space<vmem>>) dst(%dma_wait3A_797 : memref<10240x128xf32, #tpu.memory_space<vmem_shared>>)
    %dma_wait3A_800 = arith.constant 0 : i32
    %dma_wait3A_801 = arith.constant 0 : i32
    %dma_wait3A_802 = arith.constant 0 : i32
    %dma_wait3A_803 = arith.constant 0 : i32
    %dma_wait3A_804 = arith.constant 0 : i32
    %dma_wait3A_805 = tpu.memref_slice %arg8[%dma_wait3A_800, %dma_wait3A_803, %dma_wait3A_804] : memref<3x100x128xf32, #tpu.memory_space<vmem>> -> memref<1x100x128xf32, #tpu.memory_space<vmem>>
    %dma_wait3A_806 = tpu.memref_squeeze %dma_wait3A_805 : memref<1x100x128xf32, #tpu.memory_space<vmem>> -> memref<100x128xf32, #tpu.memory_space<vmem>>
    %dma_wait3A_807 = arith.constant 0 : i32
    %dma_wait3A_808 = tpu.memref_slice %arg7[%dma_wait3A_801, %dma_wait3A_807] : memref<28x100xi32, #tpu.memory_space<vmem>> -> memref<1x100xi32, #tpu.memory_space<vmem>>
    %dma_wait3A_809 = tpu.memref_squeeze %dma_wait3A_808 : memref<1x100xi32, #tpu.memory_space<vmem>> -> memref<100xi32, #tpu.memory_space<vmem>>
    %dma_wait3A_810 = arith.constant 0 : i32
    %dma_wait3A_811 = arith.constant 0 : i32
    %dma_wait3A_812 = tpu.memref_slice %arg9[%dma_wait3A_810, %dma_wait3A_811] : memref<10240x128xf32, #tpu.memory_space<vmem_shared>> -> memref<10240x128xf32, #tpu.memory_space<vmem_shared>>
    %dma_wait3A_813 = tpu.memref_slice %arg11[%dma_wait3A_802] : memref<3x!tpu.dma_semaphore, #tpu.memory_space<semaphore_mem>> -> memref<1x!tpu.dma_semaphore, #tpu.memory_space<semaphore_mem>>
    %dma_wait3A_814 = tpu.memref_squeeze %dma_wait3A_813 : memref<1x!tpu.dma_semaphore, #tpu.memory_space<semaphore_mem>> -> memref<!tpu.dma_semaphore, #tpu.memory_space<semaphore_mem>>
    tpu.wait_indirect_dma semaphore(%dma_wait3A_814 : memref<!tpu.dma_semaphore, #tpu.memory_space<semaphore_mem>>) src(%dma_wait3A_806 : memref<100x128xf32, #tpu.memory_space<vmem>>) dst(%dma_wait3A_812 : memref<10240x128xf32, #tpu.memory_space<vmem_shared>>)
    %barrier3A_815 = arith.constant 0 : index
    tpu.barrier barrier_id(%barrier3A_815)
    %mul3A_816 = arith.constant 640 : i32
    %mul3A_817 = arith.muli %arg1, %mul3A_816 : i32
    %mul3A_818 = arith.constant 640 : i32
    %mul3A_819 = arith.muli %arg1, %mul3A_818 : i32
    "tpu.region"() ({
      %run_scoped3A_820 = tpu.sem_alloc : memref<!tpu.dma_semaphore, #tpu.memory_space<semaphore_mem>>
      %dma_start3A_821 = arith.constant 0 : i32
      %dma_start3A_822 = tpu.memref_slice %arg5[%arg0, %mul3A_819, %dma_start3A_821] : memref<2x10240x128xf32, #tpu.memory_space<hbm>> -> memref<1x640x128xf32, #tpu.memory_space<hbm>>
      %dma_start3A_823 = tpu.memref_squeeze %dma_start3A_822 : memref<1x640x128xf32, #tpu.memory_space<hbm>> -> memref<640x128xf32, #tpu.memory_space<hbm>>
      %dma_start3A_824 = arith.constant 0 : i32
      %dma_start3A_825 = tpu.memref_slice %arg9[%mul3A_817, %dma_start3A_824] : memref<10240x128xf32, #tpu.memory_space<vmem_shared>> -> memref<640x128xf32, #tpu.memory_space<vmem_shared>>
      tpu.enqueue_dma source(%dma_start3A_825 : memref<640x128xf32, #tpu.memory_space<vmem_shared>>) target(%dma_start3A_823 : memref<640x128xf32, #tpu.memory_space<hbm>>) target_semaphore(%run_scoped3A_820 : memref<!tpu.dma_semaphore, #tpu.memory_space<semaphore_mem>>)
      %dma_wait3A_826 = arith.constant 0 : i32
      %dma_wait3A_827 = tpu.memref_slice %arg5[%arg0, %mul3A_819, %dma_wait3A_826] : memref<2x10240x128xf32, #tpu.memory_space<hbm>> -> memref<1x640x128xf32, #tpu.memory_space<hbm>>
      %dma_wait3A_828 = tpu.memref_squeeze %dma_wait3A_827 : memref<1x640x128xf32, #tpu.memory_space<hbm>> -> memref<640x128xf32, #tpu.memory_space<hbm>>
      %dma_wait3A_829 = arith.constant 0 : i32
      %dma_wait3A_830 = tpu.memref_slice %arg9[%mul3A_817, %dma_wait3A_829] : memref<10240x128xf32, #tpu.memory_space<vmem_shared>> -> memref<640x128xf32, #tpu.memory_space<vmem_shared>>
      tpu.wait_dma2 semaphore(%run_scoped3A_820 : memref<!tpu.dma_semaphore, #tpu.memory_space<semaphore_mem>>) src(%dma_wait3A_830 : memref<640x128xf32, #tpu.memory_space<vmem_shared>>) dst(%dma_wait3A_828 : memref<640x128xf32, #tpu.memory_space<hbm>>)
      tpu.yield
    }) : () -> ()
    return
  }
}

module attributes {stable_mosaic.version = 14 : i64} {
  func.func @_mlp_body(%arg0: i32, %arg1: memref<2x1000x128xf32, #tpu.memory_space<vmem>>, %arg2: memref<128x256xf32, #tpu.memory_space<vmem>>, %arg3: memref<1x256xf32, #tpu.memory_space<vmem>>, %arg4: memref<256x64xf32, #tpu.memory_space<vmem>>, %arg5: memref<1x64xf32, #tpu.memory_space<vmem>>, %arg6: memref<1000x64xf32, #tpu.memory_space<vmem>>) attributes {dimension_semantics = [#tpu.dimension_semantics<arbitrary>], iteration_bounds = array<i64: 10>, scalar_prefetch = 0 : i64, scratch_operands = 0 : i64, tpu.core_type = #tpu.core_type<tc>, window_params = [{transform_indices = @transform_0, window_bounds = array<i64: 2, 1000, 128>}, {pipeline_mode = #tpu.pipeline_mode<synchronous>, transform_indices = @transform_1, window_bounds = array<i64: 128, 256>}, {pipeline_mode = #tpu.pipeline_mode<synchronous>, transform_indices = @transform_2, window_bounds = array<i64: 1, 256>}, {pipeline_mode = #tpu.pipeline_mode<synchronous>, transform_indices = @transform_3, window_bounds = array<i64: 256, 64>}, {pipeline_mode = #tpu.pipeline_mode<synchronous>, transform_indices = @transform_4, window_bounds = array<i64: 1, 64>}, {transform_indices = @transform_5, window_bounds = array<i64: 1000, 64>}]} {
    %get3A = arith.constant 0 : index
    %get3A_0 = arith.constant 0 : index
    %get3A_1 = arith.constant 0 : index
    %get3A_2 = vector.load %arg1[%get3A, %get3A_0, %get3A_1] : memref<2x1000x128xf32, #tpu.memory_space<vmem>>, vector<1x1000x128xf32>
    %get3A_3 = vector.shape_cast %get3A_2 : vector<1x1000x128xf32> to vector<1000x128xf32>
    %get3A_4 = arith.constant 1 : index
    %get3A_5 = arith.constant 0 : index
    %get3A_6 = arith.constant 0 : index
    %get3A_7 = vector.load %arg1[%get3A_4, %get3A_5, %get3A_6] : memref<2x1000x128xf32, #tpu.memory_space<vmem>>, vector<1x1000x128xf32>
    %get3A_8 = vector.shape_cast %get3A_7 : vector<1x1000x128xf32> to vector<1000x128xf32>
    %add3A = arith.addf %get3A_3, %get3A_8 : vector<1000x128xf32>
    %get3A_9 = arith.constant 0 : index
    %get3A_10 = arith.constant 0 : index
    %get3A_11 = vector.load %arg2[%get3A_9, %get3A_10] : memref<128x256xf32, #tpu.memory_space<vmem>>, vector<128x256xf32>
    %dot_general3A = arith.constant dense<0.000000e+00> : vector<1000x256xf32>
    %dot_general3A_12 = tpu.matmul %add3A, %get3A_11, %dot_general3A {dimension_numbers = #tpu.dot_dimension_numbers<[1], [0], [0], [1], [0, 0, 1, 1], [], []>, transpose_lhs_hint = false} : vector<1000x128xf32>, vector<128x256xf32>, vector<1000x256xf32> -> vector<1000x256xf32>
    %get3A_13 = arith.constant 0 : index
    %get3A_14 = arith.constant 0 : index
    %get3A_15 = vector.load %arg3[%get3A_13, %get3A_14] : memref<1x256xf32, #tpu.memory_space<vmem>>, vector<1x256xf32>
    %add3A_16 = vector.broadcast %get3A_15 : vector<1x256xf32> to vector<1000x256xf32>
    %add3A_17 = arith.addf %dot_general3A_12, %add3A_16 : vector<1000x256xf32>
    %max3A = arith.constant 0.000000e+00 : f32
    %max3A_18 = vector.broadcast %max3A : f32 to vector<1000x256xf32>
    %max3A_19 = arith.maximumf %add3A_17, %max3A_18 : vector<1000x256xf32>
    %get3A_20 = arith.constant 0 : index
    %get3A_21 = arith.constant 0 : index
    %get3A_22 = vector.load %arg4[%get3A_20, %get3A_21] : memref<256x64xf32, #tpu.memory_space<vmem>>, vector<256x64xf32>
    %dot_general3A_23 = arith.constant dense<0.000000e+00> : vector<1000x64xf32>
    %dot_general3A_24 = tpu.matmul %max3A_19, %get3A_22, %dot_general3A_23 {dimension_numbers = #tpu.dot_dimension_numbers<[1], [0], [0], [1], [0, 0, 1, 1], [], []>, transpose_lhs_hint = false} : vector<1000x256xf32>, vector<256x64xf32>, vector<1000x64xf32> -> vector<1000x64xf32>
    %get3A_25 = arith.constant 0 : index
    %get3A_26 = arith.constant 0 : index
    %get3A_27 = vector.load %arg5[%get3A_25, %get3A_26] : memref<1x64xf32, #tpu.memory_space<vmem>>, vector<1x64xf32>
    %add3A_28 = vector.broadcast %get3A_27 : vector<1x64xf32> to vector<1000x64xf32>
    %add3A_29 = arith.addf %dot_general3A_24, %add3A_28 : vector<1000x64xf32>
    %max3A_30 = arith.constant 0.000000e+00 : f32
    %max3A_31 = vector.broadcast %max3A_30 : f32 to vector<1000x64xf32>
    %max3A_32 = arith.maximumf %add3A_29, %max3A_31 : vector<1000x64xf32>
    %reduce_max3A = arith.constant dense<0xFF800000> : vector<1000xf32>
    %reduce_max3A_33 = vector.multi_reduction <maximumf>, %max3A_32, %reduce_max3A [1] : vector<1000x64xf32> to vector<1000xf32>
    %broadcast_in_dim3A = vector.shape_cast %reduce_max3A_33 : vector<1000xf32> to vector<1000x1xf32>
    %sub3A = vector.broadcast %broadcast_in_dim3A : vector<1000x1xf32> to vector<1000x64xf32>
    %sub3A_34 = arith.subf %max3A_32, %sub3A : vector<1000x64xf32>
    %exp3A = math.exp %sub3A_34 : vector<1000x64xf32>
    %reduce_sum3A = arith.constant dense<0.000000e+00> : vector<1000xf32>
    %reduce_sum3A_35 = vector.multi_reduction <add>, %exp3A, %reduce_sum3A [1] : vector<1000x64xf32> to vector<1000xf32>
    %broadcast_in_dim3A_36 = vector.shape_cast %reduce_sum3A_35 : vector<1000xf32> to vector<1000x1xf32>
    %log3A = math.log %broadcast_in_dim3A_36 : vector<1000x1xf32>
    %sub3A_37 = vector.broadcast %log3A : vector<1000x1xf32> to vector<1000x64xf32>
    %sub3A_38 = arith.subf %sub3A_34, %sub3A_37 : vector<1000x64xf32>
    %swap3A = arith.constant 0 : index
    %swap3A_39 = arith.constant 0 : index
    %swap3A_40 = vector.load %arg6[%swap3A, %swap3A_39] : memref<1000x64xf32, #tpu.memory_space<vmem>>, vector<1000x64xf32>
    tpu.vector_store %arg6[%swap3A, %swap3A_39], %sub3A_38 {strides = array<i32>} : memref<1000x64xf32, #tpu.memory_space<vmem>>, vector<1000x64xf32>,
    return
  }
  func.func @transform_0(%arg0: i32) -> (i32, i32, i32) {
    %c0_i32 = arith.constant 0 : i32
    %c0_i32_0 = arith.constant 0 : i32
    %c0_i32_1 = arith.constant 0 : i32
    return %c0_i32, %arg0, %c0_i32_0 : i32, i32, i32
  }
  func.func @transform_1(%arg0: i32) -> (i32, i32) {
    %c0_i32 = arith.constant 0 : i32
    %c0_i32_0 = arith.constant 0 : i32
    %c0_i32_1 = arith.constant 0 : i32
    return %c0_i32, %c0_i32_0 : i32, i32
  }
  func.func @transform_2(%arg0: i32) -> (i32, i32) {
    %c0_i32 = arith.constant 0 : i32
    %c0_i32_0 = arith.constant 0 : i32
    %c0_i32_1 = arith.constant 0 : i32
    return %c0_i32, %c0_i32_0 : i32, i32
  }
  func.func @transform_3(%arg0: i32) -> (i32, i32) {
    %c0_i32 = arith.constant 0 : i32
    %c0_i32_0 = arith.constant 0 : i32
    %c0_i32_1 = arith.constant 0 : i32
    return %c0_i32, %c0_i32_0 : i32, i32
  }
  func.func @transform_4(%arg0: i32) -> (i32, i32) {
    %c0_i32 = arith.constant 0 : i32
    %c0_i32_0 = arith.constant 0 : i32
    %c0_i32_1 = arith.constant 0 : i32
    return %c0_i32, %c0_i32_0 : i32, i32
  }
  func.func @transform_5(%arg0: i32) -> (i32, i32) {
    %c0_i32 = arith.constant 0 : i32
    %c0_i32_0 = arith.constant 0 : i32
    return %arg0, %c0_i32 : i32, i32
  }
}

</mosaic_0001>

<sc_bundles>
// kernel: kernel.4.cloned.1.call-start
scs
__scs_entry_jumppad:
0x0: {  	(pc) =	sbr.rel $0x88, $3  }
0x1: {  	(tag) =	ssettag $0x0;
	lr =	simm.s32 $0x1  }
0x2: {  	[smem:$0x3F9B] =	sst lr;
	_ =	strace $0xD0000000  }
0x3: {  	_ = 	snop  }
0x4: {  	_ = 	snop  }
0x5: {  	_ = 	snop  }
0x6: {  	_ = 	snop  }
0x7: {  	_ = 	snop  }
__scs_overlays_trampoline_lowered:
0x8: {  	[smem:$0x3FAA] =	sst s0  }
0x9: {  	[smem:$0x3FAB] =	sst s1  }
0xa: {  	[smem:$0x3FAC] =	sst s2  }
0xb: {  	[smem:$0x3FAD] =	sst s3  }
0xc: {  	[smem:$0x3FAE] =	sst s4  }
0xd: {  	[smem:$0x3FAF] =	sst s5  }
0xe: {  	[smem:$0x3FB0] =	sst s6  }
0xf: {  	[smem:$0x3FB1] =	sst s7  }
0x10: {  	[smem:$0x3FB2] =	sst s8  }
0x11: {  	[smem:$0x3FB3] =	sst s9;
	s0 =	simm.s32 @!p0 $0x0  }
0x12: {  	s1 =	sld [smem:$0x3F99];
	s0 =	simm.s32 @p0 $0x1  }
0x13: {  	[smem:$0x3FB4] =	sst s0;
	s0 =	simm.s32 @!p1 $0x0  }
0x14: {  	s2 =	sld [smem:$0x3F98];
	s0 =	simm.s32 @p1 $0x1  }
0x15: {  	[smem:$0x3FB5] =	sst s0;
	s0 =	simm.s32 @!p2 $0x0  }
0x16: {  	s3 =	sld [smem:$0x3FDB];
	s0 =	simm.s32 @p2 $0x1  }
0x17: {  	s4 =	simm.s32 $0x1BF5;
	[smem:$0x3FB7] =	sst s0  }
0x18: {  	s0 =	sld [smem:$0x3F9A];
	_ =	swait.ge [sflag:s4], $0x0  }
0x19: {  	s7 =	sld [smem:$0x3F9B]  }
0x1a: {  	s8 =	sadd.s32 $0xFFFFE003, lr  }
0x1b: {  	s9 =	sadd.s32 $0xFFFFFEF7, lr;
	s5 =	simm.s32 $0xFFFFFFFF;
	p2 =	slt.u32 s8, $0xFFFFF086  }
0x1c: {  	p1 =	slt.u32 s9, $0xF7A;
	s5 =	simm.s32 @!p2 $0x0  }
0x1d: {  	s5 =	simm.s32 @p1 $0x1;
	p0 =	seq.s32 s7, s2  }
0x1e: {  	s7 =	smul.u32 @!p0 $0xF7A, s2;
	p2 =	seq.s32 @!p0 s5, $0x0  }
0x1f: {  	s9 =	smul.u32 $0xF7A, s1;
	s8 =	simm.s32 @!p0 $0x1BF5;
	p2 =	por !p2, p0  }
0x20: {  	[sflag:s8] =	ssyncset.s32 @!p0 $0xFFFFF086;
	s6 =	sadd.s32 @!p0 s3, s7;
	s7 =	simm.s32 @!p0 $0x108  }
0x21: {  	s3 =	sadd.s32 s3, s9;
	s6 =	sadd.s32 @!p0 $0x88, s6;
	s7 =	simm.s32 @p2 $0x1082  }
0x22: {  	[simem:s7], [sflag:s8] =	dma.local @!p0 [hbm:s6], $0xF7A  }
0x23: {  	s9 =	sor.u32 $0xD0000000, s2;
	s6 =	simm.s32 $0x108;
	_ =	swait.ge @!p0 [sflag:s8], $0x0  }
0x24: {  	s3 =	sadd.s32 $0x88, s3;
	s6 =	simm.s32 @!p1 $0x1082;
	[sflag:s4] =	ssyncset.s32 $0xFFFFF086  }
0x25: {  	[simem:s6], [sflag:s4] =	dma.local [hbm:s3], $0xF7A  }
0x26: {  	[smem:$0x3F9B] =	sst s1;
	(tag) =	ssettag s2;
	_ =	strace s9  }
0x27: {  	s1 =	sld [smem:$0x3FAB]  }
0x28: {  	s2 =	sld [smem:$0x3FAC]  }
0x29: {  	s4 =	sld [smem:$0x3FAE]  }
0x2a: {  	p0 =	seq.s32 s5, $0x0;
	s5 =	sld [smem:$0x3FAF]  }
0x2b: {  	s6 =	sld [smem:$0x3FB0]  }
0x2c: {  	s7 =	sld [smem:$0x3FB1]  }
0x2d: {  	s3 =	simm.s32 $0x108;
	s8 =	sld [smem:$0x3FB2]  }
0x2e: {  	s3 =	simm.s32 @!p0 $0x1082;
	s9 =	sld [smem:$0x3FB3]  }
0x2f: {  	lr =	sadd.s32 s0, s3;
	s0 =	sld [smem:$0x3FAA]  }
0x30: {  	s3 =	sld [smem:$0x3FAD]  }
0x31: {  	[smem:$0x3FB6] =	sst s10  }
0x32: {  	s10 =	sld [smem:$0x3FB4];
	_ =	sdelay $0x3  }
0x33: {  	p0 =	seq.s32 s10, $0x1;
	s10 =	sld [smem:$0x3FB6];
	_ =	sdelay $0x3  }
0x34: {  	[smem:$0x3FB6] =	sst s10  }
0x35: {  	s10 =	sld [smem:$0x3FB5];
	_ =	sdelay $0x3  }
0x36: {  	p1 =	seq.s32 s10, $0x1;
	s10 =	sld [smem:$0x3FB6];
	_ =	sdelay $0x3  }
0x37: {  	[smem:$0x3FB6] =	sst s10  }
0x38: {  	s10 =	sld [smem:$0x3FB7]  }
0x39: {  	_ = 	snop;
	(pc) =	sbr.ind lr, $3  }
0x3a: {  	_ = 	snop  }
0x3b: {  	_ = 	snop  }
0x3c: {  	p2 =	seq.s32 s10, $0x1;
	s10 =	sld [smem:$0x3FB6]  }
0x3d: {  	_ =	shalt  }
0x3e: {  	_ =	shalt  }
0x3f: {  	_ =	shalt  }
0x40: {  	_ =	shalt  }
0x41: {  	_ =	shalt  }
0x42: {  	_ =	shalt  }
0x43: {  	_ =	shalt  }
0x44: {  	_ =	shalt  }
0x45: {  	_ =	shalt  }
0x46: {  	_ =	shalt  }
0x47: {  	_ =	shalt  }
0x48: {  	_ =	shalt  }
0x49: {  	_ =	shalt  }
0x4a: {  	_ =	shalt  }
0x4b: {  	_ =	shalt  }
0x4c: {  	_ =	shalt  }
0x4d: {  	_ =	shalt  }
0x4e: {  	_ =	shalt  }
0x4f: {  	_ =	shalt  }
0x50: {  	_ =	shalt  }
0x51: {  	_ =	shalt  }
0x52: {  	_ =	shalt  }
0x53: {  	_ =	shalt  }
0x54: {  	_ =	shalt  }
0x55: {  	_ =	shalt  }
0x56: {  	_ =	shalt  }
0x57: {  	_ =	shalt  }
0x58: {  	_ =	shalt  }
0x59: {  	_ =	shalt  }
0x5a: {  	_ =	shalt  }
0x5b: {  	_ =	shalt  }
0x5c: {  	_ =	shalt  }
0x5d: {  	_ =	shalt  }
0x5e: {  	_ =	shalt  }
0x5f: {  	_ =	shalt  }
0x60: {  	_ =	shalt  }
0x61: {  	_ =	shalt  }
0x62: {  	_ =	shalt  }
0x63: {  	_ =	shalt  }
0x64: {  	_ =	shalt  }
0x65: {  	_ =	shalt  }
0x66: {  	_ =	shalt  }
0x67: {  	_ =	shalt  }
0x68: {  	_ =	shalt  }
0x69: {  	_ =	shalt  }
0x6a: {  	_ =	shalt  }
0x6b: {  	_ =	shalt  }
0x6c: {  	_ =	shalt  }
0x6d: {  	_ =	shalt  }
0x6e: {  	_ =	shalt  }
0x6f: {  	_ =	shalt  }
0x70: {  	_ =	shalt  }
0x71: {  	_ =	shalt  }
0x72: {  	_ =	shalt  }
0x73: {  	_ =	shalt  }
0x74: {  	_ =	shalt  }
0x75: {  	_ =	shalt  }
0x76: {  	_ =	shalt  }
0x77: {  	_ =	shalt  }
0x78: {  	_ =	shalt  }
0x79: {  	_ =	shalt  }
0x7a: {  	_ =	shalt  }
0x7b: {  	_ =	shalt  }
0x7c: {  	_ =	shalt  }
0x7d: {  	_ =	shalt  }
0x7e: {  	_ =	shalt  }
0x7f: {  	_ =	shalt  }
0x80: {  	_ =	shalt  }
0x81: {  	_ =	shalt  }
0x82: {  	_ =	shalt  }
0x83: {  	_ =	shalt  }
0x84: {  	_ =	shalt  }
0x85: {  	_ =	shalt  }
0x86: {  	_ =	shalt  }
0x87: {  	_ =	shalt  }
.Lfunc_end0:
.L_simem_size_0:
called_computation_lowered:
.L_overlay_start_0:
0x88: {  	s2 =	sld [smem:$0x3FD9]  }
0x89: {  	s3 =	sld [smem:$0x3FFE];
	_ =	sdelay $0x1  }
0x8a: {  	s1 =	srdreg.scid  }
0x8b: {  	s0 =	sand.u32 $0x1, s1  }
0x8c: {  	s17 =	sshll.u32 s0, $0xA;
	s2 =	sadd.s32 s3, s2  }
0x8d: {  	s2 =	sadd.s32 s2, s17  }
0x8e: {  	[smem:$0x3FC2] =	sst s2  }
0x8f: {  	_ = 	snop  }
0x90: {  	s2 =	sld [smem:$0x3FC9]  }
0x91: {  	s18 =	sld [smem:$0x3FD0];
	(tm) =	ssettm $0x1  }
0x92: {  	s4 =	sld [smem:$0x3FFB];
	_ =	sdelay $0x3  }
0x93: {  	_ =	strace s4  }
0x94: {  	s4 =	sld [smem:$0x3FFC];
	_ =	sdelay $0x3  }
0x95: {  	_ =	strace s4  }
0x96: {  	s4 =	sld [smem:$0x3FFD];
	_ =	sdelay $0x3  }
0x97: {  	_ =	strace s4  }
0x98: {  	_ =	strace $0x8FFFFFFF  }
0x99: {  	s19 =	sld [smem:$0x3FDB];
	_ =	sdelay $0x1  }
0x9a: {  	s5 =	simm.s32 $_scs_section_size  }
0x9b: {  	s6 =	simm.s32 $_size__tile_overlayer_lowered;
	s7 =	simm.s32 $_tile_overlayer_lowered  }
0x9c: {  	s22 =	simm.s32 $0x1BFF;
	s21 =	sshll.u32 s7, $0x1;
	s4 =	sadd.s32 s5, s19  }
0x9d: {  	s8 =	simm.s32 $0x0;
	s20 =	sshll.u32 s6, $0x1;
	s6 =	sadd.s32 s21, s4  }
0x9e: {  	[timem:s8], [sflag:s22] =	dma.local [hbm:s6], s20  }
0x9f: {  	_ =	swait.ge [sflag:s22], s20  }
0xa0: {  	s5 =	ssub.s32 $0x0, s20;
	[sflag:s22] =	ssyncset.done $0x0  }
0xa1: {  	[sflag:s22] =	ssyncadd.s32 s5;
	_ =	sdelay $0x1  }
0xa2: {  	s23 =	simm.s32 $0x1B8B  }
0xa3: {  	_ =	swait.ge [sflag:s23], $0x1  }
0xa4: {  	[sflag:s23] =	ssyncset.done $0x0  }
0xa5: {  	s25 =	simm.s32 $0x1B8E;
	s24 =	sld [smem:$0x3FFE];
	[sflag:s23] =	ssyncadd.s32 $0xFFFFFFFF  }
0xa6: {  	s26 =	simm.s32 $execute0_lowered;
	[smem:$0x3FD2] =	sst s25  }
0xa7: {  	s6 =	sshll.u32 s26, $0x1;
	_ =	strace $0x80000046;
	[dreg:$0x1] =	wrdreg $0xFFFFFFFF  }
0xa8: {  	s28 =	simm.s32 $_size_execute0_lowered;
	s4 =	sadd.s32 s4, s6;
	[dreg:$0x0] =	wrdreg $0x0  }
0xa9: {  	s6 =	sshll.u32 s28, $0x1;
	[dreg:$0x2] =	wrdreg s4  }
0xaa: {  	[dreg:$0x3] =	wrdreg s6  }
0xab: {  	[dreg:$0x4] =	wrdreg $0xC0  }
0xac: {  	_ =	task [dreg:s8], $0x5FFFF  }
0xad: {  	[dreg:$0x1] =	wrdreg $0xFFFFFFFF  }
0xae: {  	[dreg:$0x0] =	wrdreg $0x60  }
0xaf: {  	[dreg:$0x2] =	wrdreg s2  }
0xb0: {  	[dreg:$0x3] =	wrdreg s24  }
0xb1: {  	[dreg:$0x4] =	wrdreg s18  }
0xb2: {  	[dreg:$0x5] =	wrdreg $0xBC000  }
0xb3: {  	[dreg:$0x6] =	wrdreg $0x9  }
0xb4: {  	_ =	task.clear_ibuf [dreg:s8], $0x7FFFF;
	_ =	strace $0x90000046  }
0xb5: {  	s29 =	simm.s32 $0x9;
	_ =	strace $0x80000048  }
0xb6: {  	_ =	swait.ge [sflag:s29], $0x1  }
0xb7: {  	[sflag:s29] =	ssyncadd.s32 $0xFFFFFFFF  }
0xb8: {  	_ =	strace $0x90000048  }
0xb9: {  	_ =	sfence  }
0xba: {  	s30 =	sld [smem:$0x0];
	_ =	sdelay $0x2  }
0xbb: {  	s31 =	sshll.u32 s1, $0xD;
	s1 =	sshrl.u32 s1, $0x2  }
0xbc: {  	s3 =	sand.u32 $0x4000, s31;
	s1 =	sadd.s32 s1, s30  }
0xbd: {  	s0 =	sor.u32 s3, s0;
	s1 =	sshll.u32 s1, $0x11  }
0xbe: {  	s0 =	sor.u32 s1, s0  }
0xbf: {  	s0 =	sadd.s32 $0x8F2B, s0  }
0xc0: {  	[sflag:s0] =	ssyncadd.remote.s32 $0x1  }
0xc1: {  	_ =	sfence.sel $0xFFFF  }
0xc2: {  	[dreg:$0x0] =	wrdreg $0xFFFFFFFF;
	(pc) =	sbr.abs _section_cstart, $3  }
0xc3: {  	[dreg:$0x1] =	wrdreg $0xFFFFFFFF  }
0xc4: {  	_ =	task.clear_ibuf [dreg:s8], $0x2FFFF;
	_ =	strace $0x9FFFFFFF  }
0xc5: {  	(tm) =	ssettm $0x7FFFFFFF  }
tec
execute0_lowered:
.L_overlay_start_1:
0x0: {  	(tag) =	ssettag $0x1  }
0x1: {  	s1 =	rddreg [dreg:$0x0]  }
0x2: {  	s2 =	rddreg [dreg:$0x1]  }
0x3: {  	s7 =	rddreg [dreg:$0x2]  }
0x4: {  	s0 =	srdreg.scid;
	s4 =	rddreg [dreg:$0x3];
	s31 =	simm.s32 $0x0  }
0x5: {  	s8 =	sand.u32 $0x1, s0;
	[smem:$0x7FF] =	sst s31  }
0x6: {  	s25 =	sadd.s32 $0x25800, s1;
	[smem:$0x7FC] =	sst s8  }
0x7: {  	s16 =	simm.s32 $0xC00;
	_ =	strace $0x80000047;
	[dreg:$0x6] =	wrdreg s25  }
0x8: {  	s9 =	stileid.u32;
	s17 =	simm.s32 $0xC80;
	[dreg:$0x16] =	wrdreg s16  }
0x9: {  	s18 =	simm.s32 $0x1C00;
	s19 =	simm.s32 $0xD00;
	[dreg:$0x17] =	wrdreg s17  }
0xa: {  	s20 =	simm.s32 $0x1C80;
	s24 =	sshll.u32 s9, $0x1;
	[dreg:$0x18] =	wrdreg s18  }
0xb: {  	s21 =	simm.s32 $0xD80;
	s0 =	sor.u32 s8, s24;
	[dreg:$0x19] =	wrdreg s19  }
0xc: {  	s22 =	simm.s32 $0x1D00;
	s0 =	smul.u32 $0x3400, s0;
	[dreg:$0x1a] =	wrdreg s20  }
0xd: {  	s23 =	simm.s32 $0x1D80;
	s6 =	smul.u32 $0x2800, s9;
	[dreg:$0x1b] =	wrdreg s21  }
0xe: {  	s5 =	smul.u32 $0x14000, s9;
	[dreg:$0x1c] =	wrdreg s22;
	s0 =	sshrl.u32 s0, $0x3  }
0xf: {  	s6 =	sadd.s32 s1, s6;
	[dreg:$0x1d] =	wrdreg s23;
	s0 =	sadd.s32 s0, s2  }
0x10: {  	s28 =	smul.u32 $0x50000, s9;
	[dreg:$0x5] =	wrdreg s6;
	s26 =	sadd.s32 $0xE00, s0  }
0x11: {  	s3 =	smul.u32 $0x140000, s8;
	s30 =	sadd.s32 $0xDE00, s0;
	[dreg:$0x7] =	wrdreg s26  }
0x12: {  	p0 =	sne.s32 s8, $0x0;
	s9 =	sadd.s32 $0xF80, s0;
	[dreg:$0x8] =	wrdreg s30  }
0x13: {  	s10 =	sshrl.u32 s28, $0x2;
	s11 =	sadd.s32 $0xDF80, s0;
	[dreg:$0x9] =	wrdreg s9  }
0x14: {  	s3 =	sadd.s32 s5, s3;
	s12 =	sadd.s32 $0x1100, s0;
	[dreg:$0xa] =	wrdreg s11  }
0x15: {  	s3 =	sshrl.u32 s3, $0x3;
	s13 =	sadd.s32 $0xE100, s0;
	[dreg:$0xb] =	wrdreg s12  }
0x16: {  	s2 =	sadd.s32 s3, s2;
	s14 =	sadd.s32 $0x1280, s0;
	[dreg:$0xc] =	wrdreg s13  }
0x17: {  	s3 =	stileid.u32;
	s0 =	sadd.s32 $0xE280, s0;
	[dreg:$0xd] =	wrdreg s14  }
0x18: {  	s15 =	sadd.s32 $0x1AE00, s2;
	s2 =	sshll.u32 @p0 s3, $0x6;
	[dreg:$0xe] =	wrdreg s0  }
0x19: {  	s6 =	sadd.s32 $0x12C000, s4;
	[dreg:$0xf] =	wrdreg s15;
	s0 =	sor.u32 @p0 $0x1C07, s2  }
0x1a: {  	s5 =	sadd.s32 $0x138800, s4;
	s9 =	sadd.s32 s10, s4;
	[dreg:$0x10] =	wrdreg s0  }
0x1b: {  	p2 =	seq.s32 @!p0 s3, $0xF;
	[smem:$0x7FD] =	sst s9;
	s0 =	sshrl.u32 @p0 s9, $0x3  }
0x1c: {  	s2 =	stileid.u32;
	p1 =	por !p2, p0;
	[dreg:$0x11] =	wrdreg s0  }
0x1d: {  	p2 =	por p2, p0;
	s0 =	sshrl.u32 @!p1 s6, $0x3;
	s3 =	rddreg [dreg:$0x10]  }
0x1e: {  	s2 =	sshll.u32 @!p2 s2, $0x6;
	[dreg:$0x14] =	wrdreg s0;
	s0 =	sshrl.u32 @!p1 s5, $0x3  }
0x1f: {  	[dreg:$0x15] =	wrdreg s0;
	s0 =	sor.u32 @!p2 $0x1C07, s2  }
0x20: {  	[dreg:$0x12] =	wrdreg s0;
	s0 =	sshrl.u32 @!p2 s9, $0x3  }
0x21: {  	[dreg:$0x13] =	wrdreg s0  }
0x22: {  	s6 =	simm.s32 @p0 $0x7;
	s0 =	rddreg [dreg:$0x11]  }
0x23: {  	[spmem:s0], [sflag:s3] =	dma.local @p0 [hbm:s7], $0x2800  }
0x24: {  	_ =	swait.ge @p0 [sflag:s6], $0x2800  }
0x25: {  	s3 =	simm.s32 @!p1 $0x1FC7;
	s0 =	rddreg [dreg:$0x14];
	[sflag:s6] =	ssyncset.done @p0 $0x0  }
0x26: {  	s2 =	rddreg [dreg:$0x6];
	[sflag:s6] =	ssyncadd.s32 @p0 $0xFFFFD800;
	s6 =	simm.s32 @!p1 $0x7  }
0x27: {  	[spmem:s0], [sflag:s3] =	dma.local @!p1 [hbm:s2], $0x1900  }
0x28: {  	_ =	swait.ge @!p1 [sflag:s6], $0x1900  }
0x29: {  	[sflag:s6] =	ssyncset.done @!p1 $0x0  }
0x2a: {  	s0 =	rddreg [dreg:$0x15];
	[sflag:s6] =	ssyncadd.s32 @!p1 $0xFFFFE700  }
0x2b: {  	[spmem:s0], [sflag:s3] =	dma.local @!p1 [hbm:s7], $0xF00  }
0x2c: {  	_ =	swait.ge @!p1 [sflag:s6], $0xF00  }
0x2d: {  	s0 =	rddreg [dreg:$0x12]  }
0x2e: {  	s2 =	rddreg [dreg:$0x13];
	[sflag:s6] =	ssyncset.done @!p1 $0x0  }
0x2f: {  	s3 =	rddreg [dreg:$0x5];
	[sflag:s6] =	ssyncadd.s32 @!p1 $0xFFFFF100;
	s6 =	simm.s32 @!p2 $0x7  }
0x30: {  	[spmem:s2], [sflag:s0] =	dma.local @!p2 [hbm:s3], $0x2800  }
0x31: {  	_ =	swait.ge @!p2 [sflag:s6], $0x2800  }
0x32: {  	[sflag:s6] =	ssyncset.done @!p2 $0x0  }
0x33: {  	[sflag:s6] =	ssyncadd.s32 @!p2 $0xFFFFD800  }
0x34: {  	[bflag:$0x0] =	sbarrier.arrive $0xFFFF  }
0x35: {  	s10 =	simm.s32 $0x7;
	s24 =	rddreg [dreg:$0x7]  }
0x36: {  	[tilespmem:s31], [sflag:$0x7] =	stream.linear.gather [hbm4b:s24+s31], $0xC00, $0x38;
	[tilespmem:$0x1FC00] =	vst v63  }
0x37: {  	_ =	swait.ge [sflag:s10], $0xC00  }
0x38: {  	[sflag:s10] =	ssyncset.done $0x0  }
0x39: {  	s26 =	simm.s32 $0x1000;
	s25 =	rddreg [dreg:$0x8];
	[sflag:s10] =	ssyncadd.s32 $0xFFFFF400  }
0x3a: {  	[tilespmem:s26], [sflag:$0x7] =	stream.linear.gather [hbm4b:s25+s31], $0xC00, $0x38;
	[tilespmem:$0x1FC00] =	vst v63  }
0x3b: {  	_ =	swait.ge [sflag:s10], $0xC00  }
0x3c: {  	[sflag:s10] =	ssyncset.done $0x0  }
0x3d: {  	s12 =	simm.s32 $0x64;
	s13 =	simm.s32 $0x2000;
	[sflag:s10] =	ssyncadd.s32 $0xFFFFF400  }
0x3e: {  	[tilespmem:s13], [sflag:$0x1] =	stream.indirect.gather [hbm4b:s1+s12], $0x80, s31, s12, $0xb8;
	[tilespmem:$0x1FC00] =	vst v63  }
0x3f: {  	s16 =	simm.s32 $0x1;
	s30 =	simm.s32 $0x80;
	s15 =	simm.s32 $0x5400  }
0x40: {  	[tilespmem:s15], [sflag:$0x2] =	stream.indirect.gather [hbm4b:s1+s12], $0x80, s30, s12, $0xb8;
	[tilespmem:$0x1FC00] =	vst v63  }
0x41: {  	_ =	swait.ge [sflag:s16], $0x3200  }
0x42: {  	[sflag:s16] =	ssyncset.done $0x0  }
0x43: {  	s28 =	simm.s32 $0x1000;
	[sflag:s16] =	ssyncadd.s32 $0xFFFFCE00  }
0x44: {  	[spmem:s4] =	stream.indirect.scatter.add.f32 [tilespmem:s13], [sflag:$0x4], $0x80, s28, s12, $0xb8;
	[tilespmem:$0x1FC00] =	vst v63  }
0x45: {  	s18 =	simm.s32 $0x8800;
	s19 =	simm.s32 $0x2;
	s2 =	simm.s32 $0x100  }
0x46: {  	[tilespmem:s18], [sflag:$0x3] =	stream.indirect.gather [hbm4b:s1+s12], $0x80, s2, s12, $0xb8;
	[tilespmem:$0x1FC00] =	vst v63  }
0x47: {  	_ =	swait.ge [sflag:s19], $0x3200  }
0x48: {  	[sflag:s19] =	ssyncset.done $0x0  }
0x49: {  	s21 =	simm.s32 $0x4;
	s3 =	simm.s32 $0x1080;
	[sflag:s19] =	ssyncadd.s32 $0xFFFFCE00  }
0x4a: {  	[spmem:s4] =	stream.indirect.scatter.add.f32 [tilespmem:s15], [sflag:$0x5], $0x80, s3, s12, $0xb8;
	[tilespmem:$0x1FC00] =	vst v63  }
0x4b: {  	_ =	swait.ge [sflag:s21], $0x3200  }
0x4c: {  	[sflag:s21] =	ssyncset.done $0x0  }
0x4d: {  	s23 =	simm.s32 $0x3;
	s5 =	simm.s32 $0x180;
	[sflag:s21] =	ssyncadd.s32 $0xFFFFCE00  }
0x4e: {  	[tilespmem:s13], [sflag:$0x1] =	stream.indirect.gather [hbm4b:s1+s12], $0x80, s5, s12, $0xb8;
	[tilespmem:$0x1FC00] =	vst v63  }
0x4f: {  	_ =	swait.ge [sflag:s23], $0x3200  }
0x50: {  	[sflag:s23] =	ssyncset.done $0x0  }
0x51: {  	s6 =	simm.s32 $0x1100;
	s25 =	simm.s32 $0x5;
	[sflag:s23] =	ssyncadd.s32 $0xFFFFCE00  }
0x52: {  	[spmem:s4] =	stream.indirect.scatter.add.f32 [tilespmem:s18], [sflag:$0x6], $0x80, s6, s12, $0xb8;
	[tilespmem:$0x1FC00] =	vst v63  }
0x53: {  	_ =	swait.ge [sflag:s25], $0x3200  }
0x54: {  	[sflag:s25] =	ssyncset.done $0x0  }
0x55: {  	s7 =	simm.s32 $0x200;
	[sflag:s25] =	ssyncadd.s32 $0xFFFFCE00  }
0x56: {  	[tilespmem:s15], [sflag:$0x2] =	stream.indirect.gather [hbm4b:s1+s12], $0x80, s7, s12, $0xb8;
	[tilespmem:$0x1FC00] =	vst v63  }
0x57: {  	_ =	swait.ge [sflag:s16], $0x3200  }
0x58: {  	[sflag:s16] =	ssyncset.done $0x0  }
0x59: {  	s29 =	simm.s32 $0x6;
	s8 =	simm.s32 $0x1180;
	[sflag:s16] =	ssyncadd.s32 $0xFFFFCE00  }
0x5a: {  	[spmem:s4] =	stream.indirect.scatter.add.f32 [tilespmem:s13], [sflag:$0x4], $0x80, s8, s12, $0xb8;
	[tilespmem:$0x1FC00] =	vst v63  }
0x5b: {  	_ =	swait.ge [sflag:s29], $0x3200  }
0x5c: {  	[sflag:s29] =	ssyncset.done $0x0  }
0x5d: {  	s9 =	simm.s32 $0x280;
	[sflag:s29] =	ssyncadd.s32 $0xFFFFCE00  }
0x5e: {  	[tilespmem:s18], [sflag:$0x3] =	stream.indirect.gather [hbm4b:s1+s12], $0x80, s9, s12, $0xb8;
	[tilespmem:$0x1FC00] =	vst v63  }
0x5f: {  	_ =	swait.ge [sflag:s19], $0x3200  }
0x60: {  	[sflag:s19] =	ssyncset.done $0x0  }
0x61: {  	s11 =	simm.s32 $0x1200;
	[sflag:s19] =	ssyncadd.s32 $0xFFFFCE00  }
0x62: {  	[spmem:s4] =	stream.indirect.scatter.add.f32 [tilespmem:s15], [sflag:$0x5], $0x80, s11, s12, $0xb8;
	[tilespmem:$0x1FC00] =	vst v63  }
0x63: {  	_ =	swait.ge [sflag:s21], $0x3200  }
0x64: {  	[sflag:s21] =	ssyncset.done $0x0  }
0x65: {  	s14 =	simm.s32 $0x300;
	[sflag:s21] =	ssyncadd.s32 $0xFFFFCE00  }
0x66: {  	[tilespmem:s13], [sflag:$0x1] =	stream.indirect.gather [hbm4b:s1+s12], $0x80, s14, s12, $0xb8;
	[tilespmem:$0x1FC00] =	vst v63  }
0x67: {  	_ =	swait.ge [sflag:s23], $0x3200  }
0x68: {  	[sflag:s23] =	ssyncset.done $0x0  }
0x69: {  	s17 =	simm.s32 $0x1280;
	[sflag:s23] =	ssyncadd.s32 $0xFFFFCE00  }
0x6a: {  	[spmem:s4] =	stream.indirect.scatter.add.f32 [tilespmem:s18], [sflag:$0x6], $0x80, s17, s12, $0xb8;
	[tilespmem:$0x1FC00] =	vst v63  }
0x6b: {  	_ =	swait.ge [sflag:s25], $0x3200  }
0x6c: {  	[sflag:s25] =	ssyncset.done $0x0  }
0x6d: {  	s20 =	simm.s32 $0x380;
	[sflag:s25] =	ssyncadd.s32 $0xFFFFCE00  }
0x6e: {  	[tilespmem:s15], [sflag:$0x2] =	stream.indirect.gather [hbm4b:s1+s12], $0x80, s20, s12, $0xb8;
	[tilespmem:$0x1FC00] =	vst v63  }
0x6f: {  	_ =	swait.ge [sflag:s16], $0x3200  }
0x70: {  	[sflag:s16] =	ssyncset.done $0x0  }
0x71: {  	s22 =	simm.s32 $0x1300;
	[sflag:s16] =	ssyncadd.s32 $0xFFFFCE00  }
0x72: {  	[spmem:s4] =	stream.indirect.scatter.add.f32 [tilespmem:s13], [sflag:$0x4], $0x80, s22, s12, $0xb8;
	[tilespmem:$0x1FC00] =	vst v63  }
0x73: {  	_ =	swait.ge [sflag:s29], $0x3200  }
0x74: {  	[sflag:s29] =	ssyncset.done $0x0  }
0x75: {  	s24 =	simm.s32 $0x400;
	[sflag:s29] =	ssyncadd.s32 $0xFFFFCE00  }
0x76: {  	[tilespmem:s18], [sflag:$0x3] =	stream.indirect.gather [hbm4b:s1+s12], $0x80, s24, s12, $0xb8;
	[tilespmem:$0x1FC00] =	vst v63  }
0x77: {  	_ =	swait.ge [sflag:s19], $0x3200  }
0x78: {  	[sflag:s19] =	ssyncset.done $0x0  }
0x79: {  	s26 =	simm.s32 $0x1380;
	[sflag:s19] =	ssyncadd.s32 $0xFFFFCE00  }
0x7a: {  	[spmem:s4] =	stream.indirect.scatter.add.f32 [tilespmem:s15], [sflag:$0x5], $0x80, s26, s12, $0xb8;
	[tilespmem:$0x1FC00] =	vst v63  }
0x7b: {  	_ =	swait.ge [sflag:s21], $0x3200  }
0x7c: {  	[sflag:s21] =	ssyncset.done $0x0  }
0x7d: {  	s28 =	simm.s32 $0x480;
	[sflag:s21] =	ssyncadd.s32 $0xFFFFCE00  }
0x7e: {  	[tilespmem:s13], [sflag:$0x1] =	stream.indirect.gather [hbm4b:s1+s12], $0x80, s28, s12, $0xb8;
	[tilespmem:$0x1FC00] =	vst v63  }
0x7f: {  	_ =	swait.ge [sflag:s23], $0x3200  }
0x80: {  	[sflag:s23] =	ssyncset.done $0x0  }
0x81: {  	s30 =	simm.s32 $0x1400;
	[sflag:s23] =	ssyncadd.s32 $0xFFFFCE00  }
0x82: {  	[spmem:s4] =	stream.indirect.scatter.add.f32 [tilespmem:s18], [sflag:$0x6], $0x80, s30, s12, $0xb8;
	[tilespmem:$0x1FC00] =	vst v63  }
0x83: {  	_ =	swait.ge [sflag:s25], $0x3200  }
0x84: {  	[sflag:s25] =	ssyncset.done $0x0  }
0x85: {  	s2 =	simm.s32 $0x500;
	[sflag:s25] =	ssyncadd.s32 $0xFFFFCE00  }
0x86: {  	[tilespmem:s15], [sflag:$0x2] =	stream.indirect.gather [hbm4b:s1+s12], $0x80, s2, s12, $0xb8;
	[tilespmem:$0x1FC00] =	vst v63  }
0x87: {  	_ =	swait.ge [sflag:s16], $0x3200  }
0x88: {  	[sflag:s16] =	ssyncset.done $0x0  }
0x89: {  	s3 =	simm.s32 $0x1480;
	[sflag:s16] =	ssyncadd.s32 $0xFFFFCE00  }
0x8a: {  	[spmem:s4] =	stream.indirect.scatter.add.f32 [tilespmem:s13], [sflag:$0x4], $0x80, s3, s12, $0xb8;
	[tilespmem:$0x1FC00] =	vst v63  }
0x8b: {  	_ =	swait.ge [sflag:s29], $0x3200  }
0x8c: {  	[sflag:s29] =	ssyncset.done $0x0  }
0x8d: {  	s5 =	simm.s32 $0x580;
	[sflag:s29] =	ssyncadd.s32 $0xFFFFCE00  }
0x8e: {  	[tilespmem:s18], [sflag:$0x3] =	stream.indirect.gather [hbm4b:s1+s12], $0x80, s5, s12, $0xb8;
	[tilespmem:$0x1FC00] =	vst v63  }
0x8f: {  	_ =	swait.ge [sflag:s19], $0x3200  }
0x90: {  	[sflag:s19] =	ssyncset.done $0x0  }
0x91: {  	s6 =	simm.s32 $0x1500;
	[sflag:s19] =	ssyncadd.s32 $0xFFFFCE00  }
0x92: {  	[spmem:s4] =	stream.indirect.scatter.add.f32 [tilespmem:s15], [sflag:$0x5], $0x80, s6, s12, $0xb8;
	[tilespmem:$0x1FC00] =	vst v63  }
0x93: {  	_ =	swait.ge [sflag:s21], $0x3200  }
0x94: {  	[sflag:s21] =	ssyncset.done $0x0  }
0x95: {  	s7 =	simm.s32 $0x600;
	[sflag:s21] =	ssyncadd.s32 $0xFFFFCE00  }
0x96: {  	[tilespmem:s13], [sflag:$0x1] =	stream.indirect.gather [hbm4b:s1+s12], $0x80, s7, s12, $0xb8;
	[tilespmem:$0x1FC00] =	vst v63  }
0x97: {  	_ =	swait.ge [sflag:s23], $0x3200  }
0x98: {  	[sflag:s23] =	ssyncset.done $0x0  }
0x99: {  	s8 =	simm.s32 $0x1580;
	[sflag:s23] =	ssyncadd.s32 $0xFFFFCE00  }
0x9a: {  	[spmem:s4] =	stream.indirect.scatter.add.f32 [tilespmem:s18], [sflag:$0x6], $0x80, s8, s12, $0xb8;
	[tilespmem:$0x1FC00] =	vst v63  }
0x9b: {  	_ =	swait.ge [sflag:s25], $0x3200  }
0x9c: {  	[sflag:s25] =	ssyncset.done $0x0  }
0x9d: {  	s9 =	simm.s32 $0x680;
	[sflag:s25] =	ssyncadd.s32 $0xFFFFCE00  }
0x9e: {  	[tilespmem:s15], [sflag:$0x2] =	stream.indirect.gather [hbm4b:s1+s12], $0x80, s9, s12, $0xb8;
	[tilespmem:$0x1FC00] =	vst v63  }
0x9f: {  	_ =	swait.ge [sflag:s16], $0x3200  }
0xa0: {  	[sflag:s16] =	ssyncset.done $0x0  }
0xa1: {  	s11 =	simm.s32 $0x1600;
	[sflag:s16] =	ssyncadd.s32 $0xFFFFCE00  }
0xa2: {  	[spmem:s4] =	stream.indirect.scatter.add.f32 [tilespmem:s13], [sflag:$0x4], $0x80, s11, s12, $0xb8;
	[tilespmem:$0x1FC00] =	vst v63  }
0xa3: {  	_ =	swait.ge [sflag:s29], $0x3200  }
0xa4: {  	[sflag:s29] =	ssyncset.done $0x0  }
0xa5: {  	s14 =	simm.s32 $0x700;
	[sflag:s29] =	ssyncadd.s32 $0xFFFFCE00  }
0xa6: {  	[tilespmem:s18], [sflag:$0x3] =	stream.indirect.gather [hbm4b:s1+s12], $0x80, s14, s12, $0xb8;
	[tilespmem:$0x1FC00] =	vst v63  }
0xa7: {  	_ =	swait.ge [sflag:s19], $0x3200  }
0xa8: {  	[sflag:s19] =	ssyncset.done $0x0  }
0xa9: {  	s17 =	simm.s32 $0x1680;
	[sflag:s19] =	ssyncadd.s32 $0xFFFFCE00  }
0xaa: {  	[spmem:s4] =	stream.indirect.scatter.add.f32 [tilespmem:s15], [sflag:$0x5], $0x80, s17, s12, $0xb8;
	[tilespmem:$0x1FC00] =	vst v63  }
0xab: {  	_ =	swait.ge [sflag:s21], $0x3200  }
0xac: {  	[sflag:s21] =	ssyncset.done $0x0  }
0xad: {  	s20 =	simm.s32 $0x780;
	[sflag:s21] =	ssyncadd.s32 $0xFFFFCE00  }
0xae: {  	[tilespmem:s13], [sflag:$0x1] =	stream.indirect.gather [hbm4b:s1+s12], $0x80, s20, s12, $0xb8;
	[tilespmem:$0x1FC00] =	vst v63  }
0xaf: {  	_ =	swait.ge [sflag:s23], $0x3200  }
0xb0: {  	[sflag:s23] =	ssyncset.done $0x0  }
0xb1: {  	s22 =	simm.s32 $0x1700;
	[sflag:s23] =	ssyncadd.s32 $0xFFFFCE00  }
0xb2: {  	[spmem:s4] =	stream.indirect.scatter.add.f32 [tilespmem:s18], [sflag:$0x6], $0x80, s22, s12, $0xb8;
	[tilespmem:$0x1FC00] =	vst v63  }
0xb3: {  	_ =	swait.ge [sflag:s25], $0x3200  }
0xb4: {  	[sflag:s25] =	ssyncset.done $0x0  }
0xb5: {  	s24 =	simm.s32 $0x800;
	[sflag:s25] =	ssyncadd.s32 $0xFFFFCE00  }
0xb6: {  	[tilespmem:s15], [sflag:$0x2] =	stream.indirect.gather [hbm4b:s1+s12], $0x80, s24, s12, $0xb8;
	[tilespmem:$0x1FC00] =	vst v63  }
0xb7: {  	_ =	swait.ge [sflag:s16], $0x3200  }
0xb8: {  	[sflag:s16] =	ssyncset.done $0x0  }
0xb9: {  	s26 =	simm.s32 $0x1780;
	[sflag:s16] =	ssyncadd.s32 $0xFFFFCE00  }
0xba: {  	[spmem:s4] =	stream.indirect.scatter.add.f32 [tilespmem:s13], [sflag:$0x4], $0x80, s26, s12, $0xb8;
	[tilespmem:$0x1FC00] =	vst v63  }
0xbb: {  	_ =	swait.ge [sflag:s29], $0x3200  }
0xbc: {  	[sflag:s29] =	ssyncset.done $0x0  }
0xbd: {  	s28 =	simm.s32 $0x880;
	[sflag:s29] =	ssyncadd.s32 $0xFFFFCE00  }
0xbe: {  	[tilespmem:s18], [sflag:$0x3] =	stream.indirect.gather [hbm4b:s1+s12], $0x80, s28, s12, $0xb8;
	[tilespmem:$0x1FC00] =	vst v63  }
0xbf: {  	_ =	swait.ge [sflag:s19], $0x3200  }
0xc0: {  	[sflag:s19] =	ssyncset.done $0x0  }
0xc1: {  	s30 =	simm.s32 $0x1800;
	[sflag:s19] =	ssyncadd.s32 $0xFFFFCE00  }
0xc2: {  	[spmem:s4] =	stream.indirect.scatter.add.f32 [tilespmem:s15], [sflag:$0x5], $0x80, s30, s12, $0xb8;
	[tilespmem:$0x1FC00] =	vst v63  }
0xc3: {  	_ =	swait.ge [sflag:s21], $0x3200  }
0xc4: {  	[sflag:s21] =	ssyncset.done $0x0  }
0xc5: {  	s2 =	simm.s32 $0x900;
	[sflag:s21] =	ssyncadd.s32 $0xFFFFCE00  }
0xc6: {  	[tilespmem:s13], [sflag:$0x1] =	stream.indirect.gather [hbm4b:s1+s12], $0x80, s2, s12, $0xb8;
	[tilespmem:$0x1FC00] =	vst v63  }
0xc7: {  	_ =	swait.ge [sflag:s23], $0x3200  }
0xc8: {  	[sflag:s23] =	ssyncset.done $0x0  }
0xc9: {  	s3 =	simm.s32 $0x1880;
	[sflag:s23] =	ssyncadd.s32 $0xFFFFCE00  }
0xca: {  	[spmem:s4] =	stream.indirect.scatter.add.f32 [tilespmem:s18], [sflag:$0x6], $0x80, s3, s12, $0xb8;
	[tilespmem:$0x1FC00] =	vst v63  }
0xcb: {  	_ =	swait.ge [sflag:s25], $0x3200  }
0xcc: {  	[sflag:s25] =	ssyncset.done $0x0  }
0xcd: {  	s5 =	simm.s32 $0x980;
	[sflag:s25] =	ssyncadd.s32 $0xFFFFCE00  }
0xce: {  	[tilespmem:s15], [sflag:$0x2] =	stream.indirect.gather [hbm4b:s1+s12], $0x80, s5, s12, $0xb8;
	[tilespmem:$0x1FC00] =	vst v63  }
0xcf: {  	_ =	swait.ge [sflag:s16], $0x3200  }
0xd0: {  	[sflag:s16] =	ssyncset.done $0x0  }
0xd1: {  	s6 =	simm.s32 $0x1900;
	[sflag:s16] =	ssyncadd.s32 $0xFFFFCE00  }
0xd2: {  	[spmem:s4] =	stream.indirect.scatter.add.f32 [tilespmem:s13], [sflag:$0x4], $0x80, s6, s12, $0xb8;
	[tilespmem:$0x1FC00] =	vst v63  }
0xd3: {  	_ =	swait.ge [sflag:s29], $0x3200  }
0xd4: {  	[sflag:s29] =	ssyncset.done $0x0  }
0xd5: {  	s7 =	simm.s32 $0xA00;
	[sflag:s29] =	ssyncadd.s32 $0xFFFFCE00  }
0xd6: {  	[tilespmem:s18], [sflag:$0x3] =	stream.indirect.gather [hbm4b:s1+s12], $0x80, s7, s12, $0xb8;
	[tilespmem:$0x1FC00] =	vst v63  }
0xd7: {  	_ =	swait.ge [sflag:s19], $0x3200  }
0xd8: {  	[sflag:s19] =	ssyncset.done $0x0  }
0xd9: {  	s8 =	simm.s32 $0x1980;
	[sflag:s19] =	ssyncadd.s32 $0xFFFFCE00  }
0xda: {  	[spmem:s4] =	stream.indirect.scatter.add.f32 [tilespmem:s15], [sflag:$0x5], $0x80, s8, s12, $0xb8;
	[tilespmem:$0x1FC00] =	vst v63  }
0xdb: {  	_ =	swait.ge [sflag:s21], $0x3200  }
0xdc: {  	[sflag:s21] =	ssyncset.done $0x0  }
0xdd: {  	s9 =	simm.s32 $0xA80;
	[sflag:s21] =	ssyncadd.s32 $0xFFFFCE00  }
0xde: {  	[tilespmem:s13], [sflag:$0x1] =	stream.indirect.gather [hbm4b:s1+s12], $0x80, s9, s12, $0xb8;
	[tilespmem:$0x1FC00] =	vst v63  }
0xdf: {  	_ =	swait.ge [sflag:s23], $0x3200  }
0xe0: {  	[sflag:s23] =	ssyncset.done $0x0  }
0xe1: {  	s11 =	simm.s32 $0x1A00;
	[sflag:s23] =	ssyncadd.s32 $0xFFFFCE00  }
0xe2: {  	[spmem:s4] =	stream.indirect.scatter.add.f32 [tilespmem:s18], [sflag:$0x6], $0x80, s11, s12, $0xb8;
	[tilespmem:$0x1FC00] =	vst v63  }
0xe3: {  	_ =	swait.ge [sflag:s25], $0x3200  }
0xe4: {  	[sflag:s25] =	ssyncset.done $0x0  }
0xe5: {  	s14 =	simm.s32 $0xB00;
	[sflag:s25] =	ssyncadd.s32 $0xFFFFCE00  }
0xe6: {  	[tilespmem:s15], [sflag:$0x2] =	stream.indirect.gather [hbm4b:s1+s12], $0x80, s14, s12, $0xb8;
	[tilespmem:$0x1FC00] =	vst v63  }
0xe7: {  	_ =	swait.ge [sflag:s16], $0x3200  }
0xe8: {  	[sflag:s16] =	ssyncset.done $0x0  }
0xe9: {  	s17 =	simm.s32 $0x1A80;
	[sflag:s16] =	ssyncadd.s32 $0xFFFFCE00  }
0xea: {  	[spmem:s4] =	stream.indirect.scatter.add.f32 [tilespmem:s13], [sflag:$0x4], $0x80, s17, s12, $0xb8;
	[tilespmem:$0x1FC00] =	vst v63  }
0xeb: {  	_ =	swait.ge [sflag:s29], $0x3200  }
0xec: {  	[sflag:s29] =	ssyncset.done $0x0  }
0xed: {  	s20 =	simm.s32 $0xB80;
	[sflag:s29] =	ssyncadd.s32 $0xFFFFCE00  }
0xee: {  	[tilespmem:s18], [sflag:$0x3] =	stream.indirect.gather [hbm4b:s1+s12], $0x80, s20, s12, $0xb8;
	[tilespmem:$0x1FC00] =	vst v63  }
0xef: {  	_ =	swait.ge [sflag:s19], $0x3200  }
0xf0: {  	[sflag:s19] =	ssyncset.done $0x0  }
0xf1: {  	s22 =	simm.s32 $0x1B00;
	[sflag:s19] =	ssyncadd.s32 $0xFFFFCE00  }
0xf2: {  	[spmem:s4] =	stream.indirect.scatter.add.f32 [tilespmem:s15], [sflag:$0x5], $0x80, s22, s12, $0xb8;
	[tilespmem:$0x1FC00] =	vst v63  }
0xf3: {  	_ =	swait.ge [sflag:s23], $0x3200  }
0xf4: {  	[sflag:s23] =	ssyncset.done $0x0  }
0xf5: {  	s24 =	simm.s32 $0x1B80;
	[sflag:s23] =	ssyncadd.s32 $0xFFFFCE00  }
0xf6: {  	[spmem:s4] =	stream.indirect.scatter.add.f32 [tilespmem:s18], [sflag:$0x6], $0x80, s24, s12, $0xb8;
	[tilespmem:$0x1FC00] =	vst v63  }
0xf7: {  	_ =	swait.ge [sflag:s21], $0x3200  }
0xf8: {  	[sflag:s21] =	ssyncset.done $0x0  }
0xf9: {  	[sflag:s21] =	ssyncadd.s32 $0xFFFFCE00  }
0xfa: {  	_ =	swait.ge [sflag:s25], $0x3200  }
0xfb: {  	[sflag:s25] =	ssyncset.done $0x0  }
0xfc: {  	[sflag:s25] =	ssyncadd.s32 $0xFFFFCE00  }
0xfd: {  	_ =	swait.ge [sflag:s29], $0x3200  }
0xfe: {  	[sflag:s29] =	ssyncset.done $0x0  }
0xff: {  	s17 =	rddreg [dreg:$0x9];
	[sflag:s29] =	ssyncadd.s32 $0xFFFFCE00  }
0x100: {  	[tilespmem:s31], [sflag:$0x7] =	stream.linear.gather [hbm4b:s17+s31], $0xC00, $0x38;
	[tilespmem:$0x1FC00] =	vst v63  }
0x101: {  	_ =	swait.ge [sflag:s10], $0xC00  }
0x102: {  	[sflag:s10] =	ssyncset.done $0x0  }
0x103: {  	s28 =	simm.s32 $0x1000;
	s26 =	rddreg [dreg:$0xa];
	[sflag:s10] =	ssyncadd.s32 $0xFFFFF400  }
0x104: {  	[tilespmem:s28], [sflag:$0x7] =	stream.linear.gather [hbm4b:s26+s31], $0xC00, $0x38;
	[tilespmem:$0x1FC00] =	vst v63  }
0x105: {  	_ =	swait.ge [sflag:s10], $0xC00  }
0x106: {  	[sflag:s10] =	ssyncset.done $0x0  }
0x107: {  	[sflag:s10] =	ssyncadd.s32 $0xFFFFF400  }
0x108: {  	[tilespmem:s13], [sflag:$0x1] =	stream.indirect.gather [hbm4b:s1+s12], $0x80, s31, s12, $0xb8;
	[tilespmem:$0x1FC00] =	vst v63  }
0x109: {  	s30 =	simm.s32 $0x80  }
0x10a: {  	[tilespmem:s15], [sflag:$0x2] =	stream.indirect.gather [hbm4b:s1+s12], $0x80, s30, s12, $0xb8;
	[tilespmem:$0x1FC00] =	vst v63  }
0x10b: {  	_ =	swait.ge [sflag:s16], $0x3200  }
0x10c: {  	[sflag:s16] =	ssyncset.done $0x0  }
0x10d: {  	[sflag:s16] =	ssyncadd.s32 $0xFFFFCE00  }
0x10e: {  	[spmem:s4] =	stream.indirect.scatter.add.f32 [tilespmem:s13], [sflag:$0x4], $0x80, s28, s12, $0xb8;
	[tilespmem:$0x1FC00] =	vst v63  }
0x10f: {  	s2 =	simm.s32 $0x100  }
0x110: {  	[tilespmem:s18], [sflag:$0x3] =	stream.indirect.gather [hbm4b:s1+s12], $0x80, s2, s12, $0xb8;
	[tilespmem:$0x1FC00] =	vst v63  }
0x111: {  	_ =	swait.ge [sflag:s19], $0x3200  }
0x112: {  	[sflag:s19] =	ssyncset.done $0x0  }
0x113: {  	s3 =	simm.s32 $0x1080;
	[sflag:s19] =	ssyncadd.s32 $0xFFFFCE00  }
0x114: {  	[spmem:s4] =	stream.indirect.scatter.add.f32 [tilespmem:s15], [sflag:$0x5], $0x80, s3, s12, $0xb8;
	[tilespmem:$0x1FC00] =	vst v63  }
0x115: {  	_ =	swait.ge [sflag:s21], $0x3200  }
0x116: {  	[sflag:s21] =	ssyncset.done $0x0  }
0x117: {  	s5 =	simm.s32 $0x180;
	[sflag:s21] =	ssyncadd.s32 $0xFFFFCE00  }
0x118: {  	[tilespmem:s13], [sflag:$0x1] =	stream.indirect.gather [hbm4b:s1+s12], $0x80, s5, s12, $0xb8;
	[tilespmem:$0x1FC00] =	vst v63  }
0x119: {  	_ =	swait.ge [sflag:s23], $0x3200  }
0x11a: {  	[sflag:s23] =	ssyncset.done $0x0  }
0x11b: {  	s6 =	simm.s32 $0x1100;
	[sflag:s23] =	ssyncadd.s32 $0xFFFFCE00  }
0x11c: {  	[spmem:s4] =	stream.indirect.scatter.add.f32 [tilespmem:s18], [sflag:$0x6], $0x80, s6, s12, $0xb8;
	[tilespmem:$0x1FC00] =	vst v63  }
0x11d: {  	_ =	swait.ge [sflag:s25], $0x3200  }
0x11e: {  	[sflag:s25] =	ssyncset.done $0x0  }
0x11f: {  	s7 =	simm.s32 $0x200;
	[sflag:s25] =	ssyncadd.s32 $0xFFFFCE00  }
0x120: {  	[tilespmem:s15], [sflag:$0x2] =	stream.indirect.gather [hbm4b:s1+s12], $0x80, s7, s12, $0xb8;
	[tilespmem:$0x1FC00] =	vst v63  }
0x121: {  	_ =	swait.ge [sflag:s16], $0x3200  }
0x122: {  	[sflag:s16] =	ssyncset.done $0x0  }
0x123: {  	s8 =	simm.s32 $0x1180;
	[sflag:s16] =	ssyncadd.s32 $0xFFFFCE00  }
0x124: {  	[spmem:s4] =	stream.indirect.scatter.add.f32 [tilespmem:s13], [sflag:$0x4], $0x80, s8, s12, $0xb8;
	[tilespmem:$0x1FC00] =	vst v63  }
0x125: {  	_ =	swait.ge [sflag:s29], $0x3200  }
0x126: {  	[sflag:s29] =	ssyncset.done $0x0  }
0x127: {  	s9 =	simm.s32 $0x280;
	[sflag:s29] =	ssyncadd.s32 $0xFFFFCE00  }
0x128: {  	[tilespmem:s18], [sflag:$0x3] =	stream.indirect.gather [hbm4b:s1+s12], $0x80, s9, s12, $0xb8;
	[tilespmem:$0x1FC00] =	vst v63  }
0x129: {  	_ =	swait.ge [sflag:s19], $0x3200  }
0x12a: {  	[sflag:s19] =	ssyncset.done $0x0  }
0x12b: {  	s11 =	simm.s32 $0x1200;
	[sflag:s19] =	ssyncadd.s32 $0xFFFFCE00  }
0x12c: {  	[spmem:s4] =	stream.indirect.scatter.add.f32 [tilespmem:s15], [sflag:$0x5], $0x80, s11, s12, $0xb8;
	[tilespmem:$0x1FC00] =	vst v63  }
0x12d: {  	_ =	swait.ge [sflag:s21], $0x3200  }
0x12e: {  	[sflag:s21] =	ssyncset.done $0x0  }
0x12f: {  	s14 =	simm.s32 $0x300;
	[sflag:s21] =	ssyncadd.s32 $0xFFFFCE00  }
0x130: {  	[tilespmem:s13], [sflag:$0x1] =	stream.indirect.gather [hbm4b:s1+s12], $0x80, s14, s12, $0xb8;
	[tilespmem:$0x1FC00] =	vst v63  }
0x131: {  	_ =	swait.ge [sflag:s23], $0x3200  }
0x132: {  	[sflag:s23] =	ssyncset.done $0x0  }
0x133: {  	s20 =	simm.s32 $0x1280;
	[sflag:s23] =	ssyncadd.s32 $0xFFFFCE00  }
0x134: {  	[spmem:s4] =	stream.indirect.scatter.add.f32 [tilespmem:s18], [sflag:$0x6], $0x80, s20, s12, $0xb8;
	[tilespmem:$0x1FC00] =	vst v63  }
0x135: {  	_ =	swait.ge [sflag:s25], $0x3200  }
0x136: {  	[sflag:s25] =	ssyncset.done $0x0  }
0x137: {  	s22 =	simm.s32 $0x380;
	[sflag:s25] =	ssyncadd.s32 $0xFFFFCE00  }
0x138: {  	[tilespmem:s15], [sflag:$0x2] =	stream.indirect.gather [hbm4b:s1+s12], $0x80, s22, s12, $0xb8;
	[tilespmem:$0x1FC00] =	vst v63  }
0x139: {  	_ =	swait.ge [sflag:s16], $0x3200  }
0x13a: {  	[sflag:s16] =	ssyncset.done $0x0  }
0x13b: {  	s24 =	simm.s32 $0x1300;
	[sflag:s16] =	ssyncadd.s32 $0xFFFFCE00  }
0x13c: {  	[spmem:s4] =	stream.indirect.scatter.add.f32 [tilespmem:s13], [sflag:$0x4], $0x80, s24, s12, $0xb8;
	[tilespmem:$0x1FC00] =	vst v63  }
0x13d: {  	_ =	swait.ge [sflag:s29], $0x3200  }
0x13e: {  	[sflag:s29] =	ssyncset.done $0x0  }
0x13f: {  	s26 =	simm.s32 $0x400;
	[sflag:s29] =	ssyncadd.s32 $0xFFFFCE00  }
0x140: {  	[tilespmem:s18], [sflag:$0x3] =	stream.indirect.gather [hbm4b:s1+s12], $0x80, s26, s12, $0xb8;
	[tilespmem:$0x1FC00] =	vst v63  }
0x141: {  	_ =	swait.ge [sflag:s19], $0x3200  }
0x142: {  	[sflag:s19] =	ssyncset.done $0x0  }
0x143: {  	s28 =	simm.s32 $0x1380;
	[sflag:s19] =	ssyncadd.s32 $0xFFFFCE00  }
0x144: {  	[spmem:s4] =	stream.indirect.scatter.add.f32 [tilespmem:s15], [sflag:$0x5], $0x80, s28, s12, $0xb8;
	[tilespmem:$0x1FC00] =	vst v63  }
0x145: {  	_ =	swait.ge [sflag:s21], $0x3200  }
0x146: {  	[sflag:s21] =	ssyncset.done $0x0  }
0x147: {  	s30 =	simm.s32 $0x480;
	[sflag:s21] =	ssyncadd.s32 $0xFFFFCE00  }
0x148: {  	[tilespmem:s13], [sflag:$0x1] =	stream.indirect.gather [hbm4b:s1+s12], $0x80, s30, s12, $0xb8;
	[tilespmem:$0x1FC00] =	vst v63  }
0x149: {  	_ =	swait.ge [sflag:s23], $0x3200  }
0x14a: {  	[sflag:s23] =	ssyncset.done $0x0  }
0x14b: {  	s0 =	simm.s32 $0x1400;
	[sflag:s23] =	ssyncadd.s32 $0xFFFFCE00  }
0x14c: {  	[spmem:s4] =	stream.indirect.scatter.add.f32 [tilespmem:s18], [sflag:$0x6], $0x80, s0, s12, $0xb8;
	[tilespmem:$0x1FC00] =	vst v63  }
0x14d: {  	_ =	swait.ge [sflag:s25], $0x3200  }
0x14e: {  	[sflag:s25] =	ssyncset.done $0x0  }
0x14f: {  	s0 =	simm.s32 $0x500;
	[sflag:s25] =	ssyncadd.s32 $0xFFFFCE00  }
0x150: {  	[tilespmem:s15], [sflag:$0x2] =	stream.indirect.gather [hbm4b:s1+s12], $0x80, s0, s12, $0xb8;
	[tilespmem:$0x1FC00] =	vst v63  }
0x151: {  	_ =	swait.ge [sflag:s16], $0x3200  }
0x152: {  	[sflag:s16] =	ssyncset.done $0x0  }
0x153: {  	s0 =	simm.s32 $0x1480;
	[sflag:s16] =	ssyncadd.s32 $0xFFFFCE00  }
0x154: {  	[spmem:s4] =	stream.indirect.scatter.add.f32 [tilespmem:s13], [sflag:$0x4], $0x80, s0, s12, $0xb8;
	[tilespmem:$0x1FC00] =	vst v63  }
0x155: {  	_ =	swait.ge [sflag:s29], $0x3200  }
0x156: {  	[sflag:s29] =	ssyncset.done $0x0  }
0x157: {  	s0 =	simm.s32 $0x580;
	[sflag:s29] =	ssyncadd.s32 $0xFFFFCE00  }
0x158: {  	[tilespmem:s18], [sflag:$0x3] =	stream.indirect.gather [hbm4b:s1+s12], $0x80, s0, s12, $0xb8;
	[tilespmem:$0x1FC00] =	vst v63  }
0x159: {  	_ =	swait.ge [sflag:s19], $0x3200  }
0x15a: {  	[sflag:s19] =	ssyncset.done $0x0  }
0x15b: {  	s0 =	simm.s32 $0x1500;
	[sflag:s19] =	ssyncadd.s32 $0xFFFFCE00  }
0x15c: {  	[spmem:s4] =	stream.indirect.scatter.add.f32 [tilespmem:s15], [sflag:$0x5], $0x80, s0, s12, $0xb8;
	[tilespmem:$0x1FC00] =	vst v63  }
0x15d: {  	_ =	swait.ge [sflag:s21], $0x3200  }
0x15e: {  	[sflag:s21] =	ssyncset.done $0x0  }
0x15f: {  	s0 =	simm.s32 $0x600;
	[sflag:s21] =	ssyncadd.s32 $0xFFFFCE00  }
0x160: {  	[tilespmem:s13], [sflag:$0x1] =	stream.indirect.gather [hbm4b:s1+s12], $0x80, s0, s12, $0xb8;
	[tilespmem:$0x1FC00] =	vst v63  }
0x161: {  	_ =	swait.ge [sflag:s23], $0x3200  }
0x162: {  	[sflag:s23] =	ssyncset.done $0x0  }
0x163: {  	s0 =	simm.s32 $0x1580;
	[sflag:s23] =	ssyncadd.s32 $0xFFFFCE00  }
0x164: {  	[spmem:s4] =	stream.indirect.scatter.add.f32 [tilespmem:s18], [sflag:$0x6], $0x80, s0, s12, $0xb8;
	[tilespmem:$0x1FC00] =	vst v63  }
0x165: {  	_ =	swait.ge [sflag:s25], $0x3200  }
0x166: {  	[sflag:s25] =	ssyncset.done $0x0  }
0x167: {  	s0 =	simm.s32 $0x680;
	[sflag:s25] =	ssyncadd.s32 $0xFFFFCE00  }
0x168: {  	[tilespmem:s15], [sflag:$0x2] =	stream.indirect.gather [hbm4b:s1+s12], $0x80, s0, s12, $0xb8;
	[tilespmem:$0x1FC00] =	vst v63  }
0x169: {  	_ =	swait.ge [sflag:s16], $0x3200  }
0x16a: {  	[sflag:s16] =	ssyncset.done $0x0  }
0x16b: {  	s0 =	simm.s32 $0x1600;
	[sflag:s16] =	ssyncadd.s32 $0xFFFFCE00  }
0x16c: {  	[spmem:s4] =	stream.indirect.scatter.add.f32 [tilespmem:s13], [sflag:$0x4], $0x80, s0, s12, $0xb8;
	[tilespmem:$0x1FC00] =	vst v63  }
0x16d: {  	_ =	swait.ge [sflag:s29], $0x3200  }
0x16e: {  	[sflag:s29] =	ssyncset.done $0x0  }
0x16f: {  	s0 =	simm.s32 $0x700;
	[sflag:s29] =	ssyncadd.s32 $0xFFFFCE00  }
0x170: {  	[tilespmem:s18], [sflag:$0x3] =	stream.indirect.gather [hbm4b:s1+s12], $0x80, s0, s12, $0xb8;
	[tilespmem:$0x1FC00] =	vst v63  }
0x171: {  	_ =	swait.ge [sflag:s19], $0x3200  }
0x172: {  	[sflag:s19] =	ssyncset.done $0x0  }
0x173: {  	s0 =	simm.s32 $0x1680;
	[sflag:s19] =	ssyncadd.s32 $0xFFFFCE00  }
0x174: {  	[spmem:s4] =	stream.indirect.scatter.add.f32 [tilespmem:s15], [sflag:$0x5], $0x80, s0, s12, $0xb8;
	[tilespmem:$0x1FC00] =	vst v63  }
0x175: {  	_ =	swait.ge [sflag:s21], $0x3200  }
0x176: {  	[sflag:s21] =	ssyncset.done $0x0  }
0x177: {  	s0 =	simm.s32 $0x780;
	[sflag:s21] =	ssyncadd.s32 $0xFFFFCE00  }
0x178: {  	[tilespmem:s13], [sflag:$0x1] =	stream.indirect.gather [hbm4b:s1+s12], $0x80, s0, s12, $0xb8;
	[tilespmem:$0x1FC00] =	vst v63  }
0x179: {  	_ =	swait.ge [sflag:s23], $0x3200  }
0x17a: {  	[sflag:s23] =	ssyncset.done $0x0  }
0x17b: {  	s0 =	simm.s32 $0x1700;
	[sflag:s23] =	ssyncadd.s32 $0xFFFFCE00  }
0x17c: {  	[spmem:s4] =	stream.indirect.scatter.add.f32 [tilespmem:s18], [sflag:$0x6], $0x80, s0, s12, $0xb8;
	[tilespmem:$0x1FC00] =	vst v63  }
0x17d: {  	_ =	swait.ge [sflag:s25], $0x3200  }
0x17e: {  	[sflag:s25] =	ssyncset.done $0x0  }
0x17f: {  	s0 =	simm.s32 $0x800;
	[sflag:s25] =	ssyncadd.s32 $0xFFFFCE00  }
0x180: {  	[tilespmem:s15], [sflag:$0x2] =	stream.indirect.gather [hbm4b:s1+s12], $0x80, s0, s12, $0xb8;
	[tilespmem:$0x1FC00] =	vst v63  }
0x181: {  	_ =	swait.ge [sflag:s16], $0x3200  }
0x182: {  	[sflag:s16] =	ssyncset.done $0x0  }
0x183: {  	s0 =	simm.s32 $0x1780;
	[sflag:s16] =	ssyncadd.s32 $0xFFFFCE00  }
0x184: {  	[spmem:s4] =	stream.indirect.scatter.add.f32 [tilespmem:s13], [sflag:$0x4], $0x80, s0, s12, $0xb8;
	[tilespmem:$0x1FC00] =	vst v63  }
0x185: {  	_ =	swait.ge [sflag:s29], $0x3200  }
0x186: {  	[sflag:s29] =	ssyncset.done $0x0  }
0x187: {  	s0 =	simm.s32 $0x880;
	[sflag:s29] =	ssyncadd.s32 $0xFFFFCE00  }
0x188: {  	[tilespmem:s18], [sflag:$0x3] =	stream.indirect.gather [hbm4b:s1+s12], $0x80, s0, s12, $0xb8;
	[tilespmem:$0x1FC00] =	vst v63  }
0x189: {  	_ =	swait.ge [sflag:s19], $0x3200  }
0x18a: {  	[sflag:s19] =	ssyncset.done $0x0  }
0x18b: {  	s0 =	simm.s32 $0x1800;
	[sflag:s19] =	ssyncadd.s32 $0xFFFFCE00  }
0x18c: {  	[spmem:s4] =	stream.indirect.scatter.add.f32 [tilespmem:s15], [sflag:$0x5], $0x80, s0, s12, $0xb8;
	[tilespmem:$0x1FC00] =	vst v63  }
0x18d: {  	_ =	swait.ge [sflag:s21], $0x3200  }
0x18e: {  	[sflag:s21] =	ssyncset.done $0x0  }
0x18f: {  	s0 =	simm.s32 $0x900;
	[sflag:s21] =	ssyncadd.s32 $0xFFFFCE00  }
0x190: {  	[tilespmem:s13], [sflag:$0x1] =	stream.indirect.gather [hbm4b:s1+s12], $0x80, s0, s12, $0xb8;
	[tilespmem:$0x1FC00] =	vst v63  }
0x191: {  	_ =	swait.ge [sflag:s23], $0x3200  }
0x192: {  	[sflag:s23] =	ssyncset.done $0x0  }
0x193: {  	s0 =	simm.s32 $0x1880;
	[sflag:s23] =	ssyncadd.s32 $0xFFFFCE00  }
0x194: {  	[spmem:s4] =	stream.indirect.scatter.add.f32 [tilespmem:s18], [sflag:$0x6], $0x80, s0, s12, $0xb8;
	[tilespmem:$0x1FC00] =	vst v63  }
0x195: {  	_ =	swait.ge [sflag:s25], $0x3200  }
0x196: {  	[sflag:s25] =	ssyncset.done $0x0  }
0x197: {  	s0 =	simm.s32 $0x980;
	[sflag:s25] =	ssyncadd.s32 $0xFFFFCE00  }
0x198: {  	[tilespmem:s15], [sflag:$0x2] =	stream.indirect.gather [hbm4b:s1+s12], $0x80, s0, s12, $0xb8;
	[tilespmem:$0x1FC00] =	vst v63  }
0x199: {  	_ =	swait.ge [sflag:s16], $0x3200  }
0x19a: {  	[sflag:s16] =	ssyncset.done $0x0  }
0x19b: {  	s0 =	simm.s32 $0x1900;
	[sflag:s16] =	ssyncadd.s32 $0xFFFFCE00  }
0x19c: {  	[spmem:s4] =	stream.indirect.scatter.add.f32 [tilespmem:s13], [sflag:$0x4], $0x80, s0, s12, $0xb8;
	[tilespmem:$0x1FC00] =	vst v63  }
0x19d: {  	_ =	swait.ge [sflag:s29], $0x3200  }
0x19e: {  	[sflag:s29] =	ssyncset.done $0x0  }
0x19f: {  	s0 =	simm.s32 $0xA00;
	[sflag:s29] =	ssyncadd.s32 $0xFFFFCE00  }
0x1a0: {  	[tilespmem:s18], [sflag:$0x3] =	stream.indirect.gather [hbm4b:s1+s12], $0x80, s0, s12, $0xb8;
	[tilespmem:$0x1FC00] =	vst v63  }
0x1a1: {  	_ =	swait.ge [sflag:s19], $0x3200  }
0x1a2: {  	[sflag:s19] =	ssyncset.done $0x0  }
0x1a3: {  	s0 =	simm.s32 $0x1980;
	[sflag:s19] =	ssyncadd.s32 $0xFFFFCE00  }
0x1a4: {  	[spmem:s4] =	stream.indirect.scatter.add.f32 [tilespmem:s15], [sflag:$0x5], $0x80, s0, s12, $0xb8;
	[tilespmem:$0x1FC00] =	vst v63  }
0x1a5: {  	_ =	swait.ge [sflag:s21], $0x3200  }
0x1a6: {  	[sflag:s21] =	ssyncset.done $0x0  }
0x1a7: {  	s0 =	simm.s32 $0xA80;
	[sflag:s21] =	ssyncadd.s32 $0xFFFFCE00  }
0x1a8: {  	[tilespmem:s13], [sflag:$0x1] =	stream.indirect.gather [hbm4b:s1+s12], $0x80, s0, s12, $0xb8;
	[tilespmem:$0x1FC00] =	vst v63  }
0x1a9: {  	_ =	swait.ge [sflag:s23], $0x3200  }
0x1aa: {  	[sflag:s23] =	ssyncset.done $0x0  }
0x1ab: {  	s0 =	simm.s32 $0x1A00;
	[sflag:s23] =	ssyncadd.s32 $0xFFFFCE00  }
0x1ac: {  	[spmem:s4] =	stream.indirect.scatter.add.f32 [tilespmem:s18], [sflag:$0x6], $0x80, s0, s12, $0xb8;
	[tilespmem:$0x1FC00] =	vst v63  }
0x1ad: {  	_ =	swait.ge [sflag:s25], $0x3200  }
0x1ae: {  	[sflag:s25] =	ssyncset.done $0x0  }
0x1af: {  	s0 =	simm.s32 $0xB00;
	[sflag:s25] =	ssyncadd.s32 $0xFFFFCE00  }
0x1b0: {  	[tilespmem:s15], [sflag:$0x2] =	stream.indirect.gather [hbm4b:s1+s12], $0x80, s0, s12, $0xb8;
	[tilespmem:$0x1FC00] =	vst v63  }
0x1b1: {  	_ =	swait.ge [sflag:s16], $0x3200  }
0x1b2: {  	[sflag:s16] =	ssyncset.done $0x0  }
0x1b3: {  	s0 =	simm.s32 $0x1A80;
	[sflag:s16] =	ssyncadd.s32 $0xFFFFCE00  }
0x1b4: {  	[spmem:s4] =	stream.indirect.scatter.add.f32 [tilespmem:s13], [sflag:$0x4], $0x80, s0, s12, $0xb8;
	[tilespmem:$0x1FC00] =	vst v63  }
0x1b5: {  	_ =	swait.ge [sflag:s29], $0x3200  }
0x1b6: {  	[sflag:s29] =	ssyncset.done $0x0  }
0x1b7: {  	s0 =	simm.s32 $0xB80;
	[sflag:s29] =	ssyncadd.s32 $0xFFFFCE00  }
0x1b8: {  	[tilespmem:s18], [sflag:$0x3] =	stream.indirect.gather [hbm4b:s1+s12], $0x80, s0, s12, $0xb8;
	[tilespmem:$0x1FC00] =	vst v63  }
0x1b9: {  	_ =	swait.ge [sflag:s19], $0x3200  }
0x1ba: {  	[sflag:s19] =	ssyncset.done $0x0  }
0x1bb: {  	s0 =	simm.s32 $0x1B00;
	[sflag:s19] =	ssyncadd.s32 $0xFFFFCE00  }
0x1bc: {  	[spmem:s4] =	stream.indirect.scatter.add.f32 [tilespmem:s15], [sflag:$0x5], $0x80, s0, s12, $0xb8;
	[tilespmem:$0x1FC00] =	vst v63  }
0x1bd: {  	_ =	swait.ge [sflag:s23], $0x3200  }
0x1be: {  	[sflag:s23] =	ssyncset.done $0x0  }
0x1bf: {  	s0 =	simm.s32 $0x1B80;
	[sflag:s23] =	ssyncadd.s32 $0xFFFFCE00  }
0x1c0: {  	[spmem:s4] =	stream.indirect.scatter.add.f32 [tilespmem:s18], [sflag:$0x6], $0x80, s0, s12, $0xb8;
	[tilespmem:$0x1FC00] =	vst v63  }
0x1c1: {  	_ =	swait.ge [sflag:s21], $0x3200  }
0x1c2: {  	[sflag:s21] =	ssyncset.done $0x0  }
0x1c3: {  	[sflag:s21] =	ssyncadd.s32 $0xFFFFCE00  }
0x1c4: {  	_ =	swait.ge [sflag:s25], $0x3200  }
0x1c5: {  	[sflag:s25] =	ssyncset.done $0x0  }
0x1c6: {  	[sflag:s25] =	ssyncadd.s32 $0xFFFFCE00  }
0x1c7: {  	_ =	swait.ge [sflag:s29], $0x3200  }
0x1c8: {  	[sflag:s29] =	ssyncset.done $0x0  }
0x1c9: {  	s0 =	rddreg [dreg:$0xb];
	[sflag:s29] =	ssyncadd.s32 $0xFFFFCE00  }
0x1ca: {  	[tilespmem:s31], [sflag:$0x7] =	stream.linear.gather [hbm4b:s0+s31], $0xC00, $0x38;
	[tilespmem:$0x1FC00] =	vst v63  }
0x1cb: {  	_ =	swait.ge [sflag:s10], $0xC00  }
0x1cc: {  	[sflag:s10] =	ssyncset.done $0x0  }
0x1cd: {  	s0 =	simm.s32 $0x1000;
	s17 =	rddreg [dreg:$0xc];
	[sflag:s10] =	ssyncadd.s32 $0xFFFFF400  }
0x1ce: {  	[tilespmem:s0], [sflag:$0x7] =	stream.linear.gather [hbm4b:s17+s31], $0xC00, $0x38;
	[tilespmem:$0x1FC00] =	vst v63  }
0x1cf: {  	_ =	swait.ge [sflag:s10], $0xC00  }
0x1d0: {  	[sflag:s10] =	ssyncset.done $0x0  }
0x1d1: {  	[sflag:s10] =	ssyncadd.s32 $0xFFFFF400  }
0x1d2: {  	[tilespmem:s13], [sflag:$0x1] =	stream.indirect.gather [hbm4b:s1+s12], $0x80, s31, s12, $0xb8;
	[tilespmem:$0x1FC00] =	vst v63  }
0x1d3: {  	s17 =	simm.s32 $0x80  }
0x1d4: {  	[tilespmem:s15], [sflag:$0x2] =	stream.indirect.gather [hbm4b:s1+s12], $0x80, s17, s12, $0xb8;
	[tilespmem:$0x1FC00] =	vst v63  }
0x1d5: {  	_ =	swait.ge [sflag:s16], $0x3200  }
0x1d6: {  	[sflag:s16] =	ssyncset.done $0x0  }
0x1d7: {  	[sflag:s16] =	ssyncadd.s32 $0xFFFFCE00  }
0x1d8: {  	[spmem:s4] =	stream.indirect.scatter.add.f32 [tilespmem:s13], [sflag:$0x4], $0x80, s0, s12, $0xb8;
	[tilespmem:$0x1FC00] =	vst v63  }
0x1d9: {  	_ = 	snop  }
0x1da: {  	[tilespmem:s18], [sflag:$0x3] =	stream.indirect.gather [hbm4b:s1+s12], $0x80, s2, s12, $0xb8;
	[tilespmem:$0x1FC00] =	vst v63  }
0x1db: {  	_ =	swait.ge [sflag:s19], $0x3200  }
0x1dc: {  	[sflag:s19] =	ssyncset.done $0x0  }
0x1dd: {  	[sflag:s19] =	ssyncadd.s32 $0xFFFFCE00  }
0x1de: {  	[spmem:s4] =	stream.indirect.scatter.add.f32 [tilespmem:s15], [sflag:$0x5], $0x80, s3, s12, $0xb8;
	[tilespmem:$0x1FC00] =	vst v63  }
0x1df: {  	_ =	swait.ge [sflag:s21], $0x3200  }
0x1e0: {  	[sflag:s21] =	ssyncset.done $0x0  }
0x1e1: {  	[sflag:s21] =	ssyncadd.s32 $0xFFFFCE00  }
0x1e2: {  	[tilespmem:s13], [sflag:$0x1] =	stream.indirect.gather [hbm4b:s1+s12], $0x80, s5, s12, $0xb8;
	[tilespmem:$0x1FC00] =	vst v63  }
0x1e3: {  	_ =	swait.ge [sflag:s23], $0x3200  }
0x1e4: {  	[sflag:s23] =	ssyncset.done $0x0  }
0x1e5: {  	[sflag:s23] =	ssyncadd.s32 $0xFFFFCE00  }
0x1e6: {  	[spmem:s4] =	stream.indirect.scatter.add.f32 [tilespmem:s18], [sflag:$0x6], $0x80, s6, s12, $0xb8;
	[tilespmem:$0x1FC00] =	vst v63  }
0x1e7: {  	_ =	swait.ge [sflag:s25], $0x3200  }
0x1e8: {  	[sflag:s25] =	ssyncset.done $0x0  }
0x1e9: {  	[sflag:s25] =	ssyncadd.s32 $0xFFFFCE00  }
0x1ea: {  	[tilespmem:s15], [sflag:$0x2] =	stream.indirect.gather [hbm4b:s1+s12], $0x80, s7, s12, $0xb8;
	[tilespmem:$0x1FC00] =	vst v63  }
0x1eb: {  	_ =	swait.ge [sflag:s16], $0x3200  }
0x1ec: {  	[sflag:s16] =	ssyncset.done $0x0  }
0x1ed: {  	[sflag:s16] =	ssyncadd.s32 $0xFFFFCE00  }
0x1ee: {  	[spmem:s4] =	stream.indirect.scatter.add.f32 [tilespmem:s13], [sflag:$0x4], $0x80, s8, s12, $0xb8;
	[tilespmem:$0x1FC00] =	vst v63  }
0x1ef: {  	_ =	swait.ge [sflag:s29], $0x3200  }
0x1f0: {  	[sflag:s29] =	ssyncset.done $0x0  }
0x1f1: {  	[sflag:s29] =	ssyncadd.s32 $0xFFFFCE00  }
0x1f2: {  	[tilespmem:s18], [sflag:$0x3] =	stream.indirect.gather [hbm4b:s1+s12], $0x80, s9, s12, $0xb8;
	[tilespmem:$0x1FC00] =	vst v63  }
0x1f3: {  	_ =	swait.ge [sflag:s19], $0x3200  }
0x1f4: {  	[sflag:s19] =	ssyncset.done $0x0  }
0x1f5: {  	[sflag:s19] =	ssyncadd.s32 $0xFFFFCE00  }
0x1f6: {  	[spmem:s4] =	stream.indirect.scatter.add.f32 [tilespmem:s15], [sflag:$0x5], $0x80, s11, s12, $0xb8;
	[tilespmem:$0x1FC00] =	vst v63  }
0x1f7: {  	_ =	swait.ge [sflag:s21], $0x3200  }
0x1f8: {  	[sflag:s21] =	ssyncset.done $0x0  }
0x1f9: {  	[sflag:s21] =	ssyncadd.s32 $0xFFFFCE00  }
0x1fa: {  	[tilespmem:s13], [sflag:$0x1] =	stream.indirect.gather [hbm4b:s1+s12], $0x80, s14, s12, $0xb8;
	[tilespmem:$0x1FC00] =	vst v63  }
0x1fb: {  	_ =	swait.ge [sflag:s23], $0x3200  }
0x1fc: {  	[sflag:s23] =	ssyncset.done $0x0  }
0x1fd: {  	[sflag:s23] =	ssyncadd.s32 $0xFFFFCE00  }
0x1fe: {  	[spmem:s4] =	stream.indirect.scatter.add.f32 [tilespmem:s18], [sflag:$0x6], $0x80, s20, s12, $0xb8;
	[tilespmem:$0x1FC00] =	vst v63  }
0x1ff: {  	_ =	swait.ge [sflag:s25], $0x3200  }
0x200: {  	[sflag:s25] =	ssyncset.done $0x0  }
0x201: {  	[sflag:s25] =	ssyncadd.s32 $0xFFFFCE00  }
0x202: {  	[tilespmem:s15], [sflag:$0x2] =	stream.indirect.gather [hbm4b:s1+s12], $0x80, s22, s12, $0xb8;
	[tilespmem:$0x1FC00] =	vst v63  }
0x203: {  	_ =	swait.ge [sflag:s16], $0x3200  }
0x204: {  	[sflag:s16] =	ssyncset.done $0x0  }
0x205: {  	[sflag:s16] =	ssyncadd.s32 $0xFFFFCE00  }
0x206: {  	[spmem:s4] =	stream.indirect.scatter.add.f32 [tilespmem:s13], [sflag:$0x4], $0x80, s24, s12, $0xb8;
	[tilespmem:$0x1FC00] =	vst v63  }
0x207: {  	_ =	swait.ge [sflag:s29], $0x3200  }
0x208: {  	[sflag:s29] =	ssyncset.done $0x0  }
0x209: {  	[sflag:s29] =	ssyncadd.s32 $0xFFFFCE00  }
0x20a: {  	[tilespmem:s18], [sflag:$0x3] =	stream.indirect.gather [hbm4b:s1+s12], $0x80, s26, s12, $0xb8;
	[tilespmem:$0x1FC00] =	vst v63  }
0x20b: {  	_ =	swait.ge [sflag:s19], $0x3200  }
0x20c: {  	[sflag:s19] =	ssyncset.done $0x0  }
0x20d: {  	[sflag:s19] =	ssyncadd.s32 $0xFFFFCE00  }
0x20e: {  	[spmem:s4] =	stream.indirect.scatter.add.f32 [tilespmem:s15], [sflag:$0x5], $0x80, s28, s12, $0xb8;
	[tilespmem:$0x1FC00] =	vst v63  }
0x20f: {  	_ =	swait.ge [sflag:s21], $0x3200  }
0x210: {  	[sflag:s21] =	ssyncset.done $0x0  }
0x211: {  	[sflag:s21] =	ssyncadd.s32 $0xFFFFCE00  }
0x212: {  	[tilespmem:s13], [sflag:$0x1] =	stream.indirect.gather [hbm4b:s1+s12], $0x80, s30, s12, $0xb8;
	[tilespmem:$0x1FC00] =	vst v63  }
0x213: {  	_ =	swait.ge [sflag:s23], $0x3200  }
0x214: {  	[sflag:s23] =	ssyncset.done $0x0  }
0x215: {  	s17 =	simm.s32 $0x1400;
	[sflag:s23] =	ssyncadd.s32 $0xFFFFCE00  }
0x216: {  	[spmem:s4] =	stream.indirect.scatter.add.f32 [tilespmem:s18], [sflag:$0x6], $0x80, s17, s12, $0xb8;
	[tilespmem:$0x1FC00] =	vst v63  }
0x217: {  	_ =	swait.ge [sflag:s25], $0x3200  }
0x218: {  	[sflag:s25] =	ssyncset.done $0x0  }
0x219: {  	s17 =	simm.s32 $0x500;
	[sflag:s25] =	ssyncadd.s32 $0xFFFFCE00  }
0x21a: {  	[tilespmem:s15], [sflag:$0x2] =	stream.indirect.gather [hbm4b:s1+s12], $0x80, s17, s12, $0xb8;
	[tilespmem:$0x1FC00] =	vst v63  }
0x21b: {  	_ =	swait.ge [sflag:s16], $0x3200  }
0x21c: {  	[sflag:s16] =	ssyncset.done $0x0  }
0x21d: {  	s17 =	simm.s32 $0x1480;
	[sflag:s16] =	ssyncadd.s32 $0xFFFFCE00  }
0x21e: {  	[spmem:s4] =	stream.indirect.scatter.add.f32 [tilespmem:s13], [sflag:$0x4], $0x80, s17, s12, $0xb8;
	[tilespmem:$0x1FC00] =	vst v63  }
0x21f: {  	_ =	swait.ge [sflag:s29], $0x3200  }
0x220: {  	[sflag:s29] =	ssyncset.done $0x0  }
0x221: {  	s17 =	simm.s32 $0x580;
	[sflag:s29] =	ssyncadd.s32 $0xFFFFCE00  }
0x222: {  	[tilespmem:s18], [sflag:$0x3] =	stream.indirect.gather [hbm4b:s1+s12], $0x80, s17, s12, $0xb8;
	[tilespmem:$0x1FC00] =	vst v63  }
0x223: {  	_ =	swait.ge [sflag:s19], $0x3200  }
0x224: {  	[sflag:s19] =	ssyncset.done $0x0  }
0x225: {  	s17 =	simm.s32 $0x1500;
	[sflag:s19] =	ssyncadd.s32 $0xFFFFCE00  }
0x226: {  	[spmem:s4] =	stream.indirect.scatter.add.f32 [tilespmem:s15], [sflag:$0x5], $0x80, s17, s12, $0xb8;
	[tilespmem:$0x1FC00] =	vst v63  }
0x227: {  	_ =	swait.ge [sflag:s21], $0x3200  }
0x228: {  	[sflag:s21] =	ssyncset.done $0x0  }
0x229: {  	s17 =	simm.s32 $0x600;
	[sflag:s21] =	ssyncadd.s32 $0xFFFFCE00  }
0x22a: {  	[tilespmem:s13], [sflag:$0x1] =	stream.indirect.gather [hbm4b:s1+s12], $0x80, s17, s12, $0xb8;
	[tilespmem:$0x1FC00] =	vst v63  }
0x22b: {  	_ =	swait.ge [sflag:s23], $0x3200  }
0x22c: {  	[sflag:s23] =	ssyncset.done $0x0  }
0x22d: {  	s17 =	simm.s32 $0x1580;
	[sflag:s23] =	ssyncadd.s32 $0xFFFFCE00  }
0x22e: {  	[spmem:s4] =	stream.indirect.scatter.add.f32 [tilespmem:s18], [sflag:$0x6], $0x80, s17, s12, $0xb8;
	[tilespmem:$0x1FC00] =	vst v63  }
0x22f: {  	_ =	swait.ge [sflag:s25], $0x3200  }
0x230: {  	[sflag:s25] =	ssyncset.done $0x0  }
0x231: {  	s17 =	simm.s32 $0x680;
	[sflag:s25] =	ssyncadd.s32 $0xFFFFCE00  }
0x232: {  	[tilespmem:s15], [sflag:$0x2] =	stream.indirect.gather [hbm4b:s1+s12], $0x80, s17, s12, $0xb8;
	[tilespmem:$0x1FC00] =	vst v63  }
0x233: {  	_ =	swait.ge [sflag:s16], $0x3200  }
0x234: {  	[sflag:s16] =	ssyncset.done $0x0  }
0x235: {  	s17 =	simm.s32 $0x1600;
	[sflag:s16] =	ssyncadd.s32 $0xFFFFCE00  }
0x236: {  	[spmem:s4] =	stream.indirect.scatter.add.f32 [tilespmem:s13], [sflag:$0x4], $0x80, s17, s12, $0xb8;
	[tilespmem:$0x1FC00] =	vst v63  }
0x237: {  	_ =	swait.ge [sflag:s29], $0x3200  }
0x238: {  	[sflag:s29] =	ssyncset.done $0x0  }
0x239: {  	s17 =	simm.s32 $0x700;
	[sflag:s29] =	ssyncadd.s32 $0xFFFFCE00  }
0x23a: {  	[tilespmem:s18], [sflag:$0x3] =	stream.indirect.gather [hbm4b:s1+s12], $0x80, s17, s12, $0xb8;
	[tilespmem:$0x1FC00] =	vst v63  }
0x23b: {  	_ =	swait.ge [sflag:s19], $0x3200  }
0x23c: {  	[sflag:s19] =	ssyncset.done $0x0  }
0x23d: {  	s17 =	simm.s32 $0x1680;
	[sflag:s19] =	ssyncadd.s32 $0xFFFFCE00  }
0x23e: {  	[spmem:s4] =	stream.indirect.scatter.add.f32 [tilespmem:s15], [sflag:$0x5], $0x80, s17, s12, $0xb8;
	[tilespmem:$0x1FC00] =	vst v63  }
0x23f: {  	_ =	swait.ge [sflag:s21], $0x3200  }
0x240: {  	[sflag:s21] =	ssyncset.done $0x0  }
0x241: {  	s17 =	simm.s32 $0x780;
	[sflag:s21] =	ssyncadd.s32 $0xFFFFCE00  }
0x242: {  	[tilespmem:s13], [sflag:$0x1] =	stream.indirect.gather [hbm4b:s1+s12], $0x80, s17, s12, $0xb8;
	[tilespmem:$0x1FC00] =	vst v63  }
0x243: {  	_ =	swait.ge [sflag:s23], $0x3200  }
0x244: {  	[sflag:s23] =	ssyncset.done $0x0  }
0x245: {  	s17 =	simm.s32 $0x1700;
	[sflag:s23] =	ssyncadd.s32 $0xFFFFCE00  }
0x246: {  	[spmem:s4] =	stream.indirect.scatter.add.f32 [tilespmem:s18], [sflag:$0x6], $0x80, s17, s12, $0xb8;
	[tilespmem:$0x1FC00] =	vst v63  }
0x247: {  	_ =	swait.ge [sflag:s25], $0x3200  }
0x248: {  	[sflag:s25] =	ssyncset.done $0x0  }
0x249: {  	s17 =	simm.s32 $0x800;
	[sflag:s25] =	ssyncadd.s32 $0xFFFFCE00  }
0x24a: {  	[tilespmem:s15], [sflag:$0x2] =	stream.indirect.gather [hbm4b:s1+s12], $0x80, s17, s12, $0xb8;
	[tilespmem:$0x1FC00] =	vst v63  }
0x24b: {  	_ =	swait.ge [sflag:s16], $0x3200  }
0x24c: {  	[sflag:s16] =	ssyncset.done $0x0  }
0x24d: {  	s17 =	simm.s32 $0x1780;
	[sflag:s16] =	ssyncadd.s32 $0xFFFFCE00  }
0x24e: {  	[spmem:s4] =	stream.indirect.scatter.add.f32 [tilespmem:s13], [sflag:$0x4], $0x80, s17, s12, $0xb8;
	[tilespmem:$0x1FC00] =	vst v63  }
0x24f: {  	_ =	swait.ge [sflag:s29], $0x3200  }
0x250: {  	[sflag:s29] =	ssyncset.done $0x0  }
0x251: {  	s17 =	simm.s32 $0x880;
	[sflag:s29] =	ssyncadd.s32 $0xFFFFCE00  }
0x252: {  	[tilespmem:s18], [sflag:$0x3] =	stream.indirect.gather [hbm4b:s1+s12], $0x80, s17, s12, $0xb8;
	[tilespmem:$0x1FC00] =	vst v63  }
0x253: {  	_ =	swait.ge [sflag:s19], $0x3200  }
0x254: {  	[sflag:s19] =	ssyncset.done $0x0  }
0x255: {  	s17 =	simm.s32 $0x1800;
	[sflag:s19] =	ssyncadd.s32 $0xFFFFCE00  }
0x256: {  	[spmem:s4] =	stream.indirect.scatter.add.f32 [tilespmem:s15], [sflag:$0x5], $0x80, s17, s12, $0xb8;
	[tilespmem:$0x1FC00] =	vst v63  }
0x257: {  	_ =	swait.ge [sflag:s21], $0x3200  }
0x258: {  	[sflag:s21] =	ssyncset.done $0x0  }
0x259: {  	s17 =	simm.s32 $0x900;
	[sflag:s21] =	ssyncadd.s32 $0xFFFFCE00  }
0x25a: {  	[tilespmem:s13], [sflag:$0x1] =	stream.indirect.gather [hbm4b:s1+s12], $0x80, s17, s12, $0xb8;
	[tilespmem:$0x1FC00] =	vst v63  }
0x25b: {  	_ =	swait.ge [sflag:s23], $0x3200  }
0x25c: {  	[sflag:s23] =	ssyncset.done $0x0  }
0x25d: {  	s17 =	simm.s32 $0x1880;
	[sflag:s23] =	ssyncadd.s32 $0xFFFFCE00  }
0x25e: {  	[spmem:s4] =	stream.indirect.scatter.add.f32 [tilespmem:s18], [sflag:$0x6], $0x80, s17, s12, $0xb8;
	[tilespmem:$0x1FC00] =	vst v63  }
0x25f: {  	_ =	swait.ge [sflag:s25], $0x3200  }
0x260: {  	[sflag:s25] =	ssyncset.done $0x0  }
0x261: {  	s17 =	simm.s32 $0x980;
	[sflag:s25] =	ssyncadd.s32 $0xFFFFCE00  }
0x262: {  	[tilespmem:s15], [sflag:$0x2] =	stream.indirect.gather [hbm4b:s1+s12], $0x80, s17, s12, $0xb8;
	[tilespmem:$0x1FC00] =	vst v63  }
0x263: {  	_ =	swait.ge [sflag:s16], $0x3200  }
0x264: {  	[sflag:s16] =	ssyncset.done $0x0  }
0x265: {  	s17 =	simm.s32 $0x1900;
	[sflag:s16] =	ssyncadd.s32 $0xFFFFCE00  }
0x266: {  	[spmem:s4] =	stream.indirect.scatter.add.f32 [tilespmem:s13], [sflag:$0x4], $0x80, s17, s12, $0xb8;
	[tilespmem:$0x1FC00] =	vst v63  }
0x267: {  	_ =	swait.ge [sflag:s29], $0x3200  }
0x268: {  	[sflag:s29] =	ssyncset.done $0x0  }
0x269: {  	s17 =	simm.s32 $0xA00;
	[sflag:s29] =	ssyncadd.s32 $0xFFFFCE00  }
0x26a: {  	[tilespmem:s18], [sflag:$0x3] =	stream.indirect.gather [hbm4b:s1+s12], $0x80, s17, s12, $0xb8;
	[tilespmem:$0x1FC00] =	vst v63  }
0x26b: {  	_ =	swait.ge [sflag:s19], $0x3200  }
0x26c: {  	[sflag:s19] =	ssyncset.done $0x0  }
0x26d: {  	s17 =	simm.s32 $0x1980;
	[sflag:s19] =	ssyncadd.s32 $0xFFFFCE00  }
0x26e: {  	[spmem:s4] =	stream.indirect.scatter.add.f32 [tilespmem:s15], [sflag:$0x5], $0x80, s17, s12, $0xb8;
	[tilespmem:$0x1FC00] =	vst v63  }
0x26f: {  	_ =	swait.ge [sflag:s21], $0x3200  }
0x270: {  	[sflag:s21] =	ssyncset.done $0x0  }
0x271: {  	s17 =	simm.s32 $0xA80;
	[sflag:s21] =	ssyncadd.s32 $0xFFFFCE00  }
0x272: {  	[tilespmem:s13], [sflag:$0x1] =	stream.indirect.gather [hbm4b:s1+s12], $0x80, s17, s12, $0xb8;
	[tilespmem:$0x1FC00] =	vst v63  }
0x273: {  	_ =	swait.ge [sflag:s23], $0x3200  }
0x274: {  	[sflag:s23] =	ssyncset.done $0x0  }
0x275: {  	s17 =	simm.s32 $0x1A00;
	[sflag:s23] =	ssyncadd.s32 $0xFFFFCE00  }
0x276: {  	[spmem:s4] =	stream.indirect.scatter.add.f32 [tilespmem:s18], [sflag:$0x6], $0x80, s17, s12, $0xb8;
	[tilespmem:$0x1FC00] =	vst v63  }
0x277: {  	_ =	swait.ge [sflag:s25], $0x3200  }
0x278: {  	[sflag:s25] =	ssyncset.done $0x0  }
0x279: {  	s17 =	simm.s32 $0xB00;
	[sflag:s25] =	ssyncadd.s32 $0xFFFFCE00  }
0x27a: {  	[tilespmem:s15], [sflag:$0x2] =	stream.indirect.gather [hbm4b:s1+s12], $0x80, s17, s12, $0xb8;
	[tilespmem:$0x1FC00] =	vst v63  }
0x27b: {  	_ =	swait.ge [sflag:s16], $0x3200  }
0x27c: {  	[sflag:s16] =	ssyncset.done $0x0  }
0x27d: {  	s17 =	simm.s32 $0x1A80;
	[sflag:s16] =	ssyncadd.s32 $0xFFFFCE00  }
0x27e: {  	[spmem:s4] =	stream.indirect.scatter.add.f32 [tilespmem:s13], [sflag:$0x4], $0x80, s17, s12, $0xb8;
	[tilespmem:$0x1FC00] =	vst v63  }
0x27f: {  	_ =	swait.ge [sflag:s29], $0x3200  }
0x280: {  	[sflag:s29] =	ssyncset.done $0x0  }
0x281: {  	s17 =	simm.s32 $0xB80;
	[sflag:s29] =	ssyncadd.s32 $0xFFFFCE00  }
0x282: {  	[tilespmem:s18], [sflag:$0x3] =	stream.indirect.gather [hbm4b:s1+s12], $0x80, s17, s12, $0xb8;
	[tilespmem:$0x1FC00] =	vst v63  }
0x283: {  	_ =	swait.ge [sflag:s19], $0x3200  }
0x284: {  	[sflag:s19] =	ssyncset.done $0x0  }
0x285: {  	s17 =	simm.s32 $0x1B00;
	[sflag:s19] =	ssyncadd.s32 $0xFFFFCE00  }
0x286: {  	[spmem:s4] =	stream.indirect.scatter.add.f32 [tilespmem:s15], [sflag:$0x5], $0x80, s17, s12, $0xb8;
	[tilespmem:$0x1FC00] =	vst v63  }
0x287: {  	_ =	swait.ge [sflag:s23], $0x3200  }
0x288: {  	[sflag:s23] =	ssyncset.done $0x0  }
0x289: {  	s17 =	simm.s32 $0x1B80;
	[sflag:s23] =	ssyncadd.s32 $0xFFFFCE00  }
0x28a: {  	[spmem:s4] =	stream.indirect.scatter.add.f32 [tilespmem:s18], [sflag:$0x6], $0x80, s17, s12, $0xb8;
	[tilespmem:$0x1FC00] =	vst v63  }
0x28b: {  	_ =	swait.ge [sflag:s21], $0x3200  }
0x28c: {  	[sflag:s21] =	ssyncset.done $0x0  }
0x28d: {  	[sflag:s21] =	ssyncadd.s32 $0xFFFFCE00  }
0x28e: {  	_ =	swait.ge [sflag:s25], $0x3200  }
0x28f: {  	[sflag:s25] =	ssyncset.done $0x0  }
0x290: {  	[sflag:s25] =	ssyncadd.s32 $0xFFFFCE00  }
0x291: {  	_ =	swait.ge [sflag:s29], $0x3200  }
0x292: {  	[sflag:s29] =	ssyncset.done $0x0  }
0x293: {  	s17 =	rddreg [dreg:$0xd];
	[sflag:s29] =	ssyncadd.s32 $0xFFFFCE00  }
0x294: {  	[tilespmem:s31], [sflag:$0x7] =	stream.linear.gather [hbm4b:s17+s31], $0xE00, $0x38;
	[tilespmem:$0x1FC00] =	vst v63  }
0x295: {  	_ =	swait.ge [sflag:s10], $0xE00  }
0x296: {  	[sflag:s10] =	ssyncset.done $0x0  }
0x297: {  	s0 =	simm.s32 $0x1000;
	s17 =	rddreg [dreg:$0xe];
	[sflag:s10] =	ssyncadd.s32 $0xFFFFF200  }
0x298: {  	[tilespmem:s0], [sflag:$0x7] =	stream.linear.gather [hbm4b:s17+s31], $0xE00, $0x38;
	[tilespmem:$0x1FC00] =	vst v63  }
0x299: {  	_ =	swait.ge [sflag:s10], $0xE00  }
0x29a: {  	[sflag:s10] =	ssyncset.done $0x0  }
0x29b: {  	[sflag:s10] =	ssyncadd.s32 $0xFFFFF200  }
0x29c: {  	[tilespmem:s13], [sflag:$0x1] =	stream.indirect.gather [hbm4b:s1+s12], $0x80, s31, s12, $0xb8;
	[tilespmem:$0x1FC00] =	vst v63  }
0x29d: {  	s31 =	simm.s32 $0x80  }
0x29e: {  	[tilespmem:s15], [sflag:$0x2] =	stream.indirect.gather [hbm4b:s1+s12], $0x80, s31, s12, $0xb8;
	[tilespmem:$0x1FC00] =	vst v63  }
0x29f: {  	_ =	swait.ge [sflag:s16], $0x3200  }
0x2a0: {  	[sflag:s16] =	ssyncset.done $0x0  }
0x2a1: {  	[sflag:s16] =	ssyncadd.s32 $0xFFFFCE00  }
0x2a2: {  	[spmem:s4] =	stream.indirect.scatter.add.f32 [tilespmem:s13], [sflag:$0x4], $0x80, s0, s12, $0xb8;
	[tilespmem:$0x1FC00] =	vst v63  }
0x2a3: {  	s2 =	simm.s32 $0x100  }
0x2a4: {  	[tilespmem:s18], [sflag:$0x3] =	stream.indirect.gather [hbm4b:s1+s12], $0x80, s2, s12, $0xb8;
	[tilespmem:$0x1FC00] =	vst v63  }
0x2a5: {  	_ =	swait.ge [sflag:s19], $0x3200  }
0x2a6: {  	[sflag:s19] =	ssyncset.done $0x0  }
0x2a7: {  	s3 =	simm.s32 $0x1080;
	[sflag:s19] =	ssyncadd.s32 $0xFFFFCE00  }
0x2a8: {  	[spmem:s4] =	stream.indirect.scatter.add.f32 [tilespmem:s15], [sflag:$0x5], $0x80, s3, s12, $0xb8;
	[tilespmem:$0x1FC00] =	vst v63  }
0x2a9: {  	_ =	swait.ge [sflag:s21], $0x3200  }
0x2aa: {  	[sflag:s21] =	ssyncset.done $0x0  }
0x2ab: {  	s5 =	simm.s32 $0x180;
	[sflag:s21] =	ssyncadd.s32 $0xFFFFCE00  }
0x2ac: {  	[tilespmem:s13], [sflag:$0x1] =	stream.indirect.gather [hbm4b:s1+s12], $0x80, s5, s12, $0xb8;
	[tilespmem:$0x1FC00] =	vst v63  }
0x2ad: {  	_ =	swait.ge [sflag:s23], $0x3200  }
0x2ae: {  	[sflag:s23] =	ssyncset.done $0x0  }
0x2af: {  	s6 =	simm.s32 $0x1100;
	[sflag:s23] =	ssyncadd.s32 $0xFFFFCE00  }
0x2b0: {  	[spmem:s4] =	stream.indirect.scatter.add.f32 [tilespmem:s18], [sflag:$0x6], $0x80, s6, s12, $0xb8;
	[tilespmem:$0x1FC00] =	vst v63  }
0x2b1: {  	_ =	swait.ge [sflag:s25], $0x3200  }
0x2b2: {  	[sflag:s25] =	ssyncset.done $0x0  }
0x2b3: {  	s7 =	simm.s32 $0x200;
	[sflag:s25] =	ssyncadd.s32 $0xFFFFCE00  }
0x2b4: {  	[tilespmem:s15], [sflag:$0x2] =	stream.indirect.gather [hbm4b:s1+s12], $0x80, s7, s12, $0xb8;
	[tilespmem:$0x1FC00] =	vst v63  }
0x2b5: {  	_ =	swait.ge [sflag:s16], $0x3200  }
0x2b6: {  	[sflag:s16] =	ssyncset.done $0x0  }
0x2b7: {  	s8 =	simm.s32 $0x1180;
	[sflag:s16] =	ssyncadd.s32 $0xFFFFCE00  }
0x2b8: {  	[spmem:s4] =	stream.indirect.scatter.add.f32 [tilespmem:s13], [sflag:$0x4], $0x80, s8, s12, $0xb8;
	[tilespmem:$0x1FC00] =	vst v63  }
0x2b9: {  	_ =	swait.ge [sflag:s29], $0x3200  }
0x2ba: {  	[sflag:s29] =	ssyncset.done $0x0  }
0x2bb: {  	s9 =	simm.s32 $0x280;
	[sflag:s29] =	ssyncadd.s32 $0xFFFFCE00  }
0x2bc: {  	[tilespmem:s18], [sflag:$0x3] =	stream.indirect.gather [hbm4b:s1+s12], $0x80, s9, s12, $0xb8;
	[tilespmem:$0x1FC00] =	vst v63  }
0x2bd: {  	_ =	swait.ge [sflag:s19], $0x3200  }
0x2be: {  	[sflag:s19] =	ssyncset.done $0x0  }
0x2bf: {  	s11 =	simm.s32 $0x1200;
	[sflag:s19] =	ssyncadd.s32 $0xFFFFCE00  }
0x2c0: {  	[spmem:s4] =	stream.indirect.scatter.add.f32 [tilespmem:s15], [sflag:$0x5], $0x80, s11, s12, $0xb8;
	[tilespmem:$0x1FC00] =	vst v63  }
0x2c1: {  	_ =	swait.ge [sflag:s21], $0x3200  }
0x2c2: {  	[sflag:s21] =	ssyncset.done $0x0  }
0x2c3: {  	s14 =	simm.s32 $0x300;
	[sflag:s21] =	ssyncadd.s32 $0xFFFFCE00  }
0x2c4: {  	[tilespmem:s13], [sflag:$0x1] =	stream.indirect.gather [hbm4b:s1+s12], $0x80, s14, s12, $0xb8;
	[tilespmem:$0x1FC00] =	vst v63  }
0x2c5: {  	_ =	swait.ge [sflag:s23], $0x3200  }
0x2c6: {  	[sflag:s23] =	ssyncset.done $0x0  }
0x2c7: {  	s20 =	simm.s32 $0x1280;
	[sflag:s23] =	ssyncadd.s32 $0xFFFFCE00  }
0x2c8: {  	[spmem:s4] =	stream.indirect.scatter.add.f32 [tilespmem:s18], [sflag:$0x6], $0x80, s20, s12, $0xb8;
	[tilespmem:$0x1FC00] =	vst v63  }
0x2c9: {  	_ =	swait.ge [sflag:s25], $0x3200  }
0x2ca: {  	[sflag:s25] =	ssyncset.done $0x0  }
0x2cb: {  	s22 =	simm.s32 $0x380;
	[sflag:s25] =	ssyncadd.s32 $0xFFFFCE00  }
0x2cc: {  	[tilespmem:s15], [sflag:$0x2] =	stream.indirect.gather [hbm4b:s1+s12], $0x80, s22, s12, $0xb8;
	[tilespmem:$0x1FC00] =	vst v63  }
0x2cd: {  	_ =	swait.ge [sflag:s16], $0x3200  }
0x2ce: {  	[sflag:s16] =	ssyncset.done $0x0  }
0x2cf: {  	s24 =	simm.s32 $0x1300;
	[sflag:s16] =	ssyncadd.s32 $0xFFFFCE00  }
0x2d0: {  	[spmem:s4] =	stream.indirect.scatter.add.f32 [tilespmem:s13], [sflag:$0x4], $0x80, s24, s12, $0xb8;
	[tilespmem:$0x1FC00] =	vst v63  }
0x2d1: {  	_ =	swait.ge [sflag:s29], $0x3200  }
0x2d2: {  	[sflag:s29] =	ssyncset.done $0x0  }
0x2d3: {  	s26 =	simm.s32 $0x400;
	[sflag:s29] =	ssyncadd.s32 $0xFFFFCE00  }
0x2d4: {  	[tilespmem:s18], [sflag:$0x3] =	stream.indirect.gather [hbm4b:s1+s12], $0x80, s26, s12, $0xb8;
	[tilespmem:$0x1FC00] =	vst v63  }
0x2d5: {  	_ =	swait.ge [sflag:s19], $0x3200  }
0x2d6: {  	[sflag:s19] =	ssyncset.done $0x0  }
0x2d7: {  	s28 =	simm.s32 $0x1380;
	[sflag:s19] =	ssyncadd.s32 $0xFFFFCE00  }
0x2d8: {  	[spmem:s4] =	stream.indirect.scatter.add.f32 [tilespmem:s15], [sflag:$0x5], $0x80, s28, s12, $0xb8;
	[tilespmem:$0x1FC00] =	vst v63  }
0x2d9: {  	_ =	swait.ge [sflag:s21], $0x3200  }
0x2da: {  	[sflag:s21] =	ssyncset.done $0x0  }
0x2db: {  	s30 =	simm.s32 $0x480;
	[sflag:s21] =	ssyncadd.s32 $0xFFFFCE00  }
0x2dc: {  	[tilespmem:s13], [sflag:$0x1] =	stream.indirect.gather [hbm4b:s1+s12], $0x80, s30, s12, $0xb8;
	[tilespmem:$0x1FC00] =	vst v63  }
0x2dd: {  	_ =	swait.ge [sflag:s23], $0x3200  }
0x2de: {  	[sflag:s23] =	ssyncset.done $0x0  }
0x2df: {  	s9 =	simm.s32 $0x1400;
	[sflag:s23] =	ssyncadd.s32 $0xFFFFCE00  }
0x2e0: {  	[spmem:s4] =	stream.indirect.scatter.add.f32 [tilespmem:s18], [sflag:$0x6], $0x80, s9, s12, $0xb8;
	[tilespmem:$0x1FC00] =	vst v63  }
0x2e1: {  	_ =	swait.ge [sflag:s25], $0x3200  }
0x2e2: {  	[sflag:s25] =	ssyncset.done $0x0  }
0x2e3: {  	s11 =	simm.s32 $0x500;
	[sflag:s25] =	ssyncadd.s32 $0xFFFFCE00  }
0x2e4: {  	[tilespmem:s15], [sflag:$0x2] =	stream.indirect.gather [hbm4b:s1+s12], $0x80, s11, s12, $0xb8;
	[tilespmem:$0x1FC00] =	vst v63  }
0x2e5: {  	_ =	swait.ge [sflag:s16], $0x3200  }
0x2e6: {  	[sflag:s16] =	ssyncset.done $0x0  }
0x2e7: {  	s14 =	simm.s32 $0x1480;
	[sflag:s16] =	ssyncadd.s32 $0xFFFFCE00  }
0x2e8: {  	[spmem:s4] =	stream.indirect.scatter.add.f32 [tilespmem:s13], [sflag:$0x4], $0x80, s14, s12, $0xb8;
	[tilespmem:$0x1FC00] =	vst v63  }
0x2e9: {  	_ =	swait.ge [sflag:s29], $0x3200  }
0x2ea: {  	[sflag:s29] =	ssyncset.done $0x0  }
0x2eb: {  	s17 =	simm.s32 $0x580;
	[sflag:s29] =	ssyncadd.s32 $0xFFFFCE00  }
0x2ec: {  	[tilespmem:s18], [sflag:$0x3] =	stream.indirect.gather [hbm4b:s1+s12], $0x80, s17, s12, $0xb8;
	[tilespmem:$0x1FC00] =	vst v63  }
0x2ed: {  	_ =	swait.ge [sflag:s19], $0x3200  }
0x2ee: {  	[sflag:s19] =	ssyncset.done $0x0  }
0x2ef: {  	s20 =	simm.s32 $0x1500;
	[sflag:s19] =	ssyncadd.s32 $0xFFFFCE00  }
0x2f0: {  	[spmem:s4] =	stream.indirect.scatter.add.f32 [tilespmem:s15], [sflag:$0x5], $0x80, s20, s12, $0xb8;
	[tilespmem:$0x1FC00] =	vst v63  }
0x2f1: {  	_ =	swait.ge [sflag:s21], $0x3200  }
0x2f2: {  	[sflag:s21] =	ssyncset.done $0x0  }
0x2f3: {  	s22 =	simm.s32 $0x600;
	[sflag:s21] =	ssyncadd.s32 $0xFFFFCE00  }
0x2f4: {  	[tilespmem:s13], [sflag:$0x1] =	stream.indirect.gather [hbm4b:s1+s12], $0x80, s22, s12, $0xb8;
	[tilespmem:$0x1FC00] =	vst v63  }
0x2f5: {  	_ =	swait.ge [sflag:s23], $0x3200  }
0x2f6: {  	[sflag:s23] =	ssyncset.done $0x0  }
0x2f7: {  	s24 =	simm.s32 $0x1580;
	[sflag:s23] =	ssyncadd.s32 $0xFFFFCE00  }
0x2f8: {  	[spmem:s4] =	stream.indirect.scatter.add.f32 [tilespmem:s18], [sflag:$0x6], $0x80, s24, s12, $0xb8;
	[tilespmem:$0x1FC00] =	vst v63  }
0x2f9: {  	_ =	swait.ge [sflag:s25], $0x3200  }
0x2fa: {  	[sflag:s25] =	ssyncset.done $0x0  }
0x2fb: {  	s26 =	simm.s32 $0x680;
	[sflag:s25] =	ssyncadd.s32 $0xFFFFCE00  }
0x2fc: {  	[tilespmem:s15], [sflag:$0x2] =	stream.indirect.gather [hbm4b:s1+s12], $0x80, s26, s12, $0xb8;
	[tilespmem:$0x1FC00] =	vst v63  }
0x2fd: {  	_ =	swait.ge [sflag:s16], $0x3200  }
0x2fe: {  	[sflag:s16] =	ssyncset.done $0x0  }
0x2ff: {  	s28 =	simm.s32 $0x1600;
	[sflag:s16] =	ssyncadd.s32 $0xFFFFCE00  }
0x300: {  	[spmem:s4] =	stream.indirect.scatter.add.f32 [tilespmem:s13], [sflag:$0x4], $0x80, s28, s12, $0xb8;
	[tilespmem:$0x1FC00] =	vst v63  }
0x301: {  	_ =	swait.ge [sflag:s29], $0x3200  }
0x302: {  	[sflag:s29] =	ssyncset.done $0x0  }
0x303: {  	s30 =	simm.s32 $0x700;
	[sflag:s29] =	ssyncadd.s32 $0xFFFFCE00  }
0x304: {  	[tilespmem:s18], [sflag:$0x3] =	stream.indirect.gather [hbm4b:s1+s12], $0x80, s30, s12, $0xb8;
	[tilespmem:$0x1FC00] =	vst v63  }
0x305: {  	_ =	swait.ge [sflag:s19], $0x3200  }
0x306: {  	[sflag:s19] =	ssyncset.done $0x0  }
0x307: {  	s31 =	simm.s32 $0x1680;
	[sflag:s19] =	ssyncadd.s32 $0xFFFFCE00  }
0x308: {  	[spmem:s4] =	stream.indirect.scatter.add.f32 [tilespmem:s15], [sflag:$0x5], $0x80, s31, s12, $0xb8;
	[tilespmem:$0x1FC00] =	vst v63  }
0x309: {  	_ =	swait.ge [sflag:s21], $0x3200  }
0x30a: {  	[sflag:s21] =	ssyncset.done $0x0  }
0x30b: {  	s2 =	simm.s32 $0x780;
	[sflag:s21] =	ssyncadd.s32 $0xFFFFCE00  }
0x30c: {  	[tilespmem:s13], [sflag:$0x1] =	stream.indirect.gather [hbm4b:s1+s12], $0x80, s2, s12, $0xb8;
	[tilespmem:$0x1FC00] =	vst v63  }
0x30d: {  	_ =	swait.ge [sflag:s23], $0x3200  }
0x30e: {  	[sflag:s23] =	ssyncset.done $0x0  }
0x30f: {  	s3 =	simm.s32 $0x1700;
	[sflag:s23] =	ssyncadd.s32 $0xFFFFCE00  }
0x310: {  	[spmem:s4] =	stream.indirect.scatter.add.f32 [tilespmem:s18], [sflag:$0x6], $0x80, s3, s12, $0xb8;
	[tilespmem:$0x1FC00] =	vst v63  }
0x311: {  	_ =	swait.ge [sflag:s25], $0x3200  }
0x312: {  	[sflag:s25] =	ssyncset.done $0x0  }
0x313: {  	s5 =	simm.s32 $0x800;
	[sflag:s25] =	ssyncadd.s32 $0xFFFFCE00  }
0x314: {  	[tilespmem:s15], [sflag:$0x2] =	stream.indirect.gather [hbm4b:s1+s12], $0x80, s5, s12, $0xb8;
	[tilespmem:$0x1FC00] =	vst v63  }
0x315: {  	_ =	swait.ge [sflag:s16], $0x3200  }
0x316: {  	[sflag:s16] =	ssyncset.done $0x0  }
0x317: {  	s6 =	simm.s32 $0x1780;
	[sflag:s16] =	ssyncadd.s32 $0xFFFFCE00  }
0x318: {  	[spmem:s4] =	stream.indirect.scatter.add.f32 [tilespmem:s13], [sflag:$0x4], $0x80, s6, s12, $0xb8;
	[tilespmem:$0x1FC00] =	vst v63  }
0x319: {  	_ =	swait.ge [sflag:s29], $0x3200  }
0x31a: {  	[sflag:s29] =	ssyncset.done $0x0  }
0x31b: {  	s7 =	simm.s32 $0x880;
	[sflag:s29] =	ssyncadd.s32 $0xFFFFCE00  }
0x31c: {  	[tilespmem:s18], [sflag:$0x3] =	stream.indirect.gather [hbm4b:s1+s12], $0x80, s7, s12, $0xb8;
	[tilespmem:$0x1FC00] =	vst v63  }
0x31d: {  	_ =	swait.ge [sflag:s19], $0x3200  }
0x31e: {  	[sflag:s19] =	ssyncset.done $0x0  }
0x31f: {  	s8 =	simm.s32 $0x1800;
	[sflag:s19] =	ssyncadd.s32 $0xFFFFCE00  }
0x320: {  	[spmem:s4] =	stream.indirect.scatter.add.f32 [tilespmem:s15], [sflag:$0x5], $0x80, s8, s12, $0xb8;
	[tilespmem:$0x1FC00] =	vst v63  }
0x321: {  	_ =	swait.ge [sflag:s21], $0x3200  }
0x322: {  	[sflag:s21] =	ssyncset.done $0x0  }
0x323: {  	s9 =	simm.s32 $0x900;
	[sflag:s21] =	ssyncadd.s32 $0xFFFFCE00  }
0x324: {  	[tilespmem:s13], [sflag:$0x1] =	stream.indirect.gather [hbm4b:s1+s12], $0x80, s9, s12, $0xb8;
	[tilespmem:$0x1FC00] =	vst v63  }
0x325: {  	_ =	swait.ge [sflag:s23], $0x3200  }
0x326: {  	[sflag:s23] =	ssyncset.done $0x0  }
0x327: {  	s11 =	simm.s32 $0x1880;
	[sflag:s23] =	ssyncadd.s32 $0xFFFFCE00  }
0x328: {  	[spmem:s4] =	stream.indirect.scatter.add.f32 [tilespmem:s18], [sflag:$0x6], $0x80, s11, s12, $0xb8;
	[tilespmem:$0x1FC00] =	vst v63  }
0x329: {  	_ =	swait.ge [sflag:s25], $0x3200  }
0x32a: {  	[sflag:s25] =	ssyncset.done $0x0  }
0x32b: {  	s14 =	simm.s32 $0x980;
	[sflag:s25] =	ssyncadd.s32 $0xFFFFCE00  }
0x32c: {  	[tilespmem:s15], [sflag:$0x2] =	stream.indirect.gather [hbm4b:s1+s12], $0x80, s14, s12, $0xb8;
	[tilespmem:$0x1FC00] =	vst v63  }
0x32d: {  	_ =	swait.ge [sflag:s16], $0x3200  }
0x32e: {  	[sflag:s16] =	ssyncset.done $0x0  }
0x32f: {  	s17 =	simm.s32 $0x1900;
	[sflag:s16] =	ssyncadd.s32 $0xFFFFCE00  }
0x330: {  	[spmem:s4] =	stream.indirect.scatter.add.f32 [tilespmem:s13], [sflag:$0x4], $0x80, s17, s12, $0xb8;
	[tilespmem:$0x1FC00] =	vst v63  }
0x331: {  	_ =	swait.ge [sflag:s29], $0x3200  }
0x332: {  	[sflag:s29] =	ssyncset.done $0x0  }
0x333: {  	s20 =	simm.s32 $0xA00;
	[sflag:s29] =	ssyncadd.s32 $0xFFFFCE00  }
0x334: {  	[tilespmem:s18], [sflag:$0x3] =	stream.indirect.gather [hbm4b:s1+s12], $0x80, s20, s12, $0xb8;
	[tilespmem:$0x1FC00] =	vst v63  }
0x335: {  	_ =	swait.ge [sflag:s19], $0x3200  }
0x336: {  	[sflag:s19] =	ssyncset.done $0x0  }
0x337: {  	s22 =	simm.s32 $0x1980;
	[sflag:s19] =	ssyncadd.s32 $0xFFFFCE00  }
0x338: {  	[spmem:s4] =	stream.indirect.scatter.add.f32 [tilespmem:s15], [sflag:$0x5], $0x80, s22, s12, $0xb8;
	[tilespmem:$0x1FC00] =	vst v63  }
0x339: {  	_ =	swait.ge [sflag:s21], $0x3200  }
0x33a: {  	[sflag:s21] =	ssyncset.done $0x0  }
0x33b: {  	s24 =	simm.s32 $0xA80;
	[sflag:s21] =	ssyncadd.s32 $0xFFFFCE00  }
0x33c: {  	[tilespmem:s13], [sflag:$0x1] =	stream.indirect.gather [hbm4b:s1+s12], $0x80, s24, s12, $0xb8;
	[tilespmem:$0x1FC00] =	vst v63  }
0x33d: {  	_ =	swait.ge [sflag:s23], $0x3200  }
0x33e: {  	[sflag:s23] =	ssyncset.done $0x0  }
0x33f: {  	s26 =	simm.s32 $0x1A00;
	[sflag:s23] =	ssyncadd.s32 $0xFFFFCE00  }
0x340: {  	[spmem:s4] =	stream.indirect.scatter.add.f32 [tilespmem:s18], [sflag:$0x6], $0x80, s26, s12, $0xb8;
	[tilespmem:$0x1FC00] =	vst v63  }
0x341: {  	_ =	swait.ge [sflag:s25], $0x3200  }
0x342: {  	[sflag:s25] =	ssyncset.done $0x0  }
0x343: {  	s28 =	simm.s32 $0xB00;
	[sflag:s25] =	ssyncadd.s32 $0xFFFFCE00  }
0x344: {  	[tilespmem:s15], [sflag:$0x2] =	stream.indirect.gather [hbm4b:s1+s12], $0x80, s28, s12, $0xb8;
	[tilespmem:$0x1FC00] =	vst v63  }
0x345: {  	_ =	swait.ge [sflag:s16], $0x3200  }
0x346: {  	[sflag:s16] =	ssyncset.done $0x0  }
0x347: {  	s30 =	simm.s32 $0x1A80;
	[sflag:s16] =	ssyncadd.s32 $0xFFFFCE00  }
0x348: {  	[spmem:s4] =	stream.indirect.scatter.add.f32 [tilespmem:s13], [sflag:$0x4], $0x80, s30, s12, $0xb8;
	[tilespmem:$0x1FC00] =	vst v63  }
0x349: {  	_ =	swait.ge [sflag:s29], $0x3200  }
0x34a: {  	[sflag:s29] =	ssyncset.done $0x0  }
0x34b: {  	s31 =	simm.s32 $0xB80;
	[sflag:s29] =	ssyncadd.s32 $0xFFFFCE00  }
0x34c: {  	[tilespmem:s18], [sflag:$0x3] =	stream.indirect.gather [hbm4b:s1+s12], $0x80, s31, s12, $0xb8;
	[tilespmem:$0x1FC00] =	vst v63  }
0x34d: {  	_ =	swait.ge [sflag:s19], $0x3200  }
0x34e: {  	[sflag:s19] =	ssyncset.done $0x0  }
0x34f: {  	s2 =	simm.s32 $0x1B00;
	[sflag:s19] =	ssyncadd.s32 $0xFFFFCE00  }
0x350: {  	[spmem:s4] =	stream.indirect.scatter.add.f32 [tilespmem:s15], [sflag:$0x5], $0x80, s2, s12, $0xb8;
	[tilespmem:$0x1FC00] =	vst v63  }
0x351: {  	_ =	swait.ge [sflag:s21], $0x3200  }
0x352: {  	[sflag:s21] =	ssyncset.done $0x0  }
0x353: {  	s3 =	rddreg [dreg:$0x16];
	[sflag:s21] =	ssyncadd.s32 $0xFFFFCE00  }
0x354: {  	[tilespmem:s13], [sflag:$0x1] =	stream.indirect.gather [hbm4b:s1+s12], $0x80, s3, s12, $0xb8;
	[tilespmem:$0x1FC00] =	vst v63  }
0x355: {  	_ =	swait.ge [sflag:s23], $0x3200  }
0x356: {  	[sflag:s23] =	ssyncset.done $0x0  }
0x357: {  	s5 =	simm.s32 $0x1B80;
	[sflag:s23] =	ssyncadd.s32 $0xFFFFCE00  }
0x358: {  	[spmem:s4] =	stream.indirect.scatter.add.f32 [tilespmem:s18], [sflag:$0x6], $0x80, s5, s12, $0xb8;
	[tilespmem:$0x1FC00] =	vst v63  }
0x359: {  	_ =	swait.ge [sflag:s25], $0x3200  }
0x35a: {  	[sflag:s25] =	ssyncset.done $0x0  }
0x35b: {  	s6 =	rddreg [dreg:$0x17];
	[sflag:s25] =	ssyncadd.s32 $0xFFFFCE00  }
0x35c: {  	[tilespmem:s15], [sflag:$0x2] =	stream.indirect.gather [hbm4b:s1+s12], $0x80, s6, s12, $0xb8;
	[tilespmem:$0x1FC00] =	vst v63  }
0x35d: {  	_ =	swait.ge [sflag:s16], $0x3200  }
0x35e: {  	[sflag:s16] =	ssyncset.done $0x0  }
0x35f: {  	s7 =	rddreg [dreg:$0x18];
	[sflag:s16] =	ssyncadd.s32 $0xFFFFCE00  }
0x360: {  	[spmem:s4] =	stream.indirect.scatter.add.f32 [tilespmem:s13], [sflag:$0x4], $0x80, s7, s12, $0xb8;
	[tilespmem:$0x1FC00] =	vst v63  }
0x361: {  	_ =	swait.ge [sflag:s29], $0x3200  }
0x362: {  	[sflag:s29] =	ssyncset.done $0x0  }
0x363: {  	s8 =	rddreg [dreg:$0x19];
	[sflag:s29] =	ssyncadd.s32 $0xFFFFCE00  }
0x364: {  	[tilespmem:s18], [sflag:$0x3] =	stream.indirect.gather [hbm4b:s1+s12], $0x80, s8, s12, $0xb8;
	[tilespmem:$0x1FC00] =	vst v63  }
0x365: {  	_ =	swait.ge [sflag:s19], $0x3200  }
0x366: {  	[sflag:s19] =	ssyncset.done $0x0  }
0x367: {  	s9 =	rddreg [dreg:$0x1a];
	[sflag:s19] =	ssyncadd.s32 $0xFFFFCE00  }
0x368: {  	[spmem:s4] =	stream.indirect.scatter.add.f32 [tilespmem:s15], [sflag:$0x5], $0x80, s9, s12, $0xb8;
	[tilespmem:$0x1FC00] =	vst v63  }
0x369: {  	_ =	swait.ge [sflag:s21], $0x3200  }
0x36a: {  	[sflag:s21] =	ssyncset.done $0x0  }
0x36b: {  	s11 =	rddreg [dreg:$0x1b];
	[sflag:s21] =	ssyncadd.s32 $0xFFFFCE00  }
0x36c: {  	[tilespmem:s13], [sflag:$0x1] =	stream.indirect.gather [hbm4b:s1+s12], $0x80, s11, s12, $0xb8;
	[tilespmem:$0x1FC00] =	vst v63  }
0x36d: {  	_ =	swait.ge [sflag:s23], $0x3200  }
0x36e: {  	[sflag:s23] =	ssyncset.done $0x0  }
0x36f: {  	s14 =	rddreg [dreg:$0x1c];
	[sflag:s23] =	ssyncadd.s32 $0xFFFFCE00  }
0x370: {  	[spmem:s4] =	stream.indirect.scatter.add.f32 [tilespmem:s18], [sflag:$0x6], $0x80, s14, s12, $0xb8;
	[tilespmem:$0x1FC00] =	vst v63  }
0x371: {  	_ =	swait.ge [sflag:s16], $0x3200  }
0x372: {  	[sflag:s16] =	ssyncset.done $0x0  }
0x373: {  	s20 =	rddreg [dreg:$0x1d];
	[sflag:s16] =	ssyncadd.s32 $0xFFFFCE00  }
0x374: {  	[spmem:s4] =	stream.indirect.scatter.add.f32 [tilespmem:s13], [sflag:$0x4], $0x80, s20, s12, $0xb8;
	[tilespmem:$0x1FC00] =	vst v63  }
0x375: {  	_ =	swait.ge [sflag:s25], $0x3200  }
0x376: {  	[sflag:s25] =	ssyncset.done $0x0  }
0x377: {  	[sflag:s25] =	ssyncadd.s32 $0xFFFFCE00  }
0x378: {  	_ =	swait.ge [sflag:s29], $0x3200  }
0x379: {  	[sflag:s29] =	ssyncset.done $0x0  }
0x37a: {  	[sflag:s29] =	ssyncadd.s32 $0xFFFFCE00  }
0x37b: {  	_ =	swait.ge [sflag:s21], $0x3200  }
0x37c: {  	[sflag:s21] =	ssyncset.done $0x0  }
0x37d: {  	[sflag:s21] =	ssyncadd.s32 $0xFFFFCE00  }
0x37e: {  	[bflag:$0x0] =	sbarrier.arrive $0xFFFF  }
0x37f: {  	s22 =	sld [smem:$0x7FC];
	_ =	sdelay $0x2  }
0x380: {  	s24 =	ssub.s32 $0x2, s22  }
0x381: {  	s28 =	sshrl.u32 s24, $0x1  }
0x382: {  	s17 =	ssub.s32 s24, s28  }
0x383: {  	s17 =	smax.u32 s17, $0x1  }
0x384: {  	s30 =	stileid.u32;
	s31 =	sld [smem:$0x7FD];
	s17 =	sadd.s32 $0xFFFFFFFF, s17  }
0x385: {  	s0 =	sshll.u32 s30, $0x6;
	p3 =	sne.s32 s17, $0x0  }
.Ltmp0:
0x386: {  	s0 =	sor.u32 $0x1C07, s0;
	s26 =	rddreg [dreg:$0xf];
	(pc) =	sbr.rel @!p3 .LBB2_3-.Ltmp0, $4  }
0x387: {  	[dreg:$0x1e] =	wrdreg s0;
	s2 =	sshrl.u32 s31, $0x3  }
0x388: {  	[dreg:$0x1f] =	wrdreg s2  }
0x389: {  	[hbm:s26], [sflag:s0] =	dma.local [spmem:s2], $0x2800  }
0x38a: {  	_ =	swait.ge [sflag:s10], $0x2800  }
0x38b: {  	s3 =	simm.s32 $0x1000  }
.LBB2_2:
0x38c: {  	s20 =	rddreg [dreg:$0x11];
	[sflag:s10] =	ssyncset.done $0x0  }
0x38d: {  	s22 =	rddreg [dreg:$0x10];
	[sflag:s10] =	ssyncadd.s32 $0xFFFFD800  }
0x38e: {  	s24 =	rddreg [dreg:$0x2]  }
0x38f: {  	[spmem:s20], [sflag:s22] =	dma.local @p0 [hbm:s24], $0x2800  }
0x390: {  	s22 =	simm.s32 @p0 $0x7  }
0x391: {  	_ =	swait.ge @p0 [sflag:s22], $0x2800  }
0x392: {  	s26 =	simm.s32 @!p1 $0x1FC7;
	[sflag:s22] =	ssyncset.done @p0 $0x0;
	s20 =	rddreg [dreg:$0x14]  }
0x393: {  	s0 =	simm.s32 @!p1 $0x7;
	[sflag:s22] =	ssyncadd.s32 @p0 $0xFFFFD800;
	s22 =	rddreg [dreg:$0x6]  }
0x394: {  	[spmem:s20], [sflag:s26] =	dma.local @!p1 [hbm:s22], $0x1900  }
0x395: {  	_ =	swait.ge @!p1 [sflag:s0], $0x1900  }
0x396: {  	[sflag:s0] =	ssyncset.done @!p1 $0x0  }
0x397: {  	s20 =	rddreg [dreg:$0x15];
	[sflag:s0] =	ssyncadd.s32 @!p1 $0xFFFFE700  }
0x398: {  	[spmem:s20], [sflag:s26] =	dma.local @!p1 [hbm:s24], $0xF00  }
0x399: {  	_ =	swait.ge @!p1 [sflag:s0], $0xF00  }
0x39a: {  	s20 =	rddreg [dreg:$0x12]  }
0x39b: {  	[sflag:s0] =	ssyncset.done @!p1 $0x0;
	s22 =	rddreg [dreg:$0x13]  }
0x39c: {  	s24 =	rddreg [dreg:$0x5];
	[sflag:s0] =	ssyncadd.s32 @!p1 $0xFFFFF100  }
0x39d: {  	[spmem:s22], [sflag:s20] =	dma.local @!p2 [hbm:s24], $0x2800  }
0x39e: {  	s20 =	simm.s32 @!p2 $0x7  }
0x39f: {  	_ =	swait.ge @!p2 [sflag:s20], $0x2800  }
0x3a0: {  	[sflag:s20] =	ssyncset.done @!p2 $0x0  }
0x3a1: {  	[sflag:s20] =	ssyncadd.s32 @!p2 $0xFFFFD800  }
0x3a2: {  	[bflag:$0x0] =	sbarrier.arrive $0xFFFF  }
0x3a3: {  	s0 =	simm.s32 $0x0;
	s8 =	rddreg [dreg:$0x7]  }
0x3a4: {  	[tilespmem:s0], [sflag:$0x7] =	stream.linear.gather [hbm4b:s8+s0], $0xC00, $0x38;
	[tilespmem:$0x1FC00] =	vst v63  }
0x3a5: {  	_ =	swait.ge [sflag:s10], $0xC00  }
0x3a6: {  	[sflag:s10] =	ssyncset.done $0x0  }
0x3a7: {  	s9 =	rddreg [dreg:$0x8];
	[sflag:s10] =	ssyncadd.s32 $0xFFFFF400  }
0x3a8: {  	[tilespmem:s3], [sflag:$0x7] =	stream.linear.gather [hbm4b:s9+s0], $0xC00, $0x38;
	[tilespmem:$0x1FC00] =	vst v63  }
0x3a9: {  	_ =	swait.ge [sflag:s10], $0xC00  }
0x3aa: {  	[sflag:s10] =	ssyncset.done $0x0  }
0x3ab: {  	[sflag:s10] =	ssyncadd.s32 $0xFFFFF400  }
0x3ac: {  	[tilespmem:s13], [sflag:$0x1] =	stream.indirect.gather [hbm4b:s1+s12], $0x80, s0, s12, $0xb8;
	[tilespmem:$0x1FC00] =	vst v63  }
0x3ad: {  	s2 =	simm.s32 $0x80  }
0x3ae: {  	[tilespmem:s15], [sflag:$0x2] =	stream.indirect.gather [hbm4b:s1+s12], $0x80, s2, s12, $0xb8;
	[tilespmem:$0x1FC00] =	vst v63  }
0x3af: {  	_ =	swait.ge [sflag:s16], $0x3200  }
0x3b0: {  	[sflag:s16] =	ssyncset.done $0x0  }
0x3b1: {  	[sflag:s16] =	ssyncadd.s32 $0xFFFFCE00  }
0x3b2: {  	[spmem:s4] =	stream.indirect.scatter.add.f32 [tilespmem:s13], [sflag:$0x4], $0x80, s3, s12, $0xb8;
	[tilespmem:$0x1FC00] =	vst v63  }
0x3b3: {  	s11 =	simm.s32 $0x100  }
0x3b4: {  	[tilespmem:s18], [sflag:$0x3] =	stream.indirect.gather [hbm4b:s1+s12], $0x80, s11, s12, $0xb8;
	[tilespmem:$0x1FC00] =	vst v63  }
0x3b5: {  	_ =	swait.ge [sflag:s19], $0x3200  }
0x3b6: {  	[sflag:s19] =	ssyncset.done $0x0  }
0x3b7: {  	s14 =	simm.s32 $0x1080;
	[sflag:s19] =	ssyncadd.s32 $0xFFFFCE00  }
0x3b8: {  	[spmem:s4] =	stream.indirect.scatter.add.f32 [tilespmem:s15], [sflag:$0x5], $0x80, s14, s12, $0xb8;
	[tilespmem:$0x1FC00] =	vst v63  }
0x3b9: {  	_ =	swait.ge [sflag:s21], $0x3200  }
0x3ba: {  	[sflag:s21] =	ssyncset.done $0x0  }
0x3bb: {  	s20 =	simm.s32 $0x180;
	[sflag:s21] =	ssyncadd.s32 $0xFFFFCE00  }
0x3bc: {  	[tilespmem:s13], [sflag:$0x1] =	stream.indirect.gather [hbm4b:s1+s12], $0x80, s20, s12, $0xb8;
	[tilespmem:$0x1FC00] =	vst v63  }
0x3bd: {  	_ =	swait.ge [sflag:s23], $0x3200  }
0x3be: {  	[sflag:s23] =	ssyncset.done $0x0  }
0x3bf: {  	s22 =	simm.s32 $0x1100;
	[sflag:s23] =	ssyncadd.s32 $0xFFFFCE00  }
0x3c0: {  	[spmem:s4] =	stream.indirect.scatter.add.f32 [tilespmem:s18], [sflag:$0x6], $0x80, s22, s12, $0xb8;
	[tilespmem:$0x1FC00] =	vst v63  }
0x3c1: {  	_ =	swait.ge [sflag:s25], $0x3200  }
0x3c2: {  	[sflag:s25] =	ssyncset.done $0x0  }
0x3c3: {  	s24 =	simm.s32 $0x200;
	[sflag:s25] =	ssyncadd.s32 $0xFFFFCE00  }
0x3c4: {  	[tilespmem:s15], [sflag:$0x2] =	stream.indirect.gather [hbm4b:s1+s12], $0x80, s24, s12, $0xb8;
	[tilespmem:$0x1FC00] =	vst v63  }
0x3c5: {  	_ =	swait.ge [sflag:s16], $0x3200  }
0x3c6: {  	[sflag:s16] =	ssyncset.done $0x0  }
0x3c7: {  	s26 =	simm.s32 $0x1180;
	[sflag:s16] =	ssyncadd.s32 $0xFFFFCE00  }
0x3c8: {  	[spmem:s4] =	stream.indirect.scatter.add.f32 [tilespmem:s13], [sflag:$0x4], $0x80, s26, s12, $0xb8;
	[tilespmem:$0x1FC00] =	vst v63  }
0x3c9: {  	_ =	swait.ge [sflag:s29], $0x3200  }
0x3ca: {  	[sflag:s29] =	ssyncset.done $0x0  }
0x3cb: {  	s6 =	simm.s32 $0x280;
	[sflag:s29] =	ssyncadd.s32 $0xFFFFCE00  }
0x3cc: {  	[tilespmem:s18], [sflag:$0x3] =	stream.indirect.gather [hbm4b:s1+s12], $0x80, s6, s12, $0xb8;
	[tilespmem:$0x1FC00] =	vst v63  }
0x3cd: {  	_ =	swait.ge [sflag:s19], $0x3200  }
0x3ce: {  	[sflag:s19] =	ssyncset.done $0x0  }
0x3cf: {  	s8 =	simm.s32 $0x1200;
	[sflag:s19] =	ssyncadd.s32 $0xFFFFCE00  }
0x3d0: {  	[spmem:s4] =	stream.indirect.scatter.add.f32 [tilespmem:s15], [sflag:$0x5], $0x80, s8, s12, $0xb8;
	[tilespmem:$0x1FC00] =	vst v63  }
0x3d1: {  	_ =	swait.ge [sflag:s21], $0x3200  }
0x3d2: {  	[sflag:s21] =	ssyncset.done $0x0  }
0x3d3: {  	s9 =	simm.s32 $0x300;
	[sflag:s21] =	ssyncadd.s32 $0xFFFFCE00  }
0x3d4: {  	[tilespmem:s13], [sflag:$0x1] =	stream.indirect.gather [hbm4b:s1+s12], $0x80, s9, s12, $0xb8;
	[tilespmem:$0x1FC00] =	vst v63  }
0x3d5: {  	_ =	swait.ge [sflag:s23], $0x3200  }
0x3d6: {  	[sflag:s23] =	ssyncset.done $0x0  }
0x3d7: {  	s11 =	simm.s32 $0x1280;
	[sflag:s23] =	ssyncadd.s32 $0xFFFFCE00  }
0x3d8: {  	[spmem:s4] =	stream.indirect.scatter.add.f32 [tilespmem:s18], [sflag:$0x6], $0x80, s11, s12, $0xb8;
	[tilespmem:$0x1FC00] =	vst v63  }
0x3d9: {  	_ =	swait.ge [sflag:s25], $0x3200  }
0x3da: {  	[sflag:s25] =	ssyncset.done $0x0  }
0x3db: {  	s14 =	simm.s32 $0x380;
	[sflag:s25] =	ssyncadd.s32 $0xFFFFCE00  }
0x3dc: {  	[tilespmem:s15], [sflag:$0x2] =	stream.indirect.gather [hbm4b:s1+s12], $0x80, s14, s12, $0xb8;
	[tilespmem:$0x1FC00] =	vst v63  }
0x3dd: {  	_ =	swait.ge [sflag:s16], $0x3200  }
0x3de: {  	[sflag:s16] =	ssyncset.done $0x0  }
0x3df: {  	s20 =	simm.s32 $0x1300;
	[sflag:s16] =	ssyncadd.s32 $0xFFFFCE00  }
0x3e0: {  	[spmem:s4] =	stream.indirect.scatter.add.f32 [tilespmem:s13], [sflag:$0x4], $0x80, s20, s12, $0xb8;
	[tilespmem:$0x1FC00] =	vst v63  }
0x3e1: {  	_ =	swait.ge [sflag:s29], $0x3200  }
0x3e2: {  	[sflag:s29] =	ssyncset.done $0x0  }
0x3e3: {  	s8 =	simm.s32 $0x400;
	[sflag:s29] =	ssyncadd.s32 $0xFFFFCE00  }
0x3e4: {  	[tilespmem:s18], [sflag:$0x3] =	stream.indirect.gather [hbm4b:s1+s12], $0x80, s8, s12, $0xb8;
	[tilespmem:$0x1FC00] =	vst v63  }
0x3e5: {  	_ =	swait.ge [sflag:s19], $0x3200  }
0x3e6: {  	[sflag:s19] =	ssyncset.done $0x0  }
0x3e7: {  	s11 =	simm.s32 $0x1380;
	[sflag:s19] =	ssyncadd.s32 $0xFFFFCE00  }
0x3e8: {  	[spmem:s4] =	stream.indirect.scatter.add.f32 [tilespmem:s15], [sflag:$0x5], $0x80, s11, s12, $0xb8;
	[tilespmem:$0x1FC00] =	vst v63  }
0x3e9: {  	_ =	swait.ge [sflag:s21], $0x3200  }
0x3ea: {  	[sflag:s21] =	ssyncset.done $0x0  }
0x3eb: {  	s20 =	simm.s32 $0x480;
	[sflag:s21] =	ssyncadd.s32 $0xFFFFCE00  }
0x3ec: {  	[tilespmem:s13], [sflag:$0x1] =	stream.indirect.gather [hbm4b:s1+s12], $0x80, s20, s12, $0xb8;
	[tilespmem:$0x1FC00] =	vst v63  }
0x3ed: {  	_ =	swait.ge [sflag:s23], $0x3200  }
0x3ee: {  	[sflag:s23] =	ssyncset.done $0x0  }
0x3ef: {  	s20 =	simm.s32 $0x1400;
	[sflag:s23] =	ssyncadd.s32 $0xFFFFCE00  }
0x3f0: {  	[spmem:s4] =	stream.indirect.scatter.add.f32 [tilespmem:s18], [sflag:$0x6], $0x80, s20, s12, $0xb8;
	[tilespmem:$0x1FC00] =	vst v63  }
0x3f1: {  	_ =	swait.ge [sflag:s25], $0x3200  }
0x3f2: {  	[sflag:s25] =	ssyncset.done $0x0  }
0x3f3: {  	s20 =	simm.s32 $0x500;
	[sflag:s25] =	ssyncadd.s32 $0xFFFFCE00  }
0x3f4: {  	[tilespmem:s15], [sflag:$0x2] =	stream.indirect.gather [hbm4b:s1+s12], $0x80, s20, s12, $0xb8;
	[tilespmem:$0x1FC00] =	vst v63  }
0x3f5: {  	_ =	swait.ge [sflag:s16], $0x3200  }
0x3f6: {  	[sflag:s16] =	ssyncset.done $0x0  }
0x3f7: {  	s20 =	simm.s32 $0x1480;
	[sflag:s16] =	ssyncadd.s32 $0xFFFFCE00  }
0x3f8: {  	[spmem:s4] =	stream.indirect.scatter.add.f32 [tilespmem:s13], [sflag:$0x4], $0x80, s20, s12, $0xb8;
	[tilespmem:$0x1FC00] =	vst v63  }
0x3f9: {  	_ =	swait.ge [sflag:s29], $0x3200  }
0x3fa: {  	[sflag:s29] =	ssyncset.done $0x0  }
0x3fb: {  	s20 =	simm.s32 $0x580;
	[sflag:s29] =	ssyncadd.s32 $0xFFFFCE00  }
0x3fc: {  	[tilespmem:s18], [sflag:$0x3] =	stream.indirect.gather [hbm4b:s1+s12], $0x80, s20, s12, $0xb8;
	[tilespmem:$0x1FC00] =	vst v63  }
0x3fd: {  	_ =	swait.ge [sflag:s19], $0x3200  }
0x3fe: {  	[sflag:s19] =	ssyncset.done $0x0  }
0x3ff: {  	s20 =	simm.s32 $0x1500;
	[sflag:s19] =	ssyncadd.s32 $0xFFFFCE00  }
0x400: {  	[spmem:s4] =	stream.indirect.scatter.add.f32 [tilespmem:s15], [sflag:$0x5], $0x80, s20, s12, $0xb8;
	[tilespmem:$0x1FC00] =	vst v63  }
0x401: {  	_ =	swait.ge [sflag:s21], $0x3200  }
0x402: {  	[sflag:s21] =	ssyncset.done $0x0  }
0x403: {  	s20 =	simm.s32 $0x600;
	[sflag:s21] =	ssyncadd.s32 $0xFFFFCE00  }
0x404: {  	[tilespmem:s13], [sflag:$0x1] =	stream.indirect.gather [hbm4b:s1+s12], $0x80, s20, s12, $0xb8;
	[tilespmem:$0x1FC00] =	vst v63  }
0x405: {  	_ =	swait.ge [sflag:s23], $0x3200  }
0x406: {  	[sflag:s23] =	ssyncset.done $0x0  }
0x407: {  	s20 =	simm.s32 $0x1580;
	[sflag:s23] =	ssyncadd.s32 $0xFFFFCE00  }
0x408: {  	[spmem:s4] =	stream.indirect.scatter.add.f32 [tilespmem:s18], [sflag:$0x6], $0x80, s20, s12, $0xb8;
	[tilespmem:$0x1FC00] =	vst v63  }
0x409: {  	_ =	swait.ge [sflag:s25], $0x3200  }
0x40a: {  	[sflag:s25] =	ssyncset.done $0x0  }
0x40b: {  	s20 =	simm.s32 $0x680;
	[sflag:s25] =	ssyncadd.s32 $0xFFFFCE00  }
0x40c: {  	[tilespmem:s15], [sflag:$0x2] =	stream.indirect.gather [hbm4b:s1+s12], $0x80, s20, s12, $0xb8;
	[tilespmem:$0x1FC00] =	vst v63  }
0x40d: {  	_ =	swait.ge [sflag:s16], $0x3200  }
0x40e: {  	[sflag:s16] =	ssyncset.done $0x0  }
0x40f: {  	s20 =	simm.s32 $0x1600;
	[sflag:s16] =	ssyncadd.s32 $0xFFFFCE00  }
0x410: {  	[spmem:s4] =	stream.indirect.scatter.add.f32 [tilespmem:s13], [sflag:$0x4], $0x80, s20, s12, $0xb8;
	[tilespmem:$0x1FC00] =	vst v63  }
0x411: {  	_ =	swait.ge [sflag:s29], $0x3200  }
0x412: {  	[sflag:s29] =	ssyncset.done $0x0  }
0x413: {  	s20 =	simm.s32 $0x700;
	[sflag:s29] =	ssyncadd.s32 $0xFFFFCE00  }
0x414: {  	[tilespmem:s18], [sflag:$0x3] =	stream.indirect.gather [hbm4b:s1+s12], $0x80, s20, s12, $0xb8;
	[tilespmem:$0x1FC00] =	vst v63  }
0x415: {  	_ =	swait.ge [sflag:s19], $0x3200  }
0x416: {  	[sflag:s19] =	ssyncset.done $0x0  }
0x417: {  	s20 =	simm.s32 $0x1680;
	[sflag:s19] =	ssyncadd.s32 $0xFFFFCE00  }
0x418: {  	[spmem:s4] =	stream.indirect.scatter.add.f32 [tilespmem:s15], [sflag:$0x5], $0x80, s20, s12, $0xb8;
	[tilespmem:$0x1FC00] =	vst v63  }
0x419: {  	_ =	swait.ge [sflag:s21], $0x3200  }
0x41a: {  	[sflag:s21] =	ssyncset.done $0x0  }
0x41b: {  	s20 =	simm.s32 $0x780;
	[sflag:s21] =	ssyncadd.s32 $0xFFFFCE00  }
0x41c: {  	[tilespmem:s13], [sflag:$0x1] =	stream.indirect.gather [hbm4b:s1+s12], $0x80, s20, s12, $0xb8;
	[tilespmem:$0x1FC00] =	vst v63  }
0x41d: {  	_ =	swait.ge [sflag:s23], $0x3200  }
0x41e: {  	[sflag:s23] =	ssyncset.done $0x0  }
0x41f: {  	s20 =	simm.s32 $0x1700;
	[sflag:s23] =	ssyncadd.s32 $0xFFFFCE00  }
0x420: {  	[spmem:s4] =	stream.indirect.scatter.add.f32 [tilespmem:s18], [sflag:$0x6], $0x80, s20, s12, $0xb8;
	[tilespmem:$0x1FC00] =	vst v63  }
0x421: {  	_ =	swait.ge [sflag:s25], $0x3200  }
0x422: {  	[sflag:s25] =	ssyncset.done $0x0  }
0x423: {  	s20 =	simm.s32 $0x800;
	[sflag:s25] =	ssyncadd.s32 $0xFFFFCE00  }
0x424: {  	[tilespmem:s15], [sflag:$0x2] =	stream.indirect.gather [hbm4b:s1+s12], $0x80, s20, s12, $0xb8;
	[tilespmem:$0x1FC00] =	vst v63  }
0x425: {  	_ =	swait.ge [sflag:s16], $0x3200  }
0x426: {  	[sflag:s16] =	ssyncset.done $0x0  }
0x427: {  	s20 =	simm.s32 $0x1780;
	[sflag:s16] =	ssyncadd.s32 $0xFFFFCE00  }
0x428: {  	[spmem:s4] =	stream.indirect.scatter.add.f32 [tilespmem:s13], [sflag:$0x4], $0x80, s20, s12, $0xb8;
	[tilespmem:$0x1FC00] =	vst v63  }
0x429: {  	_ =	swait.ge [sflag:s29], $0x3200  }
0x42a: {  	[sflag:s29] =	ssyncset.done $0x0  }
0x42b: {  	s20 =	simm.s32 $0x880;
	[sflag:s29] =	ssyncadd.s32 $0xFFFFCE00  }
0x42c: {  	[tilespmem:s18], [sflag:$0x3] =	stream.indirect.gather [hbm4b:s1+s12], $0x80, s20, s12, $0xb8;
	[tilespmem:$0x1FC00] =	vst v63  }
0x42d: {  	_ =	swait.ge [sflag:s19], $0x3200  }
0x42e: {  	[sflag:s19] =	ssyncset.done $0x0  }
0x42f: {  	s20 =	simm.s32 $0x1800;
	[sflag:s19] =	ssyncadd.s32 $0xFFFFCE00  }
0x430: {  	[spmem:s4] =	stream.indirect.scatter.add.f32 [tilespmem:s15], [sflag:$0x5], $0x80, s20, s12, $0xb8;
	[tilespmem:$0x1FC00] =	vst v63  }
0x431: {  	_ =	swait.ge [sflag:s21], $0x3200  }
0x432: {  	[sflag:s21] =	ssyncset.done $0x0  }
0x433: {  	s20 =	simm.s32 $0x900;
	[sflag:s21] =	ssyncadd.s32 $0xFFFFCE00  }
0x434: {  	[tilespmem:s13], [sflag:$0x1] =	stream.indirect.gather [hbm4b:s1+s12], $0x80, s20, s12, $0xb8;
	[tilespmem:$0x1FC00] =	vst v63  }
0x435: {  	_ =	swait.ge [sflag:s23], $0x3200  }
0x436: {  	[sflag:s23] =	ssyncset.done $0x0  }
0x437: {  	s20 =	simm.s32 $0x1880;
	[sflag:s23] =	ssyncadd.s32 $0xFFFFCE00  }
0x438: {  	[spmem:s4] =	stream.indirect.scatter.add.f32 [tilespmem:s18], [sflag:$0x6], $0x80, s20, s12, $0xb8;
	[tilespmem:$0x1FC00] =	vst v63  }
0x439: {  	_ =	swait.ge [sflag:s25], $0x3200  }
0x43a: {  	[sflag:s25] =	ssyncset.done $0x0  }
0x43b: {  	s20 =	simm.s32 $0x980;
	[sflag:s25] =	ssyncadd.s32 $0xFFFFCE00  }
0x43c: {  	[tilespmem:s15], [sflag:$0x2] =	stream.indirect.gather [hbm4b:s1+s12], $0x80, s20, s12, $0xb8;
	[tilespmem:$0x1FC00] =	vst v63  }
0x43d: {  	_ =	swait.ge [sflag:s16], $0x3200  }
0x43e: {  	[sflag:s16] =	ssyncset.done $0x0  }
0x43f: {  	s20 =	simm.s32 $0x1900;
	[sflag:s16] =	ssyncadd.s32 $0xFFFFCE00  }
0x440: {  	[spmem:s4] =	stream.indirect.scatter.add.f32 [tilespmem:s13], [sflag:$0x4], $0x80, s20, s12, $0xb8;
	[tilespmem:$0x1FC00] =	vst v63  }
0x441: {  	_ =	swait.ge [sflag:s29], $0x3200  }
0x442: {  	[sflag:s29] =	ssyncset.done $0x0  }
0x443: {  	s20 =	simm.s32 $0xA00;
	[sflag:s29] =	ssyncadd.s32 $0xFFFFCE00  }
0x444: {  	[tilespmem:s18], [sflag:$0x3] =	stream.indirect.gather [hbm4b:s1+s12], $0x80, s20, s12, $0xb8;
	[tilespmem:$0x1FC00] =	vst v63  }
0x445: {  	_ =	swait.ge [sflag:s19], $0x3200  }
0x446: {  	[sflag:s19] =	ssyncset.done $0x0  }
0x447: {  	s20 =	simm.s32 $0x1980;
	[sflag:s19] =	ssyncadd.s32 $0xFFFFCE00  }
0x448: {  	[spmem:s4] =	stream.indirect.scatter.add.f32 [tilespmem:s15], [sflag:$0x5], $0x80, s20, s12, $0xb8;
	[tilespmem:$0x1FC00] =	vst v63  }
0x449: {  	_ =	swait.ge [sflag:s21], $0x3200  }
0x44a: {  	[sflag:s21] =	ssyncset.done $0x0  }
0x44b: {  	s20 =	simm.s32 $0xA80;
	[sflag:s21] =	ssyncadd.s32 $0xFFFFCE00  }
0x44c: {  	[tilespmem:s13], [sflag:$0x1] =	stream.indirect.gather [hbm4b:s1+s12], $0x80, s20, s12, $0xb8;
	[tilespmem:$0x1FC00] =	vst v63  }
0x44d: {  	_ =	swait.ge [sflag:s23], $0x3200  }
0x44e: {  	[sflag:s23] =	ssyncset.done $0x0  }
0x44f: {  	s20 =	simm.s32 $0x1A00;
	[sflag:s23] =	ssyncadd.s32 $0xFFFFCE00  }
0x450: {  	[spmem:s4] =	stream.indirect.scatter.add.f32 [tilespmem:s18], [sflag:$0x6], $0x80, s20, s12, $0xb8;
	[tilespmem:$0x1FC00] =	vst v63  }
0x451: {  	_ =	swait.ge [sflag:s25], $0x3200  }
0x452: {  	[sflag:s25] =	ssyncset.done $0x0  }
0x453: {  	s20 =	simm.s32 $0xB00;
	[sflag:s25] =	ssyncadd.s32 $0xFFFFCE00  }
0x454: {  	[tilespmem:s15], [sflag:$0x2] =	stream.indirect.gather [hbm4b:s1+s12], $0x80, s20, s12, $0xb8;
	[tilespmem:$0x1FC00] =	vst v63  }
0x455: {  	_ =	swait.ge [sflag:s16], $0x3200  }
0x456: {  	[sflag:s16] =	ssyncset.done $0x0  }
0x457: {  	s20 =	simm.s32 $0x1A80;
	[sflag:s16] =	ssyncadd.s32 $0xFFFFCE00  }
0x458: {  	[spmem:s4] =	stream.indirect.scatter.add.f32 [tilespmem:s13], [sflag:$0x4], $0x80, s20, s12, $0xb8;
	[tilespmem:$0x1FC00] =	vst v63  }
0x459: {  	_ =	swait.ge [sflag:s29], $0x3200  }
0x45a: {  	[sflag:s29] =	ssyncset.done $0x0  }
0x45b: {  	s20 =	simm.s32 $0xB80;
	[sflag:s29] =	ssyncadd.s32 $0xFFFFCE00  }
0x45c: {  	[tilespmem:s18], [sflag:$0x3] =	stream.indirect.gather [hbm4b:s1+s12], $0x80, s20, s12, $0xb8;
	[tilespmem:$0x1FC00] =	vst v63  }
0x45d: {  	_ =	swait.ge [sflag:s19], $0x3200  }
0x45e: {  	[sflag:s19] =	ssyncset.done $0x0  }
0x45f: {  	s20 =	simm.s32 $0x1B00;
	[sflag:s19] =	ssyncadd.s32 $0xFFFFCE00  }
0x460: {  	[spmem:s4] =	stream.indirect.scatter.add.f32 [tilespmem:s15], [sflag:$0x5], $0x80, s20, s12, $0xb8;
	[tilespmem:$0x1FC00] =	vst v63  }
0x461: {  	_ =	swait.ge [sflag:s23], $0x3200  }
0x462: {  	[sflag:s23] =	ssyncset.done $0x0  }
0x463: {  	s2 =	simm.s32 $0x1B80;
	[sflag:s23] =	ssyncadd.s32 $0xFFFFCE00  }
0x464: {  	[spmem:s4] =	stream.indirect.scatter.add.f32 [tilespmem:s18], [sflag:$0x6], $0x80, s2, s12, $0xb8;
	[tilespmem:$0x1FC00] =	vst v63  }
0x465: {  	_ =	swait.ge [sflag:s21], $0x3200  }
0x466: {  	[sflag:s21] =	ssyncset.done $0x0  }
0x467: {  	[sflag:s21] =	ssyncadd.s32 $0xFFFFCE00  }
0x468: {  	_ =	swait.ge [sflag:s25], $0x3200  }
0x469: {  	[sflag:s25] =	ssyncset.done $0x0  }
0x46a: {  	[sflag:s25] =	ssyncadd.s32 $0xFFFFCE00  }
0x46b: {  	_ =	swait.ge [sflag:s29], $0x3200  }
0x46c: {  	[sflag:s29] =	ssyncset.done $0x0  }
0x46d: {  	s2 =	rddreg [dreg:$0x9];
	[sflag:s29] =	ssyncadd.s32 $0xFFFFCE00  }
0x46e: {  	[tilespmem:s0], [sflag:$0x7] =	stream.linear.gather [hbm4b:s2+s0], $0xC00, $0x38;
	[tilespmem:$0x1FC00] =	vst v63  }
0x46f: {  	_ =	swait.ge [sflag:s10], $0xC00  }
0x470: {  	[sflag:s10] =	ssyncset.done $0x0  }
0x471: {  	s2 =	rddreg [dreg:$0xa];
	[sflag:s10] =	ssyncadd.s32 $0xFFFFF400  }
0x472: {  	[tilespmem:s3], [sflag:$0x7] =	stream.linear.gather [hbm4b:s2+s0], $0xC00, $0x38;
	[tilespmem:$0x1FC00] =	vst v63  }
0x473: {  	_ =	swait.ge [sflag:s10], $0xC00  }
0x474: {  	[sflag:s10] =	ssyncset.done $0x0  }
0x475: {  	[sflag:s10] =	ssyncadd.s32 $0xFFFFF400  }
0x476: {  	[tilespmem:s13], [sflag:$0x1] =	stream.indirect.gather [hbm4b:s1+s12], $0x80, s0, s12, $0xb8;
	[tilespmem:$0x1FC00] =	vst v63  }
0x477: {  	s28 =	simm.s32 $0x80  }
0x478: {  	[tilespmem:s15], [sflag:$0x2] =	stream.indirect.gather [hbm4b:s1+s12], $0x80, s28, s12, $0xb8;
	[tilespmem:$0x1FC00] =	vst v63  }
0x479: {  	_ =	swait.ge [sflag:s16], $0x3200  }
0x47a: {  	[sflag:s16] =	ssyncset.done $0x0  }
0x47b: {  	[sflag:s16] =	ssyncadd.s32 $0xFFFFCE00  }
0x47c: {  	[spmem:s4] =	stream.indirect.scatter.add.f32 [tilespmem:s13], [sflag:$0x4], $0x80, s3, s12, $0xb8;
	[tilespmem:$0x1FC00] =	vst v63  }
0x47d: {  	s30 =	simm.s32 $0x100  }
0x47e: {  	[tilespmem:s18], [sflag:$0x3] =	stream.indirect.gather [hbm4b:s1+s12], $0x80, s30, s12, $0xb8;
	[tilespmem:$0x1FC00] =	vst v63  }
0x47f: {  	_ =	swait.ge [sflag:s19], $0x3200  }
0x480: {  	[sflag:s19] =	ssyncset.done $0x0  }
0x481: {  	s31 =	simm.s32 $0x1080;
	[sflag:s19] =	ssyncadd.s32 $0xFFFFCE00  }
0x482: {  	[spmem:s4] =	stream.indirect.scatter.add.f32 [tilespmem:s15], [sflag:$0x5], $0x80, s31, s12, $0xb8;
	[tilespmem:$0x1FC00] =	vst v63  }
0x483: {  	_ =	swait.ge [sflag:s21], $0x3200  }
0x484: {  	[sflag:s21] =	ssyncset.done $0x0  }
0x485: {  	s5 =	simm.s32 $0x180;
	[sflag:s21] =	ssyncadd.s32 $0xFFFFCE00  }
0x486: {  	[tilespmem:s13], [sflag:$0x1] =	stream.indirect.gather [hbm4b:s1+s12], $0x80, s5, s12, $0xb8;
	[tilespmem:$0x1FC00] =	vst v63  }
0x487: {  	_ =	swait.ge [sflag:s23], $0x3200  }
0x488: {  	[sflag:s23] =	ssyncset.done $0x0  }
0x489: {  	s7 =	simm.s32 $0x1100;
	[sflag:s23] =	ssyncadd.s32 $0xFFFFCE00  }
0x48a: {  	[spmem:s4] =	stream.indirect.scatter.add.f32 [tilespmem:s18], [sflag:$0x6], $0x80, s7, s12, $0xb8;
	[tilespmem:$0x1FC00] =	vst v63  }
0x48b: {  	_ =	swait.ge [sflag:s25], $0x3200  }
0x48c: {  	[sflag:s25] =	ssyncset.done $0x0  }
0x48d: {  	s22 =	simm.s32 $0x200;
	[sflag:s25] =	ssyncadd.s32 $0xFFFFCE00  }
0x48e: {  	[tilespmem:s15], [sflag:$0x2] =	stream.indirect.gather [hbm4b:s1+s12], $0x80, s22, s12, $0xb8;
	[tilespmem:$0x1FC00] =	vst v63  }
0x48f: {  	_ =	swait.ge [sflag:s16], $0x3200  }
0x490: {  	[sflag:s16] =	ssyncset.done $0x0  }
0x491: {  	s5 =	simm.s32 $0x1180;
	[sflag:s16] =	ssyncadd.s32 $0xFFFFCE00  }
0x492: {  	[spmem:s4] =	stream.indirect.scatter.add.f32 [tilespmem:s13], [sflag:$0x4], $0x80, s5, s12, $0xb8;
	[tilespmem:$0x1FC00] =	vst v63  }
0x493: {  	_ =	swait.ge [sflag:s29], $0x3200  }
0x494: {  	[sflag:s29] =	ssyncset.done $0x0  }
0x495: {  	s7 =	simm.s32 $0x280;
	[sflag:s29] =	ssyncadd.s32 $0xFFFFCE00  }
0x496: {  	[tilespmem:s18], [sflag:$0x3] =	stream.indirect.gather [hbm4b:s1+s12], $0x80, s7, s12, $0xb8;
	[tilespmem:$0x1FC00] =	vst v63  }
0x497: {  	_ =	swait.ge [sflag:s19], $0x3200  }
0x498: {  	[sflag:s19] =	ssyncset.done $0x0  }
0x499: {  	s24 =	simm.s32 $0x1200;
	[sflag:s19] =	ssyncadd.s32 $0xFFFFCE00  }
0x49a: {  	[spmem:s4] =	stream.indirect.scatter.add.f32 [tilespmem:s15], [sflag:$0x5], $0x80, s24, s12, $0xb8;
	[tilespmem:$0x1FC00] =	vst v63  }
0x49b: {  	_ =	swait.ge [sflag:s21], $0x3200  }
0x49c: {  	[sflag:s21] =	ssyncset.done $0x0  }
0x49d: {  	s6 =	simm.s32 $0x300;
	[sflag:s21] =	ssyncadd.s32 $0xFFFFCE00  }
0x49e: {  	[tilespmem:s13], [sflag:$0x1] =	stream.indirect.gather [hbm4b:s1+s12], $0x80, s6, s12, $0xb8;
	[tilespmem:$0x1FC00] =	vst v63  }
0x49f: {  	_ =	swait.ge [sflag:s23], $0x3200  }
0x4a0: {  	[sflag:s23] =	ssyncset.done $0x0  }
0x4a1: {  	s26 =	simm.s32 $0x1280;
	[sflag:s23] =	ssyncadd.s32 $0xFFFFCE00  }
0x4a2: {  	[spmem:s4] =	stream.indirect.scatter.add.f32 [tilespmem:s18], [sflag:$0x6], $0x80, s26, s12, $0xb8;
	[tilespmem:$0x1FC00] =	vst v63  }
0x4a3: {  	_ =	swait.ge [sflag:s25], $0x3200  }
0x4a4: {  	[sflag:s25] =	ssyncset.done $0x0  }
0x4a5: {  	s9 =	simm.s32 $0x380;
	[sflag:s25] =	ssyncadd.s32 $0xFFFFCE00  }
0x4a6: {  	[tilespmem:s15], [sflag:$0x2] =	stream.indirect.gather [hbm4b:s1+s12], $0x80, s9, s12, $0xb8;
	[tilespmem:$0x1FC00] =	vst v63  }
0x4a7: {  	_ =	swait.ge [sflag:s16], $0x3200  }
0x4a8: {  	[sflag:s16] =	ssyncset.done $0x0  }
0x4a9: {  	s14 =	simm.s32 $0x1300;
	[sflag:s16] =	ssyncadd.s32 $0xFFFFCE00  }
0x4aa: {  	[spmem:s4] =	stream.indirect.scatter.add.f32 [tilespmem:s13], [sflag:$0x4], $0x80, s14, s12, $0xb8;
	[tilespmem:$0x1FC00] =	vst v63  }
0x4ab: {  	_ =	swait.ge [sflag:s29], $0x3200  }
0x4ac: {  	[sflag:s29] =	ssyncset.done $0x0  }
0x4ad: {  	s8 =	simm.s32 $0x400;
	[sflag:s29] =	ssyncadd.s32 $0xFFFFCE00  }
0x4ae: {  	[tilespmem:s18], [sflag:$0x3] =	stream.indirect.gather [hbm4b:s1+s12], $0x80, s8, s12, $0xb8;
	[tilespmem:$0x1FC00] =	vst v63  }
0x4af: {  	_ =	swait.ge [sflag:s19], $0x3200  }
0x4b0: {  	[sflag:s19] =	ssyncset.done $0x0  }
0x4b1: {  	s11 =	simm.s32 $0x1380;
	[sflag:s19] =	ssyncadd.s32 $0xFFFFCE00  }
0x4b2: {  	[spmem:s4] =	stream.indirect.scatter.add.f32 [tilespmem:s15], [sflag:$0x5], $0x80, s11, s12, $0xb8;
	[tilespmem:$0x1FC00] =	vst v63  }
0x4b3: {  	_ =	swait.ge [sflag:s21], $0x3200  }
0x4b4: {  	[sflag:s21] =	ssyncset.done $0x0  }
0x4b5: {  	s8 =	simm.s32 $0x480;
	[sflag:s21] =	ssyncadd.s32 $0xFFFFCE00  }
0x4b6: {  	[tilespmem:s13], [sflag:$0x1] =	stream.indirect.gather [hbm4b:s1+s12], $0x80, s8, s12, $0xb8;
	[tilespmem:$0x1FC00] =	vst v63  }
0x4b7: {  	_ =	swait.ge [sflag:s23], $0x3200  }
0x4b8: {  	[sflag:s23] =	ssyncset.done $0x0  }
0x4b9: {  	s9 =	simm.s32 $0x1400;
	[sflag:s23] =	ssyncadd.s32 $0xFFFFCE00  }
0x4ba: {  	[spmem:s4] =	stream.indirect.scatter.add.f32 [tilespmem:s18], [sflag:$0x6], $0x80, s9, s12, $0xb8;
	[tilespmem:$0x1FC00] =	vst v63  }
0x4bb: {  	_ =	swait.ge [sflag:s25], $0x3200  }
0x4bc: {  	[sflag:s25] =	ssyncset.done $0x0  }
0x4bd: {  	s11 =	simm.s32 $0x500;
	[sflag:s25] =	ssyncadd.s32 $0xFFFFCE00  }
0x4be: {  	[tilespmem:s15], [sflag:$0x2] =	stream.indirect.gather [hbm4b:s1+s12], $0x80, s11, s12, $0xb8;
	[tilespmem:$0x1FC00] =	vst v63  }
0x4bf: {  	_ =	swait.ge [sflag:s16], $0x3200  }
0x4c0: {  	[sflag:s16] =	ssyncset.done $0x0  }
0x4c1: {  	s14 =	simm.s32 $0x1480;
	[sflag:s16] =	ssyncadd.s32 $0xFFFFCE00  }
0x4c2: {  	[spmem:s4] =	stream.indirect.scatter.add.f32 [tilespmem:s13], [sflag:$0x4], $0x80, s14, s12, $0xb8;
	[tilespmem:$0x1FC00] =	vst v63  }
0x4c3: {  	_ =	swait.ge [sflag:s29], $0x3200  }
0x4c4: {  	[sflag:s29] =	ssyncset.done $0x0  }
0x4c5: {  	s28 =	simm.s32 $0x580;
	[sflag:s29] =	ssyncadd.s32 $0xFFFFCE00  }
0x4c6: {  	[tilespmem:s18], [sflag:$0x3] =	stream.indirect.gather [hbm4b:s1+s12], $0x80, s28, s12, $0xb8;
	[tilespmem:$0x1FC00] =	vst v63  }
0x4c7: {  	_ =	swait.ge [sflag:s19], $0x3200  }
0x4c8: {  	[sflag:s19] =	ssyncset.done $0x0  }
0x4c9: {  	s30 =	simm.s32 $0x1500;
	[sflag:s19] =	ssyncadd.s32 $0xFFFFCE00  }
0x4ca: {  	[spmem:s4] =	stream.indirect.scatter.add.f32 [tilespmem:s15], [sflag:$0x5], $0x80, s30, s12, $0xb8;
	[tilespmem:$0x1FC00] =	vst v63  }
0x4cb: {  	_ =	swait.ge [sflag:s21], $0x3200  }
0x4cc: {  	[sflag:s21] =	ssyncset.done $0x0  }
0x4cd: {  	s31 =	simm.s32 $0x600;
	[sflag:s21] =	ssyncadd.s32 $0xFFFFCE00  }
0x4ce: {  	[tilespmem:s13], [sflag:$0x1] =	stream.indirect.gather [hbm4b:s1+s12], $0x80, s31, s12, $0xb8;
	[tilespmem:$0x1FC00] =	vst v63  }
0x4cf: {  	_ =	swait.ge [sflag:s23], $0x3200  }
0x4d0: {  	[sflag:s23] =	ssyncset.done $0x0  }
0x4d1: {  	s2 =	simm.s32 $0x1580;
	[sflag:s23] =	ssyncadd.s32 $0xFFFFCE00  }
0x4d2: {  	[spmem:s4] =	stream.indirect.scatter.add.f32 [tilespmem:s18], [sflag:$0x6], $0x80, s2, s12, $0xb8;
	[tilespmem:$0x1FC00] =	vst v63  }
0x4d3: {  	_ =	swait.ge [sflag:s25], $0x3200  }
0x4d4: {  	[sflag:s25] =	ssyncset.done $0x0  }
0x4d5: {  	s6 =	simm.s32 $0x680;
	[sflag:s25] =	ssyncadd.s32 $0xFFFFCE00  }
0x4d6: {  	[tilespmem:s15], [sflag:$0x2] =	stream.indirect.gather [hbm4b:s1+s12], $0x80, s6, s12, $0xb8;
	[tilespmem:$0x1FC00] =	vst v63  }
0x4d7: {  	_ =	swait.ge [sflag:s16], $0x3200  }
0x4d8: {  	[sflag:s16] =	ssyncset.done $0x0  }
0x4d9: {  	s22 =	simm.s32 $0x1600;
	[sflag:s16] =	ssyncadd.s32 $0xFFFFCE00  }
0x4da: {  	[spmem:s4] =	stream.indirect.scatter.add.f32 [tilespmem:s13], [sflag:$0x4], $0x80, s22, s12, $0xb8;
	[tilespmem:$0x1FC00] =	vst v63  }
0x4db: {  	_ =	swait.ge [sflag:s29], $0x3200  }
0x4dc: {  	[sflag:s29] =	ssyncset.done $0x0  }
0x4dd: {  	s24 =	simm.s32 $0x700;
	[sflag:s29] =	ssyncadd.s32 $0xFFFFCE00  }
0x4de: {  	[tilespmem:s18], [sflag:$0x3] =	stream.indirect.gather [hbm4b:s1+s12], $0x80, s24, s12, $0xb8;
	[tilespmem:$0x1FC00] =	vst v63  }
0x4df: {  	_ =	swait.ge [sflag:s19], $0x3200  }
0x4e0: {  	[sflag:s19] =	ssyncset.done $0x0  }
0x4e1: {  	s26 =	simm.s32 $0x1680;
	[sflag:s19] =	ssyncadd.s32 $0xFFFFCE00  }
0x4e2: {  	[spmem:s4] =	stream.indirect.scatter.add.f32 [tilespmem:s15], [sflag:$0x5], $0x80, s26, s12, $0xb8;
	[tilespmem:$0x1FC00] =	vst v63  }
0x4e3: {  	_ =	swait.ge [sflag:s21], $0x3200  }
0x4e4: {  	[sflag:s21] =	ssyncset.done $0x0  }
0x4e5: {  	s20 =	simm.s32 $0x780;
	[sflag:s21] =	ssyncadd.s32 $0xFFFFCE00  }
0x4e6: {  	[tilespmem:s13], [sflag:$0x1] =	stream.indirect.gather [hbm4b:s1+s12], $0x80, s20, s12, $0xb8;
	[tilespmem:$0x1FC00] =	vst v63  }
0x4e7: {  	_ =	swait.ge [sflag:s23], $0x3200  }
0x4e8: {  	[sflag:s23] =	ssyncset.done $0x0  }
0x4e9: {  	s20 =	simm.s32 $0x1700;
	[sflag:s23] =	ssyncadd.s32 $0xFFFFCE00  }
0x4ea: {  	[spmem:s4] =	stream.indirect.scatter.add.f32 [tilespmem:s18], [sflag:$0x6], $0x80, s20, s12, $0xb8;
	[tilespmem:$0x1FC00] =	vst v63  }
0x4eb: {  	_ =	swait.ge [sflag:s25], $0x3200  }
0x4ec: {  	[sflag:s25] =	ssyncset.done $0x0  }
0x4ed: {  	s20 =	simm.s32 $0x800;
	[sflag:s25] =	ssyncadd.s32 $0xFFFFCE00  }
0x4ee: {  	[tilespmem:s15], [sflag:$0x2] =	stream.indirect.gather [hbm4b:s1+s12], $0x80, s20, s12, $0xb8;
	[tilespmem:$0x1FC00] =	vst v63  }
0x4ef: {  	_ =	swait.ge [sflag:s16], $0x3200  }
0x4f0: {  	[sflag:s16] =	ssyncset.done $0x0  }
0x4f1: {  	s20 =	simm.s32 $0x1780;
	[sflag:s16] =	ssyncadd.s32 $0xFFFFCE00  }
0x4f2: {  	[spmem:s4] =	stream.indirect.scatter.add.f32 [tilespmem:s13], [sflag:$0x4], $0x80, s20, s12, $0xb8;
	[tilespmem:$0x1FC00] =	vst v63  }
0x4f3: {  	_ =	swait.ge [sflag:s29], $0x3200  }
0x4f4: {  	[sflag:s29] =	ssyncset.done $0x0  }
0x4f5: {  	s20 =	simm.s32 $0x880;
	[sflag:s29] =	ssyncadd.s32 $0xFFFFCE00  }
0x4f6: {  	[tilespmem:s18], [sflag:$0x3] =	stream.indirect.gather [hbm4b:s1+s12], $0x80, s20, s12, $0xb8;
	[tilespmem:$0x1FC00] =	vst v63  }
0x4f7: {  	_ =	swait.ge [sflag:s19], $0x3200  }
0x4f8: {  	[sflag:s19] =	ssyncset.done $0x0  }
0x4f9: {  	s20 =	simm.s32 $0x1800;
	[sflag:s19] =	ssyncadd.s32 $0xFFFFCE00  }
0x4fa: {  	[spmem:s4] =	stream.indirect.scatter.add.f32 [tilespmem:s15], [sflag:$0x5], $0x80, s20, s12, $0xb8;
	[tilespmem:$0x1FC00] =	vst v63  }
0x4fb: {  	_ =	swait.ge [sflag:s21], $0x3200  }
0x4fc: {  	[sflag:s21] =	ssyncset.done $0x0  }
0x4fd: {  	s20 =	simm.s32 $0x900;
	[sflag:s21] =	ssyncadd.s32 $0xFFFFCE00  }
0x4fe: {  	[tilespmem:s13], [sflag:$0x1] =	stream.indirect.gather [hbm4b:s1+s12], $0x80, s20, s12, $0xb8;
	[tilespmem:$0x1FC00] =	vst v63  }
0x4ff: {  	_ =	swait.ge [sflag:s23], $0x3200  }
0x500: {  	[sflag:s23] =	ssyncset.done $0x0  }
0x501: {  	s20 =	simm.s32 $0x1880;
	[sflag:s23] =	ssyncadd.s32 $0xFFFFCE00  }
0x502: {  	[spmem:s4] =	stream.indirect.scatter.add.f32 [tilespmem:s18], [sflag:$0x6], $0x80, s20, s12, $0xb8;
	[tilespmem:$0x1FC00] =	vst v63  }
0x503: {  	_ =	swait.ge [sflag:s25], $0x3200  }
0x504: {  	[sflag:s25] =	ssyncset.done $0x0  }
0x505: {  	s20 =	simm.s32 $0x980;
	[sflag:s25] =	ssyncadd.s32 $0xFFFFCE00  }
0x506: {  	[tilespmem:s15], [sflag:$0x2] =	stream.indirect.gather [hbm4b:s1+s12], $0x80, s20, s12, $0xb8;
	[tilespmem:$0x1FC00] =	vst v63  }
0x507: {  	_ =	swait.ge [sflag:s16], $0x3200  }
0x508: {  	[sflag:s16] =	ssyncset.done $0x0  }
0x509: {  	s20 =	simm.s32 $0x1900;
	[sflag:s16] =	ssyncadd.s32 $0xFFFFCE00  }
0x50a: {  	[spmem:s4] =	stream.indirect.scatter.add.f32 [tilespmem:s13], [sflag:$0x4], $0x80, s20, s12, $0xb8;
	[tilespmem:$0x1FC00] =	vst v63  }
0x50b: {  	_ =	swait.ge [sflag:s29], $0x3200  }
0x50c: {  	[sflag:s29] =	ssyncset.done $0x0  }
0x50d: {  	s20 =	simm.s32 $0xA00;
	[sflag:s29] =	ssyncadd.s32 $0xFFFFCE00  }
0x50e: {  	[tilespmem:s18], [sflag:$0x3] =	stream.indirect.gather [hbm4b:s1+s12], $0x80, s20, s12, $0xb8;
	[tilespmem:$0x1FC00] =	vst v63  }
0x50f: {  	_ =	swait.ge [sflag:s19], $0x3200  }
0x510: {  	[sflag:s19] =	ssyncset.done $0x0  }
0x511: {  	s20 =	simm.s32 $0x1980;
	[sflag:s19] =	ssyncadd.s32 $0xFFFFCE00  }
0x512: {  	[spmem:s4] =	stream.indirect.scatter.add.f32 [tilespmem:s15], [sflag:$0x5], $0x80, s20, s12, $0xb8;
	[tilespmem:$0x1FC00] =	vst v63  }
0x513: {  	_ =	swait.ge [sflag:s21], $0x3200  }
0x514: {  	[sflag:s21] =	ssyncset.done $0x0  }
0x515: {  	s20 =	simm.s32 $0xA80;
	[sflag:s21] =	ssyncadd.s32 $0xFFFFCE00  }
0x516: {  	[tilespmem:s13], [sflag:$0x1] =	stream.indirect.gather [hbm4b:s1+s12], $0x80, s20, s12, $0xb8;
	[tilespmem:$0x1FC00] =	vst v63  }
0x517: {  	_ =	swait.ge [sflag:s23], $0x3200  }
0x518: {  	[sflag:s23] =	ssyncset.done $0x0  }
0x519: {  	s20 =	simm.s32 $0x1A00;
	[sflag:s23] =	ssyncadd.s32 $0xFFFFCE00  }
0x51a: {  	[spmem:s4] =	stream.indirect.scatter.add.f32 [tilespmem:s18], [sflag:$0x6], $0x80, s20, s12, $0xb8;
	[tilespmem:$0x1FC00] =	vst v63  }
0x51b: {  	_ =	swait.ge [sflag:s25], $0x3200  }
0x51c: {  	[sflag:s25] =	ssyncset.done $0x0  }
0x51d: {  	s20 =	simm.s32 $0xB00;
	[sflag:s25] =	ssyncadd.s32 $0xFFFFCE00  }
0x51e: {  	[tilespmem:s15], [sflag:$0x2] =	stream.indirect.gather [hbm4b:s1+s12], $0x80, s20, s12, $0xb8;
	[tilespmem:$0x1FC00] =	vst v63  }
0x51f: {  	_ =	swait.ge [sflag:s16], $0x3200  }
0x520: {  	[sflag:s16] =	ssyncset.done $0x0  }
0x521: {  	s20 =	simm.s32 $0x1A80;
	[sflag:s16] =	ssyncadd.s32 $0xFFFFCE00  }
0x522: {  	[spmem:s4] =	stream.indirect.scatter.add.f32 [tilespmem:s13], [sflag:$0x4], $0x80, s20, s12, $0xb8;
	[tilespmem:$0x1FC00] =	vst v63  }
0x523: {  	_ =	swait.ge [sflag:s29], $0x3200  }
0x524: {  	[sflag:s29] =	ssyncset.done $0x0  }
0x525: {  	s20 =	simm.s32 $0xB80;
	[sflag:s29] =	ssyncadd.s32 $0xFFFFCE00  }
0x526: {  	[tilespmem:s18], [sflag:$0x3] =	stream.indirect.gather [hbm4b:s1+s12], $0x80, s20, s12, $0xb8;
	[tilespmem:$0x1FC00] =	vst v63  }
0x527: {  	_ =	swait.ge [sflag:s19], $0x3200  }
0x528: {  	[sflag:s19] =	ssyncset.done $0x0  }
0x529: {  	s20 =	simm.s32 $0x1B00;
	[sflag:s19] =	ssyncadd.s32 $0xFFFFCE00  }
0x52a: {  	[spmem:s4] =	stream.indirect.scatter.add.f32 [tilespmem:s15], [sflag:$0x5], $0x80, s20, s12, $0xb8;
	[tilespmem:$0x1FC00] =	vst v63  }
0x52b: {  	_ =	swait.ge [sflag:s23], $0x3200  }
0x52c: {  	[sflag:s23] =	ssyncset.done $0x0  }
0x52d: {  	s20 =	simm.s32 $0x1B80;
	[sflag:s23] =	ssyncadd.s32 $0xFFFFCE00  }
0x52e: {  	[spmem:s4] =	stream.indirect.scatter.add.f32 [tilespmem:s18], [sflag:$0x6], $0x80, s20, s12, $0xb8;
	[tilespmem:$0x1FC00] =	vst v63  }
0x52f: {  	_ =	swait.ge [sflag:s21], $0x3200  }
0x530: {  	[sflag:s21] =	ssyncset.done $0x0  }
0x531: {  	[sflag:s21] =	ssyncadd.s32 $0xFFFFCE00  }
0x532: {  	_ =	swait.ge [sflag:s25], $0x3200  }
0x533: {  	[sflag:s25] =	ssyncset.done $0x0  }
0x534: {  	[sflag:s25] =	ssyncadd.s32 $0xFFFFCE00  }
0x535: {  	_ =	swait.ge [sflag:s29], $0x3200  }
0x536: {  	[sflag:s29] =	ssyncset.done $0x0  }
0x537: {  	s20 =	rddreg [dreg:$0xb];
	[sflag:s29] =	ssyncadd.s32 $0xFFFFCE00  }
0x538: {  	[tilespmem:s0], [sflag:$0x7] =	stream.linear.gather [hbm4b:s20+s0], $0xC00, $0x38;
	[tilespmem:$0x1FC00] =	vst v63  }
0x539: {  	_ =	swait.ge [sflag:s10], $0xC00  }
0x53a: {  	[sflag:s10] =	ssyncset.done $0x0  }
0x53b: {  	s20 =	rddreg [dreg:$0xc];
	[sflag:s10] =	ssyncadd.s32 $0xFFFFF400  }
0x53c: {  	[tilespmem:s3], [sflag:$0x7] =	stream.linear.gather [hbm4b:s20+s0], $0xC00, $0x38;
	[tilespmem:$0x1FC00] =	vst v63  }
0x53d: {  	_ =	swait.ge [sflag:s10], $0xC00  }
0x53e: {  	[sflag:s10] =	ssyncset.done $0x0  }
0x53f: {  	[sflag:s10] =	ssyncadd.s32 $0xFFFFF400  }
0x540: {  	[tilespmem:s13], [sflag:$0x1] =	stream.indirect.gather [hbm4b:s1+s12], $0x80, s0, s12, $0xb8;
	[tilespmem:$0x1FC00] =	vst v63  }
0x541: {  	s20 =	simm.s32 $0x80  }
0x542: {  	[tilespmem:s15], [sflag:$0x2] =	stream.indirect.gather [hbm4b:s1+s12], $0x80, s20, s12, $0xb8;
	[tilespmem:$0x1FC00] =	vst v63  }
0x543: {  	_ =	swait.ge [sflag:s16], $0x3200  }
0x544: {  	[sflag:s16] =	ssyncset.done $0x0  }
0x545: {  	[sflag:s16] =	ssyncadd.s32 $0xFFFFCE00  }
0x546: {  	[spmem:s4] =	stream.indirect.scatter.add.f32 [tilespmem:s13], [sflag:$0x4], $0x80, s3, s12, $0xb8;
	[tilespmem:$0x1FC00] =	vst v63  }
0x547: {  	s20 =	simm.s32 $0x100  }
0x548: {  	[tilespmem:s18], [sflag:$0x3] =	stream.indirect.gather [hbm4b:s1+s12], $0x80, s20, s12, $0xb8;
	[tilespmem:$0x1FC00] =	vst v63  }
0x549: {  	_ =	swait.ge [sflag:s19], $0x3200  }
0x54a: {  	[sflag:s19] =	ssyncset.done $0x0  }
0x54b: {  	s20 =	simm.s32 $0x1080;
	[sflag:s19] =	ssyncadd.s32 $0xFFFFCE00  }
0x54c: {  	[spmem:s4] =	stream.indirect.scatter.add.f32 [tilespmem:s15], [sflag:$0x5], $0x80, s20, s12, $0xb8;
	[tilespmem:$0x1FC00] =	vst v63  }
0x54d: {  	_ =	swait.ge [sflag:s21], $0x3200  }
0x54e: {  	[sflag:s21] =	ssyncset.done $0x0  }
0x54f: {  	s20 =	simm.s32 $0x180;
	[sflag:s21] =	ssyncadd.s32 $0xFFFFCE00  }
0x550: {  	[tilespmem:s13], [sflag:$0x1] =	stream.indirect.gather [hbm4b:s1+s12], $0x80, s20, s12, $0xb8;
	[tilespmem:$0x1FC00] =	vst v63  }
0x551: {  	_ =	swait.ge [sflag:s23], $0x3200  }
0x552: {  	[sflag:s23] =	ssyncset.done $0x0  }
0x553: {  	s20 =	simm.s32 $0x1100;
	[sflag:s23] =	ssyncadd.s32 $0xFFFFCE00  }
0x554: {  	[spmem:s4] =	stream.indirect.scatter.add.f32 [tilespmem:s18], [sflag:$0x6], $0x80, s20, s12, $0xb8;
	[tilespmem:$0x1FC00] =	vst v63  }
0x555: {  	_ =	swait.ge [sflag:s25], $0x3200  }
0x556: {  	[sflag:s25] =	ssyncset.done $0x0  }
0x557: {  	s20 =	simm.s32 $0x200;
	[sflag:s25] =	ssyncadd.s32 $0xFFFFCE00  }
0x558: {  	[tilespmem:s15], [sflag:$0x2] =	stream.indirect.gather [hbm4b:s1+s12], $0x80, s20, s12, $0xb8;
	[tilespmem:$0x1FC00] =	vst v63  }
0x559: {  	_ =	swait.ge [sflag:s16], $0x3200  }
0x55a: {  	[sflag:s16] =	ssyncset.done $0x0  }
0x55b: {  	[sflag:s16] =	ssyncadd.s32 $0xFFFFCE00  }
0x55c: {  	[spmem:s4] =	stream.indirect.scatter.add.f32 [tilespmem:s13], [sflag:$0x4], $0x80, s5, s12, $0xb8;
	[tilespmem:$0x1FC00] =	vst v63  }
0x55d: {  	_ =	swait.ge [sflag:s29], $0x3200  }
0x55e: {  	[sflag:s29] =	ssyncset.done $0x0  }
0x55f: {  	[sflag:s29] =	ssyncadd.s32 $0xFFFFCE00  }
0x560: {  	[tilespmem:s18], [sflag:$0x3] =	stream.indirect.gather [hbm4b:s1+s12], $0x80, s7, s12, $0xb8;
	[tilespmem:$0x1FC00] =	vst v63  }
0x561: {  	_ =	swait.ge [sflag:s19], $0x3200  }
0x562: {  	[sflag:s19] =	ssyncset.done $0x0  }
0x563: {  	s20 =	simm.s32 $0x1200;
	[sflag:s19] =	ssyncadd.s32 $0xFFFFCE00  }
0x564: {  	[spmem:s4] =	stream.indirect.scatter.add.f32 [tilespmem:s15], [sflag:$0x5], $0x80, s20, s12, $0xb8;
	[tilespmem:$0x1FC00] =	vst v63  }
0x565: {  	_ =	swait.ge [sflag:s21], $0x3200  }
0x566: {  	[sflag:s21] =	ssyncset.done $0x0  }
0x567: {  	s5 =	simm.s32 $0x300;
	[sflag:s21] =	ssyncadd.s32 $0xFFFFCE00  }
0x568: {  	[tilespmem:s13], [sflag:$0x1] =	stream.indirect.gather [hbm4b:s1+s12], $0x80, s5, s12, $0xb8;
	[tilespmem:$0x1FC00] =	vst v63  }
0x569: {  	_ =	swait.ge [sflag:s23], $0x3200  }
0x56a: {  	[sflag:s23] =	ssyncset.done $0x0  }
0x56b: {  	s7 =	simm.s32 $0x1280;
	[sflag:s23] =	ssyncadd.s32 $0xFFFFCE00  }
0x56c: {  	[spmem:s4] =	stream.indirect.scatter.add.f32 [tilespmem:s18], [sflag:$0x6], $0x80, s7, s12, $0xb8;
	[tilespmem:$0x1FC00] =	vst v63  }
0x56d: {  	_ =	swait.ge [sflag:s25], $0x3200  }
0x56e: {  	[sflag:s25] =	ssyncset.done $0x0  }
0x56f: {  	s7 =	simm.s32 $0x380;
	[sflag:s25] =	ssyncadd.s32 $0xFFFFCE00  }
0x570: {  	[tilespmem:s15], [sflag:$0x2] =	stream.indirect.gather [hbm4b:s1+s12], $0x80, s7, s12, $0xb8;
	[tilespmem:$0x1FC00] =	vst v63  }
0x571: {  	_ =	swait.ge [sflag:s16], $0x3200  }
0x572: {  	[sflag:s16] =	ssyncset.done $0x0  }
0x573: {  	s20 =	simm.s32 $0x1300;
	[sflag:s16] =	ssyncadd.s32 $0xFFFFCE00  }
0x574: {  	[spmem:s4] =	stream.indirect.scatter.add.f32 [tilespmem:s13], [sflag:$0x4], $0x80, s20, s12, $0xb8;
	[tilespmem:$0x1FC00] =	vst v63  }
0x575: {  	_ =	swait.ge [sflag:s29], $0x3200  }
0x576: {  	[sflag:s29] =	ssyncset.done $0x0  }
0x577: {  	s5 =	simm.s32 $0x400;
	[sflag:s29] =	ssyncadd.s32 $0xFFFFCE00  }
0x578: {  	[tilespmem:s18], [sflag:$0x3] =	stream.indirect.gather [hbm4b:s1+s12], $0x80, s5, s12, $0xb8;
	[tilespmem:$0x1FC00] =	vst v63  }
0x579: {  	_ =	swait.ge [sflag:s19], $0x3200  }
0x57a: {  	[sflag:s19] =	ssyncset.done $0x0  }
0x57b: {  	s20 =	simm.s32 $0x1380;
	[sflag:s19] =	ssyncadd.s32 $0xFFFFCE00  }
0x57c: {  	[spmem:s4] =	stream.indirect.scatter.add.f32 [tilespmem:s15], [sflag:$0x5], $0x80, s20, s12, $0xb8;
	[tilespmem:$0x1FC00] =	vst v63  }
0x57d: {  	_ =	swait.ge [sflag:s21], $0x3200  }
0x57e: {  	[sflag:s21] =	ssyncset.done $0x0  }
0x57f: {  	[sflag:s21] =	ssyncadd.s32 $0xFFFFCE00  }
0x580: {  	[tilespmem:s13], [sflag:$0x1] =	stream.indirect.gather [hbm4b:s1+s12], $0x80, s8, s12, $0xb8;
	[tilespmem:$0x1FC00] =	vst v63  }
0x581: {  	_ =	swait.ge [sflag:s23], $0x3200  }
0x582: {  	[sflag:s23] =	ssyncset.done $0x0  }
0x583: {  	[sflag:s23] =	ssyncadd.s32 $0xFFFFCE00  }
0x584: {  	[spmem:s4] =	stream.indirect.scatter.add.f32 [tilespmem:s18], [sflag:$0x6], $0x80, s9, s12, $0xb8;
	[tilespmem:$0x1FC00] =	vst v63  }
0x585: {  	_ =	swait.ge [sflag:s25], $0x3200  }
0x586: {  	[sflag:s25] =	ssyncset.done $0x0  }
0x587: {  	[sflag:s25] =	ssyncadd.s32 $0xFFFFCE00  }
0x588: {  	[tilespmem:s15], [sflag:$0x2] =	stream.indirect.gather [hbm4b:s1+s12], $0x80, s11, s12, $0xb8;
	[tilespmem:$0x1FC00] =	vst v63  }
0x589: {  	_ =	swait.ge [sflag:s16], $0x3200  }
0x58a: {  	[sflag:s16] =	ssyncset.done $0x0  }
0x58b: {  	[sflag:s16] =	ssyncadd.s32 $0xFFFFCE00  }
0x58c: {  	[spmem:s4] =	stream.indirect.scatter.add.f32 [tilespmem:s13], [sflag:$0x4], $0x80, s14, s12, $0xb8;
	[tilespmem:$0x1FC00] =	vst v63  }
0x58d: {  	_ =	swait.ge [sflag:s29], $0x3200  }
0x58e: {  	[sflag:s29] =	ssyncset.done $0x0  }
0x58f: {  	[sflag:s29] =	ssyncadd.s32 $0xFFFFCE00  }
0x590: {  	[tilespmem:s18], [sflag:$0x3] =	stream.indirect.gather [hbm4b:s1+s12], $0x80, s28, s12, $0xb8;
	[tilespmem:$0x1FC00] =	vst v63  }
0x591: {  	_ =	swait.ge [sflag:s19], $0x3200  }
0x592: {  	[sflag:s19] =	ssyncset.done $0x0  }
0x593: {  	[sflag:s19] =	ssyncadd.s32 $0xFFFFCE00  }
0x594: {  	[spmem:s4] =	stream.indirect.scatter.add.f32 [tilespmem:s15], [sflag:$0x5], $0x80, s30, s12, $0xb8;
	[tilespmem:$0x1FC00] =	vst v63  }
0x595: {  	_ =	swait.ge [sflag:s21], $0x3200  }
0x596: {  	[sflag:s21] =	ssyncset.done $0x0  }
0x597: {  	[sflag:s21] =	ssyncadd.s32 $0xFFFFCE00  }
0x598: {  	[tilespmem:s13], [sflag:$0x1] =	stream.indirect.gather [hbm4b:s1+s12], $0x80, s31, s12, $0xb8;
	[tilespmem:$0x1FC00] =	vst v63  }
0x599: {  	_ =	swait.ge [sflag:s23], $0x3200  }
0x59a: {  	[sflag:s23] =	ssyncset.done $0x0  }
0x59b: {  	[sflag:s23] =	ssyncadd.s32 $0xFFFFCE00  }
0x59c: {  	[spmem:s4] =	stream.indirect.scatter.add.f32 [tilespmem:s18], [sflag:$0x6], $0x80, s2, s12, $0xb8;
	[tilespmem:$0x1FC00] =	vst v63  }
0x59d: {  	_ =	swait.ge [sflag:s25], $0x3200  }
0x59e: {  	[sflag:s25] =	ssyncset.done $0x0  }
0x59f: {  	[sflag:s25] =	ssyncadd.s32 $0xFFFFCE00  }
0x5a0: {  	[tilespmem:s15], [sflag:$0x2] =	stream.indirect.gather [hbm4b:s1+s12], $0x80, s6, s12, $0xb8;
	[tilespmem:$0x1FC00] =	vst v63  }
0x5a1: {  	_ =	swait.ge [sflag:s16], $0x3200  }
0x5a2: {  	[sflag:s16] =	ssyncset.done $0x0  }
0x5a3: {  	[sflag:s16] =	ssyncadd.s32 $0xFFFFCE00  }
0x5a4: {  	[spmem:s4] =	stream.indirect.scatter.add.f32 [tilespmem:s13], [sflag:$0x4], $0x80, s22, s12, $0xb8;
	[tilespmem:$0x1FC00] =	vst v63  }
0x5a5: {  	_ =	swait.ge [sflag:s29], $0x3200  }
0x5a6: {  	[sflag:s29] =	ssyncset.done $0x0  }
0x5a7: {  	[sflag:s29] =	ssyncadd.s32 $0xFFFFCE00  }
0x5a8: {  	[tilespmem:s18], [sflag:$0x3] =	stream.indirect.gather [hbm4b:s1+s12], $0x80, s24, s12, $0xb8;
	[tilespmem:$0x1FC00] =	vst v63  }
0x5a9: {  	_ =	swait.ge [sflag:s19], $0x3200  }
0x5aa: {  	[sflag:s19] =	ssyncset.done $0x0  }
0x5ab: {  	[sflag:s19] =	ssyncadd.s32 $0xFFFFCE00  }
0x5ac: {  	[spmem:s4] =	stream.indirect.scatter.add.f32 [tilespmem:s15], [sflag:$0x5], $0x80, s26, s12, $0xb8;
	[tilespmem:$0x1FC00] =	vst v63  }
0x5ad: {  	_ =	swait.ge [sflag:s21], $0x3200  }
0x5ae: {  	[sflag:s21] =	ssyncset.done $0x0  }
0x5af: {  	s31 =	simm.s32 $0x780;
	[sflag:s21] =	ssyncadd.s32 $0xFFFFCE00  }
0x5b0: {  	[tilespmem:s13], [sflag:$0x1] =	stream.indirect.gather [hbm4b:s1+s12], $0x80, s31, s12, $0xb8;
	[tilespmem:$0x1FC00] =	vst v63  }
0x5b1: {  	_ =	swait.ge [sflag:s23], $0x3200  }
0x5b2: {  	[sflag:s23] =	ssyncset.done $0x0  }
0x5b3: {  	s20 =	simm.s32 $0x1700;
	[sflag:s23] =	ssyncadd.s32 $0xFFFFCE00  }
0x5b4: {  	[spmem:s4] =	stream.indirect.scatter.add.f32 [tilespmem:s18], [sflag:$0x6], $0x80, s20, s12, $0xb8;
	[tilespmem:$0x1FC00] =	vst v63  }
0x5b5: {  	_ =	swait.ge [sflag:s25], $0x3200  }
0x5b6: {  	[sflag:s25] =	ssyncset.done $0x0  }
0x5b7: {  	s20 =	simm.s32 $0x800;
	[sflag:s25] =	ssyncadd.s32 $0xFFFFCE00  }
0x5b8: {  	[tilespmem:s15], [sflag:$0x2] =	stream.indirect.gather [hbm4b:s1+s12], $0x80, s20, s12, $0xb8;
	[tilespmem:$0x1FC00] =	vst v63  }
0x5b9: {  	_ =	swait.ge [sflag:s16], $0x3200  }
0x5ba: {  	[sflag:s16] =	ssyncset.done $0x0  }
0x5bb: {  	s20 =	simm.s32 $0x1780;
	[sflag:s16] =	ssyncadd.s32 $0xFFFFCE00  }
0x5bc: {  	[spmem:s4] =	stream.indirect.scatter.add.f32 [tilespmem:s13], [sflag:$0x4], $0x80, s20, s12, $0xb8;
	[tilespmem:$0x1FC00] =	vst v63  }
0x5bd: {  	_ =	swait.ge [sflag:s29], $0x3200  }
0x5be: {  	[sflag:s29] =	ssyncset.done $0x0  }
0x5bf: {  	s20 =	simm.s32 $0x880;
	[sflag:s29] =	ssyncadd.s32 $0xFFFFCE00  }
0x5c0: {  	[tilespmem:s18], [sflag:$0x3] =	stream.indirect.gather [hbm4b:s1+s12], $0x80, s20, s12, $0xb8;
	[tilespmem:$0x1FC00] =	vst v63  }
0x5c1: {  	_ =	swait.ge [sflag:s19], $0x3200  }
0x5c2: {  	[sflag:s19] =	ssyncset.done $0x0  }
0x5c3: {  	s20 =	simm.s32 $0x1800;
	[sflag:s19] =	ssyncadd.s32 $0xFFFFCE00  }
0x5c4: {  	[spmem:s4] =	stream.indirect.scatter.add.f32 [tilespmem:s15], [sflag:$0x5], $0x80, s20, s12, $0xb8;
	[tilespmem:$0x1FC00] =	vst v63  }
0x5c5: {  	_ =	swait.ge [sflag:s21], $0x3200  }
0x5c6: {  	[sflag:s21] =	ssyncset.done $0x0  }
0x5c7: {  	s20 =	simm.s32 $0x900;
	[sflag:s21] =	ssyncadd.s32 $0xFFFFCE00  }
0x5c8: {  	[tilespmem:s13], [sflag:$0x1] =	stream.indirect.gather [hbm4b:s1+s12], $0x80, s20, s12, $0xb8;
	[tilespmem:$0x1FC00] =	vst v63  }
0x5c9: {  	_ =	swait.ge [sflag:s23], $0x3200  }
0x5ca: {  	[sflag:s23] =	ssyncset.done $0x0  }
0x5cb: {  	s20 =	simm.s32 $0x1880;
	[sflag:s23] =	ssyncadd.s32 $0xFFFFCE00  }
0x5cc: {  	[spmem:s4] =	stream.indirect.scatter.add.f32 [tilespmem:s18], [sflag:$0x6], $0x80, s20, s12, $0xb8;
	[tilespmem:$0x1FC00] =	vst v63  }
0x5cd: {  	_ =	swait.ge [sflag:s25], $0x3200  }
0x5ce: {  	[sflag:s25] =	ssyncset.done $0x0  }
0x5cf: {  	s20 =	simm.s32 $0x980;
	[sflag:s25] =	ssyncadd.s32 $0xFFFFCE00  }
0x5d0: {  	[tilespmem:s15], [sflag:$0x2] =	stream.indirect.gather [hbm4b:s1+s12], $0x80, s20, s12, $0xb8;
	[tilespmem:$0x1FC00] =	vst v63  }
0x5d1: {  	_ =	swait.ge [sflag:s16], $0x3200  }
0x5d2: {  	[sflag:s16] =	ssyncset.done $0x0  }
0x5d3: {  	s20 =	simm.s32 $0x1900;
	[sflag:s16] =	ssyncadd.s32 $0xFFFFCE00  }
0x5d4: {  	[spmem:s4] =	stream.indirect.scatter.add.f32 [tilespmem:s13], [sflag:$0x4], $0x80, s20, s12, $0xb8;
	[tilespmem:$0x1FC00] =	vst v63  }
0x5d5: {  	_ =	swait.ge [sflag:s29], $0x3200  }
0x5d6: {  	[sflag:s29] =	ssyncset.done $0x0  }
0x5d7: {  	s20 =	simm.s32 $0xA00;
	[sflag:s29] =	ssyncadd.s32 $0xFFFFCE00  }
0x5d8: {  	[tilespmem:s18], [sflag:$0x3] =	stream.indirect.gather [hbm4b:s1+s12], $0x80, s20, s12, $0xb8;
	[tilespmem:$0x1FC00] =	vst v63  }
0x5d9: {  	_ =	swait.ge [sflag:s19], $0x3200  }
0x5da: {  	[sflag:s19] =	ssyncset.done $0x0  }
0x5db: {  	s20 =	simm.s32 $0x1980;
	[sflag:s19] =	ssyncadd.s32 $0xFFFFCE00  }
0x5dc: {  	[spmem:s4] =	stream.indirect.scatter.add.f32 [tilespmem:s15], [sflag:$0x5], $0x80, s20, s12, $0xb8;
	[tilespmem:$0x1FC00] =	vst v63  }
0x5dd: {  	_ =	swait.ge [sflag:s21], $0x3200  }
0x5de: {  	[sflag:s21] =	ssyncset.done $0x0  }
0x5df: {  	s20 =	simm.s32 $0xA80;
	[sflag:s21] =	ssyncadd.s32 $0xFFFFCE00  }
0x5e0: {  	[tilespmem:s13], [sflag:$0x1] =	stream.indirect.gather [hbm4b:s1+s12], $0x80, s20, s12, $0xb8;
	[tilespmem:$0x1FC00] =	vst v63  }
0x5e1: {  	_ =	swait.ge [sflag:s23], $0x3200  }
0x5e2: {  	[sflag:s23] =	ssyncset.done $0x0  }
0x5e3: {  	s20 =	simm.s32 $0x1A00;
	[sflag:s23] =	ssyncadd.s32 $0xFFFFCE00  }
0x5e4: {  	[spmem:s4] =	stream.indirect.scatter.add.f32 [tilespmem:s18], [sflag:$0x6], $0x80, s20, s12, $0xb8;
	[tilespmem:$0x1FC00] =	vst v63  }
0x5e5: {  	_ =	swait.ge [sflag:s25], $0x3200  }
0x5e6: {  	[sflag:s25] =	ssyncset.done $0x0  }
0x5e7: {  	s20 =	simm.s32 $0xB00;
	[sflag:s25] =	ssyncadd.s32 $0xFFFFCE00  }
0x5e8: {  	[tilespmem:s15], [sflag:$0x2] =	stream.indirect.gather [hbm4b:s1+s12], $0x80, s20, s12, $0xb8;
	[tilespmem:$0x1FC00] =	vst v63  }
0x5e9: {  	_ =	swait.ge [sflag:s16], $0x3200  }
0x5ea: {  	[sflag:s16] =	ssyncset.done $0x0  }
0x5eb: {  	s20 =	simm.s32 $0x1A80;
	[sflag:s16] =	ssyncadd.s32 $0xFFFFCE00  }
0x5ec: {  	[spmem:s4] =	stream.indirect.scatter.add.f32 [tilespmem:s13], [sflag:$0x4], $0x80, s20, s12, $0xb8;
	[tilespmem:$0x1FC00] =	vst v63  }
0x5ed: {  	_ =	swait.ge [sflag:s29], $0x3200  }
0x5ee: {  	[sflag:s29] =	ssyncset.done $0x0  }
0x5ef: {  	s20 =	simm.s32 $0xB80;
	[sflag:s29] =	ssyncadd.s32 $0xFFFFCE00  }
0x5f0: {  	[tilespmem:s18], [sflag:$0x3] =	stream.indirect.gather [hbm4b:s1+s12], $0x80, s20, s12, $0xb8;
	[tilespmem:$0x1FC00] =	vst v63  }
0x5f1: {  	_ =	swait.ge [sflag:s19], $0x3200  }
0x5f2: {  	[sflag:s19] =	ssyncset.done $0x0  }
0x5f3: {  	s20 =	simm.s32 $0x1B00;
	[sflag:s19] =	ssyncadd.s32 $0xFFFFCE00  }
0x5f4: {  	[spmem:s4] =	stream.indirect.scatter.add.f32 [tilespmem:s15], [sflag:$0x5], $0x80, s20, s12, $0xb8;
	[tilespmem:$0x1FC00] =	vst v63  }
0x5f5: {  	_ =	swait.ge [sflag:s23], $0x3200  }
0x5f6: {  	[sflag:s23] =	ssyncset.done $0x0  }
0x5f7: {  	s20 =	simm.s32 $0x1B80;
	[sflag:s23] =	ssyncadd.s32 $0xFFFFCE00  }
0x5f8: {  	[spmem:s4] =	stream.indirect.scatter.add.f32 [tilespmem:s18], [sflag:$0x6], $0x80, s20, s12, $0xb8;
	[tilespmem:$0x1FC00] =	vst v63  }
0x5f9: {  	_ =	swait.ge [sflag:s21], $0x3200  }
0x5fa: {  	[sflag:s21] =	ssyncset.done $0x0  }
0x5fb: {  	[sflag:s21] =	ssyncadd.s32 $0xFFFFCE00  }
0x5fc: {  	_ =	swait.ge [sflag:s25], $0x3200  }
0x5fd: {  	[sflag:s25] =	ssyncset.done $0x0  }
0x5fe: {  	[sflag:s25] =	ssyncadd.s32 $0xFFFFCE00  }
0x5ff: {  	_ =	swait.ge [sflag:s29], $0x3200  }
0x600: {  	[sflag:s29] =	ssyncset.done $0x0  }
0x601: {  	s20 =	rddreg [dreg:$0xd];
	[sflag:s29] =	ssyncadd.s32 $0xFFFFCE00  }
0x602: {  	[tilespmem:s0], [sflag:$0x7] =	stream.linear.gather [hbm4b:s20+s0], $0xE00, $0x38;
	[tilespmem:$0x1FC00] =	vst v63  }
0x603: {  	_ =	swait.ge [sflag:s10], $0xE00  }
0x604: {  	[sflag:s10] =	ssyncset.done $0x0  }
0x605: {  	s20 =	rddreg [dreg:$0xe];
	[sflag:s10] =	ssyncadd.s32 $0xFFFFF200  }
0x606: {  	[tilespmem:s3], [sflag:$0x7] =	stream.linear.gather [hbm4b:s20+s0], $0xE00, $0x38;
	[tilespmem:$0x1FC00] =	vst v63  }
0x607: {  	_ =	swait.ge [sflag:s10], $0xE00  }
0x608: {  	[sflag:s10] =	ssyncset.done $0x0  }
0x609: {  	[sflag:s10] =	ssyncadd.s32 $0xFFFFF200  }
0x60a: {  	[tilespmem:s13], [sflag:$0x1] =	stream.indirect.gather [hbm4b:s1+s12], $0x80, s0, s12, $0xb8;
	[tilespmem:$0x1FC00] =	vst v63  }
0x60b: {  	s20 =	simm.s32 $0x80  }
0x60c: {  	[tilespmem:s15], [sflag:$0x2] =	stream.indirect.gather [hbm4b:s1+s12], $0x80, s20, s12, $0xb8;
	[tilespmem:$0x1FC00] =	vst v63  }
0x60d: {  	_ =	swait.ge [sflag:s16], $0x3200  }
0x60e: {  	[sflag:s16] =	ssyncset.done $0x0  }
0x60f: {  	[sflag:s16] =	ssyncadd.s32 $0xFFFFCE00  }
0x610: {  	[spmem:s4] =	stream.indirect.scatter.add.f32 [tilespmem:s13], [sflag:$0x4], $0x80, s3, s12, $0xb8;
	[tilespmem:$0x1FC00] =	vst v63  }
0x611: {  	s20 =	simm.s32 $0x100  }
0x612: {  	[tilespmem:s18], [sflag:$0x3] =	stream.indirect.gather [hbm4b:s1+s12], $0x80, s20, s12, $0xb8;
	[tilespmem:$0x1FC00] =	vst v63  }
0x613: {  	_ =	swait.ge [sflag:s19], $0x3200  }
0x614: {  	[sflag:s19] =	ssyncset.done $0x0  }
0x615: {  	s20 =	simm.s32 $0x1080;
	[sflag:s19] =	ssyncadd.s32 $0xFFFFCE00  }
0x616: {  	[spmem:s4] =	stream.indirect.scatter.add.f32 [tilespmem:s15], [sflag:$0x5], $0x80, s20, s12, $0xb8;
	[tilespmem:$0x1FC00] =	vst v63  }
0x617: {  	_ =	swait.ge [sflag:s21], $0x3200  }
0x618: {  	[sflag:s21] =	ssyncset.done $0x0  }
0x619: {  	s20 =	simm.s32 $0x180;
	[sflag:s21] =	ssyncadd.s32 $0xFFFFCE00  }
0x61a: {  	[tilespmem:s13], [sflag:$0x1] =	stream.indirect.gather [hbm4b:s1+s12], $0x80, s20, s12, $0xb8;
	[tilespmem:$0x1FC00] =	vst v63  }
0x61b: {  	_ =	swait.ge [sflag:s23], $0x3200  }
0x61c: {  	[sflag:s23] =	ssyncset.done $0x0  }
0x61d: {  	s20 =	simm.s32 $0x1100;
	[sflag:s23] =	ssyncadd.s32 $0xFFFFCE00  }
0x61e: {  	[spmem:s4] =	stream.indirect.scatter.add.f32 [tilespmem:s18], [sflag:$0x6], $0x80, s20, s12, $0xb8;
	[tilespmem:$0x1FC00] =	vst v63  }
0x61f: {  	_ =	swait.ge [sflag:s25], $0x3200  }
0x620: {  	[sflag:s25] =	ssyncset.done $0x0  }
0x621: {  	s20 =	simm.s32 $0x200;
	[sflag:s25] =	ssyncadd.s32 $0xFFFFCE00  }
0x622: {  	[tilespmem:s15], [sflag:$0x2] =	stream.indirect.gather [hbm4b:s1+s12], $0x80, s20, s12, $0xb8;
	[tilespmem:$0x1FC00] =	vst v63  }
0x623: {  	_ =	swait.ge [sflag:s16], $0x3200  }
0x624: {  	[sflag:s16] =	ssyncset.done $0x0  }
0x625: {  	s20 =	simm.s32 $0x1180;
	[sflag:s16] =	ssyncadd.s32 $0xFFFFCE00  }
0x626: {  	[spmem:s4] =	stream.indirect.scatter.add.f32 [tilespmem:s13], [sflag:$0x4], $0x80, s20, s12, $0xb8;
	[tilespmem:$0x1FC00] =	vst v63  }
0x627: {  	_ =	swait.ge [sflag:s29], $0x3200  }
0x628: {  	[sflag:s29] =	ssyncset.done $0x0  }
0x629: {  	s20 =	simm.s32 $0x280;
	[sflag:s29] =	ssyncadd.s32 $0xFFFFCE00  }
0x62a: {  	[tilespmem:s18], [sflag:$0x3] =	stream.indirect.gather [hbm4b:s1+s12], $0x80, s20, s12, $0xb8;
	[tilespmem:$0x1FC00] =	vst v63  }
0x62b: {  	_ =	swait.ge [sflag:s19], $0x3200  }
0x62c: {  	[sflag:s19] =	ssyncset.done $0x0  }
0x62d: {  	s20 =	simm.s32 $0x1200;
	[sflag:s19] =	ssyncadd.s32 $0xFFFFCE00  }
0x62e: {  	[spmem:s4] =	stream.indirect.scatter.add.f32 [tilespmem:s15], [sflag:$0x5], $0x80, s20, s12, $0xb8;
	[tilespmem:$0x1FC00] =	vst v63  }
0x62f: {  	_ =	swait.ge [sflag:s21], $0x3200  }
0x630: {  	[sflag:s21] =	ssyncset.done $0x0  }
0x631: {  	s20 =	simm.s32 $0x300;
	[sflag:s21] =	ssyncadd.s32 $0xFFFFCE00  }
0x632: {  	[tilespmem:s13], [sflag:$0x1] =	stream.indirect.gather [hbm4b:s1+s12], $0x80, s20, s12, $0xb8;
	[tilespmem:$0x1FC00] =	vst v63  }
0x633: {  	_ =	swait.ge [sflag:s23], $0x3200  }
0x634: {  	[sflag:s23] =	ssyncset.done $0x0  }
0x635: {  	s20 =	simm.s32 $0x1280;
	[sflag:s23] =	ssyncadd.s32 $0xFFFFCE00  }
0x636: {  	[spmem:s4] =	stream.indirect.scatter.add.f32 [tilespmem:s18], [sflag:$0x6], $0x80, s20, s12, $0xb8;
	[tilespmem:$0x1FC00] =	vst v63  }
0x637: {  	_ =	swait.ge [sflag:s25], $0x3200  }
0x638: {  	[sflag:s25] =	ssyncset.done $0x0  }
0x639: {  	[sflag:s25] =	ssyncadd.s32 $0xFFFFCE00  }
0x63a: {  	[tilespmem:s15], [sflag:$0x2] =	stream.indirect.gather [hbm4b:s1+s12], $0x80, s7, s12, $0xb8;
	[tilespmem:$0x1FC00] =	vst v63  }
0x63b: {  	_ =	swait.ge [sflag:s16], $0x3200  }
0x63c: {  	[sflag:s16] =	ssyncset.done $0x0  }
0x63d: {  	s20 =	simm.s32 $0x1300;
	[sflag:s16] =	ssyncadd.s32 $0xFFFFCE00  }
0x63e: {  	[spmem:s4] =	stream.indirect.scatter.add.f32 [tilespmem:s13], [sflag:$0x4], $0x80, s20, s12, $0xb8;
	[tilespmem:$0x1FC00] =	vst v63  }
0x63f: {  	_ =	swait.ge [sflag:s29], $0x3200  }
0x640: {  	[sflag:s29] =	ssyncset.done $0x0  }
0x641: {  	[sflag:s29] =	ssyncadd.s32 $0xFFFFCE00  }
0x642: {  	[tilespmem:s18], [sflag:$0x3] =	stream.indirect.gather [hbm4b:s1+s12], $0x80, s5, s12, $0xb8;
	[tilespmem:$0x1FC00] =	vst v63  }
0x643: {  	_ =	swait.ge [sflag:s19], $0x3200  }
0x644: {  	[sflag:s19] =	ssyncset.done $0x0  }
0x645: {  	s7 =	simm.s32 $0x1380;
	[sflag:s19] =	ssyncadd.s32 $0xFFFFCE00  }
0x646: {  	[spmem:s4] =	stream.indirect.scatter.add.f32 [tilespmem:s15], [sflag:$0x5], $0x80, s7, s12, $0xb8;
	[tilespmem:$0x1FC00] =	vst v63  }
0x647: {  	_ =	swait.ge [sflag:s21], $0x3200  }
0x648: {  	[sflag:s21] =	ssyncset.done $0x0  }
0x649: {  	s20 =	simm.s32 $0x480;
	[sflag:s21] =	ssyncadd.s32 $0xFFFFCE00  }
0x64a: {  	[tilespmem:s13], [sflag:$0x1] =	stream.indirect.gather [hbm4b:s1+s12], $0x80, s20, s12, $0xb8;
	[tilespmem:$0x1FC00] =	vst v63  }
0x64b: {  	_ =	swait.ge [sflag:s23], $0x3200  }
0x64c: {  	[sflag:s23] =	ssyncset.done $0x0  }
0x64d: {  	s8 =	simm.s32 $0x1400;
	[sflag:s23] =	ssyncadd.s32 $0xFFFFCE00  }
0x64e: {  	[spmem:s4] =	stream.indirect.scatter.add.f32 [tilespmem:s18], [sflag:$0x6], $0x80, s8, s12, $0xb8;
	[tilespmem:$0x1FC00] =	vst v63  }
0x64f: {  	_ =	swait.ge [sflag:s25], $0x3200  }
0x650: {  	[sflag:s25] =	ssyncset.done $0x0  }
0x651: {  	s9 =	simm.s32 $0x500;
	[sflag:s25] =	ssyncadd.s32 $0xFFFFCE00  }
0x652: {  	[tilespmem:s15], [sflag:$0x2] =	stream.indirect.gather [hbm4b:s1+s12], $0x80, s9, s12, $0xb8;
	[tilespmem:$0x1FC00] =	vst v63  }
0x653: {  	_ =	swait.ge [sflag:s16], $0x3200  }
0x654: {  	[sflag:s16] =	ssyncset.done $0x0  }
0x655: {  	s11 =	simm.s32 $0x1480;
	[sflag:s16] =	ssyncadd.s32 $0xFFFFCE00  }
0x656: {  	[spmem:s4] =	stream.indirect.scatter.add.f32 [tilespmem:s13], [sflag:$0x4], $0x80, s11, s12, $0xb8;
	[tilespmem:$0x1FC00] =	vst v63  }
0x657: {  	_ =	swait.ge [sflag:s29], $0x3200  }
0x658: {  	[sflag:s29] =	ssyncset.done $0x0  }
0x659: {  	s14 =	simm.s32 $0x580;
	[sflag:s29] =	ssyncadd.s32 $0xFFFFCE00  }
0x65a: {  	[tilespmem:s18], [sflag:$0x3] =	stream.indirect.gather [hbm4b:s1+s12], $0x80, s14, s12, $0xb8;
	[tilespmem:$0x1FC00] =	vst v63  }
0x65b: {  	_ =	swait.ge [sflag:s19], $0x3200  }
0x65c: {  	[sflag:s19] =	ssyncset.done $0x0  }
0x65d: {  	s28 =	simm.s32 $0x1500;
	[sflag:s19] =	ssyncadd.s32 $0xFFFFCE00  }
0x65e: {  	[spmem:s4] =	stream.indirect.scatter.add.f32 [tilespmem:s15], [sflag:$0x5], $0x80, s28, s12, $0xb8;
	[tilespmem:$0x1FC00] =	vst v63  }
0x65f: {  	_ =	swait.ge [sflag:s21], $0x3200  }
0x660: {  	[sflag:s21] =	ssyncset.done $0x0  }
0x661: {  	s30 =	simm.s32 $0x600;
	[sflag:s21] =	ssyncadd.s32 $0xFFFFCE00  }
0x662: {  	[tilespmem:s13], [sflag:$0x1] =	stream.indirect.gather [hbm4b:s1+s12], $0x80, s30, s12, $0xb8;
	[tilespmem:$0x1FC00] =	vst v63  }
0x663: {  	_ =	swait.ge [sflag:s23], $0x3200  }
0x664: {  	[sflag:s23] =	ssyncset.done $0x0  }
0x665: {  	s2 =	simm.s32 $0x1580;
	[sflag:s23] =	ssyncadd.s32 $0xFFFFCE00  }
0x666: {  	[spmem:s4] =	stream.indirect.scatter.add.f32 [tilespmem:s18], [sflag:$0x6], $0x80, s2, s12, $0xb8;
	[tilespmem:$0x1FC00] =	vst v63  }
0x667: {  	_ =	swait.ge [sflag:s25], $0x3200  }
0x668: {  	[sflag:s25] =	ssyncset.done $0x0  }
0x669: {  	s6 =	simm.s32 $0x680;
	[sflag:s25] =	ssyncadd.s32 $0xFFFFCE00  }
0x66a: {  	[tilespmem:s15], [sflag:$0x2] =	stream.indirect.gather [hbm4b:s1+s12], $0x80, s6, s12, $0xb8;
	[tilespmem:$0x1FC00] =	vst v63  }
0x66b: {  	_ =	swait.ge [sflag:s16], $0x3200  }
0x66c: {  	[sflag:s16] =	ssyncset.done $0x0  }
0x66d: {  	s22 =	simm.s32 $0x1600;
	[sflag:s16] =	ssyncadd.s32 $0xFFFFCE00  }
0x66e: {  	[spmem:s4] =	stream.indirect.scatter.add.f32 [tilespmem:s13], [sflag:$0x4], $0x80, s22, s12, $0xb8;
	[tilespmem:$0x1FC00] =	vst v63  }
0x66f: {  	_ =	swait.ge [sflag:s29], $0x3200  }
0x670: {  	[sflag:s29] =	ssyncset.done $0x0  }
0x671: {  	s24 =	simm.s32 $0x700;
	[sflag:s29] =	ssyncadd.s32 $0xFFFFCE00  }
0x672: {  	[tilespmem:s18], [sflag:$0x3] =	stream.indirect.gather [hbm4b:s1+s12], $0x80, s24, s12, $0xb8;
	[tilespmem:$0x1FC00] =	vst v63  }
0x673: {  	_ =	swait.ge [sflag:s19], $0x3200  }
0x674: {  	[sflag:s19] =	ssyncset.done $0x0  }
0x675: {  	s26 =	simm.s32 $0x1680;
	[sflag:s19] =	ssyncadd.s32 $0xFFFFCE00  }
0x676: {  	[spmem:s4] =	stream.indirect.scatter.add.f32 [tilespmem:s15], [sflag:$0x5], $0x80, s26, s12, $0xb8;
	[tilespmem:$0x1FC00] =	vst v63  }
0x677: {  	_ =	swait.ge [sflag:s21], $0x3200  }
0x678: {  	[sflag:s21] =	ssyncset.done $0x0  }
0x679: {  	s31 =	simm.s32 $0x780;
	[sflag:s21] =	ssyncadd.s32 $0xFFFFCE00  }
0x67a: {  	[tilespmem:s13], [sflag:$0x1] =	stream.indirect.gather [hbm4b:s1+s12], $0x80, s31, s12, $0xb8;
	[tilespmem:$0x1FC00] =	vst v63  }
0x67b: {  	_ =	swait.ge [sflag:s23], $0x3200  }
0x67c: {  	[sflag:s23] =	ssyncset.done $0x0  }
0x67d: {  	s2 =	simm.s32 $0x1700;
	[sflag:s23] =	ssyncadd.s32 $0xFFFFCE00  }
0x67e: {  	[spmem:s4] =	stream.indirect.scatter.add.f32 [tilespmem:s18], [sflag:$0x6], $0x80, s2, s12, $0xb8;
	[tilespmem:$0x1FC00] =	vst v63  }
0x67f: {  	_ =	swait.ge [sflag:s25], $0x3200  }
0x680: {  	[sflag:s25] =	ssyncset.done $0x0  }
0x681: {  	s5 =	simm.s32 $0x800;
	[sflag:s25] =	ssyncadd.s32 $0xFFFFCE00  }
0x682: {  	[tilespmem:s15], [sflag:$0x2] =	stream.indirect.gather [hbm4b:s1+s12], $0x80, s5, s12, $0xb8;
	[tilespmem:$0x1FC00] =	vst v63  }
0x683: {  	_ =	swait.ge [sflag:s16], $0x3200  }
0x684: {  	[sflag:s16] =	ssyncset.done $0x0  }
0x685: {  	s6 =	simm.s32 $0x1780;
	[sflag:s16] =	ssyncadd.s32 $0xFFFFCE00  }
0x686: {  	[spmem:s4] =	stream.indirect.scatter.add.f32 [tilespmem:s13], [sflag:$0x4], $0x80, s6, s12, $0xb8;
	[tilespmem:$0x1FC00] =	vst v63  }
0x687: {  	_ =	swait.ge [sflag:s29], $0x3200  }
0x688: {  	[sflag:s29] =	ssyncset.done $0x0  }
0x689: {  	s7 =	simm.s32 $0x880;
	[sflag:s29] =	ssyncadd.s32 $0xFFFFCE00  }
0x68a: {  	[tilespmem:s18], [sflag:$0x3] =	stream.indirect.gather [hbm4b:s1+s12], $0x80, s7, s12, $0xb8;
	[tilespmem:$0x1FC00] =	vst v63  }
0x68b: {  	_ =	swait.ge [sflag:s19], $0x3200  }
0x68c: {  	[sflag:s19] =	ssyncset.done $0x0  }
0x68d: {  	s8 =	simm.s32 $0x1800;
	[sflag:s19] =	ssyncadd.s32 $0xFFFFCE00  }
0x68e: {  	[spmem:s4] =	stream.indirect.scatter.add.f32 [tilespmem:s15], [sflag:$0x5], $0x80, s8, s12, $0xb8;
	[tilespmem:$0x1FC00] =	vst v63  }
0x68f: {  	_ =	swait.ge [sflag:s21], $0x3200  }
0x690: {  	[sflag:s21] =	ssyncset.done $0x0  }
0x691: {  	s9 =	simm.s32 $0x900;
	[sflag:s21] =	ssyncadd.s32 $0xFFFFCE00  }
0x692: {  	[tilespmem:s13], [sflag:$0x1] =	stream.indirect.gather [hbm4b:s1+s12], $0x80, s9, s12, $0xb8;
	[tilespmem:$0x1FC00] =	vst v63  }
0x693: {  	_ =	swait.ge [sflag:s23], $0x3200  }
0x694: {  	[sflag:s23] =	ssyncset.done $0x0  }
0x695: {  	s11 =	simm.s32 $0x1880;
	[sflag:s23] =	ssyncadd.s32 $0xFFFFCE00  }
0x696: {  	[spmem:s4] =	stream.indirect.scatter.add.f32 [tilespmem:s18], [sflag:$0x6], $0x80, s11, s12, $0xb8;
	[tilespmem:$0x1FC00] =	vst v63  }
0x697: {  	_ =	swait.ge [sflag:s25], $0x3200  }
0x698: {  	[sflag:s25] =	ssyncset.done $0x0  }
0x699: {  	s14 =	simm.s32 $0x980;
	[sflag:s25] =	ssyncadd.s32 $0xFFFFCE00  }
0x69a: {  	[tilespmem:s15], [sflag:$0x2] =	stream.indirect.gather [hbm4b:s1+s12], $0x80, s14, s12, $0xb8;
	[tilespmem:$0x1FC00] =	vst v63  }
0x69b: {  	_ =	swait.ge [sflag:s16], $0x3200  }
0x69c: {  	[sflag:s16] =	ssyncset.done $0x0  }
0x69d: {  	s20 =	simm.s32 $0x1900;
	[sflag:s16] =	ssyncadd.s32 $0xFFFFCE00  }
0x69e: {  	[spmem:s4] =	stream.indirect.scatter.add.f32 [tilespmem:s13], [sflag:$0x4], $0x80, s20, s12, $0xb8;
	[tilespmem:$0x1FC00] =	vst v63  }
0x69f: {  	_ =	swait.ge [sflag:s29], $0x3200  }
0x6a0: {  	[sflag:s29] =	ssyncset.done $0x0  }
0x6a1: {  	s22 =	simm.s32 $0xA00;
	[sflag:s29] =	ssyncadd.s32 $0xFFFFCE00  }
0x6a2: {  	[tilespmem:s18], [sflag:$0x3] =	stream.indirect.gather [hbm4b:s1+s12], $0x80, s22, s12, $0xb8;
	[tilespmem:$0x1FC00] =	vst v63  }
0x6a3: {  	_ =	swait.ge [sflag:s19], $0x3200  }
0x6a4: {  	[sflag:s19] =	ssyncset.done $0x0  }
0x6a5: {  	s24 =	simm.s32 $0x1980;
	[sflag:s19] =	ssyncadd.s32 $0xFFFFCE00  }
0x6a6: {  	[spmem:s4] =	stream.indirect.scatter.add.f32 [tilespmem:s15], [sflag:$0x5], $0x80, s24, s12, $0xb8;
	[tilespmem:$0x1FC00] =	vst v63  }
0x6a7: {  	_ =	swait.ge [sflag:s21], $0x3200  }
0x6a8: {  	[sflag:s21] =	ssyncset.done $0x0  }
0x6a9: {  	s26 =	simm.s32 $0xA80;
	[sflag:s21] =	ssyncadd.s32 $0xFFFFCE00  }
0x6aa: {  	[tilespmem:s13], [sflag:$0x1] =	stream.indirect.gather [hbm4b:s1+s12], $0x80, s26, s12, $0xb8;
	[tilespmem:$0x1FC00] =	vst v63  }
0x6ab: {  	_ =	swait.ge [sflag:s23], $0x3200  }
0x6ac: {  	[sflag:s23] =	ssyncset.done $0x0  }
0x6ad: {  	s28 =	simm.s32 $0x1A00;
	[sflag:s23] =	ssyncadd.s32 $0xFFFFCE00  }
0x6ae: {  	[spmem:s4] =	stream.indirect.scatter.add.f32 [tilespmem:s18], [sflag:$0x6], $0x80, s28, s12, $0xb8;
	[tilespmem:$0x1FC00] =	vst v63  }
0x6af: {  	_ =	swait.ge [sflag:s25], $0x3200  }
0x6b0: {  	[sflag:s25] =	ssyncset.done $0x0  }
0x6b1: {  	s30 =	simm.s32 $0xB00;
	[sflag:s25] =	ssyncadd.s32 $0xFFFFCE00  }
0x6b2: {  	[tilespmem:s15], [sflag:$0x2] =	stream.indirect.gather [hbm4b:s1+s12], $0x80, s30, s12, $0xb8;
	[tilespmem:$0x1FC00] =	vst v63  }
0x6b3: {  	_ =	swait.ge [sflag:s16], $0x3200  }
0x6b4: {  	[sflag:s16] =	ssyncset.done $0x0  }
0x6b5: {  	s31 =	simm.s32 $0x1A80;
	[sflag:s16] =	ssyncadd.s32 $0xFFFFCE00  }
0x6b6: {  	[spmem:s4] =	stream.indirect.scatter.add.f32 [tilespmem:s13], [sflag:$0x4], $0x80, s31, s12, $0xb8;
	[tilespmem:$0x1FC00] =	vst v63  }
0x6b7: {  	_ =	swait.ge [sflag:s29], $0x3200  }
0x6b8: {  	[sflag:s29] =	ssyncset.done $0x0  }
0x6b9: {  	s2 =	simm.s32 $0xB80;
	[sflag:s29] =	ssyncadd.s32 $0xFFFFCE00  }
0x6ba: {  	[tilespmem:s18], [sflag:$0x3] =	stream.indirect.gather [hbm4b:s1+s12], $0x80, s2, s12, $0xb8;
	[tilespmem:$0x1FC00] =	vst v63  }
0x6bb: {  	_ =	swait.ge [sflag:s19], $0x3200  }
0x6bc: {  	[sflag:s19] =	ssyncset.done $0x0  }
0x6bd: {  	s5 =	simm.s32 $0x1B00;
	[sflag:s19] =	ssyncadd.s32 $0xFFFFCE00  }
0x6be: {  	[spmem:s4] =	stream.indirect.scatter.add.f32 [tilespmem:s15], [sflag:$0x5], $0x80, s5, s12, $0xb8;
	[tilespmem:$0x1FC00] =	vst v63  }
0x6bf: {  	_ =	swait.ge [sflag:s21], $0x3200  }
0x6c0: {  	[sflag:s21] =	ssyncset.done $0x0  }
0x6c1: {  	s6 =	rddreg [dreg:$0x16];
	[sflag:s21] =	ssyncadd.s32 $0xFFFFCE00  }
0x6c2: {  	[tilespmem:s13], [sflag:$0x1] =	stream.indirect.gather [hbm4b:s1+s12], $0x80, s6, s12, $0xb8;
	[tilespmem:$0x1FC00] =	vst v63  }
0x6c3: {  	_ =	swait.ge [sflag:s23], $0x3200  }
0x6c4: {  	[sflag:s23] =	ssyncset.done $0x0  }
0x6c5: {  	s7 =	simm.s32 $0x1B80;
	[sflag:s23] =	ssyncadd.s32 $0xFFFFCE00  }
0x6c6: {  	[spmem:s4] =	stream.indirect.scatter.add.f32 [tilespmem:s18], [sflag:$0x6], $0x80, s7, s12, $0xb8;
	[tilespmem:$0x1FC00] =	vst v63  }
0x6c7: {  	_ =	swait.ge [sflag:s25], $0x3200  }
0x6c8: {  	[sflag:s25] =	ssyncset.done $0x0  }
0x6c9: {  	s8 =	rddreg [dreg:$0x17];
	[sflag:s25] =	ssyncadd.s32 $0xFFFFCE00  }
0x6ca: {  	[tilespmem:s15], [sflag:$0x2] =	stream.indirect.gather [hbm4b:s1+s12], $0x80, s8, s12, $0xb8;
	[tilespmem:$0x1FC00] =	vst v63  }
0x6cb: {  	_ =	swait.ge [sflag:s16], $0x3200  }
0x6cc: {  	[sflag:s16] =	ssyncset.done $0x0  }
0x6cd: {  	s9 =	rddreg [dreg:$0x18];
	[sflag:s16] =	ssyncadd.s32 $0xFFFFCE00  }
0x6ce: {  	[spmem:s4] =	stream.indirect.scatter.add.f32 [tilespmem:s13], [sflag:$0x4], $0x80, s9, s12, $0xb8;
	[tilespmem:$0x1FC00] =	vst v63  }
0x6cf: {  	_ =	swait.ge [sflag:s29], $0x3200  }
0x6d0: {  	[sflag:s29] =	ssyncset.done $0x0  }
0x6d1: {  	s11 =	rddreg [dreg:$0x19];
	[sflag:s29] =	ssyncadd.s32 $0xFFFFCE00  }
0x6d2: {  	[tilespmem:s18], [sflag:$0x3] =	stream.indirect.gather [hbm4b:s1+s12], $0x80, s11, s12, $0xb8;
	[tilespmem:$0x1FC00] =	vst v63  }
0x6d3: {  	_ =	swait.ge [sflag:s19], $0x3200  }
0x6d4: {  	[sflag:s19] =	ssyncset.done $0x0  }
0x6d5: {  	s14 =	rddreg [dreg:$0x1a];
	[sflag:s19] =	ssyncadd.s32 $0xFFFFCE00  }
0x6d6: {  	[spmem:s4] =	stream.indirect.scatter.add.f32 [tilespmem:s15], [sflag:$0x5], $0x80, s14, s12, $0xb8;
	[tilespmem:$0x1FC00] =	vst v63  }
0x6d7: {  	_ =	swait.ge [sflag:s21], $0x3200  }
0x6d8: {  	[sflag:s21] =	ssyncset.done $0x0  }
0x6d9: {  	s22 =	rddreg [dreg:$0x1b];
	[sflag:s21] =	ssyncadd.s32 $0xFFFFCE00  }
0x6da: {  	[tilespmem:s13], [sflag:$0x1] =	stream.indirect.gather [hbm4b:s1+s12], $0x80, s22, s12, $0xb8;
	[tilespmem:$0x1FC00] =	vst v63  }
0x6db: {  	_ =	swait.ge [sflag:s23], $0x3200  }
0x6dc: {  	[sflag:s23] =	ssyncset.done $0x0  }
0x6dd: {  	s24 =	rddreg [dreg:$0x1c];
	[sflag:s23] =	ssyncadd.s32 $0xFFFFCE00  }
0x6de: {  	[spmem:s4] =	stream.indirect.scatter.add.f32 [tilespmem:s18], [sflag:$0x6], $0x80, s24, s12, $0xb8;
	[tilespmem:$0x1FC00] =	vst v63  }
0x6df: {  	_ =	swait.ge [sflag:s16], $0x3200  }
0x6e0: {  	[sflag:s16] =	ssyncset.done $0x0  }
0x6e1: {  	s26 =	rddreg [dreg:$0x1d];
	[sflag:s16] =	ssyncadd.s32 $0xFFFFCE00  }
0x6e2: {  	[spmem:s4] =	stream.indirect.scatter.add.f32 [tilespmem:s13], [sflag:$0x4], $0x80, s26, s12, $0xb8;
	[tilespmem:$0x1FC00] =	vst v63  }
0x6e3: {  	_ =	swait.ge [sflag:s25], $0x3200  }
0x6e4: {  	[sflag:s25] =	ssyncset.done $0x0  }
0x6e5: {  	[sflag:s25] =	ssyncadd.s32 $0xFFFFCE00  }
0x6e6: {  	_ =	swait.ge [sflag:s29], $0x3200  }
0x6e7: {  	[sflag:s29] =	ssyncset.done $0x0  }
0x6e8: {  	[sflag:s29] =	ssyncadd.s32 $0xFFFFCE00  }
0x6e9: {  	_ =	swait.ge [sflag:s21], $0x3200  }
0x6ea: {  	[sflag:s21] =	ssyncset.done $0x0  }
0x6eb: {  	s17 =	sadd.s32 $0xFFFFFFFF, s17;
	[sflag:s21] =	ssyncadd.s32 $0xFFFFCE00  }
0x6ec: {  	p3 =	sne.s32 s17, $0x0;
	[bflag:$0x0] =	sbarrier.arrive $0xFFFF  }
.Ltmp1:
0x6ed: {  	s28 =	rddreg [dreg:$0xf];
	(pc) =	sbr.rel @p3 .LBB2_2-.Ltmp1, $4  }
0x6ee: {  	s30 =	rddreg [dreg:$0x1e]  }
0x6ef: {  	s31 =	rddreg [dreg:$0x1f]  }
0x6f0: {  	[hbm:s28], [sflag:s30] =	dma.local [spmem:s31], $0x2800  }
0x6f1: {  	_ =	swait.ge [sflag:s10], $0x2800  }
.LBB2_3:
0x6f2: {  	[sflag:s10] =	ssyncset.done $0x0  }
0x6f3: {  	[sflag:s10] =	ssyncadd.s32 $0xFFFFD800  }
0x6f4: {  	_ =	sfence.sel $0x180000  }
0x6f5: {  	[bflag:$0x0] =	sbarrier.arrive $0xFFFF  }
0x6f6: {  	_ =	strace $0x90000047  }
0x6f7: {  	s0 =	stileid.u32;
	[bflag:$0x2] =	sbarrier.arrive $0xFFFF  }
0x6f8: {  	p0 =	sne.s32 s0, $0x0;
	s0 =	rddreg [dreg:$0x4]  }
0x6f9: {  	s0 =	sadd.s32 @!p0 $0x100000, s0  }
0x6fa: {  	[sflag:s0] =	ssyncadd.tile.s32 @!p0 $0x1;
	_ =	shalt  }
.Lfunc_end2:
_tile_overlayer_lowered:
.L_overlay_start_2:
0x6fb: {  	(tag) =	ssettag $0x2  }
0x6fc: {  	s0 =	rddreg [dreg:$0x0];
	s2 =	stileid.u32  }
0x6fd: {  	s1 =	rddreg [dreg:$0x1];
	p0 =	sne.s32 s2, $0x0  }
0x6fe: {  	s3 =	rddreg [dreg:$0x2];
	[bflag:$0x3] =	sbarrier.arrive $0xFFFF;
	s2 =	simm.s32 @!p0 $0x1C07  }
0x6ff: {  	[timem:s3], [sflag:s2] =	dma.local @!p0 [hbm:s0], s1  }
0x700: {  	s0 =	simm.s32 @!p0 $0x7  }
0x701: {  	_ =	swait.ge @!p0 [sflag:s0], s1  }
0x702: {  	s1 =	ssub.s32 @!p0 $0x0, s1;
	[sflag:s0] =	ssyncset.done @!p0 $0x0  }
0x703: {  	[sflag:s0] =	ssyncadd.s32 @!p0 s1  }
0x704: {  	[bflag:$0x3] =	sbarrier.arrive $0xFFFF  }
0x705: {  	_ =	shalt  }

</sc_bundles>
